<compile_context>
chip_gen: v7x
topology: tpu7x:2x2x1
jax: 0.10.2.dev20260603
libtpu: 0.0.44.dev20260713+nightly
codegen_flags: <defaults>
</compile_context>

<pallas_src>
import functools

import jax
import jax.numpy as jnp
from jax import lax
from jax.experimental import pallas as pl
from jax.experimental.pallas import tpu as pltpu
from jax.experimental.pallas import tpu_sc as plsc

N = 10000
E = 320000
D_IN = 128
D_H = 128
D_OUT = 64
DC = 64

N1 = 10240
RPT = N1 // 16
NW = 32
B = 128
K = 3
NBT = 2592
EPAD = NBT * B
FA, SA = 84, 78

_mesh = plsc.VectorSubcoreMesh(core_axis_name="c", subcore_axis_name="s")
_sc_params = pltpu.CompilerParams(use_tc_tiling_on_sc=False)


def _zero_buf(buf, width):
    zf = jnp.zeros((16,), jnp.float32)

    def zbody(i, carry):
        for q in range(width // 16):
            buf[i, pl.ds(16 * q, 16)] = zf
        return carry

    lax.fori_loop(0, B, zbody, 0)


def _zero_acc(acc, buf, r0):
    for t in range(RPT // B):
        pltpu.sync_copy(buf, acc.at[pl.ds(r0 + t * B, B)])


NBD = NBT // 16


@functools.partial(
    pl.kernel,
    out_type=(
        jax.ShapeDtypeStruct((N1, 16), jnp.float32),
        jax.ShapeDtypeStruct((N1, 16), jnp.float32),
    ),
    mesh=_mesh,
    compiler_params=_sc_params,
    scratch_types=[
        pltpu.VMEM((NBD, B), jnp.int32),
        pltpu.VMEM((B, 16), jnp.float32),
        pltpu.VMEM((B, 16), jnp.float32),
        pltpu.VMEM_SHARED((N1, 16), jnp.float32),
        pltpu.SemaphoreType.DMA,
        pltpu.SemaphoreType.DMA,
    ],
)
def _deg_kernel(src_hbm, dst_hbm, ones_hbm,
                deg_out_hbm, deg_in_hbm,
                idx_v, ones_v, zbuf, acc, sem, isem):
    c = lax.axis_index("c")
    s = lax.axis_index("s")
    r0 = s * RPT
    pltpu.async_copy(ones_hbm, ones_v, isem)
    _zero_buf(zbuf, 16)
    _zero_acc(acc, zbuf, r0)
    pltpu.make_async_copy(ones_hbm, ones_v, isem).wait()

    def run(idx_hbm, out_hbm):
        pltpu.sync_copy(idx_hbm.at[pl.ds(s * NBD, NBD)], idx_v)
        plsc.subcore_barrier()

        def body(g, carry):
            for q in range(2 * K):
                j = 2 * K * g + q
                pltpu.async_copy(ones_v, acc.at[idx_v.at[j]], sem, add=True)
            for q in range(2 * K):
                pltpu.make_async_copy(ones_v, acc.at[idx_v.at[0]],
                                      sem).wait()
            return carry

        lax.fori_loop(0, NBD // (2 * K), body, 0)
        plsc.subcore_barrier()
        pltpu.sync_copy(acc.at[pl.ds(r0, RPT)], out_hbm.at[pl.ds(r0, RPT)])

    @pl.when(c == 0)
    def _src_side():
        run(src_hbm, deg_out_hbm)

    @pl.when(c == 1)
    def _dst_side():
        run(dst_hbm, deg_in_hbm)


def _agg_body(m_hbm, out_hbm, src_v, dst_v, rows, gsem, ssem, table, acc,
              c, s, count):
    r0 = s * RPT
    pltpu.async_copy(m_hbm.at[pl.ds(r0, RPT)], table.at[pl.ds(r0, RPT)],
                     gsem[0])
    _zero_buf(rows[0], DC)
    _zero_acc(acc, rows[0], r0)
    pltpu.make_async_copy(m_hbm.at[pl.ds(r0, RPT)], table.at[pl.ds(r0, RPT)],
                          gsem[0]).wait()
    plsc.subcore_barrier()

    def body(g, carry):
        for b in range(K):
            j = K * g + b

            @pl.when(g > 0)
            def _drain_scatter(b=b):
                pltpu.make_async_copy(rows[b], acc.at[dst_v.at[0]],
                                      ssem[b]).wait()

            pltpu.async_copy(table.at[src_v.at[j]], rows[b], gsem[b])
        for b in range(K):
            j = K * g + b
            pltpu.make_async_copy(table.at[src_v.at[0]], rows[b],
                                  gsem[b]).wait()
            pltpu.async_copy(rows[b], acc.at[dst_v.at[j]], ssem[b],
                             add=True)
        return carry

    lax.fori_loop(0, count // K, body, 0)
    for b in range(K):
        pltpu.make_async_copy(rows[b], acc.at[dst_v.at[0]], ssem[b]).wait()
    plsc.subcore_barrier()
    pltpu.sync_copy(acc.at[pl.ds(r0, RPT)], out_hbm.at[c, pl.ds(r0, RPT)])
    plsc.subcore_barrier()


_AGG_SCRATCH = [
    pltpu.VMEM((FA, B), jnp.int32),
    pltpu.VMEM((FA, B), jnp.int32),
    [pltpu.VMEM((B, DC), jnp.float32)] * K,
    [pltpu.SemaphoreType.DMA] * K,
    [pltpu.SemaphoreType.DMA] * K,
    pltpu.VMEM_SHARED((N1, DC), jnp.float32),
    pltpu.VMEM_SHARED((N1, DC), jnp.float32),
]


def _load_idx(src_hbm, dst_hbm, src_v, dst_v, count, start):
    pltpu.sync_copy(src_hbm.at[pl.ds(start, count)],
                    src_v.at[pl.ds(0, count)])
    pltpu.sync_copy(dst_hbm.at[pl.ds(start, count)],
                    dst_v.at[pl.ds(0, count)])


@functools.partial(
    pl.kernel,
    out_type=(
        jax.ShapeDtypeStruct((2, N1, DC), jnp.float32),
        jax.ShapeDtypeStruct((2, N1, DC), jnp.float32),
    ),
    mesh=_mesh,
    compiler_params=_sc_params,
    scratch_types=_AGG_SCRATCH,
)
def _agg2_kernel(ma_hbm, mb_hbm, src_hbm, dst_hbm, outa_hbm, outb_hbm,
                 src_v, dst_v, rows, gsem, ssem, table, acc):
    c = lax.axis_index("c")
    s = lax.axis_index("s")

    def run(count, start):
        _load_idx(src_hbm, dst_hbm, src_v, dst_v, count, start)
        _agg_body(ma_hbm, outa_hbm, src_v, dst_v, rows, gsem, ssem,
                  table, acc, c, s, count)
        _agg_body(mb_hbm, outb_hbm, src_v, dst_v, rows, gsem, ssem,
                  table, acc, c, s, count)

    @pl.when(c == 0)
    def _fast():
        run(FA, s * FA)

    @pl.when(c == 1)
    def _slow():
        run(SA, 16 * FA + s * SA)


@functools.partial(
    pl.kernel,
    out_type=jax.ShapeDtypeStruct((2, N1, DC), jnp.float32),
    mesh=_mesh,
    compiler_params=_sc_params,
    scratch_types=_AGG_SCRATCH,
)
def _agg1_kernel(m_hbm, src_hbm, dst_hbm, out_hbm,
                 src_v, dst_v, rows, gsem, ssem, table, acc):
    c = lax.axis_index("c")
    s = lax.axis_index("s")

    def run(count, start):
        _load_idx(src_hbm, dst_hbm, src_v, dst_v, count, start)
        _agg_body(m_hbm, out_hbm, src_v, dst_v, rows, gsem, ssem,
                  table, acc, c, s, count)

    @pl.when(c == 0)
    def _fast():
        run(FA, s * FA)

    @pl.when(c == 1)
    def _slow():
        run(SA, 16 * FA + s * SA)


def _norm_col(deg_ref):
    d = deg_ref[...]
    return lax.rsqrt(jnp.maximum(d[:, 0:1], 1.0))


def _mm1_body(dego_ref, x_ref, w_ref, ha_ref, hb_ref):
    ns = _norm_col(dego_ref)
    h = jnp.dot(x_ref[...], w_ref[...], preferred_element_type=jnp.float32,
                precision=lax.Precision.HIGHEST)
    h = h * ns
    ha_ref[...] = h[:, :DC]
    hb_ref[...] = h[:, DC:]


def _mm2_body(pa_ref, pb_ref, dego_ref, degi_ref, w_ref, b_ref, h_ref):
    ns = _norm_col(dego_ref)
    nd = _norm_col(degi_ref)
    ta = jnp.maximum((pa_ref[0] + pa_ref[1]) * nd + b_ref[:, :DC], 0.0)
    tb = jnp.maximum((pb_ref[0] + pb_ref[1]) * nd + b_ref[:, DC:], 0.0)
    h = (jnp.dot(ta, w_ref[:DC], preferred_element_type=jnp.float32,
                 precision=lax.Precision.HIGHEST)
         + jnp.dot(tb, w_ref[DC:], preferred_element_type=jnp.float32,
                   precision=lax.Precision.HIGHEST))
    h_ref[...] = h * ns


def _fin_body(aggp_ref, degi_ref, b_ref, o_ref):
    nd = _norm_col(degi_ref)
    o_ref[...] = (aggp_ref[0] + aggp_ref[1]) * nd + b_ref[...]


_BLK = 640
_GRID = N1 // _BLK


def _deg_spec():
    return pl.BlockSpec((_BLK, 16), lambda i: (i, 0))


def _agg_spec():
    return pl.BlockSpec((2, _BLK, DC), lambda i: (0, i, 0))


def _tc_mm1(deg_out, x, W1):
    return pl.pallas_call(
        _mm1_body,
        grid=(_GRID,),
        in_specs=[
            _deg_spec(),
            pl.BlockSpec((_BLK, D_IN), lambda i: (i, 0)),
            pl.BlockSpec((D_IN, D_H), lambda i: (0, 0)),
        ],
        out_specs=[
            pl.BlockSpec((_BLK, DC), lambda i: (i, 0)),
            pl.BlockSpec((_BLK, DC), lambda i: (i, 0)),
        ],
        out_shape=[
            jax.ShapeDtypeStruct((N1, DC), jnp.float32),
            jax.ShapeDtypeStruct((N1, DC), jnp.float32),
        ],
    )(deg_out, x, W1)


def _tc_mm2(agg1a_p, agg1b_p, deg_out, deg_in, W2, b1):
    return pl.pallas_call(
        _mm2_body,
        grid=(_GRID,),
        in_specs=[
            _agg_spec(),
            _agg_spec(),
            _deg_spec(),
            _deg_spec(),
            pl.BlockSpec((D_H, D_OUT), lambda i: (0, 0)),
            pl.BlockSpec((1, D_H), lambda i: (0, 0)),
        ],
        out_specs=pl.BlockSpec((_BLK, D_OUT), lambda i: (i, 0)),
        out_shape=jax.ShapeDtypeStruct((N1, D_OUT), jnp.float32),
    )(agg1a_p, agg1b_p, deg_out, deg_in, W2, b1)


def _tc_fin(agg2_p, deg_in, b2):
    return pl.pallas_call(
        _fin_body,
        grid=(_GRID,),
        in_specs=[
            _agg_spec(),
            _deg_spec(),
            pl.BlockSpec((1, D_OUT), lambda i: (0, 0)),
        ],
        out_specs=pl.BlockSpec((_BLK, D_OUT), lambda i: (i, 0)),
        out_shape=jax.ShapeDtypeStruct((N, D_OUT), jnp.float32),
    )(agg2_p, deg_in, b2)


def kernel(x, edge_index, W1, b1, W2, b2):
    src = edge_index[0]
    dst = edge_index[1]
    pad = jnp.full((EPAD - E,), N, dtype=jnp.int32)
    src_p = jnp.concatenate([src, pad]).reshape(NBT, B)
    dst_p = jnp.concatenate([dst, pad]).reshape(NBT, B)

    ones16 = jnp.ones((B, 16), jnp.float32)

    deg_out, deg_in = _deg_kernel(src_p, dst_p, ones16)
    h1a, h1b = _tc_mm1(deg_out, x, W1)
    agg1a_p, agg1b_p = _agg2_kernel(h1a, h1b, src_p, dst_p)
    h2 = _tc_mm2(agg1a_p, agg1b_p, deg_out, deg_in, W2,
                 b1.reshape(1, D_H))
    agg2_p = _agg1_kernel(h2, src_p, dst_p)
    return _tc_fin(agg2_p, deg_in, b2.reshape(1, D_OUT))

# --- scband reference (transcript-rebuilt; emitter-appended) ---
"""Pipeline reference for scband-gnnmodel-2241972928666 (READ-ONLY COPY).

The authoritative reference and input builder live on the scoring server;
editing this copy changes nothing except your own understanding.
"""

import jax, jax.numpy as jnp
import numpy as np

N = 10000
E = 320000
D_IN = 128
D_H = 128
D_OUT = 64


def setup_inputs(seed: int = 0) -> dict:
    key = jax.random.key(seed)
    k1, k2, k3, k4, k5, k6 = jax.random.split(key, 6)
    x = jax.random.normal(k1, (N, D_IN), dtype=jnp.float32)
    edge_index = jax.random.randint(k2, (2, E), 0, N, dtype=jnp.int32)
    # GraphConv learned parameters (glorot-ish init)
    W1 = jax.random.normal(k3, (D_IN, D_H), dtype=jnp.float32) * (1.0 / np.sqrt(D_IN))
    b1 = jnp.zeros((D_H,), dtype=jnp.float32)
    W2 = jax.random.normal(k4, (D_H, D_OUT), dtype=jnp.float32) * (1.0 / np.sqrt(D_H))
    b2 = jnp.zeros((D_OUT,), dtype=jnp.float32)
    return {"x": x, "edge_index": edge_index, "W1": W1, "b1": b1, "W2": W2, "b2": b2}


def _graph_conv(x, src, dst, W, b, n_nodes):
    # DGL GraphConv with norm='both':
    #   h = D_src^{-1/2} x ; h = h W ; agg = A^T h (scatter-add to dst) ; out = D_dst^{-1/2} agg + b
    ones = jnp.ones((src.shape[0],), dtype=x.dtype)
    deg_out = jax.ops.segment_sum(ones, src, num_segments=n_nodes)
    norm_src = jax.lax.rsqrt(jnp.clip(deg_out, 1.0, None))
    h = x * norm_src[:, None]
    h = h @ W
    msgs = jnp.take(h, src, axis=0)
    agg = jnp.zeros((n_nodes, W.shape[1]), dtype=x.dtype).at[dst].add(msgs)
    deg_in = jax.ops.segment_sum(ones, dst, num_segments=n_nodes)
    norm_dst = jax.lax.rsqrt(jnp.clip(deg_in, 1.0, None))
    return agg * norm_dst[:, None] + b


def reference(x, edge_index, W1, b1, W2, b2):
    src = edge_index[0]
    dst = edge_index[1]
    # single canonical etype -> loop body executed once
    h = _graph_conv(x, src, dst, W1, b1, N)
    h = jax.nn.relu(h)
    h = _graph_conv(h, src, dst, W2, b2, N)
    # torch.mean(torch.stack([h]), dim=0) == h for a single etype
    out = jnp.mean(jnp.stack([h]), axis=0)
    return out

if __name__ == "__main__":
    import jax
    _d = setup_inputs()
    print(jax.jit(kernel)(*tuple(_d.values())))

</pallas_src>

<mosaic_0001>
#map = affine_map<(d0, d1) -> (0, 0)>
module attributes {stable_mosaic.version = 14 : i64} {
  func.func @_deg_kernel(%arg0: i32, %arg1: i32, %arg2: memref<2592x128xi32, #tpu.memory_space<hbm>>, %arg3: memref<2592x128xi32, #tpu.memory_space<hbm>>, %arg4: memref<128x16xf32, #tpu.memory_space<hbm>>, %arg5: memref<10240x16xf32, #tpu.memory_space<hbm>>, %arg6: memref<10240x16xf32, #tpu.memory_space<hbm>>, %arg7: memref<162x128xi32, #tpu.memory_space<vmem>>, %arg8: memref<128x16xf32, #tpu.memory_space<vmem>>, %arg9: memref<128x16xf32, #tpu.memory_space<vmem>>, %arg10: memref<10240x16xf32, #tpu.memory_space<vmem_shared>>, %arg11: memref<!tpu.dma_semaphore, #tpu.memory_space<semaphore_mem>>, %arg12: memref<!tpu.dma_semaphore, #tpu.memory_space<semaphore_mem>>) attributes {dimension_semantics = [#tpu.dimension_semantics<core_parallel>, #tpu.dimension_semantics<subcore_parallel>], iteration_bounds = array<i64: 2, 16>, scalar_prefetch = 0 : i64, scratch_operands = 6 : i64, tpu.core_type = #tpu.core_type<sc_vector_subcore>, window_params = [{transform_indices = #map}, {transform_indices = #map}, {transform_indices = #map}, {transform_indices = #map}, {transform_indices = #map}]} {
    %mul3A = arith.constant 640 : i32
    %mul3A_0 = arith.muli %arg1, %mul3A : i32
    tpu.enqueue_dma source(%arg4 : memref<128x16xf32, #tpu.memory_space<hbm>>) target(%arg8 : memref<128x16xf32, #tpu.memory_space<vmem>>) target_semaphore(%arg12 : memref<!tpu.dma_semaphore, #tpu.memory_space<semaphore_mem>>)
    %broadcast_in_dim3A = arith.constant 0.000000e+00 : f32
    %broadcast_in_dim3A_1 = vector.broadcast %broadcast_in_dim3A : f32 to vector<16xf32>
    %scan3A = arith.constant 0 : i32
    %scan3A_2 = arith.constant 0 : i32
    %scan3A_3 = arith.constant 128 : i32
    %scan3A_4 = arith.addi %scan3A_2, %scan3A_3 : i32
    %scan3A_5 = arith.constant 1 : i32
    scf.for %scan3A_23 = %scan3A_2 to %scan3A_4 step %scan3A_5  : i32 {
      %swap3A = arith.index_cast %scan3A_23 : i32 to index
      %swap3A_24 = arith.constant 0 : index
      %swap3A_25 = tpu.vector_load %arg9[%swap3A, %swap3A_24] {strides = array<i32>} : memref<128x16xf32, #tpu.memory_space<vmem>>, vector<1x16xf32>,
      %swap3A_26 = vector.shape_cast %swap3A_25 : vector<1x16xf32> to vector<16xf32>
      %swap3A_27 = vector.shape_cast %broadcast_in_dim3A_1 : vector<16xf32> to vector<1x16xf32>
      tpu.vector_store %arg9[%swap3A, %swap3A_24], %swap3A_27 {strides = array<i32>} : memref<128x16xf32, #tpu.memory_space<vmem>>, vector<1x16xf32>,
    }
    %scan3A_6 = arith.constant 128 : i32
    %add3A = arith.constant 0 : i32
    %add3A_7 = arith.addi %mul3A_0, %add3A : i32
    "tpu.region"() ({
      %run_scoped3A = tpu.sem_alloc : memref<!tpu.dma_semaphore, #tpu.memory_space<semaphore_mem>>
      %dma_start3A = arith.constant 0 : i32
      %dma_start3A_23 = tpu.memref_slice %arg10[%add3A_7, %dma_start3A] : memref<10240x16xf32, #tpu.memory_space<vmem_shared>> -> memref<128x16xf32, #tpu.memory_space<vmem_shared>>
      %dma_start3A_24 = arith.constant 0 : i32
      %dma_start3A_25 = tpu.memref_slice %arg10[%add3A_7, %dma_start3A_24] : memref<10240x16xf32, #tpu.memory_space<vmem_shared>> -> memref<128x16xf32, #tpu.memory_space<vmem_shared>>
      tpu.enqueue_dma source(%arg9 : memref<128x16xf32, #tpu.memory_space<vmem>>) target(%dma_start3A_25 : memref<128x16xf32, #tpu.memory_space<vmem_shared>>) target_semaphore(%run_scoped3A : memref<!tpu.dma_semaphore, #tpu.memory_space<semaphore_mem>>)
      %dma_wait3A = arith.constant 0 : i32
      %dma_wait3A_26 = tpu.memref_slice %arg10[%add3A_7, %dma_wait3A] : memref<10240x16xf32, #tpu.memory_space<vmem_shared>> -> memref<128x16xf32, #tpu.memory_space<vmem_shared>>
      %dma_wait3A_27 = arith.constant 0 : i32
      %dma_wait3A_28 = tpu.memref_slice %arg10[%add3A_7, %dma_wait3A_27] : memref<10240x16xf32, #tpu.memory_space<vmem_shared>> -> memref<128x16xf32, #tpu.memory_space<vmem_shared>>
      tpu.wait_dma2 semaphore(%run_scoped3A : memref<!tpu.dma_semaphore, #tpu.memory_space<semaphore_mem>>) src(%arg9 : memref<128x16xf32, #tpu.memory_space<vmem>>) dst(%dma_wait3A_28 : memref<128x16xf32, #tpu.memory_space<vmem_shared>>)
      tpu.yield
    }) : () -> ()
    %add3A_8 = arith.constant 128 : i32
    %add3A_9 = arith.addi %mul3A_0, %add3A_8 : i32
    "tpu.region"() ({
      %run_scoped3A = tpu.sem_alloc : memref<!tpu.dma_semaphore, #tpu.memory_space<semaphore_mem>>
      %dma_start3A = arith.constant 0 : i32
      %dma_start3A_23 = tpu.memref_slice %arg10[%add3A_9, %dma_start3A] : memref<10240x16xf32, #tpu.memory_space<vmem_shared>> -> memref<128x16xf32, #tpu.memory_space<vmem_shared>>
      %dma_start3A_24 = arith.constant 0 : i32
      %dma_start3A_25 = tpu.memref_slice %arg10[%add3A_9, %dma_start3A_24] : memref<10240x16xf32, #tpu.memory_space<vmem_shared>> -> memref<128x16xf32, #tpu.memory_space<vmem_shared>>
      tpu.enqueue_dma source(%arg9 : memref<128x16xf32, #tpu.memory_space<vmem>>) target(%dma_start3A_25 : memref<128x16xf32, #tpu.memory_space<vmem_shared>>) target_semaphore(%run_scoped3A : memref<!tpu.dma_semaphore, #tpu.memory_space<semaphore_mem>>)
      %dma_wait3A = arith.constant 0 : i32
      %dma_wait3A_26 = tpu.memref_slice %arg10[%add3A_9, %dma_wait3A] : memref<10240x16xf32, #tpu.memory_space<vmem_shared>> -> memref<128x16xf32, #tpu.memory_space<vmem_shared>>
      %dma_wait3A_27 = arith.constant 0 : i32
      %dma_wait3A_28 = tpu.memref_slice %arg10[%add3A_9, %dma_wait3A_27] : memref<10240x16xf32, #tpu.memory_space<vmem_shared>> -> memref<128x16xf32, #tpu.memory_space<vmem_shared>>
      tpu.wait_dma2 semaphore(%run_scoped3A : memref<!tpu.dma_semaphore, #tpu.memory_space<semaphore_mem>>) src(%arg9 : memref<128x16xf32, #tpu.memory_space<vmem>>) dst(%dma_wait3A_28 : memref<128x16xf32, #tpu.memory_space<vmem_shared>>)
      tpu.yield
    }) : () -> ()
    %add3A_10 = arith.constant 256 : i32
    %add3A_11 = arith.addi %mul3A_0, %add3A_10 : i32
    "tpu.region"() ({
      %run_scoped3A = tpu.sem_alloc : memref<!tpu.dma_semaphore, #tpu.memory_space<semaphore_mem>>
      %dma_start3A = arith.constant 0 : i32
      %dma_start3A_23 = tpu.memref_slice %arg10[%add3A_11, %dma_start3A] : memref<10240x16xf32, #tpu.memory_space<vmem_shared>> -> memref<128x16xf32, #tpu.memory_space<vmem_shared>>
      %dma_start3A_24 = arith.constant 0 : i32
      %dma_start3A_25 = tpu.memref_slice %arg10[%add3A_11, %dma_start3A_24] : memref<10240x16xf32, #tpu.memory_space<vmem_shared>> -> memref<128x16xf32, #tpu.memory_space<vmem_shared>>
      tpu.enqueue_dma source(%arg9 : memref<128x16xf32, #tpu.memory_space<vmem>>) target(%dma_start3A_25 : memref<128x16xf32, #tpu.memory_space<vmem_shared>>) target_semaphore(%run_scoped3A : memref<!tpu.dma_semaphore, #tpu.memory_space<semaphore_mem>>)
      %dma_wait3A = arith.constant 0 : i32
      %dma_wait3A_26 = tpu.memref_slice %arg10[%add3A_11, %dma_wait3A] : memref<10240x16xf32, #tpu.memory_space<vmem_shared>> -> memref<128x16xf32, #tpu.memory_space<vmem_shared>>
      %dma_wait3A_27 = arith.constant 0 : i32
      %dma_wait3A_28 = tpu.memref_slice %arg10[%add3A_11, %dma_wait3A_27] : memref<10240x16xf32, #tpu.memory_space<vmem_shared>> -> memref<128x16xf32, #tpu.memory_space<vmem_shared>>
      tpu.wait_dma2 semaphore(%run_scoped3A : memref<!tpu.dma_semaphore, #tpu.memory_space<semaphore_mem>>) src(%arg9 : memref<128x16xf32, #tpu.memory_space<vmem>>) dst(%dma_wait3A_28 : memref<128x16xf32, #tpu.memory_space<vmem_shared>>)
      tpu.yield
    }) : () -> ()
    %add3A_12 = arith.constant 384 : i32
    %add3A_13 = arith.addi %mul3A_0, %add3A_12 : i32
    "tpu.region"() ({
      %run_scoped3A = tpu.sem_alloc : memref<!tpu.dma_semaphore, #tpu.memory_space<semaphore_mem>>
      %dma_start3A = arith.constant 0 : i32
      %dma_start3A_23 = tpu.memref_slice %arg10[%add3A_13, %dma_start3A] : memref<10240x16xf32, #tpu.memory_space<vmem_shared>> -> memref<128x16xf32, #tpu.memory_space<vmem_shared>>
      %dma_start3A_24 = arith.constant 0 : i32
      %dma_start3A_25 = tpu.memref_slice %arg10[%add3A_13, %dma_start3A_24] : memref<10240x16xf32, #tpu.memory_space<vmem_shared>> -> memref<128x16xf32, #tpu.memory_space<vmem_shared>>
      tpu.enqueue_dma source(%arg9 : memref<128x16xf32, #tpu.memory_space<vmem>>) target(%dma_start3A_25 : memref<128x16xf32, #tpu.memory_space<vmem_shared>>) target_semaphore(%run_scoped3A : memref<!tpu.dma_semaphore, #tpu.memory_space<semaphore_mem>>)
      %dma_wait3A = arith.constant 0 : i32
      %dma_wait3A_26 = tpu.memref_slice %arg10[%add3A_13, %dma_wait3A] : memref<10240x16xf32, #tpu.memory_space<vmem_shared>> -> memref<128x16xf32, #tpu.memory_space<vmem_shared>>
      %dma_wait3A_27 = arith.constant 0 : i32
      %dma_wait3A_28 = tpu.memref_slice %arg10[%add3A_13, %dma_wait3A_27] : memref<10240x16xf32, #tpu.memory_space<vmem_shared>> -> memref<128x16xf32, #tpu.memory_space<vmem_shared>>
      tpu.wait_dma2 semaphore(%run_scoped3A : memref<!tpu.dma_semaphore, #tpu.memory_space<semaphore_mem>>) src(%arg9 : memref<128x16xf32, #tpu.memory_space<vmem>>) dst(%dma_wait3A_28 : memref<128x16xf32, #tpu.memory_space<vmem_shared>>)
      tpu.yield
    }) : () -> ()
    %add3A_14 = arith.constant 512 : i32
    %add3A_15 = arith.addi %mul3A_0, %add3A_14 : i32
    "tpu.region"() ({
      %run_scoped3A = tpu.sem_alloc : memref<!tpu.dma_semaphore, #tpu.memory_space<semaphore_mem>>
      %dma_start3A = arith.constant 0 : i32
      %dma_start3A_23 = tpu.memref_slice %arg10[%add3A_15, %dma_start3A] : memref<10240x16xf32, #tpu.memory_space<vmem_shared>> -> memref<128x16xf32, #tpu.memory_space<vmem_shared>>
      %dma_start3A_24 = arith.constant 0 : i32
      %dma_start3A_25 = tpu.memref_slice %arg10[%add3A_15, %dma_start3A_24] : memref<10240x16xf32, #tpu.memory_space<vmem_shared>> -> memref<128x16xf32, #tpu.memory_space<vmem_shared>>
      tpu.enqueue_dma source(%arg9 : memref<128x16xf32, #tpu.memory_space<vmem>>) target(%dma_start3A_25 : memref<128x16xf32, #tpu.memory_space<vmem_shared>>) target_semaphore(%run_scoped3A : memref<!tpu.dma_semaphore, #tpu.memory_space<semaphore_mem>>)
      %dma_wait3A = arith.constant 0 : i32
      %dma_wait3A_26 = tpu.memref_slice %arg10[%add3A_15, %dma_wait3A] : memref<10240x16xf32, #tpu.memory_space<vmem_shared>> -> memref<128x16xf32, #tpu.memory_space<vmem_shared>>
      %dma_wait3A_27 = arith.constant 0 : i32
      %dma_wait3A_28 = tpu.memref_slice %arg10[%add3A_15, %dma_wait3A_27] : memref<10240x16xf32, #tpu.memory_space<vmem_shared>> -> memref<128x16xf32, #tpu.memory_space<vmem_shared>>
      tpu.wait_dma2 semaphore(%run_scoped3A : memref<!tpu.dma_semaphore, #tpu.memory_space<semaphore_mem>>) src(%arg9 : memref<128x16xf32, #tpu.memory_space<vmem>>) dst(%dma_wait3A_28 : memref<128x16xf32, #tpu.memory_space<vmem_shared>>)
      tpu.yield
    }) : () -> ()
    tpu.wait_dma2 semaphore(%arg12 : memref<!tpu.dma_semaphore, #tpu.memory_space<semaphore_mem>>) src(%arg4 : memref<128x16xf32, #tpu.memory_space<hbm>>) dst(%arg8 : memref<128x16xf32, #tpu.memory_space<vmem>>)
    %eq3A = arith.constant 0 : i32
    %eq3A_16 = arith.cmpi eq, %arg0, %eq3A : i32
    %convert_element_type3A = arith.extui %eq3A_16 : i1 to i32
    %cond3A = arith.constant 0 : i32
    %cond3A_17 = arith.cmpi ne, %convert_element_type3A, %cond3A : i32
    scf.if %cond3A_17 {
      %mul3A_23 = arith.constant 162 : i32
      %mul3A_24 = arith.muli %arg1, %mul3A_23 : i32
      "tpu.region"() ({
        %run_scoped3A = tpu.sem_alloc : memref<!tpu.dma_semaphore, #tpu.memory_space<semaphore_mem>>
        %dma_start3A = arith.constant 0 : i32
        %dma_start3A_32 = tpu.memref_slice %arg2[%mul3A_24, %dma_start3A] : memref<2592x128xi32, #tpu.memory_space<hbm>> -> memref<162x128xi32, #tpu.memory_space<hbm>>
        %dma_start3A_33 = arith.constant 0 : i32
        %dma_start3A_34 = tpu.memref_slice %arg2[%mul3A_24, %dma_start3A_33] : memref<2592x128xi32, #tpu.memory_space<hbm>> -> memref<162x128xi32, #tpu.memory_space<hbm>>
        tpu.enqueue_dma source(%dma_start3A_34 : memref<162x128xi32, #tpu.memory_space<hbm>>) target(%arg7 : memref<162x128xi32, #tpu.memory_space<vmem>>) target_semaphore(%run_scoped3A : memref<!tpu.dma_semaphore, #tpu.memory_space<semaphore_mem>>)
        %dma_wait3A = arith.constant 0 : i32
        %dma_wait3A_35 = tpu.memref_slice %arg2[%mul3A_24, %dma_wait3A] : memref<2592x128xi32, #tpu.memory_space<hbm>> -> memref<162x128xi32, #tpu.memory_space<hbm>>
        %dma_wait3A_36 = arith.constant 0 : i32
        %dma_wait3A_37 = tpu.memref_slice %arg2[%mul3A_24, %dma_wait3A_36] : memref<2592x128xi32, #tpu.memory_space<hbm>> -> memref<162x128xi32, #tpu.memory_space<hbm>>
        tpu.wait_dma2 semaphore(%run_scoped3A : memref<!tpu.dma_semaphore, #tpu.memory_space<semaphore_mem>>) src(%dma_wait3A_37 : memref<162x128xi32, #tpu.memory_space<hbm>>) dst(%arg7 : memref<162x128xi32, #tpu.memory_space<vmem>>)
        tpu.yield
      }) : () -> ()
      %barrier3A = arith.constant 0 : index
      tpu.barrier barrier_id(%barrier3A)
      %scan3A_25 = arith.constant 0 : i32
      %scan3A_26 = arith.constant 0 : i32
      %scan3A_27 = arith.constant 27 : i32
      %scan3A_28 = arith.addi %scan3A_26, %scan3A_27 : i32
      %scan3A_29 = arith.constant 1 : i32
      scf.for %scan3A_32 = %scan3A_26 to %scan3A_28 step %scan3A_29  : i32 {
        %mul3A_33 = arith.constant 6 : i32
        %mul3A_34 = arith.muli %mul3A_33, %scan3A_32 : i32
        %add3A_35 = arith.constant 0 : i32
        %add3A_36 = arith.addi %mul3A_34, %add3A_35 : i32
        %dma_start3A = arith.constant 0 : i32
        %dma_start3A_37 = tpu.memref_slice %arg7[%add3A_36, %dma_start3A] : memref<162x128xi32, #tpu.memory_space<vmem>> -> memref<1x128xi32, #tpu.memory_space<vmem>>
        %dma_start3A_38 = tpu.memref_squeeze %dma_start3A_37 : memref<1x128xi32, #tpu.memory_space<vmem>> -> memref<128xi32, #tpu.memory_space<vmem>>
        %dma_start3A_39 = arith.constant 0 : i32
        %dma_start3A_40 = arith.constant 0 : i32
        %dma_start3A_41 = tpu.memref_slice %arg10[%dma_start3A_39, %dma_start3A_40] : memref<10240x16xf32, #tpu.memory_space<vmem_shared>> -> memref<10240x16xf32, #tpu.memory_space<vmem_shared>>
        tpu.enqueue_indirect_dma source(%arg8 : memref<128x16xf32, #tpu.memory_space<vmem>>) target(%dma_start3A_41 : memref<10240x16xf32, #tpu.memory_space<vmem_shared>>) offsets(%dma_start3A_38 : memref<128xi32, #tpu.memory_space<vmem>>) semaphore(%arg11 : memref<!tpu.dma_semaphore, #tpu.memory_space<semaphore_mem>>) {add = true}
        %mul3A_42 = arith.constant 6 : i32
        %mul3A_43 = arith.muli %mul3A_42, %scan3A_32 : i32
        %add3A_44 = arith.constant 1 : i32
        %add3A_45 = arith.addi %mul3A_43, %add3A_44 : i32
        %dma_start3A_46 = arith.constant 0 : i32
        %dma_start3A_47 = tpu.memref_slice %arg7[%add3A_45, %dma_start3A_46] : memref<162x128xi32, #tpu.memory_space<vmem>> -> memref<1x128xi32, #tpu.memory_space<vmem>>
        %dma_start3A_48 = tpu.memref_squeeze %dma_start3A_47 : memref<1x128xi32, #tpu.memory_space<vmem>> -> memref<128xi32, #tpu.memory_space<vmem>>
        %dma_start3A_49 = arith.constant 0 : i32
        %dma_start3A_50 = arith.constant 0 : i32
        %dma_start3A_51 = tpu.memref_slice %arg10[%dma_start3A_49, %dma_start3A_50] : memref<10240x16xf32, #tpu.memory_space<vmem_shared>> -> memref<10240x16xf32, #tpu.memory_space<vmem_shared>>
        tpu.enqueue_indirect_dma source(%arg8 : memref<128x16xf32, #tpu.memory_space<vmem>>) target(%dma_start3A_51 : memref<10240x16xf32, #tpu.memory_space<vmem_shared>>) offsets(%dma_start3A_48 : memref<128xi32, #tpu.memory_space<vmem>>) semaphore(%arg11 : memref<!tpu.dma_semaphore, #tpu.memory_space<semaphore_mem>>) {add = true}
        %mul3A_52 = arith.constant 6 : i32
        %mul3A_53 = arith.muli %mul3A_52, %scan3A_32 : i32
        %add3A_54 = arith.constant 2 : i32
        %add3A_55 = arith.addi %mul3A_53, %add3A_54 : i32
        %dma_start3A_56 = arith.constant 0 : i32
        %dma_start3A_57 = tpu.memref_slice %arg7[%add3A_55, %dma_start3A_56] : memref<162x128xi32, #tpu.memory_space<vmem>> -> memref<1x128xi32, #tpu.memory_space<vmem>>
        %dma_start3A_58 = tpu.memref_squeeze %dma_start3A_57 : memref<1x128xi32, #tpu.memory_space<vmem>> -> memref<128xi32, #tpu.memory_space<vmem>>
        %dma_start3A_59 = arith.constant 0 : i32
        %dma_start3A_60 = arith.constant 0 : i32
        %dma_start3A_61 = tpu.memref_slice %arg10[%dma_start3A_59, %dma_start3A_60] : memref<10240x16xf32, #tpu.memory_space<vmem_shared>> -> memref<10240x16xf32, #tpu.memory_space<vmem_shared>>
        tpu.enqueue_indirect_dma source(%arg8 : memref<128x16xf32, #tpu.memory_space<vmem>>) target(%dma_start3A_61 : memref<10240x16xf32, #tpu.memory_space<vmem_shared>>) offsets(%dma_start3A_58 : memref<128xi32, #tpu.memory_space<vmem>>) semaphore(%arg11 : memref<!tpu.dma_semaphore, #tpu.memory_space<semaphore_mem>>) {add = true}
        %mul3A_62 = arith.constant 6 : i32
        %mul3A_63 = arith.muli %mul3A_62, %scan3A_32 : i32
        %add3A_64 = arith.constant 3 : i32
        %add3A_65 = arith.addi %mul3A_63, %add3A_64 : i32
        %dma_start3A_66 = arith.constant 0 : i32
        %dma_start3A_67 = tpu.memref_slice %arg7[%add3A_65, %dma_start3A_66] : memref<162x128xi32, #tpu.memory_space<vmem>> -> memref<1x128xi32, #tpu.memory_space<vmem>>
        %dma_start3A_68 = tpu.memref_squeeze %dma_start3A_67 : memref<1x128xi32, #tpu.memory_space<vmem>> -> memref<128xi32, #tpu.memory_space<vmem>>
        %dma_start3A_69 = arith.constant 0 : i32
        %dma_start3A_70 = arith.constant 0 : i32
        %dma_start3A_71 = tpu.memref_slice %arg10[%dma_start3A_69, %dma_start3A_70] : memref<10240x16xf32, #tpu.memory_space<vmem_shared>> -> memref<10240x16xf32, #tpu.memory_space<vmem_shared>>
        tpu.enqueue_indirect_dma source(%arg8 : memref<128x16xf32, #tpu.memory_space<vmem>>) target(%dma_start3A_71 : memref<10240x16xf32, #tpu.memory_space<vmem_shared>>) offsets(%dma_start3A_68 : memref<128xi32, #tpu.memory_space<vmem>>) semaphore(%arg11 : memref<!tpu.dma_semaphore, #tpu.memory_space<semaphore_mem>>) {add = true}
        %mul3A_72 = arith.constant 6 : i32
        %mul3A_73 = arith.muli %mul3A_72, %scan3A_32 : i32
        %add3A_74 = arith.constant 4 : i32
        %add3A_75 = arith.addi %mul3A_73, %add3A_74 : i32
        %dma_start3A_76 = arith.constant 0 : i32
        %dma_start3A_77 = tpu.memref_slice %arg7[%add3A_75, %dma_start3A_76] : memref<162x128xi32, #tpu.memory_space<vmem>> -> memref<1x128xi32, #tpu.memory_space<vmem>>
        %dma_start3A_78 = tpu.memref_squeeze %dma_start3A_77 : memref<1x128xi32, #tpu.memory_space<vmem>> -> memref<128xi32, #tpu.memory_space<vmem>>
        %dma_start3A_79 = arith.constant 0 : i32
        %dma_start3A_80 = arith.constant 0 : i32
        %dma_start3A_81 = tpu.memref_slice %arg10[%dma_start3A_79, %dma_start3A_80] : memref<10240x16xf32, #tpu.memory_space<vmem_shared>> -> memref<10240x16xf32, #tpu.memory_space<vmem_shared>>
        tpu.enqueue_indirect_dma source(%arg8 : memref<128x16xf32, #tpu.memory_space<vmem>>) target(%dma_start3A_81 : memref<10240x16xf32, #tpu.memory_space<vmem_shared>>) offsets(%dma_start3A_78 : memref<128xi32, #tpu.memory_space<vmem>>) semaphore(%arg11 : memref<!tpu.dma_semaphore, #tpu.memory_space<semaphore_mem>>) {add = true}
        %mul3A_82 = arith.constant 6 : i32
        %mul3A_83 = arith.muli %mul3A_82, %scan3A_32 : i32
        %add3A_84 = arith.constant 5 : i32
        %add3A_85 = arith.addi %mul3A_83, %add3A_84 : i32
        %dma_start3A_86 = arith.constant 0 : i32
        %dma_start3A_87 = tpu.memref_slice %arg7[%add3A_85, %dma_start3A_86] : memref<162x128xi32, #tpu.memory_space<vmem>> -> memref<1x128xi32, #tpu.memory_space<vmem>>
        %dma_start3A_88 = tpu.memref_squeeze %dma_start3A_87 : memref<1x128xi32, #tpu.memory_space<vmem>> -> memref<128xi32, #tpu.memory_space<vmem>>
        %dma_start3A_89 = arith.constant 0 : i32
        %dma_start3A_90 = arith.constant 0 : i32
        %dma_start3A_91 = tpu.memref_slice %arg10[%dma_start3A_89, %dma_start3A_90] : memref<10240x16xf32, #tpu.memory_space<vmem_shared>> -> memref<10240x16xf32, #tpu.memory_space<vmem_shared>>
        tpu.enqueue_indirect_dma source(%arg8 : memref<128x16xf32, #tpu.memory_space<vmem>>) target(%dma_start3A_91 : memref<10240x16xf32, #tpu.memory_space<vmem_shared>>) offsets(%dma_start3A_88 : memref<128xi32, #tpu.memory_space<vmem>>) semaphore(%arg11 : memref<!tpu.dma_semaphore, #tpu.memory_space<semaphore_mem>>) {add = true}
        %dma_wait3A = arith.constant 0 : i32
        %dma_wait3A_92 = arith.constant 0 : i32
        %dma_wait3A_93 = tpu.memref_slice %arg7[%dma_wait3A, %dma_wait3A_92] : memref<162x128xi32, #tpu.memory_space<vmem>> -> memref<1x128xi32, #tpu.memory_space<vmem>>
        %dma_wait3A_94 = tpu.memref_squeeze %dma_wait3A_93 : memref<1x128xi32, #tpu.memory_space<vmem>> -> memref<128xi32, #tpu.memory_space<vmem>>
        %dma_wait3A_95 = arith.constant 0 : i32
        %dma_wait3A_96 = arith.constant 0 : i32
        %dma_wait3A_97 = tpu.memref_slice %arg10[%dma_wait3A_95, %dma_wait3A_96] : memref<10240x16xf32, #tpu.memory_space<vmem_shared>> -> memref<10240x16xf32, #tpu.memory_space<vmem_shared>>
        tpu.wait_indirect_dma semaphore(%arg11 : memref<!tpu.dma_semaphore, #tpu.memory_space<semaphore_mem>>) src(%arg8 : memref<128x16xf32, #tpu.memory_space<vmem>>) dst(%dma_wait3A_97 : memref<10240x16xf32, #tpu.memory_space<vmem_shared>>)
        %dma_wait3A_98 = arith.constant 0 : i32
        %dma_wait3A_99 = arith.constant 0 : i32
        %dma_wait3A_100 = tpu.memref_slice %arg7[%dma_wait3A_98, %dma_wait3A_99] : memref<162x128xi32, #tpu.memory_space<vmem>> -> memref<1x128xi32, #tpu.memory_space<vmem>>
        %dma_wait3A_101 = tpu.memref_squeeze %dma_wait3A_100 : memref<1x128xi32, #tpu.memory_space<vmem>> -> memref<128xi32, #tpu.memory_space<vmem>>
        %dma_wait3A_102 = arith.constant 0 : i32
        %dma_wait3A_103 = arith.constant 0 : i32
        %dma_wait3A_104 = tpu.memref_slice %arg10[%dma_wait3A_102, %dma_wait3A_103] : memref<10240x16xf32, #tpu.memory_space<vmem_shared>> -> memref<10240x16xf32, #tpu.memory_space<vmem_shared>>
        tpu.wait_indirect_dma semaphore(%arg11 : memref<!tpu.dma_semaphore, #tpu.memory_space<semaphore_mem>>) src(%arg8 : memref<128x16xf32, #tpu.memory_space<vmem>>) dst(%dma_wait3A_104 : memref<10240x16xf32, #tpu.memory_space<vmem_shared>>)
        %dma_wait3A_105 = arith.constant 0 : i32
        %dma_wait3A_106 = arith.constant 0 : i32
        %dma_wait3A_107 = tpu.memref_slice %arg7[%dma_wait3A_105, %dma_wait3A_106] : memref<162x128xi32, #tpu.memory_space<vmem>> -> memref<1x128xi32, #tpu.memory_space<vmem>>
        %dma_wait3A_108 = tpu.memref_squeeze %dma_wait3A_107 : memref<1x128xi32, #tpu.memory_space<vmem>> -> memref<128xi32, #tpu.memory_space<vmem>>
        %dma_wait3A_109 = arith.constant 0 : i32
        %dma_wait3A_110 = arith.constant 0 : i32
        %dma_wait3A_111 = tpu.memref_slice %arg10[%dma_wait3A_109, %dma_wait3A_110] : memref<10240x16xf32, #tpu.memory_space<vmem_shared>> -> memref<10240x16xf32, #tpu.memory_space<vmem_shared>>
        tpu.wait_indirect_dma semaphore(%arg11 : memref<!tpu.dma_semaphore, #tpu.memory_space<semaphore_mem>>) src(%arg8 : memref<128x16xf32, #tpu.memory_space<vmem>>) dst(%dma_wait3A_111 : memref<10240x16xf32, #tpu.memory_space<vmem_shared>>)
        %dma_wait3A_112 = arith.constant 0 : i32
        %dma_wait3A_113 = arith.constant 0 : i32
        %dma_wait3A_114 = tpu.memref_slice %arg7[%dma_wait3A_112, %dma_wait3A_113] : memref<162x128xi32, #tpu.memory_space<vmem>> -> memref<1x128xi32, #tpu.memory_space<vmem>>
        %dma_wait3A_115 = tpu.memref_squeeze %dma_wait3A_114 : memref<1x128xi32, #tpu.memory_space<vmem>> -> memref<128xi32, #tpu.memory_space<vmem>>
        %dma_wait3A_116 = arith.constant 0 : i32
        %dma_wait3A_117 = arith.constant 0 : i32
        %dma_wait3A_118 = tpu.memref_slice %arg10[%dma_wait3A_116, %dma_wait3A_117] : memref<10240x16xf32, #tpu.memory_space<vmem_shared>> -> memref<10240x16xf32, #tpu.memory_space<vmem_shared>>
        tpu.wait_indirect_dma semaphore(%arg11 : memref<!tpu.dma_semaphore, #tpu.memory_space<semaphore_mem>>) src(%arg8 : memref<128x16xf32, #tpu.memory_space<vmem>>) dst(%dma_wait3A_118 : memref<10240x16xf32, #tpu.memory_space<vmem_shared>>)
        %dma_wait3A_119 = arith.constant 0 : i32
        %dma_wait3A_120 = arith.constant 0 : i32
        %dma_wait3A_121 = tpu.memref_slice %arg7[%dma_wait3A_119, %dma_wait3A_120] : memref<162x128xi32, #tpu.memory_space<vmem>> -> memref<1x128xi32, #tpu.memory_space<vmem>>
        %dma_wait3A_122 = tpu.memref_squeeze %dma_wait3A_121 : memref<1x128xi32, #tpu.memory_space<vmem>> -> memref<128xi32, #tpu.memory_space<vmem>>
        %dma_wait3A_123 = arith.constant 0 : i32
        %dma_wait3A_124 = arith.constant 0 : i32
        %dma_wait3A_125 = tpu.memref_slice %arg10[%dma_wait3A_123, %dma_wait3A_124] : memref<10240x16xf32, #tpu.memory_space<vmem_shared>> -> memref<10240x16xf32, #tpu.memory_space<vmem_shared>>
        tpu.wait_indirect_dma semaphore(%arg11 : memref<!tpu.dma_semaphore, #tpu.memory_space<semaphore_mem>>) src(%arg8 : memref<128x16xf32, #tpu.memory_space<vmem>>) dst(%dma_wait3A_125 : memref<10240x16xf32, #tpu.memory_space<vmem_shared>>)
        %dma_wait3A_126 = arith.constant 0 : i32
        %dma_wait3A_127 = arith.constant 0 : i32
        %dma_wait3A_128 = tpu.memref_slice %arg7[%dma_wait3A_126, %dma_wait3A_127] : memref<162x128xi32, #tpu.memory_space<vmem>> -> memref<1x128xi32, #tpu.memory_space<vmem>>
        %dma_wait3A_129 = tpu.memref_squeeze %dma_wait3A_128 : memref<1x128xi32, #tpu.memory_space<vmem>> -> memref<128xi32, #tpu.memory_space<vmem>>
        %dma_wait3A_130 = arith.constant 0 : i32
        %dma_wait3A_131 = arith.constant 0 : i32
        %dma_wait3A_132 = tpu.memref_slice %arg10[%dma_wait3A_130, %dma_wait3A_131] : memref<10240x16xf32, #tpu.memory_space<vmem_shared>> -> memref<10240x16xf32, #tpu.memory_space<vmem_shared>>
        tpu.wait_indirect_dma semaphore(%arg11 : memref<!tpu.dma_semaphore, #tpu.memory_space<semaphore_mem>>) src(%arg8 : memref<128x16xf32, #tpu.memory_space<vmem>>) dst(%dma_wait3A_132 : memref<10240x16xf32, #tpu.memory_space<vmem_shared>>)
      }
      %scan3A_30 = arith.constant 27 : i32
      %barrier3A_31 = arith.constant 0 : index
      tpu.barrier barrier_id(%barrier3A_31)
      "tpu.region"() ({
        %run_scoped3A = tpu.sem_alloc : memref<!tpu.dma_semaphore, #tpu.memory_space<semaphore_mem>>
        %dma_start3A = arith.constant 0 : i32
        %dma_start3A_32 = tpu.memref_slice %arg5[%mul3A_0, %dma_start3A] : memref<10240x16xf32, #tpu.memory_space<hbm>> -> memref<640x16xf32, #tpu.memory_space<hbm>>
        %dma_start3A_33 = arith.constant 0 : i32
        %dma_start3A_34 = tpu.memref_slice %arg10[%mul3A_0, %dma_start3A_33] : memref<10240x16xf32, #tpu.memory_space<vmem_shared>> -> memref<640x16xf32, #tpu.memory_space<vmem_shared>>
        tpu.enqueue_dma source(%dma_start3A_34 : memref<640x16xf32, #tpu.memory_space<vmem_shared>>) target(%dma_start3A_32 : memref<640x16xf32, #tpu.memory_space<hbm>>) target_semaphore(%run_scoped3A : memref<!tpu.dma_semaphore, #tpu.memory_space<semaphore_mem>>)
        %dma_wait3A = arith.constant 0 : i32
        %dma_wait3A_35 = tpu.memref_slice %arg5[%mul3A_0, %dma_wait3A] : memref<10240x16xf32, #tpu.memory_space<hbm>> -> memref<640x16xf32, #tpu.memory_space<hbm>>
        %dma_wait3A_36 = arith.constant 0 : i32
        %dma_wait3A_37 = tpu.memref_slice %arg10[%mul3A_0, %dma_wait3A_36] : memref<10240x16xf32, #tpu.memory_space<vmem_shared>> -> memref<640x16xf32, #tpu.memory_space<vmem_shared>>
        tpu.wait_dma2 semaphore(%run_scoped3A : memref<!tpu.dma_semaphore, #tpu.memory_space<semaphore_mem>>) src(%dma_wait3A_37 : memref<640x16xf32, #tpu.memory_space<vmem_shared>>) dst(%dma_wait3A_35 : memref<640x16xf32, #tpu.memory_space<hbm>>)
        tpu.yield
      }) : () -> ()
    } else {
    }
    %eq3A_18 = arith.constant 1 : i32
    %eq3A_19 = arith.cmpi eq, %arg0, %eq3A_18 : i32
    %convert_element_type3A_20 = arith.extui %eq3A_19 : i1 to i32
    %cond3A_21 = arith.constant 0 : i32
    %cond3A_22 = arith.cmpi ne, %convert_element_type3A_20, %cond3A_21 : i32
    scf.if %cond3A_22 {
      %mul3A_23 = arith.constant 162 : i32
      %mul3A_24 = arith.muli %arg1, %mul3A_23 : i32
      "tpu.region"() ({
        %run_scoped3A = tpu.sem_alloc : memref<!tpu.dma_semaphore, #tpu.memory_space<semaphore_mem>>
        %dma_start3A = arith.constant 0 : i32
        %dma_start3A_32 = tpu.memref_slice %arg3[%mul3A_24, %dma_start3A] : memref<2592x128xi32, #tpu.memory_space<hbm>> -> memref<162x128xi32, #tpu.memory_space<hbm>>
        %dma_start3A_33 = arith.constant 0 : i32
        %dma_start3A_34 = tpu.memref_slice %arg3[%mul3A_24, %dma_start3A_33] : memref<2592x128xi32, #tpu.memory_space<hbm>> -> memref<162x128xi32, #tpu.memory_space<hbm>>
        tpu.enqueue_dma source(%dma_start3A_34 : memref<162x128xi32, #tpu.memory_space<hbm>>) target(%arg7 : memref<162x128xi32, #tpu.memory_space<vmem>>) target_semaphore(%run_scoped3A : memref<!tpu.dma_semaphore, #tpu.memory_space<semaphore_mem>>)
        %dma_wait3A = arith.constant 0 : i32
        %dma_wait3A_35 = tpu.memref_slice %arg3[%mul3A_24, %dma_wait3A] : memref<2592x128xi32, #tpu.memory_space<hbm>> -> memref<162x128xi32, #tpu.memory_space<hbm>>
        %dma_wait3A_36 = arith.constant 0 : i32
        %dma_wait3A_37 = tpu.memref_slice %arg3[%mul3A_24, %dma_wait3A_36] : memref<2592x128xi32, #tpu.memory_space<hbm>> -> memref<162x128xi32, #tpu.memory_space<hbm>>
        tpu.wait_dma2 semaphore(%run_scoped3A : memref<!tpu.dma_semaphore, #tpu.memory_space<semaphore_mem>>) src(%dma_wait3A_37 : memref<162x128xi32, #tpu.memory_space<hbm>>) dst(%arg7 : memref<162x128xi32, #tpu.memory_space<vmem>>)
        tpu.yield
      }) : () -> ()
      %barrier3A = arith.constant 0 : index
      tpu.barrier barrier_id(%barrier3A)
      %scan3A_25 = arith.constant 0 : i32
      %scan3A_26 = arith.constant 0 : i32
      %scan3A_27 = arith.constant 27 : i32
      %scan3A_28 = arith.addi %scan3A_26, %scan3A_27 : i32
      %scan3A_29 = arith.constant 1 : i32
      scf.for %scan3A_32 = %scan3A_26 to %scan3A_28 step %scan3A_29  : i32 {
        %mul3A_33 = arith.constant 6 : i32
        %mul3A_34 = arith.muli %mul3A_33, %scan3A_32 : i32
        %add3A_35 = arith.constant 0 : i32
        %add3A_36 = arith.addi %mul3A_34, %add3A_35 : i32
        %dma_start3A = arith.constant 0 : i32
        %dma_start3A_37 = tpu.memref_slice %arg7[%add3A_36, %dma_start3A] : memref<162x128xi32, #tpu.memory_space<vmem>> -> memref<1x128xi32, #tpu.memory_space<vmem>>
        %dma_start3A_38 = tpu.memref_squeeze %dma_start3A_37 : memref<1x128xi32, #tpu.memory_space<vmem>> -> memref<128xi32, #tpu.memory_space<vmem>>
        %dma_start3A_39 = arith.constant 0 : i32
        %dma_start3A_40 = arith.constant 0 : i32
        %dma_start3A_41 = tpu.memref_slice %arg10[%dma_start3A_39, %dma_start3A_40] : memref<10240x16xf32, #tpu.memory_space<vmem_shared>> -> memref<10240x16xf32, #tpu.memory_space<vmem_shared>>
        tpu.enqueue_indirect_dma source(%arg8 : memref<128x16xf32, #tpu.memory_space<vmem>>) target(%dma_start3A_41 : memref<10240x16xf32, #tpu.memory_space<vmem_shared>>) offsets(%dma_start3A_38 : memref<128xi32, #tpu.memory_space<vmem>>) semaphore(%arg11 : memref<!tpu.dma_semaphore, #tpu.memory_space<semaphore_mem>>) {add = true}
        %mul3A_42 = arith.constant 6 : i32
        %mul3A_43 = arith.muli %mul3A_42, %scan3A_32 : i32
        %add3A_44 = arith.constant 1 : i32
        %add3A_45 = arith.addi %mul3A_43, %add3A_44 : i32
        %dma_start3A_46 = arith.constant 0 : i32
        %dma_start3A_47 = tpu.memref_slice %arg7[%add3A_45, %dma_start3A_46] : memref<162x128xi32, #tpu.memory_space<vmem>> -> memref<1x128xi32, #tpu.memory_space<vmem>>
        %dma_start3A_48 = tpu.memref_squeeze %dma_start3A_47 : memref<1x128xi32, #tpu.memory_space<vmem>> -> memref<128xi32, #tpu.memory_space<vmem>>
        %dma_start3A_49 = arith.constant 0 : i32
        %dma_start3A_50 = arith.constant 0 : i32
        %dma_start3A_51 = tpu.memref_slice %arg10[%dma_start3A_49, %dma_start3A_50] : memref<10240x16xf32, #tpu.memory_space<vmem_shared>> -> memref<10240x16xf32, #tpu.memory_space<vmem_shared>>
        tpu.enqueue_indirect_dma source(%arg8 : memref<128x16xf32, #tpu.memory_space<vmem>>) target(%dma_start3A_51 : memref<10240x16xf32, #tpu.memory_space<vmem_shared>>) offsets(%dma_start3A_48 : memref<128xi32, #tpu.memory_space<vmem>>) semaphore(%arg11 : memref<!tpu.dma_semaphore, #tpu.memory_space<semaphore_mem>>) {add = true}
        %mul3A_52 = arith.constant 6 : i32
        %mul3A_53 = arith.muli %mul3A_52, %scan3A_32 : i32
        %add3A_54 = arith.constant 2 : i32
        %add3A_55 = arith.addi %mul3A_53, %add3A_54 : i32
        %dma_start3A_56 = arith.constant 0 : i32
        %dma_start3A_57 = tpu.memref_slice %arg7[%add3A_55, %dma_start3A_56] : memref<162x128xi32, #tpu.memory_space<vmem>> -> memref<1x128xi32, #tpu.memory_space<vmem>>
        %dma_start3A_58 = tpu.memref_squeeze %dma_start3A_57 : memref<1x128xi32, #tpu.memory_space<vmem>> -> memref<128xi32, #tpu.memory_space<vmem>>
        %dma_start3A_59 = arith.constant 0 : i32
        %dma_start3A_60 = arith.constant 0 : i32
        %dma_start3A_61 = tpu.memref_slice %arg10[%dma_start3A_59, %dma_start3A_60] : memref<10240x16xf32, #tpu.memory_space<vmem_shared>> -> memref<10240x16xf32, #tpu.memory_space<vmem_shared>>
        tpu.enqueue_indirect_dma source(%arg8 : memref<128x16xf32, #tpu.memory_space<vmem>>) target(%dma_start3A_61 : memref<10240x16xf32, #tpu.memory_space<vmem_shared>>) offsets(%dma_start3A_58 : memref<128xi32, #tpu.memory_space<vmem>>) semaphore(%arg11 : memref<!tpu.dma_semaphore, #tpu.memory_space<semaphore_mem>>) {add = true}
        %mul3A_62 = arith.constant 6 : i32
        %mul3A_63 = arith.muli %mul3A_62, %scan3A_32 : i32
        %add3A_64 = arith.constant 3 : i32
        %add3A_65 = arith.addi %mul3A_63, %add3A_64 : i32
        %dma_start3A_66 = arith.constant 0 : i32
        %dma_start3A_67 = tpu.memref_slice %arg7[%add3A_65, %dma_start3A_66] : memref<162x128xi32, #tpu.memory_space<vmem>> -> memref<1x128xi32, #tpu.memory_space<vmem>>
        %dma_start3A_68 = tpu.memref_squeeze %dma_start3A_67 : memref<1x128xi32, #tpu.memory_space<vmem>> -> memref<128xi32, #tpu.memory_space<vmem>>
        %dma_start3A_69 = arith.constant 0 : i32
        %dma_start3A_70 = arith.constant 0 : i32
        %dma_start3A_71 = tpu.memref_slice %arg10[%dma_start3A_69, %dma_start3A_70] : memref<10240x16xf32, #tpu.memory_space<vmem_shared>> -> memref<10240x16xf32, #tpu.memory_space<vmem_shared>>
        tpu.enqueue_indirect_dma source(%arg8 : memref<128x16xf32, #tpu.memory_space<vmem>>) target(%dma_start3A_71 : memref<10240x16xf32, #tpu.memory_space<vmem_shared>>) offsets(%dma_start3A_68 : memref<128xi32, #tpu.memory_space<vmem>>) semaphore(%arg11 : memref<!tpu.dma_semaphore, #tpu.memory_space<semaphore_mem>>) {add = true}
        %mul3A_72 = arith.constant 6 : i32
        %mul3A_73 = arith.muli %mul3A_72, %scan3A_32 : i32
        %add3A_74 = arith.constant 4 : i32
        %add3A_75 = arith.addi %mul3A_73, %add3A_74 : i32
        %dma_start3A_76 = arith.constant 0 : i32
        %dma_start3A_77 = tpu.memref_slice %arg7[%add3A_75, %dma_start3A_76] : memref<162x128xi32, #tpu.memory_space<vmem>> -> memref<1x128xi32, #tpu.memory_space<vmem>>
        %dma_start3A_78 = tpu.memref_squeeze %dma_start3A_77 : memref<1x128xi32, #tpu.memory_space<vmem>> -> memref<128xi32, #tpu.memory_space<vmem>>
        %dma_start3A_79 = arith.constant 0 : i32
        %dma_start3A_80 = arith.constant 0 : i32
        %dma_start3A_81 = tpu.memref_slice %arg10[%dma_start3A_79, %dma_start3A_80] : memref<10240x16xf32, #tpu.memory_space<vmem_shared>> -> memref<10240x16xf32, #tpu.memory_space<vmem_shared>>
        tpu.enqueue_indirect_dma source(%arg8 : memref<128x16xf32, #tpu.memory_space<vmem>>) target(%dma_start3A_81 : memref<10240x16xf32, #tpu.memory_space<vmem_shared>>) offsets(%dma_start3A_78 : memref<128xi32, #tpu.memory_space<vmem>>) semaphore(%arg11 : memref<!tpu.dma_semaphore, #tpu.memory_space<semaphore_mem>>) {add = true}
        %mul3A_82 = arith.constant 6 : i32
        %mul3A_83 = arith.muli %mul3A_82, %scan3A_32 : i32
        %add3A_84 = arith.constant 5 : i32
        %add3A_85 = arith.addi %mul3A_83, %add3A_84 : i32
        %dma_start3A_86 = arith.constant 0 : i32
        %dma_start3A_87 = tpu.memref_slice %arg7[%add3A_85, %dma_start3A_86] : memref<162x128xi32, #tpu.memory_space<vmem>> -> memref<1x128xi32, #tpu.memory_space<vmem>>
        %dma_start3A_88 = tpu.memref_squeeze %dma_start3A_87 : memref<1x128xi32, #tpu.memory_space<vmem>> -> memref<128xi32, #tpu.memory_space<vmem>>
        %dma_start3A_89 = arith.constant 0 : i32
        %dma_start3A_90 = arith.constant 0 : i32
        %dma_start3A_91 = tpu.memref_slice %arg10[%dma_start3A_89, %dma_start3A_90] : memref<10240x16xf32, #tpu.memory_space<vmem_shared>> -> memref<10240x16xf32, #tpu.memory_space<vmem_shared>>
        tpu.enqueue_indirect_dma source(%arg8 : memref<128x16xf32, #tpu.memory_space<vmem>>) target(%dma_start3A_91 : memref<10240x16xf32, #tpu.memory_space<vmem_shared>>) offsets(%dma_start3A_88 : memref<128xi32, #tpu.memory_space<vmem>>) semaphore(%arg11 : memref<!tpu.dma_semaphore, #tpu.memory_space<semaphore_mem>>) {add = true}
        %dma_wait3A = arith.constant 0 : i32
        %dma_wait3A_92 = arith.constant 0 : i32
        %dma_wait3A_93 = tpu.memref_slice %arg7[%dma_wait3A, %dma_wait3A_92] : memref<162x128xi32, #tpu.memory_space<vmem>> -> memref<1x128xi32, #tpu.memory_space<vmem>>
        %dma_wait3A_94 = tpu.memref_squeeze %dma_wait3A_93 : memref<1x128xi32, #tpu.memory_space<vmem>> -> memref<128xi32, #tpu.memory_space<vmem>>
        %dma_wait3A_95 = arith.constant 0 : i32
        %dma_wait3A_96 = arith.constant 0 : i32
        %dma_wait3A_97 = tpu.memref_slice %arg10[%dma_wait3A_95, %dma_wait3A_96] : memref<10240x16xf32, #tpu.memory_space<vmem_shared>> -> memref<10240x16xf32, #tpu.memory_space<vmem_shared>>
        tpu.wait_indirect_dma semaphore(%arg11 : memref<!tpu.dma_semaphore, #tpu.memory_space<semaphore_mem>>) src(%arg8 : memref<128x16xf32, #tpu.memory_space<vmem>>) dst(%dma_wait3A_97 : memref<10240x16xf32, #tpu.memory_space<vmem_shared>>)
        %dma_wait3A_98 = arith.constant 0 : i32
        %dma_wait3A_99 = arith.constant 0 : i32
        %dma_wait3A_100 = tpu.memref_slice %arg7[%dma_wait3A_98, %dma_wait3A_99] : memref<162x128xi32, #tpu.memory_space<vmem>> -> memref<1x128xi32, #tpu.memory_space<vmem>>
        %dma_wait3A_101 = tpu.memref_squeeze %dma_wait3A_100 : memref<1x128xi32, #tpu.memory_space<vmem>> -> memref<128xi32, #tpu.memory_space<vmem>>
        %dma_wait3A_102 = arith.constant 0 : i32
        %dma_wait3A_103 = arith.constant 0 : i32
        %dma_wait3A_104 = tpu.memref_slice %arg10[%dma_wait3A_102, %dma_wait3A_103] : memref<10240x16xf32, #tpu.memory_space<vmem_shared>> -> memref<10240x16xf32, #tpu.memory_space<vmem_shared>>
        tpu.wait_indirect_dma semaphore(%arg11 : memref<!tpu.dma_semaphore, #tpu.memory_space<semaphore_mem>>) src(%arg8 : memref<128x16xf32, #tpu.memory_space<vmem>>) dst(%dma_wait3A_104 : memref<10240x16xf32, #tpu.memory_space<vmem_shared>>)
        %dma_wait3A_105 = arith.constant 0 : i32
        %dma_wait3A_106 = arith.constant 0 : i32
        %dma_wait3A_107 = tpu.memref_slice %arg7[%dma_wait3A_105, %dma_wait3A_106] : memref<162x128xi32, #tpu.memory_space<vmem>> -> memref<1x128xi32, #tpu.memory_space<vmem>>
        %dma_wait3A_108 = tpu.memref_squeeze %dma_wait3A_107 : memref<1x128xi32, #tpu.memory_space<vmem>> -> memref<128xi32, #tpu.memory_space<vmem>>
        %dma_wait3A_109 = arith.constant 0 : i32
        %dma_wait3A_110 = arith.constant 0 : i32
        %dma_wait3A_111 = tpu.memref_slice %arg10[%dma_wait3A_109, %dma_wait3A_110] : memref<10240x16xf32, #tpu.memory_space<vmem_shared>> -> memref<10240x16xf32, #tpu.memory_space<vmem_shared>>
        tpu.wait_indirect_dma semaphore(%arg11 : memref<!tpu.dma_semaphore, #tpu.memory_space<semaphore_mem>>) src(%arg8 : memref<128x16xf32, #tpu.memory_space<vmem>>) dst(%dma_wait3A_111 : memref<10240x16xf32, #tpu.memory_space<vmem_shared>>)
        %dma_wait3A_112 = arith.constant 0 : i32
        %dma_wait3A_113 = arith.constant 0 : i32
        %dma_wait3A_114 = tpu.memref_slice %arg7[%dma_wait3A_112, %dma_wait3A_113] : memref<162x128xi32, #tpu.memory_space<vmem>> -> memref<1x128xi32, #tpu.memory_space<vmem>>
        %dma_wait3A_115 = tpu.memref_squeeze %dma_wait3A_114 : memref<1x128xi32, #tpu.memory_space<vmem>> -> memref<128xi32, #tpu.memory_space<vmem>>
        %dma_wait3A_116 = arith.constant 0 : i32
        %dma_wait3A_117 = arith.constant 0 : i32
        %dma_wait3A_118 = tpu.memref_slice %arg10[%dma_wait3A_116, %dma_wait3A_117] : memref<10240x16xf32, #tpu.memory_space<vmem_shared>> -> memref<10240x16xf32, #tpu.memory_space<vmem_shared>>
        tpu.wait_indirect_dma semaphore(%arg11 : memref<!tpu.dma_semaphore, #tpu.memory_space<semaphore_mem>>) src(%arg8 : memref<128x16xf32, #tpu.memory_space<vmem>>) dst(%dma_wait3A_118 : memref<10240x16xf32, #tpu.memory_space<vmem_shared>>)
        %dma_wait3A_119 = arith.constant 0 : i32
        %dma_wait3A_120 = arith.constant 0 : i32
        %dma_wait3A_121 = tpu.memref_slice %arg7[%dma_wait3A_119, %dma_wait3A_120] : memref<162x128xi32, #tpu.memory_space<vmem>> -> memref<1x128xi32, #tpu.memory_space<vmem>>
        %dma_wait3A_122 = tpu.memref_squeeze %dma_wait3A_121 : memref<1x128xi32, #tpu.memory_space<vmem>> -> memref<128xi32, #tpu.memory_space<vmem>>
        %dma_wait3A_123 = arith.constant 0 : i32
        %dma_wait3A_124 = arith.constant 0 : i32
        %dma_wait3A_125 = tpu.memref_slice %arg10[%dma_wait3A_123, %dma_wait3A_124] : memref<10240x16xf32, #tpu.memory_space<vmem_shared>> -> memref<10240x16xf32, #tpu.memory_space<vmem_shared>>
        tpu.wait_indirect_dma semaphore(%arg11 : memref<!tpu.dma_semaphore, #tpu.memory_space<semaphore_mem>>) src(%arg8 : memref<128x16xf32, #tpu.memory_space<vmem>>) dst(%dma_wait3A_125 : memref<10240x16xf32, #tpu.memory_space<vmem_shared>>)
        %dma_wait3A_126 = arith.constant 0 : i32
        %dma_wait3A_127 = arith.constant 0 : i32
        %dma_wait3A_128 = tpu.memref_slice %arg7[%dma_wait3A_126, %dma_wait3A_127] : memref<162x128xi32, #tpu.memory_space<vmem>> -> memref<1x128xi32, #tpu.memory_space<vmem>>
        %dma_wait3A_129 = tpu.memref_squeeze %dma_wait3A_128 : memref<1x128xi32, #tpu.memory_space<vmem>> -> memref<128xi32, #tpu.memory_space<vmem>>
        %dma_wait3A_130 = arith.constant 0 : i32
        %dma_wait3A_131 = arith.constant 0 : i32
        %dma_wait3A_132 = tpu.memref_slice %arg10[%dma_wait3A_130, %dma_wait3A_131] : memref<10240x16xf32, #tpu.memory_space<vmem_shared>> -> memref<10240x16xf32, #tpu.memory_space<vmem_shared>>
        tpu.wait_indirect_dma semaphore(%arg11 : memref<!tpu.dma_semaphore, #tpu.memory_space<semaphore_mem>>) src(%arg8 : memref<128x16xf32, #tpu.memory_space<vmem>>) dst(%dma_wait3A_132 : memref<10240x16xf32, #tpu.memory_space<vmem_shared>>)
      }
      %scan3A_30 = arith.constant 27 : i32
      %barrier3A_31 = arith.constant 0 : index
      tpu.barrier barrier_id(%barrier3A_31)
      "tpu.region"() ({
        %run_scoped3A = tpu.sem_alloc : memref<!tpu.dma_semaphore, #tpu.memory_space<semaphore_mem>>
        %dma_start3A = arith.constant 0 : i32
        %dma_start3A_32 = tpu.memref_slice %arg6[%mul3A_0, %dma_start3A] : memref<10240x16xf32, #tpu.memory_space<hbm>> -> memref<640x16xf32, #tpu.memory_space<hbm>>
        %dma_start3A_33 = arith.constant 0 : i32
        %dma_start3A_34 = tpu.memref_slice %arg10[%mul3A_0, %dma_start3A_33] : memref<10240x16xf32, #tpu.memory_space<vmem_shared>> -> memref<640x16xf32, #tpu.memory_space<vmem_shared>>
        tpu.enqueue_dma source(%dma_start3A_34 : memref<640x16xf32, #tpu.memory_space<vmem_shared>>) target(%dma_start3A_32 : memref<640x16xf32, #tpu.memory_space<hbm>>) target_semaphore(%run_scoped3A : memref<!tpu.dma_semaphore, #tpu.memory_space<semaphore_mem>>)
        %dma_wait3A = arith.constant 0 : i32
        %dma_wait3A_35 = tpu.memref_slice %arg6[%mul3A_0, %dma_wait3A] : memref<10240x16xf32, #tpu.memory_space<hbm>> -> memref<640x16xf32, #tpu.memory_space<hbm>>
        %dma_wait3A_36 = arith.constant 0 : i32
        %dma_wait3A_37 = tpu.memref_slice %arg10[%mul3A_0, %dma_wait3A_36] : memref<10240x16xf32, #tpu.memory_space<vmem_shared>> -> memref<640x16xf32, #tpu.memory_space<vmem_shared>>
        tpu.wait_dma2 semaphore(%run_scoped3A : memref<!tpu.dma_semaphore, #tpu.memory_space<semaphore_mem>>) src(%dma_wait3A_37 : memref<640x16xf32, #tpu.memory_space<vmem_shared>>) dst(%dma_wait3A_35 : memref<640x16xf32, #tpu.memory_space<hbm>>)
        tpu.yield
      }) : () -> ()
    } else {
    }
    return
  }
}

#map = affine_map<(d0, d1) -> (0, 0)>
#map1 = affine_map<(d0, d1) -> (0, 0, 0)>
module attributes {stable_mosaic.version = 14 : i64} {
  func.func @_agg2_kernel(%arg0: i32, %arg1: i32, %arg2: memref<10240x64xf32, #tpu.memory_space<hbm>>, %arg3: memref<10240x64xf32, #tpu.memory_space<hbm>>, %arg4: memref<2592x128xi32, #tpu.memory_space<hbm>>, %arg5: memref<2592x128xi32, #tpu.memory_space<hbm>>, %arg6: memref<2x10240x64xf32, #tpu.memory_space<hbm>>, %arg7: memref<2x10240x64xf32, #tpu.memory_space<hbm>>, %arg8: memref<84x128xi32, #tpu.memory_space<vmem>>, %arg9: memref<84x128xi32, #tpu.memory_space<vmem>>, %arg10: memref<128x64xf32, #tpu.memory_space<vmem>>, %arg11: memref<128x64xf32, #tpu.memory_space<vmem>>, %arg12: memref<128x64xf32, #tpu.memory_space<vmem>>, %arg13: memref<!tpu.dma_semaphore, #tpu.memory_space<semaphore_mem>>, %arg14: memref<!tpu.dma_semaphore, #tpu.memory_space<semaphore_mem>>, %arg15: memref<!tpu.dma_semaphore, #tpu.memory_space<semaphore_mem>>, %arg16: memref<!tpu.dma_semaphore, #tpu.memory_space<semaphore_mem>>, %arg17: memref<!tpu.dma_semaphore, #tpu.memory_space<semaphore_mem>>, %arg18: memref<!tpu.dma_semaphore, #tpu.memory_space<semaphore_mem>>, %arg19: memref<10240x64xf32, #tpu.memory_space<vmem_shared>>, %arg20: memref<10240x64xf32, #tpu.memory_space<vmem_shared>>) attributes {dimension_semantics = [#tpu.dimension_semantics<core_parallel>, #tpu.dimension_semantics<subcore_parallel>], iteration_bounds = array<i64: 2, 16>, scalar_prefetch = 0 : i64, scratch_operands = 13 : i64, tpu.core_type = #tpu.core_type<sc_vector_subcore>, window_params = [{transform_indices = #map}, {transform_indices = #map}, {transform_indices = #map}, {transform_indices = #map}, {transform_indices = #map1}, {transform_indices = #map1}]} {
    %eq3A = arith.constant 0 : i32
    %eq3A_0 = arith.cmpi eq, %arg0, %eq3A : i32
    %convert_element_type3A = arith.extui %eq3A_0 : i1 to i32
    %cond3A = arith.constant 0 : i32
    %cond3A_1 = arith.cmpi ne, %convert_element_type3A, %cond3A : i32
    scf.if %cond3A_1 {
      %mul3A = arith.constant 84 : i32
      %mul3A_7 = arith.muli %arg1, %mul3A : i32
      "tpu.region"() ({
        %run_scoped3A = tpu.sem_alloc : memref<!tpu.dma_semaphore, #tpu.memory_space<semaphore_mem>>
        %dma_start3A_118 = arith.constant 0 : i32
        %dma_start3A_119 = arith.constant 0 : i32
        %dma_start3A_120 = tpu.memref_slice %arg8[%dma_start3A_118, %dma_start3A_119] : memref<84x128xi32, #tpu.memory_space<vmem>> -> memref<84x128xi32, #tpu.memory_space<vmem>>
        %dma_start3A_121 = arith.constant 0 : i32
        %dma_start3A_122 = tpu.memref_slice %arg4[%mul3A_7, %dma_start3A_121] : memref<2592x128xi32, #tpu.memory_space<hbm>> -> memref<84x128xi32, #tpu.memory_space<hbm>>
        %dma_start3A_123 = arith.constant 0 : i32
        %dma_start3A_124 = arith.constant 0 : i32
        %dma_start3A_125 = tpu.memref_slice %arg8[%dma_start3A_123, %dma_start3A_124] : memref<84x128xi32, #tpu.memory_space<vmem>> -> memref<84x128xi32, #tpu.memory_space<vmem>>
        %dma_start3A_126 = arith.constant 0 : i32
        %dma_start3A_127 = tpu.memref_slice %arg4[%mul3A_7, %dma_start3A_126] : memref<2592x128xi32, #tpu.memory_space<hbm>> -> memref<84x128xi32, #tpu.memory_space<hbm>>
        tpu.enqueue_dma source(%dma_start3A_127 : memref<84x128xi32, #tpu.memory_space<hbm>>) target(%dma_start3A_125 : memref<84x128xi32, #tpu.memory_space<vmem>>) target_semaphore(%run_scoped3A : memref<!tpu.dma_semaphore, #tpu.memory_space<semaphore_mem>>)
        %dma_wait3A_128 = arith.constant 0 : i32
        %dma_wait3A_129 = arith.constant 0 : i32
        %dma_wait3A_130 = tpu.memref_slice %arg8[%dma_wait3A_128, %dma_wait3A_129] : memref<84x128xi32, #tpu.memory_space<vmem>> -> memref<84x128xi32, #tpu.memory_space<vmem>>
        %dma_wait3A_131 = arith.constant 0 : i32
        %dma_wait3A_132 = tpu.memref_slice %arg4[%mul3A_7, %dma_wait3A_131] : memref<2592x128xi32, #tpu.memory_space<hbm>> -> memref<84x128xi32, #tpu.memory_space<hbm>>
        %dma_wait3A_133 = arith.constant 0 : i32
        %dma_wait3A_134 = arith.constant 0 : i32
        %dma_wait3A_135 = tpu.memref_slice %arg8[%dma_wait3A_133, %dma_wait3A_134] : memref<84x128xi32, #tpu.memory_space<vmem>> -> memref<84x128xi32, #tpu.memory_space<vmem>>
        %dma_wait3A_136 = arith.constant 0 : i32
        %dma_wait3A_137 = tpu.memref_slice %arg4[%mul3A_7, %dma_wait3A_136] : memref<2592x128xi32, #tpu.memory_space<hbm>> -> memref<84x128xi32, #tpu.memory_space<hbm>>
        tpu.wait_dma2 semaphore(%run_scoped3A : memref<!tpu.dma_semaphore, #tpu.memory_space<semaphore_mem>>) src(%dma_wait3A_137 : memref<84x128xi32, #tpu.memory_space<hbm>>) dst(%dma_wait3A_135 : memref<84x128xi32, #tpu.memory_space<vmem>>)
        tpu.yield
      }) : () -> ()
      "tpu.region"() ({
        %run_scoped3A = tpu.sem_alloc : memref<!tpu.dma_semaphore, #tpu.memory_space<semaphore_mem>>
        %dma_start3A_118 = arith.constant 0 : i32
        %dma_start3A_119 = arith.constant 0 : i32
        %dma_start3A_120 = tpu.memref_slice %arg9[%dma_start3A_118, %dma_start3A_119] : memref<84x128xi32, #tpu.memory_space<vmem>> -> memref<84x128xi32, #tpu.memory_space<vmem>>
        %dma_start3A_121 = arith.constant 0 : i32
        %dma_start3A_122 = tpu.memref_slice %arg5[%mul3A_7, %dma_start3A_121] : memref<2592x128xi32, #tpu.memory_space<hbm>> -> memref<84x128xi32, #tpu.memory_space<hbm>>
        %dma_start3A_123 = arith.constant 0 : i32
        %dma_start3A_124 = arith.constant 0 : i32
        %dma_start3A_125 = tpu.memref_slice %arg9[%dma_start3A_123, %dma_start3A_124] : memref<84x128xi32, #tpu.memory_space<vmem>> -> memref<84x128xi32, #tpu.memory_space<vmem>>
        %dma_start3A_126 = arith.constant 0 : i32
        %dma_start3A_127 = tpu.memref_slice %arg5[%mul3A_7, %dma_start3A_126] : memref<2592x128xi32, #tpu.memory_space<hbm>> -> memref<84x128xi32, #tpu.memory_space<hbm>>
        tpu.enqueue_dma source(%dma_start3A_127 : memref<84x128xi32, #tpu.memory_space<hbm>>) target(%dma_start3A_125 : memref<84x128xi32, #tpu.memory_space<vmem>>) target_semaphore(%run_scoped3A : memref<!tpu.dma_semaphore, #tpu.memory_space<semaphore_mem>>)
        %dma_wait3A_128 = arith.constant 0 : i32
        %dma_wait3A_129 = arith.constant 0 : i32
        %dma_wait3A_130 = tpu.memref_slice %arg9[%dma_wait3A_128, %dma_wait3A_129] : memref<84x128xi32, #tpu.memory_space<vmem>> -> memref<84x128xi32, #tpu.memory_space<vmem>>
        %dma_wait3A_131 = arith.constant 0 : i32
        %dma_wait3A_132 = tpu.memref_slice %arg5[%mul3A_7, %dma_wait3A_131] : memref<2592x128xi32, #tpu.memory_space<hbm>> -> memref<84x128xi32, #tpu.memory_space<hbm>>
        %dma_wait3A_133 = arith.constant 0 : i32
        %dma_wait3A_134 = arith.constant 0 : i32
        %dma_wait3A_135 = tpu.memref_slice %arg9[%dma_wait3A_133, %dma_wait3A_134] : memref<84x128xi32, #tpu.memory_space<vmem>> -> memref<84x128xi32, #tpu.memory_space<vmem>>
        %dma_wait3A_136 = arith.constant 0 : i32
        %dma_wait3A_137 = tpu.memref_slice %arg5[%mul3A_7, %dma_wait3A_136] : memref<2592x128xi32, #tpu.memory_space<hbm>> -> memref<84x128xi32, #tpu.memory_space<hbm>>
        tpu.wait_dma2 semaphore(%run_scoped3A : memref<!tpu.dma_semaphore, #tpu.memory_space<semaphore_mem>>) src(%dma_wait3A_137 : memref<84x128xi32, #tpu.memory_space<hbm>>) dst(%dma_wait3A_135 : memref<84x128xi32, #tpu.memory_space<vmem>>)
        tpu.yield
      }) : () -> ()
      %mul3A_8 = arith.constant 640 : i32
      %mul3A_9 = arith.muli %arg1, %mul3A_8 : i32
      %dma_start3A = arith.constant 0 : i32
      %dma_start3A_10 = tpu.memref_slice %arg19[%mul3A_9, %dma_start3A] : memref<10240x64xf32, #tpu.memory_space<vmem_shared>> -> memref<640x64xf32, #tpu.memory_space<vmem_shared>>
      %dma_start3A_11 = arith.constant 0 : i32
      %dma_start3A_12 = tpu.memref_slice %arg2[%mul3A_9, %dma_start3A_11] : memref<10240x64xf32, #tpu.memory_space<hbm>> -> memref<640x64xf32, #tpu.memory_space<hbm>>
      tpu.enqueue_dma source(%dma_start3A_12 : memref<640x64xf32, #tpu.memory_space<hbm>>) target(%dma_start3A_10 : memref<640x64xf32, #tpu.memory_space<vmem_shared>>) target_semaphore(%arg13 : memref<!tpu.dma_semaphore, #tpu.memory_space<semaphore_mem>>)
      %broadcast_in_dim3A = arith.constant 0.000000e+00 : f32
      %broadcast_in_dim3A_13 = vector.broadcast %broadcast_in_dim3A : f32 to vector<16xf32>
      %scan3A = arith.constant 0 : i32
      %scan3A_14 = arith.constant 0 : i32
      %scan3A_15 = arith.constant 128 : i32
      %scan3A_16 = arith.addi %scan3A_14, %scan3A_15 : i32
      %scan3A_17 = arith.constant 1 : i32
      scf.for %scan3A_118 = %scan3A_14 to %scan3A_16 step %scan3A_17  : i32 {
        %swap3A = arith.index_cast %scan3A_118 : i32 to index
        %swap3A_119 = arith.constant 0 : index
        %swap3A_120 = tpu.vector_load %arg10[%swap3A, %swap3A_119] {strides = array<i32>} : memref<128x64xf32, #tpu.memory_space<vmem>>, vector<1x16xf32>,
        %swap3A_121 = vector.shape_cast %swap3A_120 : vector<1x16xf32> to vector<16xf32>
        %swap3A_122 = vector.shape_cast %broadcast_in_dim3A_13 : vector<16xf32> to vector<1x16xf32>
        tpu.vector_store %arg10[%swap3A, %swap3A_119], %swap3A_122 {strides = array<i32>} : memref<128x64xf32, #tpu.memory_space<vmem>>, vector<1x16xf32>,
        %swap3A_123 = arith.index_cast %scan3A_118 : i32 to index
        %swap3A_124 = arith.constant 16 : index
        %swap3A_125 = tpu.vector_load %arg10[%swap3A_123, %swap3A_124] {strides = array<i32>} : memref<128x64xf32, #tpu.memory_space<vmem>>, vector<1x16xf32>,
        %swap3A_126 = vector.shape_cast %swap3A_125 : vector<1x16xf32> to vector<16xf32>
        %swap3A_127 = vector.shape_cast %broadcast_in_dim3A_13 : vector<16xf32> to vector<1x16xf32>
        tpu.vector_store %arg10[%swap3A_123, %swap3A_124], %swap3A_127 {strides = array<i32>} : memref<128x64xf32, #tpu.memory_space<vmem>>, vector<1x16xf32>,
        %swap3A_128 = arith.index_cast %scan3A_118 : i32 to index
        %swap3A_129 = arith.constant 32 : index
        %swap3A_130 = tpu.vector_load %arg10[%swap3A_128, %swap3A_129] {strides = array<i32>} : memref<128x64xf32, #tpu.memory_space<vmem>>, vector<1x16xf32>,
        %swap3A_131 = vector.shape_cast %swap3A_130 : vector<1x16xf32> to vector<16xf32>
        %swap3A_132 = vector.shape_cast %broadcast_in_dim3A_13 : vector<16xf32> to vector<1x16xf32>
        tpu.vector_store %arg10[%swap3A_128, %swap3A_129], %swap3A_132 {strides = array<i32>} : memref<128x64xf32, #tpu.memory_space<vmem>>, vector<1x16xf32>,
        %swap3A_133 = arith.index_cast %scan3A_118 : i32 to index
        %swap3A_134 = arith.constant 48 : index
        %swap3A_135 = tpu.vector_load %arg10[%swap3A_133, %swap3A_134] {strides = array<i32>} : memref<128x64xf32, #tpu.memory_space<vmem>>, vector<1x16xf32>,
        %swap3A_136 = vector.shape_cast %swap3A_135 : vector<1x16xf32> to vector<16xf32>
        %swap3A_137 = vector.shape_cast %broadcast_in_dim3A_13 : vector<16xf32> to vector<1x16xf32>
        tpu.vector_store %arg10[%swap3A_133, %swap3A_134], %swap3A_137 {strides = array<i32>} : memref<128x64xf32, #tpu.memory_space<vmem>>, vector<1x16xf32>,
      }
      %scan3A_18 = arith.constant 128 : i32
      %add3A = arith.constant 0 : i32
      %add3A_19 = arith.addi %mul3A_9, %add3A : i32
      "tpu.region"() ({
        %run_scoped3A = tpu.sem_alloc : memref<!tpu.dma_semaphore, #tpu.memory_space<semaphore_mem>>
        %dma_start3A_118 = arith.constant 0 : i32
        %dma_start3A_119 = tpu.memref_slice %arg20[%add3A_19, %dma_start3A_118] : memref<10240x64xf32, #tpu.memory_space<vmem_shared>> -> memref<128x64xf32, #tpu.memory_space<vmem_shared>>
        %dma_start3A_120 = arith.constant 0 : i32
        %dma_start3A_121 = tpu.memref_slice %arg20[%add3A_19, %dma_start3A_120] : memref<10240x64xf32, #tpu.memory_space<vmem_shared>> -> memref<128x64xf32, #tpu.memory_space<vmem_shared>>
        tpu.enqueue_dma source(%arg10 : memref<128x64xf32, #tpu.memory_space<vmem>>) target(%dma_start3A_121 : memref<128x64xf32, #tpu.memory_space<vmem_shared>>) target_semaphore(%run_scoped3A : memref<!tpu.dma_semaphore, #tpu.memory_space<semaphore_mem>>)
        %dma_wait3A_122 = arith.constant 0 : i32
        %dma_wait3A_123 = tpu.memref_slice %arg20[%add3A_19, %dma_wait3A_122] : memref<10240x64xf32, #tpu.memory_space<vmem_shared>> -> memref<128x64xf32, #tpu.memory_space<vmem_shared>>
        %dma_wait3A_124 = arith.constant 0 : i32
        %dma_wait3A_125 = tpu.memref_slice %arg20[%add3A_19, %dma_wait3A_124] : memref<10240x64xf32, #tpu.memory_space<vmem_shared>> -> memref<128x64xf32, #tpu.memory_space<vmem_shared>>
        tpu.wait_dma2 semaphore(%run_scoped3A : memref<!tpu.dma_semaphore, #tpu.memory_space<semaphore_mem>>) src(%arg10 : memref<128x64xf32, #tpu.memory_space<vmem>>) dst(%dma_wait3A_125 : memref<128x64xf32, #tpu.memory_space<vmem_shared>>)
        tpu.yield
      }) : () -> ()
      %add3A_20 = arith.constant 128 : i32
      %add3A_21 = arith.addi %mul3A_9, %add3A_20 : i32
      "tpu.region"() ({
        %run_scoped3A = tpu.sem_alloc : memref<!tpu.dma_semaphore, #tpu.memory_space<semaphore_mem>>
        %dma_start3A_118 = arith.constant 0 : i32
        %dma_start3A_119 = tpu.memref_slice %arg20[%add3A_21, %dma_start3A_118] : memref<10240x64xf32, #tpu.memory_space<vmem_shared>> -> memref<128x64xf32, #tpu.memory_space<vmem_shared>>
        %dma_start3A_120 = arith.constant 0 : i32
        %dma_start3A_121 = tpu.memref_slice %arg20[%add3A_21, %dma_start3A_120] : memref<10240x64xf32, #tpu.memory_space<vmem_shared>> -> memref<128x64xf32, #tpu.memory_space<vmem_shared>>
        tpu.enqueue_dma source(%arg10 : memref<128x64xf32, #tpu.memory_space<vmem>>) target(%dma_start3A_121 : memref<128x64xf32, #tpu.memory_space<vmem_shared>>) target_semaphore(%run_scoped3A : memref<!tpu.dma_semaphore, #tpu.memory_space<semaphore_mem>>)
        %dma_wait3A_122 = arith.constant 0 : i32
        %dma_wait3A_123 = tpu.memref_slice %arg20[%add3A_21, %dma_wait3A_122] : memref<10240x64xf32, #tpu.memory_space<vmem_shared>> -> memref<128x64xf32, #tpu.memory_space<vmem_shared>>
        %dma_wait3A_124 = arith.constant 0 : i32
        %dma_wait3A_125 = tpu.memref_slice %arg20[%add3A_21, %dma_wait3A_124] : memref<10240x64xf32, #tpu.memory_space<vmem_shared>> -> memref<128x64xf32, #tpu.memory_space<vmem_shared>>
        tpu.wait_dma2 semaphore(%run_scoped3A : memref<!tpu.dma_semaphore, #tpu.memory_space<semaphore_mem>>) src(%arg10 : memref<128x64xf32, #tpu.memory_space<vmem>>) dst(%dma_wait3A_125 : memref<128x64xf32, #tpu.memory_space<vmem_shared>>)
        tpu.yield
      }) : () -> ()
      %add3A_22 = arith.constant 256 : i32
      %add3A_23 = arith.addi %mul3A_9, %add3A_22 : i32
      "tpu.region"() ({
        %run_scoped3A = tpu.sem_alloc : memref<!tpu.dma_semaphore, #tpu.memory_space<semaphore_mem>>
        %dma_start3A_118 = arith.constant 0 : i32
        %dma_start3A_119 = tpu.memref_slice %arg20[%add3A_23, %dma_start3A_118] : memref<10240x64xf32, #tpu.memory_space<vmem_shared>> -> memref<128x64xf32, #tpu.memory_space<vmem_shared>>
        %dma_start3A_120 = arith.constant 0 : i32
        %dma_start3A_121 = tpu.memref_slice %arg20[%add3A_23, %dma_start3A_120] : memref<10240x64xf32, #tpu.memory_space<vmem_shared>> -> memref<128x64xf32, #tpu.memory_space<vmem_shared>>
        tpu.enqueue_dma source(%arg10 : memref<128x64xf32, #tpu.memory_space<vmem>>) target(%dma_start3A_121 : memref<128x64xf32, #tpu.memory_space<vmem_shared>>) target_semaphore(%run_scoped3A : memref<!tpu.dma_semaphore, #tpu.memory_space<semaphore_mem>>)
        %dma_wait3A_122 = arith.constant 0 : i32
        %dma_wait3A_123 = tpu.memref_slice %arg20[%add3A_23, %dma_wait3A_122] : memref<10240x64xf32, #tpu.memory_space<vmem_shared>> -> memref<128x64xf32, #tpu.memory_space<vmem_shared>>
        %dma_wait3A_124 = arith.constant 0 : i32
        %dma_wait3A_125 = tpu.memref_slice %arg20[%add3A_23, %dma_wait3A_124] : memref<10240x64xf32, #tpu.memory_space<vmem_shared>> -> memref<128x64xf32, #tpu.memory_space<vmem_shared>>
        tpu.wait_dma2 semaphore(%run_scoped3A : memref<!tpu.dma_semaphore, #tpu.memory_space<semaphore_mem>>) src(%arg10 : memref<128x64xf32, #tpu.memory_space<vmem>>) dst(%dma_wait3A_125 : memref<128x64xf32, #tpu.memory_space<vmem_shared>>)
        tpu.yield
      }) : () -> ()
      %add3A_24 = arith.constant 384 : i32
      %add3A_25 = arith.addi %mul3A_9, %add3A_24 : i32
      "tpu.region"() ({
        %run_scoped3A = tpu.sem_alloc : memref<!tpu.dma_semaphore, #tpu.memory_space<semaphore_mem>>
        %dma_start3A_118 = arith.constant 0 : i32
        %dma_start3A_119 = tpu.memref_slice %arg20[%add3A_25, %dma_start3A_118] : memref<10240x64xf32, #tpu.memory_space<vmem_shared>> -> memref<128x64xf32, #tpu.memory_space<vmem_shared>>
        %dma_start3A_120 = arith.constant 0 : i32
        %dma_start3A_121 = tpu.memref_slice %arg20[%add3A_25, %dma_start3A_120] : memref<10240x64xf32, #tpu.memory_space<vmem_shared>> -> memref<128x64xf32, #tpu.memory_space<vmem_shared>>
        tpu.enqueue_dma source(%arg10 : memref<128x64xf32, #tpu.memory_space<vmem>>) target(%dma_start3A_121 : memref<128x64xf32, #tpu.memory_space<vmem_shared>>) target_semaphore(%run_scoped3A : memref<!tpu.dma_semaphore, #tpu.memory_space<semaphore_mem>>)
        %dma_wait3A_122 = arith.constant 0 : i32
        %dma_wait3A_123 = tpu.memref_slice %arg20[%add3A_25, %dma_wait3A_122] : memref<10240x64xf32, #tpu.memory_space<vmem_shared>> -> memref<128x64xf32, #tpu.memory_space<vmem_shared>>
        %dma_wait3A_124 = arith.constant 0 : i32
        %dma_wait3A_125 = tpu.memref_slice %arg20[%add3A_25, %dma_wait3A_124] : memref<10240x64xf32, #tpu.memory_space<vmem_shared>> -> memref<128x64xf32, #tpu.memory_space<vmem_shared>>
        tpu.wait_dma2 semaphore(%run_scoped3A : memref<!tpu.dma_semaphore, #tpu.memory_space<semaphore_mem>>) src(%arg10 : memref<128x64xf32, #tpu.memory_space<vmem>>) dst(%dma_wait3A_125 : memref<128x64xf32, #tpu.memory_space<vmem_shared>>)
        tpu.yield
      }) : () -> ()
      %add3A_26 = arith.constant 512 : i32
      %add3A_27 = arith.addi %mul3A_9, %add3A_26 : i32
      "tpu.region"() ({
        %run_scoped3A = tpu.sem_alloc : memref<!tpu.dma_semaphore, #tpu.memory_space<semaphore_mem>>
        %dma_start3A_118 = arith.constant 0 : i32
        %dma_start3A_119 = tpu.memref_slice %arg20[%add3A_27, %dma_start3A_118] : memref<10240x64xf32, #tpu.memory_space<vmem_shared>> -> memref<128x64xf32, #tpu.memory_space<vmem_shared>>
        %dma_start3A_120 = arith.constant 0 : i32
        %dma_start3A_121 = tpu.memref_slice %arg20[%add3A_27, %dma_start3A_120] : memref<10240x64xf32, #tpu.memory_space<vmem_shared>> -> memref<128x64xf32, #tpu.memory_space<vmem_shared>>
        tpu.enqueue_dma source(%arg10 : memref<128x64xf32, #tpu.memory_space<vmem>>) target(%dma_start3A_121 : memref<128x64xf32, #tpu.memory_space<vmem_shared>>) target_semaphore(%run_scoped3A : memref<!tpu.dma_semaphore, #tpu.memory_space<semaphore_mem>>)
        %dma_wait3A_122 = arith.constant 0 : i32
        %dma_wait3A_123 = tpu.memref_slice %arg20[%add3A_27, %dma_wait3A_122] : memref<10240x64xf32, #tpu.memory_space<vmem_shared>> -> memref<128x64xf32, #tpu.memory_space<vmem_shared>>
        %dma_wait3A_124 = arith.constant 0 : i32
        %dma_wait3A_125 = tpu.memref_slice %arg20[%add3A_27, %dma_wait3A_124] : memref<10240x64xf32, #tpu.memory_space<vmem_shared>> -> memref<128x64xf32, #tpu.memory_space<vmem_shared>>
        tpu.wait_dma2 semaphore(%run_scoped3A : memref<!tpu.dma_semaphore, #tpu.memory_space<semaphore_mem>>) src(%arg10 : memref<128x64xf32, #tpu.memory_space<vmem>>) dst(%dma_wait3A_125 : memref<128x64xf32, #tpu.memory_space<vmem_shared>>)
        tpu.yield
      }) : () -> ()
      %dma_wait3A = arith.constant 0 : i32
      %dma_wait3A_28 = tpu.memref_slice %arg19[%mul3A_9, %dma_wait3A] : memref<10240x64xf32, #tpu.memory_space<vmem_shared>> -> memref<640x64xf32, #tpu.memory_space<vmem_shared>>
      %dma_wait3A_29 = arith.constant 0 : i32
      %dma_wait3A_30 = tpu.memref_slice %arg2[%mul3A_9, %dma_wait3A_29] : memref<10240x64xf32, #tpu.memory_space<hbm>> -> memref<640x64xf32, #tpu.memory_space<hbm>>
      tpu.wait_dma2 semaphore(%arg13 : memref<!tpu.dma_semaphore, #tpu.memory_space<semaphore_mem>>) src(%dma_wait3A_30 : memref<640x64xf32, #tpu.memory_space<hbm>>) dst(%dma_wait3A_28 : memref<640x64xf32, #tpu.memory_space<vmem_shared>>)
      %barrier3A = arith.constant 0 : index
      tpu.barrier barrier_id(%barrier3A)
      %scan3A_31 = arith.constant 0 : i32
      %scan3A_32 = arith.constant 0 : i32
      %scan3A_33 = arith.constant 28 : i32
      %scan3A_34 = arith.addi %scan3A_32, %scan3A_33 : i32
      %scan3A_35 = arith.constant 1 : i32
      scf.for %scan3A_118 = %scan3A_32 to %scan3A_34 step %scan3A_35  : i32 {
        %mul3A_119 = arith.constant 3 : i32
        %mul3A_120 = arith.muli %mul3A_119, %scan3A_118 : i32
        %add3A_121 = arith.constant 0 : i32
        %add3A_122 = arith.addi %mul3A_120, %add3A_121 : i32
        %gt3A = arith.constant 0 : i32
        %gt3A_123 = arith.cmpi sgt, %scan3A_118, %gt3A : i32
        %convert_element_type3A_124 = arith.extui %gt3A_123 : i1 to i32
        %cond3A_125 = arith.constant 0 : i32
        %cond3A_126 = arith.cmpi ne, %convert_element_type3A_124, %cond3A_125 : i32
        scf.if %cond3A_126 {
          %dma_wait3A_214 = arith.constant 0 : i32
          %dma_wait3A_215 = arith.constant 0 : i32
          %dma_wait3A_216 = tpu.memref_slice %arg9[%dma_wait3A_214, %dma_wait3A_215] : memref<84x128xi32, #tpu.memory_space<vmem>> -> memref<1x128xi32, #tpu.memory_space<vmem>>
          %dma_wait3A_217 = tpu.memref_squeeze %dma_wait3A_216 : memref<1x128xi32, #tpu.memory_space<vmem>> -> memref<128xi32, #tpu.memory_space<vmem>>
          %dma_wait3A_218 = arith.constant 0 : i32
          %dma_wait3A_219 = arith.constant 0 : i32
          %dma_wait3A_220 = tpu.memref_slice %arg20[%dma_wait3A_218, %dma_wait3A_219] : memref<10240x64xf32, #tpu.memory_space<vmem_shared>> -> memref<10240x64xf32, #tpu.memory_space<vmem_shared>>
          tpu.wait_indirect_dma semaphore(%arg16 : memref<!tpu.dma_semaphore, #tpu.memory_space<semaphore_mem>>) src(%arg10 : memref<128x64xf32, #tpu.memory_space<vmem>>) dst(%dma_wait3A_220 : memref<10240x64xf32, #tpu.memory_space<vmem_shared>>)
        } else {
        }
        %dma_start3A_127 = arith.constant 0 : i32
        %dma_start3A_128 = tpu.memref_slice %arg8[%add3A_122, %dma_start3A_127] : memref<84x128xi32, #tpu.memory_space<vmem>> -> memref<1x128xi32, #tpu.memory_space<vmem>>
        %dma_start3A_129 = tpu.memref_squeeze %dma_start3A_128 : memref<1x128xi32, #tpu.memory_space<vmem>> -> memref<128xi32, #tpu.memory_space<vmem>>
        %dma_start3A_130 = arith.constant 0 : i32
        %dma_start3A_131 = arith.constant 0 : i32
        %dma_start3A_132 = tpu.memref_slice %arg19[%dma_start3A_130, %dma_start3A_131] : memref<10240x64xf32, #tpu.memory_space<vmem_shared>> -> memref<10240x64xf32, #tpu.memory_space<vmem_shared>>
        tpu.enqueue_indirect_dma source(%dma_start3A_132 : memref<10240x64xf32, #tpu.memory_space<vmem_shared>>) target(%arg10 : memref<128x64xf32, #tpu.memory_space<vmem>>) offsets(%dma_start3A_129 : memref<128xi32, #tpu.memory_space<vmem>>) semaphore(%arg13 : memref<!tpu.dma_semaphore, #tpu.memory_space<semaphore_mem>>)
        %mul3A_133 = arith.constant 3 : i32
        %mul3A_134 = arith.muli %mul3A_133, %scan3A_118 : i32
        %add3A_135 = arith.constant 1 : i32
        %add3A_136 = arith.addi %mul3A_134, %add3A_135 : i32
        %gt3A_137 = arith.constant 0 : i32
        %gt3A_138 = arith.cmpi sgt, %scan3A_118, %gt3A_137 : i32
        %convert_element_type3A_139 = arith.extui %gt3A_138 : i1 to i32
        %cond3A_140 = arith.constant 0 : i32
        %cond3A_141 = arith.cmpi ne, %convert_element_type3A_139, %cond3A_140 : i32
        scf.if %cond3A_141 {
          %dma_wait3A_214 = arith.constant 0 : i32
          %dma_wait3A_215 = arith.constant 0 : i32
          %dma_wait3A_216 = tpu.memref_slice %arg9[%dma_wait3A_214, %dma_wait3A_215] : memref<84x128xi32, #tpu.memory_space<vmem>> -> memref<1x128xi32, #tpu.memory_space<vmem>>
          %dma_wait3A_217 = tpu.memref_squeeze %dma_wait3A_216 : memref<1x128xi32, #tpu.memory_space<vmem>> -> memref<128xi32, #tpu.memory_space<vmem>>
          %dma_wait3A_218 = arith.constant 0 : i32
          %dma_wait3A_219 = arith.constant 0 : i32
          %dma_wait3A_220 = tpu.memref_slice %arg20[%dma_wait3A_218, %dma_wait3A_219] : memref<10240x64xf32, #tpu.memory_space<vmem_shared>> -> memref<10240x64xf32, #tpu.memory_space<vmem_shared>>
          tpu.wait_indirect_dma semaphore(%arg17 : memref<!tpu.dma_semaphore, #tpu.memory_space<semaphore_mem>>) src(%arg11 : memref<128x64xf32, #tpu.memory_space<vmem>>) dst(%dma_wait3A_220 : memref<10240x64xf32, #tpu.memory_space<vmem_shared>>)
        } else {
        }
        %dma_start3A_142 = arith.constant 0 : i32
        %dma_start3A_143 = tpu.memref_slice %arg8[%add3A_136, %dma_start3A_142] : memref<84x128xi32, #tpu.memory_space<vmem>> -> memref<1x128xi32, #tpu.memory_space<vmem>>
        %dma_start3A_144 = tpu.memref_squeeze %dma_start3A_143 : memref<1x128xi32, #tpu.memory_space<vmem>> -> memref<128xi32, #tpu.memory_space<vmem>>
        %dma_start3A_145 = arith.constant 0 : i32
        %dma_start3A_146 = arith.constant 0 : i32
        %dma_start3A_147 = tpu.memref_slice %arg19[%dma_start3A_145, %dma_start3A_146] : memref<10240x64xf32, #tpu.memory_space<vmem_shared>> -> memref<10240x64xf32, #tpu.memory_space<vmem_shared>>
        tpu.enqueue_indirect_dma source(%dma_start3A_147 : memref<10240x64xf32, #tpu.memory_space<vmem_shared>>) target(%arg11 : memref<128x64xf32, #tpu.memory_space<vmem>>) offsets(%dma_start3A_144 : memref<128xi32, #tpu.memory_space<vmem>>) semaphore(%arg14 : memref<!tpu.dma_semaphore, #tpu.memory_space<semaphore_mem>>)
        %mul3A_148 = arith.constant 3 : i32
        %mul3A_149 = arith.muli %mul3A_148, %scan3A_118 : i32
        %add3A_150 = arith.constant 2 : i32
        %add3A_151 = arith.addi %mul3A_149, %add3A_150 : i32
        %gt3A_152 = arith.constant 0 : i32
        %gt3A_153 = arith.cmpi sgt, %scan3A_118, %gt3A_152 : i32
        %convert_element_type3A_154 = arith.extui %gt3A_153 : i1 to i32
        %cond3A_155 = arith.constant 0 : i32
        %cond3A_156 = arith.cmpi ne, %convert_element_type3A_154, %cond3A_155 : i32
        scf.if %cond3A_156 {
          %dma_wait3A_214 = arith.constant 0 : i32
          %dma_wait3A_215 = arith.constant 0 : i32
          %dma_wait3A_216 = tpu.memref_slice %arg9[%dma_wait3A_214, %dma_wait3A_215] : memref<84x128xi32, #tpu.memory_space<vmem>> -> memref<1x128xi32, #tpu.memory_space<vmem>>
          %dma_wait3A_217 = tpu.memref_squeeze %dma_wait3A_216 : memref<1x128xi32, #tpu.memory_space<vmem>> -> memref<128xi32, #tpu.memory_space<vmem>>
          %dma_wait3A_218 = arith.constant 0 : i32
          %dma_wait3A_219 = arith.constant 0 : i32
          %dma_wait3A_220 = tpu.memref_slice %arg20[%dma_wait3A_218, %dma_wait3A_219] : memref<10240x64xf32, #tpu.memory_space<vmem_shared>> -> memref<10240x64xf32, #tpu.memory_space<vmem_shared>>
          tpu.wait_indirect_dma semaphore(%arg18 : memref<!tpu.dma_semaphore, #tpu.memory_space<semaphore_mem>>) src(%arg12 : memref<128x64xf32, #tpu.memory_space<vmem>>) dst(%dma_wait3A_220 : memref<10240x64xf32, #tpu.memory_space<vmem_shared>>)
        } else {
        }
        %dma_start3A_157 = arith.constant 0 : i32
        %dma_start3A_158 = tpu.memref_slice %arg8[%add3A_151, %dma_start3A_157] : memref<84x128xi32, #tpu.memory_space<vmem>> -> memref<1x128xi32, #tpu.memory_space<vmem>>
        %dma_start3A_159 = tpu.memref_squeeze %dma_start3A_158 : memref<1x128xi32, #tpu.memory_space<vmem>> -> memref<128xi32, #tpu.memory_space<vmem>>
        %dma_start3A_160 = arith.constant 0 : i32
        %dma_start3A_161 = arith.constant 0 : i32
        %dma_start3A_162 = tpu.memref_slice %arg19[%dma_start3A_160, %dma_start3A_161] : memref<10240x64xf32, #tpu.memory_space<vmem_shared>> -> memref<10240x64xf32, #tpu.memory_space<vmem_shared>>
        tpu.enqueue_indirect_dma source(%dma_start3A_162 : memref<10240x64xf32, #tpu.memory_space<vmem_shared>>) target(%arg12 : memref<128x64xf32, #tpu.memory_space<vmem>>) offsets(%dma_start3A_159 : memref<128xi32, #tpu.memory_space<vmem>>) semaphore(%arg15 : memref<!tpu.dma_semaphore, #tpu.memory_space<semaphore_mem>>)
        %mul3A_163 = arith.constant 3 : i32
        %mul3A_164 = arith.muli %mul3A_163, %scan3A_118 : i32
        %add3A_165 = arith.constant 0 : i32
        %add3A_166 = arith.addi %mul3A_164, %add3A_165 : i32
        %dma_wait3A_167 = arith.constant 0 : i32
        %dma_wait3A_168 = arith.constant 0 : i32
        %dma_wait3A_169 = tpu.memref_slice %arg8[%dma_wait3A_167, %dma_wait3A_168] : memref<84x128xi32, #tpu.memory_space<vmem>> -> memref<1x128xi32, #tpu.memory_space<vmem>>
        %dma_wait3A_170 = tpu.memref_squeeze %dma_wait3A_169 : memref<1x128xi32, #tpu.memory_space<vmem>> -> memref<128xi32, #tpu.memory_space<vmem>>
        %dma_wait3A_171 = arith.constant 0 : i32
        %dma_wait3A_172 = arith.constant 0 : i32
        %dma_wait3A_173 = tpu.memref_slice %arg19[%dma_wait3A_171, %dma_wait3A_172] : memref<10240x64xf32, #tpu.memory_space<vmem_shared>> -> memref<10240x64xf32, #tpu.memory_space<vmem_shared>>
        tpu.wait_indirect_dma semaphore(%arg13 : memref<!tpu.dma_semaphore, #tpu.memory_space<semaphore_mem>>) src(%dma_wait3A_173 : memref<10240x64xf32, #tpu.memory_space<vmem_shared>>) dst(%arg10 : memref<128x64xf32, #tpu.memory_space<vmem>>)
        %dma_start3A_174 = arith.constant 0 : i32
        %dma_start3A_175 = tpu.memref_slice %arg9[%add3A_166, %dma_start3A_174] : memref<84x128xi32, #tpu.memory_space<vmem>> -> memref<1x128xi32, #tpu.memory_space<vmem>>
        %dma_start3A_176 = tpu.memref_squeeze %dma_start3A_175 : memref<1x128xi32, #tpu.memory_space<vmem>> -> memref<128xi32, #tpu.memory_space<vmem>>
        %dma_start3A_177 = arith.constant 0 : i32
        %dma_start3A_178 = arith.constant 0 : i32
        %dma_start3A_179 = tpu.memref_slice %arg20[%dma_start3A_177, %dma_start3A_178] : memref<10240x64xf32, #tpu.memory_space<vmem_shared>> -> memref<10240x64xf32, #tpu.memory_space<vmem_shared>>
        tpu.enqueue_indirect_dma source(%arg10 : memref<128x64xf32, #tpu.memory_space<vmem>>) target(%dma_start3A_179 : memref<10240x64xf32, #tpu.memory_space<vmem_shared>>) offsets(%dma_start3A_176 : memref<128xi32, #tpu.memory_space<vmem>>) semaphore(%arg16 : memref<!tpu.dma_semaphore, #tpu.memory_space<semaphore_mem>>) {add = true}
        %mul3A_180 = arith.constant 3 : i32
        %mul3A_181 = arith.muli %mul3A_180, %scan3A_118 : i32
        %add3A_182 = arith.constant 1 : i32
        %add3A_183 = arith.addi %mul3A_181, %add3A_182 : i32
        %dma_wait3A_184 = arith.constant 0 : i32
        %dma_wait3A_185 = arith.constant 0 : i32
        %dma_wait3A_186 = tpu.memref_slice %arg8[%dma_wait3A_184, %dma_wait3A_185] : memref<84x128xi32, #tpu.memory_space<vmem>> -> memref<1x128xi32, #tpu.memory_space<vmem>>
        %dma_wait3A_187 = tpu.memref_squeeze %dma_wait3A_186 : memref<1x128xi32, #tpu.memory_space<vmem>> -> memref<128xi32, #tpu.memory_space<vmem>>
        %dma_wait3A_188 = arith.constant 0 : i32
        %dma_wait3A_189 = arith.constant 0 : i32
        %dma_wait3A_190 = tpu.memref_slice %arg19[%dma_wait3A_188, %dma_wait3A_189] : memref<10240x64xf32, #tpu.memory_space<vmem_shared>> -> memref<10240x64xf32, #tpu.memory_space<vmem_shared>>
        tpu.wait_indirect_dma semaphore(%arg14 : memref<!tpu.dma_semaphore, #tpu.memory_space<semaphore_mem>>) src(%dma_wait3A_190 : memref<10240x64xf32, #tpu.memory_space<vmem_shared>>) dst(%arg11 : memref<128x64xf32, #tpu.memory_space<vmem>>)
        %dma_start3A_191 = arith.constant 0 : i32
        %dma_start3A_192 = tpu.memref_slice %arg9[%add3A_183, %dma_start3A_191] : memref<84x128xi32, #tpu.memory_space<vmem>> -> memref<1x128xi32, #tpu.memory_space<vmem>>
        %dma_start3A_193 = tpu.memref_squeeze %dma_start3A_192 : memref<1x128xi32, #tpu.memory_space<vmem>> -> memref<128xi32, #tpu.memory_space<vmem>>
        %dma_start3A_194 = arith.constant 0 : i32
        %dma_start3A_195 = arith.constant 0 : i32
        %dma_start3A_196 = tpu.memref_slice %arg20[%dma_start3A_194, %dma_start3A_195] : memref<10240x64xf32, #tpu.memory_space<vmem_shared>> -> memref<10240x64xf32, #tpu.memory_space<vmem_shared>>
        tpu.enqueue_indirect_dma source(%arg11 : memref<128x64xf32, #tpu.memory_space<vmem>>) target(%dma_start3A_196 : memref<10240x64xf32, #tpu.memory_space<vmem_shared>>) offsets(%dma_start3A_193 : memref<128xi32, #tpu.memory_space<vmem>>) semaphore(%arg17 : memref<!tpu.dma_semaphore, #tpu.memory_space<semaphore_mem>>) {add = true}
        %mul3A_197 = arith.constant 3 : i32
        %mul3A_198 = arith.muli %mul3A_197, %scan3A_118 : i32
        %add3A_199 = arith.constant 2 : i32
        %add3A_200 = arith.addi %mul3A_198, %add3A_199 : i32
        %dma_wait3A_201 = arith.constant 0 : i32
        %dma_wait3A_202 = arith.constant 0 : i32
        %dma_wait3A_203 = tpu.memref_slice %arg8[%dma_wait3A_201, %dma_wait3A_202] : memref<84x128xi32, #tpu.memory_space<vmem>> -> memref<1x128xi32, #tpu.memory_space<vmem>>
        %dma_wait3A_204 = tpu.memref_squeeze %dma_wait3A_203 : memref<1x128xi32, #tpu.memory_space<vmem>> -> memref<128xi32, #tpu.memory_space<vmem>>
        %dma_wait3A_205 = arith.constant 0 : i32
        %dma_wait3A_206 = arith.constant 0 : i32
        %dma_wait3A_207 = tpu.memref_slice %arg19[%dma_wait3A_205, %dma_wait3A_206] : memref<10240x64xf32, #tpu.memory_space<vmem_shared>> -> memref<10240x64xf32, #tpu.memory_space<vmem_shared>>
        tpu.wait_indirect_dma semaphore(%arg15 : memref<!tpu.dma_semaphore, #tpu.memory_space<semaphore_mem>>) src(%dma_wait3A_207 : memref<10240x64xf32, #tpu.memory_space<vmem_shared>>) dst(%arg12 : memref<128x64xf32, #tpu.memory_space<vmem>>)
        %dma_start3A_208 = arith.constant 0 : i32
        %dma_start3A_209 = tpu.memref_slice %arg9[%add3A_200, %dma_start3A_208] : memref<84x128xi32, #tpu.memory_space<vmem>> -> memref<1x128xi32, #tpu.memory_space<vmem>>
        %dma_start3A_210 = tpu.memref_squeeze %dma_start3A_209 : memref<1x128xi32, #tpu.memory_space<vmem>> -> memref<128xi32, #tpu.memory_space<vmem>>
        %dma_start3A_211 = arith.constant 0 : i32
        %dma_start3A_212 = arith.constant 0 : i32
        %dma_start3A_213 = tpu.memref_slice %arg20[%dma_start3A_211, %dma_start3A_212] : memref<10240x64xf32, #tpu.memory_space<vmem_shared>> -> memref<10240x64xf32, #tpu.memory_space<vmem_shared>>
        tpu.enqueue_indirect_dma source(%arg12 : memref<128x64xf32, #tpu.memory_space<vmem>>) target(%dma_start3A_213 : memref<10240x64xf32, #tpu.memory_space<vmem_shared>>) offsets(%dma_start3A_210 : memref<128xi32, #tpu.memory_space<vmem>>) semaphore(%arg18 : memref<!tpu.dma_semaphore, #tpu.memory_space<semaphore_mem>>) {add = true}
      }
      %scan3A_36 = arith.constant 28 : i32
      %dma_wait3A_37 = arith.constant 0 : i32
      %dma_wait3A_38 = arith.constant 0 : i32
      %dma_wait3A_39 = tpu.memref_slice %arg9[%dma_wait3A_37, %dma_wait3A_38] : memref<84x128xi32, #tpu.memory_space<vmem>> -> memref<1x128xi32, #tpu.memory_space<vmem>>
      %dma_wait3A_40 = tpu.memref_squeeze %dma_wait3A_39 : memref<1x128xi32, #tpu.memory_space<vmem>> -> memref<128xi32, #tpu.memory_space<vmem>>
      %dma_wait3A_41 = arith.constant 0 : i32
      %dma_wait3A_42 = arith.constant 0 : i32
      %dma_wait3A_43 = tpu.memref_slice %arg20[%dma_wait3A_41, %dma_wait3A_42] : memref<10240x64xf32, #tpu.memory_space<vmem_shared>> -> memref<10240x64xf32, #tpu.memory_space<vmem_shared>>
      tpu.wait_indirect_dma semaphore(%arg16 : memref<!tpu.dma_semaphore, #tpu.memory_space<semaphore_mem>>) src(%arg10 : memref<128x64xf32, #tpu.memory_space<vmem>>) dst(%dma_wait3A_43 : memref<10240x64xf32, #tpu.memory_space<vmem_shared>>)
      %dma_wait3A_44 = arith.constant 0 : i32
      %dma_wait3A_45 = arith.constant 0 : i32
      %dma_wait3A_46 = tpu.memref_slice %arg9[%dma_wait3A_44, %dma_wait3A_45] : memref<84x128xi32, #tpu.memory_space<vmem>> -> memref<1x128xi32, #tpu.memory_space<vmem>>
      %dma_wait3A_47 = tpu.memref_squeeze %dma_wait3A_46 : memref<1x128xi32, #tpu.memory_space<vmem>> -> memref<128xi32, #tpu.memory_space<vmem>>
      %dma_wait3A_48 = arith.constant 0 : i32
      %dma_wait3A_49 = arith.constant 0 : i32
      %dma_wait3A_50 = tpu.memref_slice %arg20[%dma_wait3A_48, %dma_wait3A_49] : memref<10240x64xf32, #tpu.memory_space<vmem_shared>> -> memref<10240x64xf32, #tpu.memory_space<vmem_shared>>
      tpu.wait_indirect_dma semaphore(%arg17 : memref<!tpu.dma_semaphore, #tpu.memory_space<semaphore_mem>>) src(%arg11 : memref<128x64xf32, #tpu.memory_space<vmem>>) dst(%dma_wait3A_50 : memref<10240x64xf32, #tpu.memory_space<vmem_shared>>)
      %dma_wait3A_51 = arith.constant 0 : i32
      %dma_wait3A_52 = arith.constant 0 : i32
      %dma_wait3A_53 = tpu.memref_slice %arg9[%dma_wait3A_51, %dma_wait3A_52] : memref<84x128xi32, #tpu.memory_space<vmem>> -> memref<1x128xi32, #tpu.memory_space<vmem>>
      %dma_wait3A_54 = tpu.memref_squeeze %dma_wait3A_53 : memref<1x128xi32, #tpu.memory_space<vmem>> -> memref<128xi32, #tpu.memory_space<vmem>>
      %dma_wait3A_55 = arith.constant 0 : i32
      %dma_wait3A_56 = arith.constant 0 : i32
      %dma_wait3A_57 = tpu.memref_slice %arg20[%dma_wait3A_55, %dma_wait3A_56] : memref<10240x64xf32, #tpu.memory_space<vmem_shared>> -> memref<10240x64xf32, #tpu.memory_space<vmem_shared>>
      tpu.wait_indirect_dma semaphore(%arg18 : memref<!tpu.dma_semaphore, #tpu.memory_space<semaphore_mem>>) src(%arg12 : memref<128x64xf32, #tpu.memory_space<vmem>>) dst(%dma_wait3A_57 : memref<10240x64xf32, #tpu.memory_space<vmem_shared>>)
      %barrier3A_58 = arith.constant 0 : index
      tpu.barrier barrier_id(%barrier3A_58)
      "tpu.region"() ({
        %run_scoped3A = tpu.sem_alloc : memref<!tpu.dma_semaphore, #tpu.memory_space<semaphore_mem>>
        %dma_start3A_118 = arith.constant 0 : i32
        %dma_start3A_119 = tpu.memref_slice %arg6[%arg0, %mul3A_9, %dma_start3A_118] : memref<2x10240x64xf32, #tpu.memory_space<hbm>> -> memref<1x640x64xf32, #tpu.memory_space<hbm>>
        %dma_start3A_120 = tpu.memref_squeeze %dma_start3A_119 : memref<1x640x64xf32, #tpu.memory_space<hbm>> -> memref<640x64xf32, #tpu.memory_space<hbm>>
        %dma_start3A_121 = arith.constant 0 : i32
        %dma_start3A_122 = tpu.memref_slice %arg20[%mul3A_9, %dma_start3A_121] : memref<10240x64xf32, #tpu.memory_space<vmem_shared>> -> memref<640x64xf32, #tpu.memory_space<vmem_shared>>
        tpu.enqueue_dma source(%dma_start3A_122 : memref<640x64xf32, #tpu.memory_space<vmem_shared>>) target(%dma_start3A_120 : memref<640x64xf32, #tpu.memory_space<hbm>>) target_semaphore(%run_scoped3A : memref<!tpu.dma_semaphore, #tpu.memory_space<semaphore_mem>>)
        %dma_wait3A_123 = arith.constant 0 : i32
        %dma_wait3A_124 = tpu.memref_slice %arg6[%arg0, %mul3A_9, %dma_wait3A_123] : memref<2x10240x64xf32, #tpu.memory_space<hbm>> -> memref<1x640x64xf32, #tpu.memory_space<hbm>>
        %dma_wait3A_125 = tpu.memref_squeeze %dma_wait3A_124 : memref<1x640x64xf32, #tpu.memory_space<hbm>> -> memref<640x64xf32, #tpu.memory_space<hbm>>
        %dma_wait3A_126 = arith.constant 0 : i32
        %dma_wait3A_127 = tpu.memref_slice %arg20[%mul3A_9, %dma_wait3A_126] : memref<10240x64xf32, #tpu.memory_space<vmem_shared>> -> memref<640x64xf32, #tpu.memory_space<vmem_shared>>
        tpu.wait_dma2 semaphore(%run_scoped3A : memref<!tpu.dma_semaphore, #tpu.memory_space<semaphore_mem>>) src(%dma_wait3A_127 : memref<640x64xf32, #tpu.memory_space<vmem_shared>>) dst(%dma_wait3A_125 : memref<640x64xf32, #tpu.memory_space<hbm>>)
        tpu.yield
      }) : () -> ()
      %barrier3A_59 = arith.constant 0 : index
      tpu.barrier barrier_id(%barrier3A_59)
      %mul3A_60 = arith.constant 640 : i32
      %mul3A_61 = arith.muli %arg1, %mul3A_60 : i32
      %dma_start3A_62 = arith.constant 0 : i32
      %dma_start3A_63 = tpu.memref_slice %arg19[%mul3A_61, %dma_start3A_62] : memref<10240x64xf32, #tpu.memory_space<vmem_shared>> -> memref<640x64xf32, #tpu.memory_space<vmem_shared>>
      %dma_start3A_64 = arith.constant 0 : i32
      %dma_start3A_65 = tpu.memref_slice %arg3[%mul3A_61, %dma_start3A_64] : memref<10240x64xf32, #tpu.memory_space<hbm>> -> memref<640x64xf32, #tpu.memory_space<hbm>>
      tpu.enqueue_dma source(%dma_start3A_65 : memref<640x64xf32, #tpu.memory_space<hbm>>) target(%dma_start3A_63 : memref<640x64xf32, #tpu.memory_space<vmem_shared>>) target_semaphore(%arg13 : memref<!tpu.dma_semaphore, #tpu.memory_space<semaphore_mem>>)
      %broadcast_in_dim3A_66 = arith.constant 0.000000e+00 : f32
      %broadcast_in_dim3A_67 = vector.broadcast %broadcast_in_dim3A_66 : f32 to vector<16xf32>
      %scan3A_68 = arith.constant 0 : i32
      %scan3A_69 = arith.constant 0 : i32
      %scan3A_70 = arith.constant 128 : i32
      %scan3A_71 = arith.addi %scan3A_69, %scan3A_70 : i32
      %scan3A_72 = arith.constant 1 : i32
      scf.for %scan3A_118 = %scan3A_69 to %scan3A_71 step %scan3A_72  : i32 {
        %swap3A = arith.index_cast %scan3A_118 : i32 to index
        %swap3A_119 = arith.constant 0 : index
        %swap3A_120 = tpu.vector_load %arg10[%swap3A, %swap3A_119] {strides = array<i32>} : memref<128x64xf32, #tpu.memory_space<vmem>>, vector<1x16xf32>,
        %swap3A_121 = vector.shape_cast %swap3A_120 : vector<1x16xf32> to vector<16xf32>
        %swap3A_122 = vector.shape_cast %broadcast_in_dim3A_67 : vector<16xf32> to vector<1x16xf32>
        tpu.vector_store %arg10[%swap3A, %swap3A_119], %swap3A_122 {strides = array<i32>} : memref<128x64xf32, #tpu.memory_space<vmem>>, vector<1x16xf32>,
        %swap3A_123 = arith.index_cast %scan3A_118 : i32 to index
        %swap3A_124 = arith.constant 16 : index
        %swap3A_125 = tpu.vector_load %arg10[%swap3A_123, %swap3A_124] {strides = array<i32>} : memref<128x64xf32, #tpu.memory_space<vmem>>, vector<1x16xf32>,
        %swap3A_126 = vector.shape_cast %swap3A_125 : vector<1x16xf32> to vector<16xf32>
        %swap3A_127 = vector.shape_cast %broadcast_in_dim3A_67 : vector<16xf32> to vector<1x16xf32>
        tpu.vector_store %arg10[%swap3A_123, %swap3A_124], %swap3A_127 {strides = array<i32>} : memref<128x64xf32, #tpu.memory_space<vmem>>, vector<1x16xf32>,
        %swap3A_128 = arith.index_cast %scan3A_118 : i32 to index
        %swap3A_129 = arith.constant 32 : index
        %swap3A_130 = tpu.vector_load %arg10[%swap3A_128, %swap3A_129] {strides = array<i32>} : memref<128x64xf32, #tpu.memory_space<vmem>>, vector<1x16xf32>,
        %swap3A_131 = vector.shape_cast %swap3A_130 : vector<1x16xf32> to vector<16xf32>
        %swap3A_132 = vector.shape_cast %broadcast_in_dim3A_67 : vector<16xf32> to vector<1x16xf32>
        tpu.vector_store %arg10[%swap3A_128, %swap3A_129], %swap3A_132 {strides = array<i32>} : memref<128x64xf32, #tpu.memory_space<vmem>>, vector<1x16xf32>,
        %swap3A_133 = arith.index_cast %scan3A_118 : i32 to index
        %swap3A_134 = arith.constant 48 : index
        %swap3A_135 = tpu.vector_load %arg10[%swap3A_133, %swap3A_134] {strides = array<i32>} : memref<128x64xf32, #tpu.memory_space<vmem>>, vector<1x16xf32>,
        %swap3A_136 = vector.shape_cast %swap3A_135 : vector<1x16xf32> to vector<16xf32>
        %swap3A_137 = vector.shape_cast %broadcast_in_dim3A_67 : vector<16xf32> to vector<1x16xf32>
        tpu.vector_store %arg10[%swap3A_133, %swap3A_134], %swap3A_137 {strides = array<i32>} : memref<128x64xf32, #tpu.memory_space<vmem>>, vector<1x16xf32>,
      }
      %scan3A_73 = arith.constant 128 : i32
      %add3A_74 = arith.constant 0 : i32
      %add3A_75 = arith.addi %mul3A_61, %add3A_74 : i32
      "tpu.region"() ({
        %run_scoped3A = tpu.sem_alloc : memref<!tpu.dma_semaphore, #tpu.memory_space<semaphore_mem>>
        %dma_start3A_118 = arith.constant 0 : i32
        %dma_start3A_119 = tpu.memref_slice %arg20[%add3A_75, %dma_start3A_118] : memref<10240x64xf32, #tpu.memory_space<vmem_shared>> -> memref<128x64xf32, #tpu.memory_space<vmem_shared>>
        %dma_start3A_120 = arith.constant 0 : i32
        %dma_start3A_121 = tpu.memref_slice %arg20[%add3A_75, %dma_start3A_120] : memref<10240x64xf32, #tpu.memory_space<vmem_shared>> -> memref<128x64xf32, #tpu.memory_space<vmem_shared>>
        tpu.enqueue_dma source(%arg10 : memref<128x64xf32, #tpu.memory_space<vmem>>) target(%dma_start3A_121 : memref<128x64xf32, #tpu.memory_space<vmem_shared>>) target_semaphore(%run_scoped3A : memref<!tpu.dma_semaphore, #tpu.memory_space<semaphore_mem>>)
        %dma_wait3A_122 = arith.constant 0 : i32
        %dma_wait3A_123 = tpu.memref_slice %arg20[%add3A_75, %dma_wait3A_122] : memref<10240x64xf32, #tpu.memory_space<vmem_shared>> -> memref<128x64xf32, #tpu.memory_space<vmem_shared>>
        %dma_wait3A_124 = arith.constant 0 : i32
        %dma_wait3A_125 = tpu.memref_slice %arg20[%add3A_75, %dma_wait3A_124] : memref<10240x64xf32, #tpu.memory_space<vmem_shared>> -> memref<128x64xf32, #tpu.memory_space<vmem_shared>>
        tpu.wait_dma2 semaphore(%run_scoped3A : memref<!tpu.dma_semaphore, #tpu.memory_space<semaphore_mem>>) src(%arg10 : memref<128x64xf32, #tpu.memory_space<vmem>>) dst(%dma_wait3A_125 : memref<128x64xf32, #tpu.memory_space<vmem_shared>>)
        tpu.yield
      }) : () -> ()
      %add3A_76 = arith.constant 128 : i32
      %add3A_77 = arith.addi %mul3A_61, %add3A_76 : i32
      "tpu.region"() ({
        %run_scoped3A = tpu.sem_alloc : memref<!tpu.dma_semaphore, #tpu.memory_space<semaphore_mem>>
        %dma_start3A_118 = arith.constant 0 : i32
        %dma_start3A_119 = tpu.memref_slice %arg20[%add3A_77, %dma_start3A_118] : memref<10240x64xf32, #tpu.memory_space<vmem_shared>> -> memref<128x64xf32, #tpu.memory_space<vmem_shared>>
        %dma_start3A_120 = arith.constant 0 : i32
        %dma_start3A_121 = tpu.memref_slice %arg20[%add3A_77, %dma_start3A_120] : memref<10240x64xf32, #tpu.memory_space<vmem_shared>> -> memref<128x64xf32, #tpu.memory_space<vmem_shared>>
        tpu.enqueue_dma source(%arg10 : memref<128x64xf32, #tpu.memory_space<vmem>>) target(%dma_start3A_121 : memref<128x64xf32, #tpu.memory_space<vmem_shared>>) target_semaphore(%run_scoped3A : memref<!tpu.dma_semaphore, #tpu.memory_space<semaphore_mem>>)
        %dma_wait3A_122 = arith.constant 0 : i32
        %dma_wait3A_123 = tpu.memref_slice %arg20[%add3A_77, %dma_wait3A_122] : memref<10240x64xf32, #tpu.memory_space<vmem_shared>> -> memref<128x64xf32, #tpu.memory_space<vmem_shared>>
        %dma_wait3A_124 = arith.constant 0 : i32
        %dma_wait3A_125 = tpu.memref_slice %arg20[%add3A_77, %dma_wait3A_124] : memref<10240x64xf32, #tpu.memory_space<vmem_shared>> -> memref<128x64xf32, #tpu.memory_space<vmem_shared>>
        tpu.wait_dma2 semaphore(%run_scoped3A : memref<!tpu.dma_semaphore, #tpu.memory_space<semaphore_mem>>) src(%arg10 : memref<128x64xf32, #tpu.memory_space<vmem>>) dst(%dma_wait3A_125 : memref<128x64xf32, #tpu.memory_space<vmem_shared>>)
        tpu.yield
      }) : () -> ()
      %add3A_78 = arith.constant 256 : i32
      %add3A_79 = arith.addi %mul3A_61, %add3A_78 : i32
      "tpu.region"() ({
        %run_scoped3A = tpu.sem_alloc : memref<!tpu.dma_semaphore, #tpu.memory_space<semaphore_mem>>
        %dma_start3A_118 = arith.constant 0 : i32
        %dma_start3A_119 = tpu.memref_slice %arg20[%add3A_79, %dma_start3A_118] : memref<10240x64xf32, #tpu.memory_space<vmem_shared>> -> memref<128x64xf32, #tpu.memory_space<vmem_shared>>
        %dma_start3A_120 = arith.constant 0 : i32
        %dma_start3A_121 = tpu.memref_slice %arg20[%add3A_79, %dma_start3A_120] : memref<10240x64xf32, #tpu.memory_space<vmem_shared>> -> memref<128x64xf32, #tpu.memory_space<vmem_shared>>
        tpu.enqueue_dma source(%arg10 : memref<128x64xf32, #tpu.memory_space<vmem>>) target(%dma_start3A_121 : memref<128x64xf32, #tpu.memory_space<vmem_shared>>) target_semaphore(%run_scoped3A : memref<!tpu.dma_semaphore, #tpu.memory_space<semaphore_mem>>)
        %dma_wait3A_122 = arith.constant 0 : i32
        %dma_wait3A_123 = tpu.memref_slice %arg20[%add3A_79, %dma_wait3A_122] : memref<10240x64xf32, #tpu.memory_space<vmem_shared>> -> memref<128x64xf32, #tpu.memory_space<vmem_shared>>
        %dma_wait3A_124 = arith.constant 0 : i32
        %dma_wait3A_125 = tpu.memref_slice %arg20[%add3A_79, %dma_wait3A_124] : memref<10240x64xf32, #tpu.memory_space<vmem_shared>> -> memref<128x64xf32, #tpu.memory_space<vmem_shared>>
        tpu.wait_dma2 semaphore(%run_scoped3A : memref<!tpu.dma_semaphore, #tpu.memory_space<semaphore_mem>>) src(%arg10 : memref<128x64xf32, #tpu.memory_space<vmem>>) dst(%dma_wait3A_125 : memref<128x64xf32, #tpu.memory_space<vmem_shared>>)
        tpu.yield
      }) : () -> ()
      %add3A_80 = arith.constant 384 : i32
      %add3A_81 = arith.addi %mul3A_61, %add3A_80 : i32
      "tpu.region"() ({
        %run_scoped3A = tpu.sem_alloc : memref<!tpu.dma_semaphore, #tpu.memory_space<semaphore_mem>>
        %dma_start3A_118 = arith.constant 0 : i32
        %dma_start3A_119 = tpu.memref_slice %arg20[%add3A_81, %dma_start3A_118] : memref<10240x64xf32, #tpu.memory_space<vmem_shared>> -> memref<128x64xf32, #tpu.memory_space<vmem_shared>>
        %dma_start3A_120 = arith.constant 0 : i32
        %dma_start3A_121 = tpu.memref_slice %arg20[%add3A_81, %dma_start3A_120] : memref<10240x64xf32, #tpu.memory_space<vmem_shared>> -> memref<128x64xf32, #tpu.memory_space<vmem_shared>>
        tpu.enqueue_dma source(%arg10 : memref<128x64xf32, #tpu.memory_space<vmem>>) target(%dma_start3A_121 : memref<128x64xf32, #tpu.memory_space<vmem_shared>>) target_semaphore(%run_scoped3A : memref<!tpu.dma_semaphore, #tpu.memory_space<semaphore_mem>>)
        %dma_wait3A_122 = arith.constant 0 : i32
        %dma_wait3A_123 = tpu.memref_slice %arg20[%add3A_81, %dma_wait3A_122] : memref<10240x64xf32, #tpu.memory_space<vmem_shared>> -> memref<128x64xf32, #tpu.memory_space<vmem_shared>>
        %dma_wait3A_124 = arith.constant 0 : i32
        %dma_wait3A_125 = tpu.memref_slice %arg20[%add3A_81, %dma_wait3A_124] : memref<10240x64xf32, #tpu.memory_space<vmem_shared>> -> memref<128x64xf32, #tpu.memory_space<vmem_shared>>
        tpu.wait_dma2 semaphore(%run_scoped3A : memref<!tpu.dma_semaphore, #tpu.memory_space<semaphore_mem>>) src(%arg10 : memref<128x64xf32, #tpu.memory_space<vmem>>) dst(%dma_wait3A_125 : memref<128x64xf32, #tpu.memory_space<vmem_shared>>)
        tpu.yield
      }) : () -> ()
      %add3A_82 = arith.constant 512 : i32
      %add3A_83 = arith.addi %mul3A_61, %add3A_82 : i32
      "tpu.region"() ({
        %run_scoped3A = tpu.sem_alloc : memref<!tpu.dma_semaphore, #tpu.memory_space<semaphore_mem>>
        %dma_start3A_118 = arith.constant 0 : i32
        %dma_start3A_119 = tpu.memref_slice %arg20[%add3A_83, %dma_start3A_118] : memref<10240x64xf32, #tpu.memory_space<vmem_shared>> -> memref<128x64xf32, #tpu.memory_space<vmem_shared>>
        %dma_start3A_120 = arith.constant 0 : i32
        %dma_start3A_121 = tpu.memref_slice %arg20[%add3A_83, %dma_start3A_120] : memref<10240x64xf32, #tpu.memory_space<vmem_shared>> -> memref<128x64xf32, #tpu.memory_space<vmem_shared>>
        tpu.enqueue_dma source(%arg10 : memref<128x64xf32, #tpu.memory_space<vmem>>) target(%dma_start3A_121 : memref<128x64xf32, #tpu.memory_space<vmem_shared>>) target_semaphore(%run_scoped3A : memref<!tpu.dma_semaphore, #tpu.memory_space<semaphore_mem>>)
        %dma_wait3A_122 = arith.constant 0 : i32
        %dma_wait3A_123 = tpu.memref_slice %arg20[%add3A_83, %dma_wait3A_122] : memref<10240x64xf32, #tpu.memory_space<vmem_shared>> -> memref<128x64xf32, #tpu.memory_space<vmem_shared>>
        %dma_wait3A_124 = arith.constant 0 : i32
        %dma_wait3A_125 = tpu.memref_slice %arg20[%add3A_83, %dma_wait3A_124] : memref<10240x64xf32, #tpu.memory_space<vmem_shared>> -> memref<128x64xf32, #tpu.memory_space<vmem_shared>>
        tpu.wait_dma2 semaphore(%run_scoped3A : memref<!tpu.dma_semaphore, #tpu.memory_space<semaphore_mem>>) src(%arg10 : memref<128x64xf32, #tpu.memory_space<vmem>>) dst(%dma_wait3A_125 : memref<128x64xf32, #tpu.memory_space<vmem_shared>>)
        tpu.yield
      }) : () -> ()
      %dma_wait3A_84 = arith.constant 0 : i32
      %dma_wait3A_85 = tpu.memref_slice %arg19[%mul3A_61, %dma_wait3A_84] : memref<10240x64xf32, #tpu.memory_space<vmem_shared>> -> memref<640x64xf32, #tpu.memory_space<vmem_shared>>
      %dma_wait3A_86 = arith.constant 0 : i32
      %dma_wait3A_87 = tpu.memref_slice %arg3[%mul3A_61, %dma_wait3A_86] : memref<10240x64xf32, #tpu.memory_space<hbm>> -> memref<640x64xf32, #tpu.memory_space<hbm>>
      tpu.wait_dma2 semaphore(%arg13 : memref<!tpu.dma_semaphore, #tpu.memory_space<semaphore_mem>>) src(%dma_wait3A_87 : memref<640x64xf32, #tpu.memory_space<hbm>>) dst(%dma_wait3A_85 : memref<640x64xf32, #tpu.memory_space<vmem_shared>>)
      %barrier3A_88 = arith.constant 0 : index
      tpu.barrier barrier_id(%barrier3A_88)
      %scan3A_89 = arith.constant 0 : i32
      %scan3A_90 = arith.constant 0 : i32
      %scan3A_91 = arith.constant 28 : i32
      %scan3A_92 = arith.addi %scan3A_90, %scan3A_91 : i32
      %scan3A_93 = arith.constant 1 : i32
      scf.for %scan3A_118 = %scan3A_90 to %scan3A_92 step %scan3A_93  : i32 {
        %mul3A_119 = arith.constant 3 : i32
        %mul3A_120 = arith.muli %mul3A_119, %scan3A_118 : i32
        %add3A_121 = arith.constant 0 : i32
        %add3A_122 = arith.addi %mul3A_120, %add3A_121 : i32
        %gt3A = arith.constant 0 : i32
        %gt3A_123 = arith.cmpi sgt, %scan3A_118, %gt3A : i32
        %convert_element_type3A_124 = arith.extui %gt3A_123 : i1 to i32
        %cond3A_125 = arith.constant 0 : i32
        %cond3A_126 = arith.cmpi ne, %convert_element_type3A_124, %cond3A_125 : i32
        scf.if %cond3A_126 {
          %dma_wait3A_214 = arith.constant 0 : i32
          %dma_wait3A_215 = arith.constant 0 : i32
          %dma_wait3A_216 = tpu.memref_slice %arg9[%dma_wait3A_214, %dma_wait3A_215] : memref<84x128xi32, #tpu.memory_space<vmem>> -> memref<1x128xi32, #tpu.memory_space<vmem>>
          %dma_wait3A_217 = tpu.memref_squeeze %dma_wait3A_216 : memref<1x128xi32, #tpu.memory_space<vmem>> -> memref<128xi32, #tpu.memory_space<vmem>>
          %dma_wait3A_218 = arith.constant 0 : i32
          %dma_wait3A_219 = arith.constant 0 : i32
          %dma_wait3A_220 = tpu.memref_slice %arg20[%dma_wait3A_218, %dma_wait3A_219] : memref<10240x64xf32, #tpu.memory_space<vmem_shared>> -> memref<10240x64xf32, #tpu.memory_space<vmem_shared>>
          tpu.wait_indirect_dma semaphore(%arg16 : memref<!tpu.dma_semaphore, #tpu.memory_space<semaphore_mem>>) src(%arg10 : memref<128x64xf32, #tpu.memory_space<vmem>>) dst(%dma_wait3A_220 : memref<10240x64xf32, #tpu.memory_space<vmem_shared>>)
        } else {
        }
        %dma_start3A_127 = arith.constant 0 : i32
        %dma_start3A_128 = tpu.memref_slice %arg8[%add3A_122, %dma_start3A_127] : memref<84x128xi32, #tpu.memory_space<vmem>> -> memref<1x128xi32, #tpu.memory_space<vmem>>
        %dma_start3A_129 = tpu.memref_squeeze %dma_start3A_128 : memref<1x128xi32, #tpu.memory_space<vmem>> -> memref<128xi32, #tpu.memory_space<vmem>>
        %dma_start3A_130 = arith.constant 0 : i32
        %dma_start3A_131 = arith.constant 0 : i32
        %dma_start3A_132 = tpu.memref_slice %arg19[%dma_start3A_130, %dma_start3A_131] : memref<10240x64xf32, #tpu.memory_space<vmem_shared>> -> memref<10240x64xf32, #tpu.memory_space<vmem_shared>>
        tpu.enqueue_indirect_dma source(%dma_start3A_132 : memref<10240x64xf32, #tpu.memory_space<vmem_shared>>) target(%arg10 : memref<128x64xf32, #tpu.memory_space<vmem>>) offsets(%dma_start3A_129 : memref<128xi32, #tpu.memory_space<vmem>>) semaphore(%arg13 : memref<!tpu.dma_semaphore, #tpu.memory_space<semaphore_mem>>)
        %mul3A_133 = arith.constant 3 : i32
        %mul3A_134 = arith.muli %mul3A_133, %scan3A_118 : i32
        %add3A_135 = arith.constant 1 : i32
        %add3A_136 = arith.addi %mul3A_134, %add3A_135 : i32
        %gt3A_137 = arith.constant 0 : i32
        %gt3A_138 = arith.cmpi sgt, %scan3A_118, %gt3A_137 : i32
        %convert_element_type3A_139 = arith.extui %gt3A_138 : i1 to i32
        %cond3A_140 = arith.constant 0 : i32
        %cond3A_141 = arith.cmpi ne, %convert_element_type3A_139, %cond3A_140 : i32
        scf.if %cond3A_141 {
          %dma_wait3A_214 = arith.constant 0 : i32
          %dma_wait3A_215 = arith.constant 0 : i32
          %dma_wait3A_216 = tpu.memref_slice %arg9[%dma_wait3A_214, %dma_wait3A_215] : memref<84x128xi32, #tpu.memory_space<vmem>> -> memref<1x128xi32, #tpu.memory_space<vmem>>
          %dma_wait3A_217 = tpu.memref_squeeze %dma_wait3A_216 : memref<1x128xi32, #tpu.memory_space<vmem>> -> memref<128xi32, #tpu.memory_space<vmem>>
          %dma_wait3A_218 = arith.constant 0 : i32
          %dma_wait3A_219 = arith.constant 0 : i32
          %dma_wait3A_220 = tpu.memref_slice %arg20[%dma_wait3A_218, %dma_wait3A_219] : memref<10240x64xf32, #tpu.memory_space<vmem_shared>> -> memref<10240x64xf32, #tpu.memory_space<vmem_shared>>
          tpu.wait_indirect_dma semaphore(%arg17 : memref<!tpu.dma_semaphore, #tpu.memory_space<semaphore_mem>>) src(%arg11 : memref<128x64xf32, #tpu.memory_space<vmem>>) dst(%dma_wait3A_220 : memref<10240x64xf32, #tpu.memory_space<vmem_shared>>)
        } else {
        }
        %dma_start3A_142 = arith.constant 0 : i32
        %dma_start3A_143 = tpu.memref_slice %arg8[%add3A_136, %dma_start3A_142] : memref<84x128xi32, #tpu.memory_space<vmem>> -> memref<1x128xi32, #tpu.memory_space<vmem>>
        %dma_start3A_144 = tpu.memref_squeeze %dma_start3A_143 : memref<1x128xi32, #tpu.memory_space<vmem>> -> memref<128xi32, #tpu.memory_space<vmem>>
        %dma_start3A_145 = arith.constant 0 : i32
        %dma_start3A_146 = arith.constant 0 : i32
        %dma_start3A_147 = tpu.memref_slice %arg19[%dma_start3A_145, %dma_start3A_146] : memref<10240x64xf32, #tpu.memory_space<vmem_shared>> -> memref<10240x64xf32, #tpu.memory_space<vmem_shared>>
        tpu.enqueue_indirect_dma source(%dma_start3A_147 : memref<10240x64xf32, #tpu.memory_space<vmem_shared>>) target(%arg11 : memref<128x64xf32, #tpu.memory_space<vmem>>) offsets(%dma_start3A_144 : memref<128xi32, #tpu.memory_space<vmem>>) semaphore(%arg14 : memref<!tpu.dma_semaphore, #tpu.memory_space<semaphore_mem>>)
        %mul3A_148 = arith.constant 3 : i32
        %mul3A_149 = arith.muli %mul3A_148, %scan3A_118 : i32
        %add3A_150 = arith.constant 2 : i32
        %add3A_151 = arith.addi %mul3A_149, %add3A_150 : i32
        %gt3A_152 = arith.constant 0 : i32
        %gt3A_153 = arith.cmpi sgt, %scan3A_118, %gt3A_152 : i32
        %convert_element_type3A_154 = arith.extui %gt3A_153 : i1 to i32
        %cond3A_155 = arith.constant 0 : i32
        %cond3A_156 = arith.cmpi ne, %convert_element_type3A_154, %cond3A_155 : i32
        scf.if %cond3A_156 {
          %dma_wait3A_214 = arith.constant 0 : i32
          %dma_wait3A_215 = arith.constant 0 : i32
          %dma_wait3A_216 = tpu.memref_slice %arg9[%dma_wait3A_214, %dma_wait3A_215] : memref<84x128xi32, #tpu.memory_space<vmem>> -> memref<1x128xi32, #tpu.memory_space<vmem>>
          %dma_wait3A_217 = tpu.memref_squeeze %dma_wait3A_216 : memref<1x128xi32, #tpu.memory_space<vmem>> -> memref<128xi32, #tpu.memory_space<vmem>>
          %dma_wait3A_218 = arith.constant 0 : i32
          %dma_wait3A_219 = arith.constant 0 : i32
          %dma_wait3A_220 = tpu.memref_slice %arg20[%dma_wait3A_218, %dma_wait3A_219] : memref<10240x64xf32, #tpu.memory_space<vmem_shared>> -> memref<10240x64xf32, #tpu.memory_space<vmem_shared>>
          tpu.wait_indirect_dma semaphore(%arg18 : memref<!tpu.dma_semaphore, #tpu.memory_space<semaphore_mem>>) src(%arg12 : memref<128x64xf32, #tpu.memory_space<vmem>>) dst(%dma_wait3A_220 : memref<10240x64xf32, #tpu.memory_space<vmem_shared>>)
        } else {
        }
        %dma_start3A_157 = arith.constant 0 : i32
        %dma_start3A_158 = tpu.memref_slice %arg8[%add3A_151, %dma_start3A_157] : memref<84x128xi32, #tpu.memory_space<vmem>> -> memref<1x128xi32, #tpu.memory_space<vmem>>
        %dma_start3A_159 = tpu.memref_squeeze %dma_start3A_158 : memref<1x128xi32, #tpu.memory_space<vmem>> -> memref<128xi32, #tpu.memory_space<vmem>>
        %dma_start3A_160 = arith.constant 0 : i32
        %dma_start3A_161 = arith.constant 0 : i32
        %dma_start3A_162 = tpu.memref_slice %arg19[%dma_start3A_160, %dma_start3A_161] : memref<10240x64xf32, #tpu.memory_space<vmem_shared>> -> memref<10240x64xf32, #tpu.memory_space<vmem_shared>>
        tpu.enqueue_indirect_dma source(%dma_start3A_162 : memref<10240x64xf32, #tpu.memory_space<vmem_shared>>) target(%arg12 : memref<128x64xf32, #tpu.memory_space<vmem>>) offsets(%dma_start3A_159 : memref<128xi32, #tpu.memory_space<vmem>>) semaphore(%arg15 : memref<!tpu.dma_semaphore, #tpu.memory_space<semaphore_mem>>)
        %mul3A_163 = arith.constant 3 : i32
        %mul3A_164 = arith.muli %mul3A_163, %scan3A_118 : i32
        %add3A_165 = arith.constant 0 : i32
        %add3A_166 = arith.addi %mul3A_164, %add3A_165 : i32
        %dma_wait3A_167 = arith.constant 0 : i32
        %dma_wait3A_168 = arith.constant 0 : i32
        %dma_wait3A_169 = tpu.memref_slice %arg8[%dma_wait3A_167, %dma_wait3A_168] : memref<84x128xi32, #tpu.memory_space<vmem>> -> memref<1x128xi32, #tpu.memory_space<vmem>>
        %dma_wait3A_170 = tpu.memref_squeeze %dma_wait3A_169 : memref<1x128xi32, #tpu.memory_space<vmem>> -> memref<128xi32, #tpu.memory_space<vmem>>
        %dma_wait3A_171 = arith.constant 0 : i32
        %dma_wait3A_172 = arith.constant 0 : i32
        %dma_wait3A_173 = tpu.memref_slice %arg19[%dma_wait3A_171, %dma_wait3A_172] : memref<10240x64xf32, #tpu.memory_space<vmem_shared>> -> memref<10240x64xf32, #tpu.memory_space<vmem_shared>>
        tpu.wait_indirect_dma semaphore(%arg13 : memref<!tpu.dma_semaphore, #tpu.memory_space<semaphore_mem>>) src(%dma_wait3A_173 : memref<10240x64xf32, #tpu.memory_space<vmem_shared>>) dst(%arg10 : memref<128x64xf32, #tpu.memory_space<vmem>>)
        %dma_start3A_174 = arith.constant 0 : i32
        %dma_start3A_175 = tpu.memref_slice %arg9[%add3A_166, %dma_start3A_174] : memref<84x128xi32, #tpu.memory_space<vmem>> -> memref<1x128xi32, #tpu.memory_space<vmem>>
        %dma_start3A_176 = tpu.memref_squeeze %dma_start3A_175 : memref<1x128xi32, #tpu.memory_space<vmem>> -> memref<128xi32, #tpu.memory_space<vmem>>
        %dma_start3A_177 = arith.constant 0 : i32
        %dma_start3A_178 = arith.constant 0 : i32
        %dma_start3A_179 = tpu.memref_slice %arg20[%dma_start3A_177, %dma_start3A_178] : memref<10240x64xf32, #tpu.memory_space<vmem_shared>> -> memref<10240x64xf32, #tpu.memory_space<vmem_shared>>
        tpu.enqueue_indirect_dma source(%arg10 : memref<128x64xf32, #tpu.memory_space<vmem>>) target(%dma_start3A_179 : memref<10240x64xf32, #tpu.memory_space<vmem_shared>>) offsets(%dma_start3A_176 : memref<128xi32, #tpu.memory_space<vmem>>) semaphore(%arg16 : memref<!tpu.dma_semaphore, #tpu.memory_space<semaphore_mem>>) {add = true}
        %mul3A_180 = arith.constant 3 : i32
        %mul3A_181 = arith.muli %mul3A_180, %scan3A_118 : i32
        %add3A_182 = arith.constant 1 : i32
        %add3A_183 = arith.addi %mul3A_181, %add3A_182 : i32
        %dma_wait3A_184 = arith.constant 0 : i32
        %dma_wait3A_185 = arith.constant 0 : i32
        %dma_wait3A_186 = tpu.memref_slice %arg8[%dma_wait3A_184, %dma_wait3A_185] : memref<84x128xi32, #tpu.memory_space<vmem>> -> memref<1x128xi32, #tpu.memory_space<vmem>>
        %dma_wait3A_187 = tpu.memref_squeeze %dma_wait3A_186 : memref<1x128xi32, #tpu.memory_space<vmem>> -> memref<128xi32, #tpu.memory_space<vmem>>
        %dma_wait3A_188 = arith.constant 0 : i32
        %dma_wait3A_189 = arith.constant 0 : i32
        %dma_wait3A_190 = tpu.memref_slice %arg19[%dma_wait3A_188, %dma_wait3A_189] : memref<10240x64xf32, #tpu.memory_space<vmem_shared>> -> memref<10240x64xf32, #tpu.memory_space<vmem_shared>>
        tpu.wait_indirect_dma semaphore(%arg14 : memref<!tpu.dma_semaphore, #tpu.memory_space<semaphore_mem>>) src(%dma_wait3A_190 : memref<10240x64xf32, #tpu.memory_space<vmem_shared>>) dst(%arg11 : memref<128x64xf32, #tpu.memory_space<vmem>>)
        %dma_start3A_191 = arith.constant 0 : i32
        %dma_start3A_192 = tpu.memref_slice %arg9[%add3A_183, %dma_start3A_191] : memref<84x128xi32, #tpu.memory_space<vmem>> -> memref<1x128xi32, #tpu.memory_space<vmem>>
        %dma_start3A_193 = tpu.memref_squeeze %dma_start3A_192 : memref<1x128xi32, #tpu.memory_space<vmem>> -> memref<128xi32, #tpu.memory_space<vmem>>
        %dma_start3A_194 = arith.constant 0 : i32
        %dma_start3A_195 = arith.constant 0 : i32
        %dma_start3A_196 = tpu.memref_slice %arg20[%dma_start3A_194, %dma_start3A_195] : memref<10240x64xf32, #tpu.memory_space<vmem_shared>> -> memref<10240x64xf32, #tpu.memory_space<vmem_shared>>
        tpu.enqueue_indirect_dma source(%arg11 : memref<128x64xf32, #tpu.memory_space<vmem>>) target(%dma_start3A_196 : memref<10240x64xf32, #tpu.memory_space<vmem_shared>>) offsets(%dma_start3A_193 : memref<128xi32, #tpu.memory_space<vmem>>) semaphore(%arg17 : memref<!tpu.dma_semaphore, #tpu.memory_space<semaphore_mem>>) {add = true}
        %mul3A_197 = arith.constant 3 : i32
        %mul3A_198 = arith.muli %mul3A_197, %scan3A_118 : i32
        %add3A_199 = arith.constant 2 : i32
        %add3A_200 = arith.addi %mul3A_198, %add3A_199 : i32
        %dma_wait3A_201 = arith.constant 0 : i32
        %dma_wait3A_202 = arith.constant 0 : i32
        %dma_wait3A_203 = tpu.memref_slice %arg8[%dma_wait3A_201, %dma_wait3A_202] : memref<84x128xi32, #tpu.memory_space<vmem>> -> memref<1x128xi32, #tpu.memory_space<vmem>>
        %dma_wait3A_204 = tpu.memref_squeeze %dma_wait3A_203 : memref<1x128xi32, #tpu.memory_space<vmem>> -> memref<128xi32, #tpu.memory_space<vmem>>
        %dma_wait3A_205 = arith.constant 0 : i32
        %dma_wait3A_206 = arith.constant 0 : i32
        %dma_wait3A_207 = tpu.memref_slice %arg19[%dma_wait3A_205, %dma_wait3A_206] : memref<10240x64xf32, #tpu.memory_space<vmem_shared>> -> memref<10240x64xf32, #tpu.memory_space<vmem_shared>>
        tpu.wait_indirect_dma semaphore(%arg15 : memref<!tpu.dma_semaphore, #tpu.memory_space<semaphore_mem>>) src(%dma_wait3A_207 : memref<10240x64xf32, #tpu.memory_space<vmem_shared>>) dst(%arg12 : memref<128x64xf32, #tpu.memory_space<vmem>>)
        %dma_start3A_208 = arith.constant 0 : i32
        %dma_start3A_209 = tpu.memref_slice %arg9[%add3A_200, %dma_start3A_208] : memref<84x128xi32, #tpu.memory_space<vmem>> -> memref<1x128xi32, #tpu.memory_space<vmem>>
        %dma_start3A_210 = tpu.memref_squeeze %dma_start3A_209 : memref<1x128xi32, #tpu.memory_space<vmem>> -> memref<128xi32, #tpu.memory_space<vmem>>
        %dma_start3A_211 = arith.constant 0 : i32
        %dma_start3A_212 = arith.constant 0 : i32
        %dma_start3A_213 = tpu.memref_slice %arg20[%dma_start3A_211, %dma_start3A_212] : memref<10240x64xf32, #tpu.memory_space<vmem_shared>> -> memref<10240x64xf32, #tpu.memory_space<vmem_shared>>
        tpu.enqueue_indirect_dma source(%arg12 : memref<128x64xf32, #tpu.memory_space<vmem>>) target(%dma_start3A_213 : memref<10240x64xf32, #tpu.memory_space<vmem_shared>>) offsets(%dma_start3A_210 : memref<128xi32, #tpu.memory_space<vmem>>) semaphore(%arg18 : memref<!tpu.dma_semaphore, #tpu.memory_space<semaphore_mem>>) {add = true}
      }
      %scan3A_94 = arith.constant 28 : i32
      %dma_wait3A_95 = arith.constant 0 : i32
      %dma_wait3A_96 = arith.constant 0 : i32
      %dma_wait3A_97 = tpu.memref_slice %arg9[%dma_wait3A_95, %dma_wait3A_96] : memref<84x128xi32, #tpu.memory_space<vmem>> -> memref<1x128xi32, #tpu.memory_space<vmem>>
      %dma_wait3A_98 = tpu.memref_squeeze %dma_wait3A_97 : memref<1x128xi32, #tpu.memory_space<vmem>> -> memref<128xi32, #tpu.memory_space<vmem>>
      %dma_wait3A_99 = arith.constant 0 : i32
      %dma_wait3A_100 = arith.constant 0 : i32
      %dma_wait3A_101 = tpu.memref_slice %arg20[%dma_wait3A_99, %dma_wait3A_100] : memref<10240x64xf32, #tpu.memory_space<vmem_shared>> -> memref<10240x64xf32, #tpu.memory_space<vmem_shared>>
      tpu.wait_indirect_dma semaphore(%arg16 : memref<!tpu.dma_semaphore, #tpu.memory_space<semaphore_mem>>) src(%arg10 : memref<128x64xf32, #tpu.memory_space<vmem>>) dst(%dma_wait3A_101 : memref<10240x64xf32, #tpu.memory_space<vmem_shared>>)
      %dma_wait3A_102 = arith.constant 0 : i32
      %dma_wait3A_103 = arith.constant 0 : i32
      %dma_wait3A_104 = tpu.memref_slice %arg9[%dma_wait3A_102, %dma_wait3A_103] : memref<84x128xi32, #tpu.memory_space<vmem>> -> memref<1x128xi32, #tpu.memory_space<vmem>>
      %dma_wait3A_105 = tpu.memref_squeeze %dma_wait3A_104 : memref<1x128xi32, #tpu.memory_space<vmem>> -> memref<128xi32, #tpu.memory_space<vmem>>
      %dma_wait3A_106 = arith.constant 0 : i32
      %dma_wait3A_107 = arith.constant 0 : i32
      %dma_wait3A_108 = tpu.memref_slice %arg20[%dma_wait3A_106, %dma_wait3A_107] : memref<10240x64xf32, #tpu.memory_space<vmem_shared>> -> memref<10240x64xf32, #tpu.memory_space<vmem_shared>>
      tpu.wait_indirect_dma semaphore(%arg17 : memref<!tpu.dma_semaphore, #tpu.memory_space<semaphore_mem>>) src(%arg11 : memref<128x64xf32, #tpu.memory_space<vmem>>) dst(%dma_wait3A_108 : memref<10240x64xf32, #tpu.memory_space<vmem_shared>>)
      %dma_wait3A_109 = arith.constant 0 : i32
      %dma_wait3A_110 = arith.constant 0 : i32
      %dma_wait3A_111 = tpu.memref_slice %arg9[%dma_wait3A_109, %dma_wait3A_110] : memref<84x128xi32, #tpu.memory_space<vmem>> -> memref<1x128xi32, #tpu.memory_space<vmem>>
      %dma_wait3A_112 = tpu.memref_squeeze %dma_wait3A_111 : memref<1x128xi32, #tpu.memory_space<vmem>> -> memref<128xi32, #tpu.memory_space<vmem>>
      %dma_wait3A_113 = arith.constant 0 : i32
      %dma_wait3A_114 = arith.constant 0 : i32
      %dma_wait3A_115 = tpu.memref_slice %arg20[%dma_wait3A_113, %dma_wait3A_114] : memref<10240x64xf32, #tpu.memory_space<vmem_shared>> -> memref<10240x64xf32, #tpu.memory_space<vmem_shared>>
      tpu.wait_indirect_dma semaphore(%arg18 : memref<!tpu.dma_semaphore, #tpu.memory_space<semaphore_mem>>) src(%arg12 : memref<128x64xf32, #tpu.memory_space<vmem>>) dst(%dma_wait3A_115 : memref<10240x64xf32, #tpu.memory_space<vmem_shared>>)
      %barrier3A_116 = arith.constant 0 : index
      tpu.barrier barrier_id(%barrier3A_116)
      "tpu.region"() ({
        %run_scoped3A = tpu.sem_alloc : memref<!tpu.dma_semaphore, #tpu.memory_space<semaphore_mem>>
        %dma_start3A_118 = arith.constant 0 : i32
        %dma_start3A_119 = tpu.memref_slice %arg7[%arg0, %mul3A_61, %dma_start3A_118] : memref<2x10240x64xf32, #tpu.memory_space<hbm>> -> memref<1x640x64xf32, #tpu.memory_space<hbm>>
        %dma_start3A_120 = tpu.memref_squeeze %dma_start3A_119 : memref<1x640x64xf32, #tpu.memory_space<hbm>> -> memref<640x64xf32, #tpu.memory_space<hbm>>
        %dma_start3A_121 = arith.constant 0 : i32
        %dma_start3A_122 = tpu.memref_slice %arg20[%mul3A_61, %dma_start3A_121] : memref<10240x64xf32, #tpu.memory_space<vmem_shared>> -> memref<640x64xf32, #tpu.memory_space<vmem_shared>>
        tpu.enqueue_dma source(%dma_start3A_122 : memref<640x64xf32, #tpu.memory_space<vmem_shared>>) target(%dma_start3A_120 : memref<640x64xf32, #tpu.memory_space<hbm>>) target_semaphore(%run_scoped3A : memref<!tpu.dma_semaphore, #tpu.memory_space<semaphore_mem>>)
        %dma_wait3A_123 = arith.constant 0 : i32
        %dma_wait3A_124 = tpu.memref_slice %arg7[%arg0, %mul3A_61, %dma_wait3A_123] : memref<2x10240x64xf32, #tpu.memory_space<hbm>> -> memref<1x640x64xf32, #tpu.memory_space<hbm>>
        %dma_wait3A_125 = tpu.memref_squeeze %dma_wait3A_124 : memref<1x640x64xf32, #tpu.memory_space<hbm>> -> memref<640x64xf32, #tpu.memory_space<hbm>>
        %dma_wait3A_126 = arith.constant 0 : i32
        %dma_wait3A_127 = tpu.memref_slice %arg20[%mul3A_61, %dma_wait3A_126] : memref<10240x64xf32, #tpu.memory_space<vmem_shared>> -> memref<640x64xf32, #tpu.memory_space<vmem_shared>>
        tpu.wait_dma2 semaphore(%run_scoped3A : memref<!tpu.dma_semaphore, #tpu.memory_space<semaphore_mem>>) src(%dma_wait3A_127 : memref<640x64xf32, #tpu.memory_space<vmem_shared>>) dst(%dma_wait3A_125 : memref<640x64xf32, #tpu.memory_space<hbm>>)
        tpu.yield
      }) : () -> ()
      %barrier3A_117 = arith.constant 0 : index
      tpu.barrier barrier_id(%barrier3A_117)
    } else {
    }
    %eq3A_2 = arith.constant 1 : i32
    %eq3A_3 = arith.cmpi eq, %arg0, %eq3A_2 : i32
    %convert_element_type3A_4 = arith.extui %eq3A_3 : i1 to i32
    %cond3A_5 = arith.constant 0 : i32
    %cond3A_6 = arith.cmpi ne, %convert_element_type3A_4, %cond3A_5 : i32
    scf.if %cond3A_6 {
      %mul3A = arith.constant 78 : i32
      %mul3A_7 = arith.muli %arg1, %mul3A : i32
      %add3A = arith.constant 1344 : i32
      %add3A_8 = arith.addi %add3A, %mul3A_7 : i32
      "tpu.region"() ({
        %run_scoped3A = tpu.sem_alloc : memref<!tpu.dma_semaphore, #tpu.memory_space<semaphore_mem>>
        %dma_start3A_120 = arith.constant 0 : i32
        %dma_start3A_121 = arith.constant 0 : i32
        %dma_start3A_122 = tpu.memref_slice %arg8[%dma_start3A_120, %dma_start3A_121] : memref<84x128xi32, #tpu.memory_space<vmem>> -> memref<78x128xi32, #tpu.memory_space<vmem>>
        %dma_start3A_123 = arith.constant 0 : i32
        %dma_start3A_124 = tpu.memref_slice %arg4[%add3A_8, %dma_start3A_123] : memref<2592x128xi32, #tpu.memory_space<hbm>> -> memref<78x128xi32, #tpu.memory_space<hbm>>
        %dma_start3A_125 = arith.constant 0 : i32
        %dma_start3A_126 = arith.constant 0 : i32
        %dma_start3A_127 = tpu.memref_slice %arg8[%dma_start3A_125, %dma_start3A_126] : memref<84x128xi32, #tpu.memory_space<vmem>> -> memref<78x128xi32, #tpu.memory_space<vmem>>
        %dma_start3A_128 = arith.constant 0 : i32
        %dma_start3A_129 = tpu.memref_slice %arg4[%add3A_8, %dma_start3A_128] : memref<2592x128xi32, #tpu.memory_space<hbm>> -> memref<78x128xi32, #tpu.memory_space<hbm>>
        tpu.enqueue_dma source(%dma_start3A_129 : memref<78x128xi32, #tpu.memory_space<hbm>>) target(%dma_start3A_127 : memref<78x128xi32, #tpu.memory_space<vmem>>) target_semaphore(%run_scoped3A : memref<!tpu.dma_semaphore, #tpu.memory_space<semaphore_mem>>)
        %dma_wait3A_130 = arith.constant 0 : i32
        %dma_wait3A_131 = arith.constant 0 : i32
        %dma_wait3A_132 = tpu.memref_slice %arg8[%dma_wait3A_130, %dma_wait3A_131] : memref<84x128xi32, #tpu.memory_space<vmem>> -> memref<78x128xi32, #tpu.memory_space<vmem>>
        %dma_wait3A_133 = arith.constant 0 : i32
        %dma_wait3A_134 = tpu.memref_slice %arg4[%add3A_8, %dma_wait3A_133] : memref<2592x128xi32, #tpu.memory_space<hbm>> -> memref<78x128xi32, #tpu.memory_space<hbm>>
        %dma_wait3A_135 = arith.constant 0 : i32
        %dma_wait3A_136 = arith.constant 0 : i32
        %dma_wait3A_137 = tpu.memref_slice %arg8[%dma_wait3A_135, %dma_wait3A_136] : memref<84x128xi32, #tpu.memory_space<vmem>> -> memref<78x128xi32, #tpu.memory_space<vmem>>
        %dma_wait3A_138 = arith.constant 0 : i32
        %dma_wait3A_139 = tpu.memref_slice %arg4[%add3A_8, %dma_wait3A_138] : memref<2592x128xi32, #tpu.memory_space<hbm>> -> memref<78x128xi32, #tpu.memory_space<hbm>>
        tpu.wait_dma2 semaphore(%run_scoped3A : memref<!tpu.dma_semaphore, #tpu.memory_space<semaphore_mem>>) src(%dma_wait3A_139 : memref<78x128xi32, #tpu.memory_space<hbm>>) dst(%dma_wait3A_137 : memref<78x128xi32, #tpu.memory_space<vmem>>)
        tpu.yield
      }) : () -> ()
      "tpu.region"() ({
        %run_scoped3A = tpu.sem_alloc : memref<!tpu.dma_semaphore, #tpu.memory_space<semaphore_mem>>
        %dma_start3A_120 = arith.constant 0 : i32
        %dma_start3A_121 = arith.constant 0 : i32
        %dma_start3A_122 = tpu.memref_slice %arg9[%dma_start3A_120, %dma_start3A_121] : memref<84x128xi32, #tpu.memory_space<vmem>> -> memref<78x128xi32, #tpu.memory_space<vmem>>
        %dma_start3A_123 = arith.constant 0 : i32
        %dma_start3A_124 = tpu.memref_slice %arg5[%add3A_8, %dma_start3A_123] : memref<2592x128xi32, #tpu.memory_space<hbm>> -> memref<78x128xi32, #tpu.memory_space<hbm>>
        %dma_start3A_125 = arith.constant 0 : i32
        %dma_start3A_126 = arith.constant 0 : i32
        %dma_start3A_127 = tpu.memref_slice %arg9[%dma_start3A_125, %dma_start3A_126] : memref<84x128xi32, #tpu.memory_space<vmem>> -> memref<78x128xi32, #tpu.memory_space<vmem>>
        %dma_start3A_128 = arith.constant 0 : i32
        %dma_start3A_129 = tpu.memref_slice %arg5[%add3A_8, %dma_start3A_128] : memref<2592x128xi32, #tpu.memory_space<hbm>> -> memref<78x128xi32, #tpu.memory_space<hbm>>
        tpu.enqueue_dma source(%dma_start3A_129 : memref<78x128xi32, #tpu.memory_space<hbm>>) target(%dma_start3A_127 : memref<78x128xi32, #tpu.memory_space<vmem>>) target_semaphore(%run_scoped3A : memref<!tpu.dma_semaphore, #tpu.memory_space<semaphore_mem>>)
        %dma_wait3A_130 = arith.constant 0 : i32
        %dma_wait3A_131 = arith.constant 0 : i32
        %dma_wait3A_132 = tpu.memref_slice %arg9[%dma_wait3A_130, %dma_wait3A_131] : memref<84x128xi32, #tpu.memory_space<vmem>> -> memref<78x128xi32, #tpu.memory_space<vmem>>
        %dma_wait3A_133 = arith.constant 0 : i32
        %dma_wait3A_134 = tpu.memref_slice %arg5[%add3A_8, %dma_wait3A_133] : memref<2592x128xi32, #tpu.memory_space<hbm>> -> memref<78x128xi32, #tpu.memory_space<hbm>>
        %dma_wait3A_135 = arith.constant 0 : i32
        %dma_wait3A_136 = arith.constant 0 : i32
        %dma_wait3A_137 = tpu.memref_slice %arg9[%dma_wait3A_135, %dma_wait3A_136] : memref<84x128xi32, #tpu.memory_space<vmem>> -> memref<78x128xi32, #tpu.memory_space<vmem>>
        %dma_wait3A_138 = arith.constant 0 : i32
        %dma_wait3A_139 = tpu.memref_slice %arg5[%add3A_8, %dma_wait3A_138] : memref<2592x128xi32, #tpu.memory_space<hbm>> -> memref<78x128xi32, #tpu.memory_space<hbm>>
        tpu.wait_dma2 semaphore(%run_scoped3A : memref<!tpu.dma_semaphore, #tpu.memory_space<semaphore_mem>>) src(%dma_wait3A_139 : memref<78x128xi32, #tpu.memory_space<hbm>>) dst(%dma_wait3A_137 : memref<78x128xi32, #tpu.memory_space<vmem>>)
        tpu.yield
      }) : () -> ()
      %mul3A_9 = arith.constant 640 : i32
      %mul3A_10 = arith.muli %arg1, %mul3A_9 : i32
      %dma_start3A = arith.constant 0 : i32
      %dma_start3A_11 = tpu.memref_slice %arg19[%mul3A_10, %dma_start3A] : memref<10240x64xf32, #tpu.memory_space<vmem_shared>> -> memref<640x64xf32, #tpu.memory_space<vmem_shared>>
      %dma_start3A_12 = arith.constant 0 : i32
      %dma_start3A_13 = tpu.memref_slice %arg2[%mul3A_10, %dma_start3A_12] : memref<10240x64xf32, #tpu.memory_space<hbm>> -> memref<640x64xf32, #tpu.memory_space<hbm>>
      tpu.enqueue_dma source(%dma_start3A_13 : memref<640x64xf32, #tpu.memory_space<hbm>>) target(%dma_start3A_11 : memref<640x64xf32, #tpu.memory_space<vmem_shared>>) target_semaphore(%arg13 : memref<!tpu.dma_semaphore, #tpu.memory_space<semaphore_mem>>)
      %broadcast_in_dim3A = arith.constant 0.000000e+00 : f32
      %broadcast_in_dim3A_14 = vector.broadcast %broadcast_in_dim3A : f32 to vector<16xf32>
      %scan3A = arith.constant 0 : i32
      %scan3A_15 = arith.constant 0 : i32
      %scan3A_16 = arith.constant 128 : i32
      %scan3A_17 = arith.addi %scan3A_15, %scan3A_16 : i32
      %scan3A_18 = arith.constant 1 : i32
      scf.for %scan3A_120 = %scan3A_15 to %scan3A_17 step %scan3A_18  : i32 {
        %swap3A = arith.index_cast %scan3A_120 : i32 to index
        %swap3A_121 = arith.constant 0 : index
        %swap3A_122 = tpu.vector_load %arg10[%swap3A, %swap3A_121] {strides = array<i32>} : memref<128x64xf32, #tpu.memory_space<vmem>>, vector<1x16xf32>,
        %swap3A_123 = vector.shape_cast %swap3A_122 : vector<1x16xf32> to vector<16xf32>
        %swap3A_124 = vector.shape_cast %broadcast_in_dim3A_14 : vector<16xf32> to vector<1x16xf32>
        tpu.vector_store %arg10[%swap3A, %swap3A_121], %swap3A_124 {strides = array<i32>} : memref<128x64xf32, #tpu.memory_space<vmem>>, vector<1x16xf32>,
        %swap3A_125 = arith.index_cast %scan3A_120 : i32 to index
        %swap3A_126 = arith.constant 16 : index
        %swap3A_127 = tpu.vector_load %arg10[%swap3A_125, %swap3A_126] {strides = array<i32>} : memref<128x64xf32, #tpu.memory_space<vmem>>, vector<1x16xf32>,
        %swap3A_128 = vector.shape_cast %swap3A_127 : vector<1x16xf32> to vector<16xf32>
        %swap3A_129 = vector.shape_cast %broadcast_in_dim3A_14 : vector<16xf32> to vector<1x16xf32>
        tpu.vector_store %arg10[%swap3A_125, %swap3A_126], %swap3A_129 {strides = array<i32>} : memref<128x64xf32, #tpu.memory_space<vmem>>, vector<1x16xf32>,
        %swap3A_130 = arith.index_cast %scan3A_120 : i32 to index
        %swap3A_131 = arith.constant 32 : index
        %swap3A_132 = tpu.vector_load %arg10[%swap3A_130, %swap3A_131] {strides = array<i32>} : memref<128x64xf32, #tpu.memory_space<vmem>>, vector<1x16xf32>,
        %swap3A_133 = vector.shape_cast %swap3A_132 : vector<1x16xf32> to vector<16xf32>
        %swap3A_134 = vector.shape_cast %broadcast_in_dim3A_14 : vector<16xf32> to vector<1x16xf32>
        tpu.vector_store %arg10[%swap3A_130, %swap3A_131], %swap3A_134 {strides = array<i32>} : memref<128x64xf32, #tpu.memory_space<vmem>>, vector<1x16xf32>,
        %swap3A_135 = arith.index_cast %scan3A_120 : i32 to index
        %swap3A_136 = arith.constant 48 : index
        %swap3A_137 = tpu.vector_load %arg10[%swap3A_135, %swap3A_136] {strides = array<i32>} : memref<128x64xf32, #tpu.memory_space<vmem>>, vector<1x16xf32>,
        %swap3A_138 = vector.shape_cast %swap3A_137 : vector<1x16xf32> to vector<16xf32>
        %swap3A_139 = vector.shape_cast %broadcast_in_dim3A_14 : vector<16xf32> to vector<1x16xf32>
        tpu.vector_store %arg10[%swap3A_135, %swap3A_136], %swap3A_139 {strides = array<i32>} : memref<128x64xf32, #tpu.memory_space<vmem>>, vector<1x16xf32>,
      }
      %scan3A_19 = arith.constant 128 : i32
      %add3A_20 = arith.constant 0 : i32
      %add3A_21 = arith.addi %mul3A_10, %add3A_20 : i32
      "tpu.region"() ({
        %run_scoped3A = tpu.sem_alloc : memref<!tpu.dma_semaphore, #tpu.memory_space<semaphore_mem>>
        %dma_start3A_120 = arith.constant 0 : i32
        %dma_start3A_121 = tpu.memref_slice %arg20[%add3A_21, %dma_start3A_120] : memref<10240x64xf32, #tpu.memory_space<vmem_shared>> -> memref<128x64xf32, #tpu.memory_space<vmem_shared>>
        %dma_start3A_122 = arith.constant 0 : i32
        %dma_start3A_123 = tpu.memref_slice %arg20[%add3A_21, %dma_start3A_122] : memref<10240x64xf32, #tpu.memory_space<vmem_shared>> -> memref<128x64xf32, #tpu.memory_space<vmem_shared>>
        tpu.enqueue_dma source(%arg10 : memref<128x64xf32, #tpu.memory_space<vmem>>) target(%dma_start3A_123 : memref<128x64xf32, #tpu.memory_space<vmem_shared>>) target_semaphore(%run_scoped3A : memref<!tpu.dma_semaphore, #tpu.memory_space<semaphore_mem>>)
        %dma_wait3A_124 = arith.constant 0 : i32
        %dma_wait3A_125 = tpu.memref_slice %arg20[%add3A_21, %dma_wait3A_124] : memref<10240x64xf32, #tpu.memory_space<vmem_shared>> -> memref<128x64xf32, #tpu.memory_space<vmem_shared>>
        %dma_wait3A_126 = arith.constant 0 : i32
        %dma_wait3A_127 = tpu.memref_slice %arg20[%add3A_21, %dma_wait3A_126] : memref<10240x64xf32, #tpu.memory_space<vmem_shared>> -> memref<128x64xf32, #tpu.memory_space<vmem_shared>>
        tpu.wait_dma2 semaphore(%run_scoped3A : memref<!tpu.dma_semaphore, #tpu.memory_space<semaphore_mem>>) src(%arg10 : memref<128x64xf32, #tpu.memory_space<vmem>>) dst(%dma_wait3A_127 : memref<128x64xf32, #tpu.memory_space<vmem_shared>>)
        tpu.yield
      }) : () -> ()
      %add3A_22 = arith.constant 128 : i32
      %add3A_23 = arith.addi %mul3A_10, %add3A_22 : i32
      "tpu.region"() ({
        %run_scoped3A = tpu.sem_alloc : memref<!tpu.dma_semaphore, #tpu.memory_space<semaphore_mem>>
        %dma_start3A_120 = arith.constant 0 : i32
        %dma_start3A_121 = tpu.memref_slice %arg20[%add3A_23, %dma_start3A_120] : memref<10240x64xf32, #tpu.memory_space<vmem_shared>> -> memref<128x64xf32, #tpu.memory_space<vmem_shared>>
        %dma_start3A_122 = arith.constant 0 : i32
        %dma_start3A_123 = tpu.memref_slice %arg20[%add3A_23, %dma_start3A_122] : memref<10240x64xf32, #tpu.memory_space<vmem_shared>> -> memref<128x64xf32, #tpu.memory_space<vmem_shared>>
        tpu.enqueue_dma source(%arg10 : memref<128x64xf32, #tpu.memory_space<vmem>>) target(%dma_start3A_123 : memref<128x64xf32, #tpu.memory_space<vmem_shared>>) target_semaphore(%run_scoped3A : memref<!tpu.dma_semaphore, #tpu.memory_space<semaphore_mem>>)
        %dma_wait3A_124 = arith.constant 0 : i32
        %dma_wait3A_125 = tpu.memref_slice %arg20[%add3A_23, %dma_wait3A_124] : memref<10240x64xf32, #tpu.memory_space<vmem_shared>> -> memref<128x64xf32, #tpu.memory_space<vmem_shared>>
        %dma_wait3A_126 = arith.constant 0 : i32
        %dma_wait3A_127 = tpu.memref_slice %arg20[%add3A_23, %dma_wait3A_126] : memref<10240x64xf32, #tpu.memory_space<vmem_shared>> -> memref<128x64xf32, #tpu.memory_space<vmem_shared>>
        tpu.wait_dma2 semaphore(%run_scoped3A : memref<!tpu.dma_semaphore, #tpu.memory_space<semaphore_mem>>) src(%arg10 : memref<128x64xf32, #tpu.memory_space<vmem>>) dst(%dma_wait3A_127 : memref<128x64xf32, #tpu.memory_space<vmem_shared>>)
        tpu.yield
      }) : () -> ()
      %add3A_24 = arith.constant 256 : i32
      %add3A_25 = arith.addi %mul3A_10, %add3A_24 : i32
      "tpu.region"() ({
        %run_scoped3A = tpu.sem_alloc : memref<!tpu.dma_semaphore, #tpu.memory_space<semaphore_mem>>
        %dma_start3A_120 = arith.constant 0 : i32
        %dma_start3A_121 = tpu.memref_slice %arg20[%add3A_25, %dma_start3A_120] : memref<10240x64xf32, #tpu.memory_space<vmem_shared>> -> memref<128x64xf32, #tpu.memory_space<vmem_shared>>
        %dma_start3A_122 = arith.constant 0 : i32
        %dma_start3A_123 = tpu.memref_slice %arg20[%add3A_25, %dma_start3A_122] : memref<10240x64xf32, #tpu.memory_space<vmem_shared>> -> memref<128x64xf32, #tpu.memory_space<vmem_shared>>
        tpu.enqueue_dma source(%arg10 : memref<128x64xf32, #tpu.memory_space<vmem>>) target(%dma_start3A_123 : memref<128x64xf32, #tpu.memory_space<vmem_shared>>) target_semaphore(%run_scoped3A : memref<!tpu.dma_semaphore, #tpu.memory_space<semaphore_mem>>)
        %dma_wait3A_124 = arith.constant 0 : i32
        %dma_wait3A_125 = tpu.memref_slice %arg20[%add3A_25, %dma_wait3A_124] : memref<10240x64xf32, #tpu.memory_space<vmem_shared>> -> memref<128x64xf32, #tpu.memory_space<vmem_shared>>
        %dma_wait3A_126 = arith.constant 0 : i32
        %dma_wait3A_127 = tpu.memref_slice %arg20[%add3A_25, %dma_wait3A_126] : memref<10240x64xf32, #tpu.memory_space<vmem_shared>> -> memref<128x64xf32, #tpu.memory_space<vmem_shared>>
        tpu.wait_dma2 semaphore(%run_scoped3A : memref<!tpu.dma_semaphore, #tpu.memory_space<semaphore_mem>>) src(%arg10 : memref<128x64xf32, #tpu.memory_space<vmem>>) dst(%dma_wait3A_127 : memref<128x64xf32, #tpu.memory_space<vmem_shared>>)
        tpu.yield
      }) : () -> ()
      %add3A_26 = arith.constant 384 : i32
      %add3A_27 = arith.addi %mul3A_10, %add3A_26 : i32
      "tpu.region"() ({
        %run_scoped3A = tpu.sem_alloc : memref<!tpu.dma_semaphore, #tpu.memory_space<semaphore_mem>>
        %dma_start3A_120 = arith.constant 0 : i32
        %dma_start3A_121 = tpu.memref_slice %arg20[%add3A_27, %dma_start3A_120] : memref<10240x64xf32, #tpu.memory_space<vmem_shared>> -> memref<128x64xf32, #tpu.memory_space<vmem_shared>>
        %dma_start3A_122 = arith.constant 0 : i32
        %dma_start3A_123 = tpu.memref_slice %arg20[%add3A_27, %dma_start3A_122] : memref<10240x64xf32, #tpu.memory_space<vmem_shared>> -> memref<128x64xf32, #tpu.memory_space<vmem_shared>>
        tpu.enqueue_dma source(%arg10 : memref<128x64xf32, #tpu.memory_space<vmem>>) target(%dma_start3A_123 : memref<128x64xf32, #tpu.memory_space<vmem_shared>>) target_semaphore(%run_scoped3A : memref<!tpu.dma_semaphore, #tpu.memory_space<semaphore_mem>>)
        %dma_wait3A_124 = arith.constant 0 : i32
        %dma_wait3A_125 = tpu.memref_slice %arg20[%add3A_27, %dma_wait3A_124] : memref<10240x64xf32, #tpu.memory_space<vmem_shared>> -> memref<128x64xf32, #tpu.memory_space<vmem_shared>>
        %dma_wait3A_126 = arith.constant 0 : i32
        %dma_wait3A_127 = tpu.memref_slice %arg20[%add3A_27, %dma_wait3A_126] : memref<10240x64xf32, #tpu.memory_space<vmem_shared>> -> memref<128x64xf32, #tpu.memory_space<vmem_shared>>
        tpu.wait_dma2 semaphore(%run_scoped3A : memref<!tpu.dma_semaphore, #tpu.memory_space<semaphore_mem>>) src(%arg10 : memref<128x64xf32, #tpu.memory_space<vmem>>) dst(%dma_wait3A_127 : memref<128x64xf32, #tpu.memory_space<vmem_shared>>)
        tpu.yield
      }) : () -> ()
      %add3A_28 = arith.constant 512 : i32
      %add3A_29 = arith.addi %mul3A_10, %add3A_28 : i32
      "tpu.region"() ({
        %run_scoped3A = tpu.sem_alloc : memref<!tpu.dma_semaphore, #tpu.memory_space<semaphore_mem>>
        %dma_start3A_120 = arith.constant 0 : i32
        %dma_start3A_121 = tpu.memref_slice %arg20[%add3A_29, %dma_start3A_120] : memref<10240x64xf32, #tpu.memory_space<vmem_shared>> -> memref<128x64xf32, #tpu.memory_space<vmem_shared>>
        %dma_start3A_122 = arith.constant 0 : i32
        %dma_start3A_123 = tpu.memref_slice %arg20[%add3A_29, %dma_start3A_122] : memref<10240x64xf32, #tpu.memory_space<vmem_shared>> -> memref<128x64xf32, #tpu.memory_space<vmem_shared>>
        tpu.enqueue_dma source(%arg10 : memref<128x64xf32, #tpu.memory_space<vmem>>) target(%dma_start3A_123 : memref<128x64xf32, #tpu.memory_space<vmem_shared>>) target_semaphore(%run_scoped3A : memref<!tpu.dma_semaphore, #tpu.memory_space<semaphore_mem>>)
        %dma_wait3A_124 = arith.constant 0 : i32
        %dma_wait3A_125 = tpu.memref_slice %arg20[%add3A_29, %dma_wait3A_124] : memref<10240x64xf32, #tpu.memory_space<vmem_shared>> -> memref<128x64xf32, #tpu.memory_space<vmem_shared>>
        %dma_wait3A_126 = arith.constant 0 : i32
        %dma_wait3A_127 = tpu.memref_slice %arg20[%add3A_29, %dma_wait3A_126] : memref<10240x64xf32, #tpu.memory_space<vmem_shared>> -> memref<128x64xf32, #tpu.memory_space<vmem_shared>>
        tpu.wait_dma2 semaphore(%run_scoped3A : memref<!tpu.dma_semaphore, #tpu.memory_space<semaphore_mem>>) src(%arg10 : memref<128x64xf32, #tpu.memory_space<vmem>>) dst(%dma_wait3A_127 : memref<128x64xf32, #tpu.memory_space<vmem_shared>>)
        tpu.yield
      }) : () -> ()
      %dma_wait3A = arith.constant 0 : i32
      %dma_wait3A_30 = tpu.memref_slice %arg19[%mul3A_10, %dma_wait3A] : memref<10240x64xf32, #tpu.memory_space<vmem_shared>> -> memref<640x64xf32, #tpu.memory_space<vmem_shared>>
      %dma_wait3A_31 = arith.constant 0 : i32
      %dma_wait3A_32 = tpu.memref_slice %arg2[%mul3A_10, %dma_wait3A_31] : memref<10240x64xf32, #tpu.memory_space<hbm>> -> memref<640x64xf32, #tpu.memory_space<hbm>>
      tpu.wait_dma2 semaphore(%arg13 : memref<!tpu.dma_semaphore, #tpu.memory_space<semaphore_mem>>) src(%dma_wait3A_32 : memref<640x64xf32, #tpu.memory_space<hbm>>) dst(%dma_wait3A_30 : memref<640x64xf32, #tpu.memory_space<vmem_shared>>)
      %barrier3A = arith.constant 0 : index
      tpu.barrier barrier_id(%barrier3A)
      %scan3A_33 = arith.constant 0 : i32
      %scan3A_34 = arith.constant 0 : i32
      %scan3A_35 = arith.constant 26 : i32
      %scan3A_36 = arith.addi %scan3A_34, %scan3A_35 : i32
      %scan3A_37 = arith.constant 1 : i32
      scf.for %scan3A_120 = %scan3A_34 to %scan3A_36 step %scan3A_37  : i32 {
        %mul3A_121 = arith.constant 3 : i32
        %mul3A_122 = arith.muli %mul3A_121, %scan3A_120 : i32
        %add3A_123 = arith.constant 0 : i32
        %add3A_124 = arith.addi %mul3A_122, %add3A_123 : i32
        %gt3A = arith.constant 0 : i32
        %gt3A_125 = arith.cmpi sgt, %scan3A_120, %gt3A : i32
        %convert_element_type3A_126 = arith.extui %gt3A_125 : i1 to i32
        %cond3A_127 = arith.constant 0 : i32
        %cond3A_128 = arith.cmpi ne, %convert_element_type3A_126, %cond3A_127 : i32
        scf.if %cond3A_128 {
          %dma_wait3A_216 = arith.constant 0 : i32
          %dma_wait3A_217 = arith.constant 0 : i32
          %dma_wait3A_218 = tpu.memref_slice %arg9[%dma_wait3A_216, %dma_wait3A_217] : memref<84x128xi32, #tpu.memory_space<vmem>> -> memref<1x128xi32, #tpu.memory_space<vmem>>
          %dma_wait3A_219 = tpu.memref_squeeze %dma_wait3A_218 : memref<1x128xi32, #tpu.memory_space<vmem>> -> memref<128xi32, #tpu.memory_space<vmem>>
          %dma_wait3A_220 = arith.constant 0 : i32
          %dma_wait3A_221 = arith.constant 0 : i32
          %dma_wait3A_222 = tpu.memref_slice %arg20[%dma_wait3A_220, %dma_wait3A_221] : memref<10240x64xf32, #tpu.memory_space<vmem_shared>> -> memref<10240x64xf32, #tpu.memory_space<vmem_shared>>
          tpu.wait_indirect_dma semaphore(%arg16 : memref<!tpu.dma_semaphore, #tpu.memory_space<semaphore_mem>>) src(%arg10 : memref<128x64xf32, #tpu.memory_space<vmem>>) dst(%dma_wait3A_222 : memref<10240x64xf32, #tpu.memory_space<vmem_shared>>)
        } else {
        }
        %dma_start3A_129 = arith.constant 0 : i32
        %dma_start3A_130 = tpu.memref_slice %arg8[%add3A_124, %dma_start3A_129] : memref<84x128xi32, #tpu.memory_space<vmem>> -> memref<1x128xi32, #tpu.memory_space<vmem>>
        %dma_start3A_131 = tpu.memref_squeeze %dma_start3A_130 : memref<1x128xi32, #tpu.memory_space<vmem>> -> memref<128xi32, #tpu.memory_space<vmem>>
        %dma_start3A_132 = arith.constant 0 : i32
        %dma_start3A_133 = arith.constant 0 : i32
        %dma_start3A_134 = tpu.memref_slice %arg19[%dma_start3A_132, %dma_start3A_133] : memref<10240x64xf32, #tpu.memory_space<vmem_shared>> -> memref<10240x64xf32, #tpu.memory_space<vmem_shared>>
        tpu.enqueue_indirect_dma source(%dma_start3A_134 : memref<10240x64xf32, #tpu.memory_space<vmem_shared>>) target(%arg10 : memref<128x64xf32, #tpu.memory_space<vmem>>) offsets(%dma_start3A_131 : memref<128xi32, #tpu.memory_space<vmem>>) semaphore(%arg13 : memref<!tpu.dma_semaphore, #tpu.memory_space<semaphore_mem>>)
        %mul3A_135 = arith.constant 3 : i32
        %mul3A_136 = arith.muli %mul3A_135, %scan3A_120 : i32
        %add3A_137 = arith.constant 1 : i32
        %add3A_138 = arith.addi %mul3A_136, %add3A_137 : i32
        %gt3A_139 = arith.constant 0 : i32
        %gt3A_140 = arith.cmpi sgt, %scan3A_120, %gt3A_139 : i32
        %convert_element_type3A_141 = arith.extui %gt3A_140 : i1 to i32
        %cond3A_142 = arith.constant 0 : i32
        %cond3A_143 = arith.cmpi ne, %convert_element_type3A_141, %cond3A_142 : i32
        scf.if %cond3A_143 {
          %dma_wait3A_216 = arith.constant 0 : i32
          %dma_wait3A_217 = arith.constant 0 : i32
          %dma_wait3A_218 = tpu.memref_slice %arg9[%dma_wait3A_216, %dma_wait3A_217] : memref<84x128xi32, #tpu.memory_space<vmem>> -> memref<1x128xi32, #tpu.memory_space<vmem>>
          %dma_wait3A_219 = tpu.memref_squeeze %dma_wait3A_218 : memref<1x128xi32, #tpu.memory_space<vmem>> -> memref<128xi32, #tpu.memory_space<vmem>>
          %dma_wait3A_220 = arith.constant 0 : i32
          %dma_wait3A_221 = arith.constant 0 : i32
          %dma_wait3A_222 = tpu.memref_slice %arg20[%dma_wait3A_220, %dma_wait3A_221] : memref<10240x64xf32, #tpu.memory_space<vmem_shared>> -> memref<10240x64xf32, #tpu.memory_space<vmem_shared>>
          tpu.wait_indirect_dma semaphore(%arg17 : memref<!tpu.dma_semaphore, #tpu.memory_space<semaphore_mem>>) src(%arg11 : memref<128x64xf32, #tpu.memory_space<vmem>>) dst(%dma_wait3A_222 : memref<10240x64xf32, #tpu.memory_space<vmem_shared>>)
        } else {
        }
        %dma_start3A_144 = arith.constant 0 : i32
        %dma_start3A_145 = tpu.memref_slice %arg8[%add3A_138, %dma_start3A_144] : memref<84x128xi32, #tpu.memory_space<vmem>> -> memref<1x128xi32, #tpu.memory_space<vmem>>
        %dma_start3A_146 = tpu.memref_squeeze %dma_start3A_145 : memref<1x128xi32, #tpu.memory_space<vmem>> -> memref<128xi32, #tpu.memory_space<vmem>>
        %dma_start3A_147 = arith.constant 0 : i32
        %dma_start3A_148 = arith.constant 0 : i32
        %dma_start3A_149 = tpu.memref_slice %arg19[%dma_start3A_147, %dma_start3A_148] : memref<10240x64xf32, #tpu.memory_space<vmem_shared>> -> memref<10240x64xf32, #tpu.memory_space<vmem_shared>>
        tpu.enqueue_indirect_dma source(%dma_start3A_149 : memref<10240x64xf32, #tpu.memory_space<vmem_shared>>) target(%arg11 : memref<128x64xf32, #tpu.memory_space<vmem>>) offsets(%dma_start3A_146 : memref<128xi32, #tpu.memory_space<vmem>>) semaphore(%arg14 : memref<!tpu.dma_semaphore, #tpu.memory_space<semaphore_mem>>)
        %mul3A_150 = arith.constant 3 : i32
        %mul3A_151 = arith.muli %mul3A_150, %scan3A_120 : i32
        %add3A_152 = arith.constant 2 : i32
        %add3A_153 = arith.addi %mul3A_151, %add3A_152 : i32
        %gt3A_154 = arith.constant 0 : i32
        %gt3A_155 = arith.cmpi sgt, %scan3A_120, %gt3A_154 : i32
        %convert_element_type3A_156 = arith.extui %gt3A_155 : i1 to i32
        %cond3A_157 = arith.constant 0 : i32
        %cond3A_158 = arith.cmpi ne, %convert_element_type3A_156, %cond3A_157 : i32
        scf.if %cond3A_158 {
          %dma_wait3A_216 = arith.constant 0 : i32
          %dma_wait3A_217 = arith.constant 0 : i32
          %dma_wait3A_218 = tpu.memref_slice %arg9[%dma_wait3A_216, %dma_wait3A_217] : memref<84x128xi32, #tpu.memory_space<vmem>> -> memref<1x128xi32, #tpu.memory_space<vmem>>
          %dma_wait3A_219 = tpu.memref_squeeze %dma_wait3A_218 : memref<1x128xi32, #tpu.memory_space<vmem>> -> memref<128xi32, #tpu.memory_space<vmem>>
          %dma_wait3A_220 = arith.constant 0 : i32
          %dma_wait3A_221 = arith.constant 0 : i32
          %dma_wait3A_222 = tpu.memref_slice %arg20[%dma_wait3A_220, %dma_wait3A_221] : memref<10240x64xf32, #tpu.memory_space<vmem_shared>> -> memref<10240x64xf32, #tpu.memory_space<vmem_shared>>
          tpu.wait_indirect_dma semaphore(%arg18 : memref<!tpu.dma_semaphore, #tpu.memory_space<semaphore_mem>>) src(%arg12 : memref<128x64xf32, #tpu.memory_space<vmem>>) dst(%dma_wait3A_222 : memref<10240x64xf32, #tpu.memory_space<vmem_shared>>)
        } else {
        }
        %dma_start3A_159 = arith.constant 0 : i32
        %dma_start3A_160 = tpu.memref_slice %arg8[%add3A_153, %dma_start3A_159] : memref<84x128xi32, #tpu.memory_space<vmem>> -> memref<1x128xi32, #tpu.memory_space<vmem>>
        %dma_start3A_161 = tpu.memref_squeeze %dma_start3A_160 : memref<1x128xi32, #tpu.memory_space<vmem>> -> memref<128xi32, #tpu.memory_space<vmem>>
        %dma_start3A_162 = arith.constant 0 : i32
        %dma_start3A_163 = arith.constant 0 : i32
        %dma_start3A_164 = tpu.memref_slice %arg19[%dma_start3A_162, %dma_start3A_163] : memref<10240x64xf32, #tpu.memory_space<vmem_shared>> -> memref<10240x64xf32, #tpu.memory_space<vmem_shared>>
        tpu.enqueue_indirect_dma source(%dma_start3A_164 : memref<10240x64xf32, #tpu.memory_space<vmem_shared>>) target(%arg12 : memref<128x64xf32, #tpu.memory_space<vmem>>) offsets(%dma_start3A_161 : memref<128xi32, #tpu.memory_space<vmem>>) semaphore(%arg15 : memref<!tpu.dma_semaphore, #tpu.memory_space<semaphore_mem>>)
        %mul3A_165 = arith.constant 3 : i32
        %mul3A_166 = arith.muli %mul3A_165, %scan3A_120 : i32
        %add3A_167 = arith.constant 0 : i32
        %add3A_168 = arith.addi %mul3A_166, %add3A_167 : i32
        %dma_wait3A_169 = arith.constant 0 : i32
        %dma_wait3A_170 = arith.constant 0 : i32
        %dma_wait3A_171 = tpu.memref_slice %arg8[%dma_wait3A_169, %dma_wait3A_170] : memref<84x128xi32, #tpu.memory_space<vmem>> -> memref<1x128xi32, #tpu.memory_space<vmem>>
        %dma_wait3A_172 = tpu.memref_squeeze %dma_wait3A_171 : memref<1x128xi32, #tpu.memory_space<vmem>> -> memref<128xi32, #tpu.memory_space<vmem>>
        %dma_wait3A_173 = arith.constant 0 : i32
        %dma_wait3A_174 = arith.constant 0 : i32
        %dma_wait3A_175 = tpu.memref_slice %arg19[%dma_wait3A_173, %dma_wait3A_174] : memref<10240x64xf32, #tpu.memory_space<vmem_shared>> -> memref<10240x64xf32, #tpu.memory_space<vmem_shared>>
        tpu.wait_indirect_dma semaphore(%arg13 : memref<!tpu.dma_semaphore, #tpu.memory_space<semaphore_mem>>) src(%dma_wait3A_175 : memref<10240x64xf32, #tpu.memory_space<vmem_shared>>) dst(%arg10 : memref<128x64xf32, #tpu.memory_space<vmem>>)
        %dma_start3A_176 = arith.constant 0 : i32
        %dma_start3A_177 = tpu.memref_slice %arg9[%add3A_168, %dma_start3A_176] : memref<84x128xi32, #tpu.memory_space<vmem>> -> memref<1x128xi32, #tpu.memory_space<vmem>>
        %dma_start3A_178 = tpu.memref_squeeze %dma_start3A_177 : memref<1x128xi32, #tpu.memory_space<vmem>> -> memref<128xi32, #tpu.memory_space<vmem>>
        %dma_start3A_179 = arith.constant 0 : i32
        %dma_start3A_180 = arith.constant 0 : i32
        %dma_start3A_181 = tpu.memref_slice %arg20[%dma_start3A_179, %dma_start3A_180] : memref<10240x64xf32, #tpu.memory_space<vmem_shared>> -> memref<10240x64xf32, #tpu.memory_space<vmem_shared>>
        tpu.enqueue_indirect_dma source(%arg10 : memref<128x64xf32, #tpu.memory_space<vmem>>) target(%dma_start3A_181 : memref<10240x64xf32, #tpu.memory_space<vmem_shared>>) offsets(%dma_start3A_178 : memref<128xi32, #tpu.memory_space<vmem>>) semaphore(%arg16 : memref<!tpu.dma_semaphore, #tpu.memory_space<semaphore_mem>>) {add = true}
        %mul3A_182 = arith.constant 3 : i32
        %mul3A_183 = arith.muli %mul3A_182, %scan3A_120 : i32
        %add3A_184 = arith.constant 1 : i32
        %add3A_185 = arith.addi %mul3A_183, %add3A_184 : i32
        %dma_wait3A_186 = arith.constant 0 : i32
        %dma_wait3A_187 = arith.constant 0 : i32
        %dma_wait3A_188 = tpu.memref_slice %arg8[%dma_wait3A_186, %dma_wait3A_187] : memref<84x128xi32, #tpu.memory_space<vmem>> -> memref<1x128xi32, #tpu.memory_space<vmem>>
        %dma_wait3A_189 = tpu.memref_squeeze %dma_wait3A_188 : memref<1x128xi32, #tpu.memory_space<vmem>> -> memref<128xi32, #tpu.memory_space<vmem>>
        %dma_wait3A_190 = arith.constant 0 : i32
        %dma_wait3A_191 = arith.constant 0 : i32
        %dma_wait3A_192 = tpu.memref_slice %arg19[%dma_wait3A_190, %dma_wait3A_191] : memref<10240x64xf32, #tpu.memory_space<vmem_shared>> -> memref<10240x64xf32, #tpu.memory_space<vmem_shared>>
        tpu.wait_indirect_dma semaphore(%arg14 : memref<!tpu.dma_semaphore, #tpu.memory_space<semaphore_mem>>) src(%dma_wait3A_192 : memref<10240x64xf32, #tpu.memory_space<vmem_shared>>) dst(%arg11 : memref<128x64xf32, #tpu.memory_space<vmem>>)
        %dma_start3A_193 = arith.constant 0 : i32
        %dma_start3A_194 = tpu.memref_slice %arg9[%add3A_185, %dma_start3A_193] : memref<84x128xi32, #tpu.memory_space<vmem>> -> memref<1x128xi32, #tpu.memory_space<vmem>>
        %dma_start3A_195 = tpu.memref_squeeze %dma_start3A_194 : memref<1x128xi32, #tpu.memory_space<vmem>> -> memref<128xi32, #tpu.memory_space<vmem>>
        %dma_start3A_196 = arith.constant 0 : i32
        %dma_start3A_197 = arith.constant 0 : i32
        %dma_start3A_198 = tpu.memref_slice %arg20[%dma_start3A_196, %dma_start3A_197] : memref<10240x64xf32, #tpu.memory_space<vmem_shared>> -> memref<10240x64xf32, #tpu.memory_space<vmem_shared>>
        tpu.enqueue_indirect_dma source(%arg11 : memref<128x64xf32, #tpu.memory_space<vmem>>) target(%dma_start3A_198 : memref<10240x64xf32, #tpu.memory_space<vmem_shared>>) offsets(%dma_start3A_195 : memref<128xi32, #tpu.memory_space<vmem>>) semaphore(%arg17 : memref<!tpu.dma_semaphore, #tpu.memory_space<semaphore_mem>>) {add = true}
        %mul3A_199 = arith.constant 3 : i32
        %mul3A_200 = arith.muli %mul3A_199, %scan3A_120 : i32
        %add3A_201 = arith.constant 2 : i32
        %add3A_202 = arith.addi %mul3A_200, %add3A_201 : i32
        %dma_wait3A_203 = arith.constant 0 : i32
        %dma_wait3A_204 = arith.constant 0 : i32
        %dma_wait3A_205 = tpu.memref_slice %arg8[%dma_wait3A_203, %dma_wait3A_204] : memref<84x128xi32, #tpu.memory_space<vmem>> -> memref<1x128xi32, #tpu.memory_space<vmem>>
        %dma_wait3A_206 = tpu.memref_squeeze %dma_wait3A_205 : memref<1x128xi32, #tpu.memory_space<vmem>> -> memref<128xi32, #tpu.memory_space<vmem>>
        %dma_wait3A_207 = arith.constant 0 : i32
        %dma_wait3A_208 = arith.constant 0 : i32
        %dma_wait3A_209 = tpu.memref_slice %arg19[%dma_wait3A_207, %dma_wait3A_208] : memref<10240x64xf32, #tpu.memory_space<vmem_shared>> -> memref<10240x64xf32, #tpu.memory_space<vmem_shared>>
        tpu.wait_indirect_dma semaphore(%arg15 : memref<!tpu.dma_semaphore, #tpu.memory_space<semaphore_mem>>) src(%dma_wait3A_209 : memref<10240x64xf32, #tpu.memory_space<vmem_shared>>) dst(%arg12 : memref<128x64xf32, #tpu.memory_space<vmem>>)
        %dma_start3A_210 = arith.constant 0 : i32
        %dma_start3A_211 = tpu.memref_slice %arg9[%add3A_202, %dma_start3A_210] : memref<84x128xi32, #tpu.memory_space<vmem>> -> memref<1x128xi32, #tpu.memory_space<vmem>>
        %dma_start3A_212 = tpu.memref_squeeze %dma_start3A_211 : memref<1x128xi32, #tpu.memory_space<vmem>> -> memref<128xi32, #tpu.memory_space<vmem>>
        %dma_start3A_213 = arith.constant 0 : i32
        %dma_start3A_214 = arith.constant 0 : i32
        %dma_start3A_215 = tpu.memref_slice %arg20[%dma_start3A_213, %dma_start3A_214] : memref<10240x64xf32, #tpu.memory_space<vmem_shared>> -> memref<10240x64xf32, #tpu.memory_space<vmem_shared>>
        tpu.enqueue_indirect_dma source(%arg12 : memref<128x64xf32, #tpu.memory_space<vmem>>) target(%dma_start3A_215 : memref<10240x64xf32, #tpu.memory_space<vmem_shared>>) offsets(%dma_start3A_212 : memref<128xi32, #tpu.memory_space<vmem>>) semaphore(%arg18 : memref<!tpu.dma_semaphore, #tpu.memory_space<semaphore_mem>>) {add = true}
      }
      %scan3A_38 = arith.constant 26 : i32
      %dma_wait3A_39 = arith.constant 0 : i32
      %dma_wait3A_40 = arith.constant 0 : i32
      %dma_wait3A_41 = tpu.memref_slice %arg9[%dma_wait3A_39, %dma_wait3A_40] : memref<84x128xi32, #tpu.memory_space<vmem>> -> memref<1x128xi32, #tpu.memory_space<vmem>>
      %dma_wait3A_42 = tpu.memref_squeeze %dma_wait3A_41 : memref<1x128xi32, #tpu.memory_space<vmem>> -> memref<128xi32, #tpu.memory_space<vmem>>
      %dma_wait3A_43 = arith.constant 0 : i32
      %dma_wait3A_44 = arith.constant 0 : i32
      %dma_wait3A_45 = tpu.memref_slice %arg20[%dma_wait3A_43, %dma_wait3A_44] : memref<10240x64xf32, #tpu.memory_space<vmem_shared>> -> memref<10240x64xf32, #tpu.memory_space<vmem_shared>>
      tpu.wait_indirect_dma semaphore(%arg16 : memref<!tpu.dma_semaphore, #tpu.memory_space<semaphore_mem>>) src(%arg10 : memref<128x64xf32, #tpu.memory_space<vmem>>) dst(%dma_wait3A_45 : memref<10240x64xf32, #tpu.memory_space<vmem_shared>>)
      %dma_wait3A_46 = arith.constant 0 : i32
      %dma_wait3A_47 = arith.constant 0 : i32
      %dma_wait3A_48 = tpu.memref_slice %arg9[%dma_wait3A_46, %dma_wait3A_47] : memref<84x128xi32, #tpu.memory_space<vmem>> -> memref<1x128xi32, #tpu.memory_space<vmem>>
      %dma_wait3A_49 = tpu.memref_squeeze %dma_wait3A_48 : memref<1x128xi32, #tpu.memory_space<vmem>> -> memref<128xi32, #tpu.memory_space<vmem>>
      %dma_wait3A_50 = arith.constant 0 : i32
      %dma_wait3A_51 = arith.constant 0 : i32
      %dma_wait3A_52 = tpu.memref_slice %arg20[%dma_wait3A_50, %dma_wait3A_51] : memref<10240x64xf32, #tpu.memory_space<vmem_shared>> -> memref<10240x64xf32, #tpu.memory_space<vmem_shared>>
      tpu.wait_indirect_dma semaphore(%arg17 : memref<!tpu.dma_semaphore, #tpu.memory_space<semaphore_mem>>) src(%arg11 : memref<128x64xf32, #tpu.memory_space<vmem>>) dst(%dma_wait3A_52 : memref<10240x64xf32, #tpu.memory_space<vmem_shared>>)
      %dma_wait3A_53 = arith.constant 0 : i32
      %dma_wait3A_54 = arith.constant 0 : i32
      %dma_wait3A_55 = tpu.memref_slice %arg9[%dma_wait3A_53, %dma_wait3A_54] : memref<84x128xi32, #tpu.memory_space<vmem>> -> memref<1x128xi32, #tpu.memory_space<vmem>>
      %dma_wait3A_56 = tpu.memref_squeeze %dma_wait3A_55 : memref<1x128xi32, #tpu.memory_space<vmem>> -> memref<128xi32, #tpu.memory_space<vmem>>
      %dma_wait3A_57 = arith.constant 0 : i32
      %dma_wait3A_58 = arith.constant 0 : i32
      %dma_wait3A_59 = tpu.memref_slice %arg20[%dma_wait3A_57, %dma_wait3A_58] : memref<10240x64xf32, #tpu.memory_space<vmem_shared>> -> memref<10240x64xf32, #tpu.memory_space<vmem_shared>>
      tpu.wait_indirect_dma semaphore(%arg18 : memref<!tpu.dma_semaphore, #tpu.memory_space<semaphore_mem>>) src(%arg12 : memref<128x64xf32, #tpu.memory_space<vmem>>) dst(%dma_wait3A_59 : memref<10240x64xf32, #tpu.memory_space<vmem_shared>>)
      %barrier3A_60 = arith.constant 0 : index
      tpu.barrier barrier_id(%barrier3A_60)
      "tpu.region"() ({
        %run_scoped3A = tpu.sem_alloc : memref<!tpu.dma_semaphore, #tpu.memory_space<semaphore_mem>>
        %dma_start3A_120 = arith.constant 0 : i32
        %dma_start3A_121 = tpu.memref_slice %arg6[%arg0, %mul3A_10, %dma_start3A_120] : memref<2x10240x64xf32, #tpu.memory_space<hbm>> -> memref<1x640x64xf32, #tpu.memory_space<hbm>>
        %dma_start3A_122 = tpu.memref_squeeze %dma_start3A_121 : memref<1x640x64xf32, #tpu.memory_space<hbm>> -> memref<640x64xf32, #tpu.memory_space<hbm>>
        %dma_start3A_123 = arith.constant 0 : i32
        %dma_start3A_124 = tpu.memref_slice %arg20[%mul3A_10, %dma_start3A_123] : memref<10240x64xf32, #tpu.memory_space<vmem_shared>> -> memref<640x64xf32, #tpu.memory_space<vmem_shared>>
        tpu.enqueue_dma source(%dma_start3A_124 : memref<640x64xf32, #tpu.memory_space<vmem_shared>>) target(%dma_start3A_122 : memref<640x64xf32, #tpu.memory_space<hbm>>) target_semaphore(%run_scoped3A : memref<!tpu.dma_semaphore, #tpu.memory_space<semaphore_mem>>)
        %dma_wait3A_125 = arith.constant 0 : i32
        %dma_wait3A_126 = tpu.memref_slice %arg6[%arg0, %mul3A_10, %dma_wait3A_125] : memref<2x10240x64xf32, #tpu.memory_space<hbm>> -> memref<1x640x64xf32, #tpu.memory_space<hbm>>
        %dma_wait3A_127 = tpu.memref_squeeze %dma_wait3A_126 : memref<1x640x64xf32, #tpu.memory_space<hbm>> -> memref<640x64xf32, #tpu.memory_space<hbm>>
        %dma_wait3A_128 = arith.constant 0 : i32
        %dma_wait3A_129 = tpu.memref_slice %arg20[%mul3A_10, %dma_wait3A_128] : memref<10240x64xf32, #tpu.memory_space<vmem_shared>> -> memref<640x64xf32, #tpu.memory_space<vmem_shared>>
        tpu.wait_dma2 semaphore(%run_scoped3A : memref<!tpu.dma_semaphore, #tpu.memory_space<semaphore_mem>>) src(%dma_wait3A_129 : memref<640x64xf32, #tpu.memory_space<vmem_shared>>) dst(%dma_wait3A_127 : memref<640x64xf32, #tpu.memory_space<hbm>>)
        tpu.yield
      }) : () -> ()
      %barrier3A_61 = arith.constant 0 : index
      tpu.barrier barrier_id(%barrier3A_61)
      %mul3A_62 = arith.constant 640 : i32
      %mul3A_63 = arith.muli %arg1, %mul3A_62 : i32
      %dma_start3A_64 = arith.constant 0 : i32
      %dma_start3A_65 = tpu.memref_slice %arg19[%mul3A_63, %dma_start3A_64] : memref<10240x64xf32, #tpu.memory_space<vmem_shared>> -> memref<640x64xf32, #tpu.memory_space<vmem_shared>>
      %dma_start3A_66 = arith.constant 0 : i32
      %dma_start3A_67 = tpu.memref_slice %arg3[%mul3A_63, %dma_start3A_66] : memref<10240x64xf32, #tpu.memory_space<hbm>> -> memref<640x64xf32, #tpu.memory_space<hbm>>
      tpu.enqueue_dma source(%dma_start3A_67 : memref<640x64xf32, #tpu.memory_space<hbm>>) target(%dma_start3A_65 : memref<640x64xf32, #tpu.memory_space<vmem_shared>>) target_semaphore(%arg13 : memref<!tpu.dma_semaphore, #tpu.memory_space<semaphore_mem>>)
      %broadcast_in_dim3A_68 = arith.constant 0.000000e+00 : f32
      %broadcast_in_dim3A_69 = vector.broadcast %broadcast_in_dim3A_68 : f32 to vector<16xf32>
      %scan3A_70 = arith.constant 0 : i32
      %scan3A_71 = arith.constant 0 : i32
      %scan3A_72 = arith.constant 128 : i32
      %scan3A_73 = arith.addi %scan3A_71, %scan3A_72 : i32
      %scan3A_74 = arith.constant 1 : i32
      scf.for %scan3A_120 = %scan3A_71 to %scan3A_73 step %scan3A_74  : i32 {
        %swap3A = arith.index_cast %scan3A_120 : i32 to index
        %swap3A_121 = arith.constant 0 : index
        %swap3A_122 = tpu.vector_load %arg10[%swap3A, %swap3A_121] {strides = array<i32>} : memref<128x64xf32, #tpu.memory_space<vmem>>, vector<1x16xf32>,
        %swap3A_123 = vector.shape_cast %swap3A_122 : vector<1x16xf32> to vector<16xf32>
        %swap3A_124 = vector.shape_cast %broadcast_in_dim3A_69 : vector<16xf32> to vector<1x16xf32>
        tpu.vector_store %arg10[%swap3A, %swap3A_121], %swap3A_124 {strides = array<i32>} : memref<128x64xf32, #tpu.memory_space<vmem>>, vector<1x16xf32>,
        %swap3A_125 = arith.index_cast %scan3A_120 : i32 to index
        %swap3A_126 = arith.constant 16 : index
        %swap3A_127 = tpu.vector_load %arg10[%swap3A_125, %swap3A_126] {strides = array<i32>} : memref<128x64xf32, #tpu.memory_space<vmem>>, vector<1x16xf32>,
        %swap3A_128 = vector.shape_cast %swap3A_127 : vector<1x16xf32> to vector<16xf32>
        %swap3A_129 = vector.shape_cast %broadcast_in_dim3A_69 : vector<16xf32> to vector<1x16xf32>
        tpu.vector_store %arg10[%swap3A_125, %swap3A_126], %swap3A_129 {strides = array<i32>} : memref<128x64xf32, #tpu.memory_space<vmem>>, vector<1x16xf32>,
        %swap3A_130 = arith.index_cast %scan3A_120 : i32 to index
        %swap3A_131 = arith.constant 32 : index
        %swap3A_132 = tpu.vector_load %arg10[%swap3A_130, %swap3A_131] {strides = array<i32>} : memref<128x64xf32, #tpu.memory_space<vmem>>, vector<1x16xf32>,
        %swap3A_133 = vector.shape_cast %swap3A_132 : vector<1x16xf32> to vector<16xf32>
        %swap3A_134 = vector.shape_cast %broadcast_in_dim3A_69 : vector<16xf32> to vector<1x16xf32>
        tpu.vector_store %arg10[%swap3A_130, %swap3A_131], %swap3A_134 {strides = array<i32>} : memref<128x64xf32, #tpu.memory_space<vmem>>, vector<1x16xf32>,
        %swap3A_135 = arith.index_cast %scan3A_120 : i32 to index
        %swap3A_136 = arith.constant 48 : index
        %swap3A_137 = tpu.vector_load %arg10[%swap3A_135, %swap3A_136] {strides = array<i32>} : memref<128x64xf32, #tpu.memory_space<vmem>>, vector<1x16xf32>,
        %swap3A_138 = vector.shape_cast %swap3A_137 : vector<1x16xf32> to vector<16xf32>
        %swap3A_139 = vector.shape_cast %broadcast_in_dim3A_69 : vector<16xf32> to vector<1x16xf32>
        tpu.vector_store %arg10[%swap3A_135, %swap3A_136], %swap3A_139 {strides = array<i32>} : memref<128x64xf32, #tpu.memory_space<vmem>>, vector<1x16xf32>,
      }
      %scan3A_75 = arith.constant 128 : i32
      %add3A_76 = arith.constant 0 : i32
      %add3A_77 = arith.addi %mul3A_63, %add3A_76 : i32
      "tpu.region"() ({
        %run_scoped3A = tpu.sem_alloc : memref<!tpu.dma_semaphore, #tpu.memory_space<semaphore_mem>>
        %dma_start3A_120 = arith.constant 0 : i32
        %dma_start3A_121 = tpu.memref_slice %arg20[%add3A_77, %dma_start3A_120] : memref<10240x64xf32, #tpu.memory_space<vmem_shared>> -> memref<128x64xf32, #tpu.memory_space<vmem_shared>>
        %dma_start3A_122 = arith.constant 0 : i32
        %dma_start3A_123 = tpu.memref_slice %arg20[%add3A_77, %dma_start3A_122] : memref<10240x64xf32, #tpu.memory_space<vmem_shared>> -> memref<128x64xf32, #tpu.memory_space<vmem_shared>>
        tpu.enqueue_dma source(%arg10 : memref<128x64xf32, #tpu.memory_space<vmem>>) target(%dma_start3A_123 : memref<128x64xf32, #tpu.memory_space<vmem_shared>>) target_semaphore(%run_scoped3A : memref<!tpu.dma_semaphore, #tpu.memory_space<semaphore_mem>>)
        %dma_wait3A_124 = arith.constant 0 : i32
        %dma_wait3A_125 = tpu.memref_slice %arg20[%add3A_77, %dma_wait3A_124] : memref<10240x64xf32, #tpu.memory_space<vmem_shared>> -> memref<128x64xf32, #tpu.memory_space<vmem_shared>>
        %dma_wait3A_126 = arith.constant 0 : i32
        %dma_wait3A_127 = tpu.memref_slice %arg20[%add3A_77, %dma_wait3A_126] : memref<10240x64xf32, #tpu.memory_space<vmem_shared>> -> memref<128x64xf32, #tpu.memory_space<vmem_shared>>
        tpu.wait_dma2 semaphore(%run_scoped3A : memref<!tpu.dma_semaphore, #tpu.memory_space<semaphore_mem>>) src(%arg10 : memref<128x64xf32, #tpu.memory_space<vmem>>) dst(%dma_wait3A_127 : memref<128x64xf32, #tpu.memory_space<vmem_shared>>)
        tpu.yield
      }) : () -> ()
      %add3A_78 = arith.constant 128 : i32
      %add3A_79 = arith.addi %mul3A_63, %add3A_78 : i32
      "tpu.region"() ({
        %run_scoped3A = tpu.sem_alloc : memref<!tpu.dma_semaphore, #tpu.memory_space<semaphore_mem>>
        %dma_start3A_120 = arith.constant 0 : i32
        %dma_start3A_121 = tpu.memref_slice %arg20[%add3A_79, %dma_start3A_120] : memref<10240x64xf32, #tpu.memory_space<vmem_shared>> -> memref<128x64xf32, #tpu.memory_space<vmem_shared>>
        %dma_start3A_122 = arith.constant 0 : i32
        %dma_start3A_123 = tpu.memref_slice %arg20[%add3A_79, %dma_start3A_122] : memref<10240x64xf32, #tpu.memory_space<vmem_shared>> -> memref<128x64xf32, #tpu.memory_space<vmem_shared>>
        tpu.enqueue_dma source(%arg10 : memref<128x64xf32, #tpu.memory_space<vmem>>) target(%dma_start3A_123 : memref<128x64xf32, #tpu.memory_space<vmem_shared>>) target_semaphore(%run_scoped3A : memref<!tpu.dma_semaphore, #tpu.memory_space<semaphore_mem>>)
        %dma_wait3A_124 = arith.constant 0 : i32
        %dma_wait3A_125 = tpu.memref_slice %arg20[%add3A_79, %dma_wait3A_124] : memref<10240x64xf32, #tpu.memory_space<vmem_shared>> -> memref<128x64xf32, #tpu.memory_space<vmem_shared>>
        %dma_wait3A_126 = arith.constant 0 : i32
        %dma_wait3A_127 = tpu.memref_slice %arg20[%add3A_79, %dma_wait3A_126] : memref<10240x64xf32, #tpu.memory_space<vmem_shared>> -> memref<128x64xf32, #tpu.memory_space<vmem_shared>>
        tpu.wait_dma2 semaphore(%run_scoped3A : memref<!tpu.dma_semaphore, #tpu.memory_space<semaphore_mem>>) src(%arg10 : memref<128x64xf32, #tpu.memory_space<vmem>>) dst(%dma_wait3A_127 : memref<128x64xf32, #tpu.memory_space<vmem_shared>>)
        tpu.yield
      }) : () -> ()
      %add3A_80 = arith.constant 256 : i32
      %add3A_81 = arith.addi %mul3A_63, %add3A_80 : i32
      "tpu.region"() ({
        %run_scoped3A = tpu.sem_alloc : memref<!tpu.dma_semaphore, #tpu.memory_space<semaphore_mem>>
        %dma_start3A_120 = arith.constant 0 : i32
        %dma_start3A_121 = tpu.memref_slice %arg20[%add3A_81, %dma_start3A_120] : memref<10240x64xf32, #tpu.memory_space<vmem_shared>> -> memref<128x64xf32, #tpu.memory_space<vmem_shared>>
        %dma_start3A_122 = arith.constant 0 : i32
        %dma_start3A_123 = tpu.memref_slice %arg20[%add3A_81, %dma_start3A_122] : memref<10240x64xf32, #tpu.memory_space<vmem_shared>> -> memref<128x64xf32, #tpu.memory_space<vmem_shared>>
        tpu.enqueue_dma source(%arg10 : memref<128x64xf32, #tpu.memory_space<vmem>>) target(%dma_start3A_123 : memref<128x64xf32, #tpu.memory_space<vmem_shared>>) target_semaphore(%run_scoped3A : memref<!tpu.dma_semaphore, #tpu.memory_space<semaphore_mem>>)
        %dma_wait3A_124 = arith.constant 0 : i32
        %dma_wait3A_125 = tpu.memref_slice %arg20[%add3A_81, %dma_wait3A_124] : memref<10240x64xf32, #tpu.memory_space<vmem_shared>> -> memref<128x64xf32, #tpu.memory_space<vmem_shared>>
        %dma_wait3A_126 = arith.constant 0 : i32
        %dma_wait3A_127 = tpu.memref_slice %arg20[%add3A_81, %dma_wait3A_126] : memref<10240x64xf32, #tpu.memory_space<vmem_shared>> -> memref<128x64xf32, #tpu.memory_space<vmem_shared>>
        tpu.wait_dma2 semaphore(%run_scoped3A : memref<!tpu.dma_semaphore, #tpu.memory_space<semaphore_mem>>) src(%arg10 : memref<128x64xf32, #tpu.memory_space<vmem>>) dst(%dma_wait3A_127 : memref<128x64xf32, #tpu.memory_space<vmem_shared>>)
        tpu.yield
      }) : () -> ()
      %add3A_82 = arith.constant 384 : i32
      %add3A_83 = arith.addi %mul3A_63, %add3A_82 : i32
      "tpu.region"() ({
        %run_scoped3A = tpu.sem_alloc : memref<!tpu.dma_semaphore, #tpu.memory_space<semaphore_mem>>
        %dma_start3A_120 = arith.constant 0 : i32
        %dma_start3A_121 = tpu.memref_slice %arg20[%add3A_83, %dma_start3A_120] : memref<10240x64xf32, #tpu.memory_space<vmem_shared>> -> memref<128x64xf32, #tpu.memory_space<vmem_shared>>
        %dma_start3A_122 = arith.constant 0 : i32
        %dma_start3A_123 = tpu.memref_slice %arg20[%add3A_83, %dma_start3A_122] : memref<10240x64xf32, #tpu.memory_space<vmem_shared>> -> memref<128x64xf32, #tpu.memory_space<vmem_shared>>
        tpu.enqueue_dma source(%arg10 : memref<128x64xf32, #tpu.memory_space<vmem>>) target(%dma_start3A_123 : memref<128x64xf32, #tpu.memory_space<vmem_shared>>) target_semaphore(%run_scoped3A : memref<!tpu.dma_semaphore, #tpu.memory_space<semaphore_mem>>)
        %dma_wait3A_124 = arith.constant 0 : i32
        %dma_wait3A_125 = tpu.memref_slice %arg20[%add3A_83, %dma_wait3A_124] : memref<10240x64xf32, #tpu.memory_space<vmem_shared>> -> memref<128x64xf32, #tpu.memory_space<vmem_shared>>
        %dma_wait3A_126 = arith.constant 0 : i32
        %dma_wait3A_127 = tpu.memref_slice %arg20[%add3A_83, %dma_wait3A_126] : memref<10240x64xf32, #tpu.memory_space<vmem_shared>> -> memref<128x64xf32, #tpu.memory_space<vmem_shared>>
        tpu.wait_dma2 semaphore(%run_scoped3A : memref<!tpu.dma_semaphore, #tpu.memory_space<semaphore_mem>>) src(%arg10 : memref<128x64xf32, #tpu.memory_space<vmem>>) dst(%dma_wait3A_127 : memref<128x64xf32, #tpu.memory_space<vmem_shared>>)
        tpu.yield
      }) : () -> ()
      %add3A_84 = arith.constant 512 : i32
      %add3A_85 = arith.addi %mul3A_63, %add3A_84 : i32
      "tpu.region"() ({
        %run_scoped3A = tpu.sem_alloc : memref<!tpu.dma_semaphore, #tpu.memory_space<semaphore_mem>>
        %dma_start3A_120 = arith.constant 0 : i32
        %dma_start3A_121 = tpu.memref_slice %arg20[%add3A_85, %dma_start3A_120] : memref<10240x64xf32, #tpu.memory_space<vmem_shared>> -> memref<128x64xf32, #tpu.memory_space<vmem_shared>>
        %dma_start3A_122 = arith.constant 0 : i32
        %dma_start3A_123 = tpu.memref_slice %arg20[%add3A_85, %dma_start3A_122] : memref<10240x64xf32, #tpu.memory_space<vmem_shared>> -> memref<128x64xf32, #tpu.memory_space<vmem_shared>>
        tpu.enqueue_dma source(%arg10 : memref<128x64xf32, #tpu.memory_space<vmem>>) target(%dma_start3A_123 : memref<128x64xf32, #tpu.memory_space<vmem_shared>>) target_semaphore(%run_scoped3A : memref<!tpu.dma_semaphore, #tpu.memory_space<semaphore_mem>>)
        %dma_wait3A_124 = arith.constant 0 : i32
        %dma_wait3A_125 = tpu.memref_slice %arg20[%add3A_85, %dma_wait3A_124] : memref<10240x64xf32, #tpu.memory_space<vmem_shared>> -> memref<128x64xf32, #tpu.memory_space<vmem_shared>>
        %dma_wait3A_126 = arith.constant 0 : i32
        %dma_wait3A_127 = tpu.memref_slice %arg20[%add3A_85, %dma_wait3A_126] : memref<10240x64xf32, #tpu.memory_space<vmem_shared>> -> memref<128x64xf32, #tpu.memory_space<vmem_shared>>
        tpu.wait_dma2 semaphore(%run_scoped3A : memref<!tpu.dma_semaphore, #tpu.memory_space<semaphore_mem>>) src(%arg10 : memref<128x64xf32, #tpu.memory_space<vmem>>) dst(%dma_wait3A_127 : memref<128x64xf32, #tpu.memory_space<vmem_shared>>)
        tpu.yield
      }) : () -> ()
      %dma_wait3A_86 = arith.constant 0 : i32
      %dma_wait3A_87 = tpu.memref_slice %arg19[%mul3A_63, %dma_wait3A_86] : memref<10240x64xf32, #tpu.memory_space<vmem_shared>> -> memref<640x64xf32, #tpu.memory_space<vmem_shared>>
      %dma_wait3A_88 = arith.constant 0 : i32
      %dma_wait3A_89 = tpu.memref_slice %arg3[%mul3A_63, %dma_wait3A_88] : memref<10240x64xf32, #tpu.memory_space<hbm>> -> memref<640x64xf32, #tpu.memory_space<hbm>>
      tpu.wait_dma2 semaphore(%arg13 : memref<!tpu.dma_semaphore, #tpu.memory_space<semaphore_mem>>) src(%dma_wait3A_89 : memref<640x64xf32, #tpu.memory_space<hbm>>) dst(%dma_wait3A_87 : memref<640x64xf32, #tpu.memory_space<vmem_shared>>)
      %barrier3A_90 = arith.constant 0 : index
      tpu.barrier barrier_id(%barrier3A_90)
      %scan3A_91 = arith.constant 0 : i32
      %scan3A_92 = arith.constant 0 : i32
      %scan3A_93 = arith.constant 26 : i32
      %scan3A_94 = arith.addi %scan3A_92, %scan3A_93 : i32
      %scan3A_95 = arith.constant 1 : i32
      scf.for %scan3A_120 = %scan3A_92 to %scan3A_94 step %scan3A_95  : i32 {
        %mul3A_121 = arith.constant 3 : i32
        %mul3A_122 = arith.muli %mul3A_121, %scan3A_120 : i32
        %add3A_123 = arith.constant 0 : i32
        %add3A_124 = arith.addi %mul3A_122, %add3A_123 : i32
        %gt3A = arith.constant 0 : i32
        %gt3A_125 = arith.cmpi sgt, %scan3A_120, %gt3A : i32
        %convert_element_type3A_126 = arith.extui %gt3A_125 : i1 to i32
        %cond3A_127 = arith.constant 0 : i32
        %cond3A_128 = arith.cmpi ne, %convert_element_type3A_126, %cond3A_127 : i32
        scf.if %cond3A_128 {
          %dma_wait3A_216 = arith.constant 0 : i32
          %dma_wait3A_217 = arith.constant 0 : i32
          %dma_wait3A_218 = tpu.memref_slice %arg9[%dma_wait3A_216, %dma_wait3A_217] : memref<84x128xi32, #tpu.memory_space<vmem>> -> memref<1x128xi32, #tpu.memory_space<vmem>>
          %dma_wait3A_219 = tpu.memref_squeeze %dma_wait3A_218 : memref<1x128xi32, #tpu.memory_space<vmem>> -> memref<128xi32, #tpu.memory_space<vmem>>
          %dma_wait3A_220 = arith.constant 0 : i32
          %dma_wait3A_221 = arith.constant 0 : i32
          %dma_wait3A_222 = tpu.memref_slice %arg20[%dma_wait3A_220, %dma_wait3A_221] : memref<10240x64xf32, #tpu.memory_space<vmem_shared>> -> memref<10240x64xf32, #tpu.memory_space<vmem_shared>>
          tpu.wait_indirect_dma semaphore(%arg16 : memref<!tpu.dma_semaphore, #tpu.memory_space<semaphore_mem>>) src(%arg10 : memref<128x64xf32, #tpu.memory_space<vmem>>) dst(%dma_wait3A_222 : memref<10240x64xf32, #tpu.memory_space<vmem_shared>>)
        } else {
        }
        %dma_start3A_129 = arith.constant 0 : i32
        %dma_start3A_130 = tpu.memref_slice %arg8[%add3A_124, %dma_start3A_129] : memref<84x128xi32, #tpu.memory_space<vmem>> -> memref<1x128xi32, #tpu.memory_space<vmem>>
        %dma_start3A_131 = tpu.memref_squeeze %dma_start3A_130 : memref<1x128xi32, #tpu.memory_space<vmem>> -> memref<128xi32, #tpu.memory_space<vmem>>
        %dma_start3A_132 = arith.constant 0 : i32
        %dma_start3A_133 = arith.constant 0 : i32
        %dma_start3A_134 = tpu.memref_slice %arg19[%dma_start3A_132, %dma_start3A_133] : memref<10240x64xf32, #tpu.memory_space<vmem_shared>> -> memref<10240x64xf32, #tpu.memory_space<vmem_shared>>
        tpu.enqueue_indirect_dma source(%dma_start3A_134 : memref<10240x64xf32, #tpu.memory_space<vmem_shared>>) target(%arg10 : memref<128x64xf32, #tpu.memory_space<vmem>>) offsets(%dma_start3A_131 : memref<128xi32, #tpu.memory_space<vmem>>) semaphore(%arg13 : memref<!tpu.dma_semaphore, #tpu.memory_space<semaphore_mem>>)
        %mul3A_135 = arith.constant 3 : i32
        %mul3A_136 = arith.muli %mul3A_135, %scan3A_120 : i32
        %add3A_137 = arith.constant 1 : i32
        %add3A_138 = arith.addi %mul3A_136, %add3A_137 : i32
        %gt3A_139 = arith.constant 0 : i32
        %gt3A_140 = arith.cmpi sgt, %scan3A_120, %gt3A_139 : i32
        %convert_element_type3A_141 = arith.extui %gt3A_140 : i1 to i32
        %cond3A_142 = arith.constant 0 : i32
        %cond3A_143 = arith.cmpi ne, %convert_element_type3A_141, %cond3A_142 : i32
        scf.if %cond3A_143 {
          %dma_wait3A_216 = arith.constant 0 : i32
          %dma_wait3A_217 = arith.constant 0 : i32
          %dma_wait3A_218 = tpu.memref_slice %arg9[%dma_wait3A_216, %dma_wait3A_217] : memref<84x128xi32, #tpu.memory_space<vmem>> -> memref<1x128xi32, #tpu.memory_space<vmem>>
          %dma_wait3A_219 = tpu.memref_squeeze %dma_wait3A_218 : memref<1x128xi32, #tpu.memory_space<vmem>> -> memref<128xi32, #tpu.memory_space<vmem>>
          %dma_wait3A_220 = arith.constant 0 : i32
          %dma_wait3A_221 = arith.constant 0 : i32
          %dma_wait3A_222 = tpu.memref_slice %arg20[%dma_wait3A_220, %dma_wait3A_221] : memref<10240x64xf32, #tpu.memory_space<vmem_shared>> -> memref<10240x64xf32, #tpu.memory_space<vmem_shared>>
          tpu.wait_indirect_dma semaphore(%arg17 : memref<!tpu.dma_semaphore, #tpu.memory_space<semaphore_mem>>) src(%arg11 : memref<128x64xf32, #tpu.memory_space<vmem>>) dst(%dma_wait3A_222 : memref<10240x64xf32, #tpu.memory_space<vmem_shared>>)
        } else {
        }
        %dma_start3A_144 = arith.constant 0 : i32
        %dma_start3A_145 = tpu.memref_slice %arg8[%add3A_138, %dma_start3A_144] : memref<84x128xi32, #tpu.memory_space<vmem>> -> memref<1x128xi32, #tpu.memory_space<vmem>>
        %dma_start3A_146 = tpu.memref_squeeze %dma_start3A_145 : memref<1x128xi32, #tpu.memory_space<vmem>> -> memref<128xi32, #tpu.memory_space<vmem>>
        %dma_start3A_147 = arith.constant 0 : i32
        %dma_start3A_148 = arith.constant 0 : i32
        %dma_start3A_149 = tpu.memref_slice %arg19[%dma_start3A_147, %dma_start3A_148] : memref<10240x64xf32, #tpu.memory_space<vmem_shared>> -> memref<10240x64xf32, #tpu.memory_space<vmem_shared>>
        tpu.enqueue_indirect_dma source(%dma_start3A_149 : memref<10240x64xf32, #tpu.memory_space<vmem_shared>>) target(%arg11 : memref<128x64xf32, #tpu.memory_space<vmem>>) offsets(%dma_start3A_146 : memref<128xi32, #tpu.memory_space<vmem>>) semaphore(%arg14 : memref<!tpu.dma_semaphore, #tpu.memory_space<semaphore_mem>>)
        %mul3A_150 = arith.constant 3 : i32
        %mul3A_151 = arith.muli %mul3A_150, %scan3A_120 : i32
        %add3A_152 = arith.constant 2 : i32
        %add3A_153 = arith.addi %mul3A_151, %add3A_152 : i32
        %gt3A_154 = arith.constant 0 : i32
        %gt3A_155 = arith.cmpi sgt, %scan3A_120, %gt3A_154 : i32
        %convert_element_type3A_156 = arith.extui %gt3A_155 : i1 to i32
        %cond3A_157 = arith.constant 0 : i32
        %cond3A_158 = arith.cmpi ne, %convert_element_type3A_156, %cond3A_157 : i32
        scf.if %cond3A_158 {
          %dma_wait3A_216 = arith.constant 0 : i32
          %dma_wait3A_217 = arith.constant 0 : i32
          %dma_wait3A_218 = tpu.memref_slice %arg9[%dma_wait3A_216, %dma_wait3A_217] : memref<84x128xi32, #tpu.memory_space<vmem>> -> memref<1x128xi32, #tpu.memory_space<vmem>>
          %dma_wait3A_219 = tpu.memref_squeeze %dma_wait3A_218 : memref<1x128xi32, #tpu.memory_space<vmem>> -> memref<128xi32, #tpu.memory_space<vmem>>
          %dma_wait3A_220 = arith.constant 0 : i32
          %dma_wait3A_221 = arith.constant 0 : i32
          %dma_wait3A_222 = tpu.memref_slice %arg20[%dma_wait3A_220, %dma_wait3A_221] : memref<10240x64xf32, #tpu.memory_space<vmem_shared>> -> memref<10240x64xf32, #tpu.memory_space<vmem_shared>>
          tpu.wait_indirect_dma semaphore(%arg18 : memref<!tpu.dma_semaphore, #tpu.memory_space<semaphore_mem>>) src(%arg12 : memref<128x64xf32, #tpu.memory_space<vmem>>) dst(%dma_wait3A_222 : memref<10240x64xf32, #tpu.memory_space<vmem_shared>>)
        } else {
        }
        %dma_start3A_159 = arith.constant 0 : i32
        %dma_start3A_160 = tpu.memref_slice %arg8[%add3A_153, %dma_start3A_159] : memref<84x128xi32, #tpu.memory_space<vmem>> -> memref<1x128xi32, #tpu.memory_space<vmem>>
        %dma_start3A_161 = tpu.memref_squeeze %dma_start3A_160 : memref<1x128xi32, #tpu.memory_space<vmem>> -> memref<128xi32, #tpu.memory_space<vmem>>
        %dma_start3A_162 = arith.constant 0 : i32
        %dma_start3A_163 = arith.constant 0 : i32
        %dma_start3A_164 = tpu.memref_slice %arg19[%dma_start3A_162, %dma_start3A_163] : memref<10240x64xf32, #tpu.memory_space<vmem_shared>> -> memref<10240x64xf32, #tpu.memory_space<vmem_shared>>
        tpu.enqueue_indirect_dma source(%dma_start3A_164 : memref<10240x64xf32, #tpu.memory_space<vmem_shared>>) target(%arg12 : memref<128x64xf32, #tpu.memory_space<vmem>>) offsets(%dma_start3A_161 : memref<128xi32, #tpu.memory_space<vmem>>) semaphore(%arg15 : memref<!tpu.dma_semaphore, #tpu.memory_space<semaphore_mem>>)
        %mul3A_165 = arith.constant 3 : i32
        %mul3A_166 = arith.muli %mul3A_165, %scan3A_120 : i32
        %add3A_167 = arith.constant 0 : i32
        %add3A_168 = arith.addi %mul3A_166, %add3A_167 : i32
        %dma_wait3A_169 = arith.constant 0 : i32
        %dma_wait3A_170 = arith.constant 0 : i32
        %dma_wait3A_171 = tpu.memref_slice %arg8[%dma_wait3A_169, %dma_wait3A_170] : memref<84x128xi32, #tpu.memory_space<vmem>> -> memref<1x128xi32, #tpu.memory_space<vmem>>
        %dma_wait3A_172 = tpu.memref_squeeze %dma_wait3A_171 : memref<1x128xi32, #tpu.memory_space<vmem>> -> memref<128xi32, #tpu.memory_space<vmem>>
        %dma_wait3A_173 = arith.constant 0 : i32
        %dma_wait3A_174 = arith.constant 0 : i32
        %dma_wait3A_175 = tpu.memref_slice %arg19[%dma_wait3A_173, %dma_wait3A_174] : memref<10240x64xf32, #tpu.memory_space<vmem_shared>> -> memref<10240x64xf32, #tpu.memory_space<vmem_shared>>
        tpu.wait_indirect_dma semaphore(%arg13 : memref<!tpu.dma_semaphore, #tpu.memory_space<semaphore_mem>>) src(%dma_wait3A_175 : memref<10240x64xf32, #tpu.memory_space<vmem_shared>>) dst(%arg10 : memref<128x64xf32, #tpu.memory_space<vmem>>)
        %dma_start3A_176 = arith.constant 0 : i32
        %dma_start3A_177 = tpu.memref_slice %arg9[%add3A_168, %dma_start3A_176] : memref<84x128xi32, #tpu.memory_space<vmem>> -> memref<1x128xi32, #tpu.memory_space<vmem>>
        %dma_start3A_178 = tpu.memref_squeeze %dma_start3A_177 : memref<1x128xi32, #tpu.memory_space<vmem>> -> memref<128xi32, #tpu.memory_space<vmem>>
        %dma_start3A_179 = arith.constant 0 : i32
        %dma_start3A_180 = arith.constant 0 : i32
        %dma_start3A_181 = tpu.memref_slice %arg20[%dma_start3A_179, %dma_start3A_180] : memref<10240x64xf32, #tpu.memory_space<vmem_shared>> -> memref<10240x64xf32, #tpu.memory_space<vmem_shared>>
        tpu.enqueue_indirect_dma source(%arg10 : memref<128x64xf32, #tpu.memory_space<vmem>>) target(%dma_start3A_181 : memref<10240x64xf32, #tpu.memory_space<vmem_shared>>) offsets(%dma_start3A_178 : memref<128xi32, #tpu.memory_space<vmem>>) semaphore(%arg16 : memref<!tpu.dma_semaphore, #tpu.memory_space<semaphore_mem>>) {add = true}
        %mul3A_182 = arith.constant 3 : i32
        %mul3A_183 = arith.muli %mul3A_182, %scan3A_120 : i32
        %add3A_184 = arith.constant 1 : i32
        %add3A_185 = arith.addi %mul3A_183, %add3A_184 : i32
        %dma_wait3A_186 = arith.constant 0 : i32
        %dma_wait3A_187 = arith.constant 0 : i32
        %dma_wait3A_188 = tpu.memref_slice %arg8[%dma_wait3A_186, %dma_wait3A_187] : memref<84x128xi32, #tpu.memory_space<vmem>> -> memref<1x128xi32, #tpu.memory_space<vmem>>
        %dma_wait3A_189 = tpu.memref_squeeze %dma_wait3A_188 : memref<1x128xi32, #tpu.memory_space<vmem>> -> memref<128xi32, #tpu.memory_space<vmem>>
        %dma_wait3A_190 = arith.constant 0 : i32
        %dma_wait3A_191 = arith.constant 0 : i32
        %dma_wait3A_192 = tpu.memref_slice %arg19[%dma_wait3A_190, %dma_wait3A_191] : memref<10240x64xf32, #tpu.memory_space<vmem_shared>> -> memref<10240x64xf32, #tpu.memory_space<vmem_shared>>
        tpu.wait_indirect_dma semaphore(%arg14 : memref<!tpu.dma_semaphore, #tpu.memory_space<semaphore_mem>>) src(%dma_wait3A_192 : memref<10240x64xf32, #tpu.memory_space<vmem_shared>>) dst(%arg11 : memref<128x64xf32, #tpu.memory_space<vmem>>)
        %dma_start3A_193 = arith.constant 0 : i32
        %dma_start3A_194 = tpu.memref_slice %arg9[%add3A_185, %dma_start3A_193] : memref<84x128xi32, #tpu.memory_space<vmem>> -> memref<1x128xi32, #tpu.memory_space<vmem>>
        %dma_start3A_195 = tpu.memref_squeeze %dma_start3A_194 : memref<1x128xi32, #tpu.memory_space<vmem>> -> memref<128xi32, #tpu.memory_space<vmem>>
        %dma_start3A_196 = arith.constant 0 : i32
        %dma_start3A_197 = arith.constant 0 : i32
        %dma_start3A_198 = tpu.memref_slice %arg20[%dma_start3A_196, %dma_start3A_197] : memref<10240x64xf32, #tpu.memory_space<vmem_shared>> -> memref<10240x64xf32, #tpu.memory_space<vmem_shared>>
        tpu.enqueue_indirect_dma source(%arg11 : memref<128x64xf32, #tpu.memory_space<vmem>>) target(%dma_start3A_198 : memref<10240x64xf32, #tpu.memory_space<vmem_shared>>) offsets(%dma_start3A_195 : memref<128xi32, #tpu.memory_space<vmem>>) semaphore(%arg17 : memref<!tpu.dma_semaphore, #tpu.memory_space<semaphore_mem>>) {add = true}
        %mul3A_199 = arith.constant 3 : i32
        %mul3A_200 = arith.muli %mul3A_199, %scan3A_120 : i32
        %add3A_201 = arith.constant 2 : i32
        %add3A_202 = arith.addi %mul3A_200, %add3A_201 : i32
        %dma_wait3A_203 = arith.constant 0 : i32
        %dma_wait3A_204 = arith.constant 0 : i32
        %dma_wait3A_205 = tpu.memref_slice %arg8[%dma_wait3A_203, %dma_wait3A_204] : memref<84x128xi32, #tpu.memory_space<vmem>> -> memref<1x128xi32, #tpu.memory_space<vmem>>
        %dma_wait3A_206 = tpu.memref_squeeze %dma_wait3A_205 : memref<1x128xi32, #tpu.memory_space<vmem>> -> memref<128xi32, #tpu.memory_space<vmem>>
        %dma_wait3A_207 = arith.constant 0 : i32
        %dma_wait3A_208 = arith.constant 0 : i32
        %dma_wait3A_209 = tpu.memref_slice %arg19[%dma_wait3A_207, %dma_wait3A_208] : memref<10240x64xf32, #tpu.memory_space<vmem_shared>> -> memref<10240x64xf32, #tpu.memory_space<vmem_shared>>
        tpu.wait_indirect_dma semaphore(%arg15 : memref<!tpu.dma_semaphore, #tpu.memory_space<semaphore_mem>>) src(%dma_wait3A_209 : memref<10240x64xf32, #tpu.memory_space<vmem_shared>>) dst(%arg12 : memref<128x64xf32, #tpu.memory_space<vmem>>)
        %dma_start3A_210 = arith.constant 0 : i32
        %dma_start3A_211 = tpu.memref_slice %arg9[%add3A_202, %dma_start3A_210] : memref<84x128xi32, #tpu.memory_space<vmem>> -> memref<1x128xi32, #tpu.memory_space<vmem>>
        %dma_start3A_212 = tpu.memref_squeeze %dma_start3A_211 : memref<1x128xi32, #tpu.memory_space<vmem>> -> memref<128xi32, #tpu.memory_space<vmem>>
        %dma_start3A_213 = arith.constant 0 : i32
        %dma_start3A_214 = arith.constant 0 : i32
        %dma_start3A_215 = tpu.memref_slice %arg20[%dma_start3A_213, %dma_start3A_214] : memref<10240x64xf32, #tpu.memory_space<vmem_shared>> -> memref<10240x64xf32, #tpu.memory_space<vmem_shared>>
        tpu.enqueue_indirect_dma source(%arg12 : memref<128x64xf32, #tpu.memory_space<vmem>>) target(%dma_start3A_215 : memref<10240x64xf32, #tpu.memory_space<vmem_shared>>) offsets(%dma_start3A_212 : memref<128xi32, #tpu.memory_space<vmem>>) semaphore(%arg18 : memref<!tpu.dma_semaphore, #tpu.memory_space<semaphore_mem>>) {add = true}
      }
      %scan3A_96 = arith.constant 26 : i32
      %dma_wait3A_97 = arith.constant 0 : i32
      %dma_wait3A_98 = arith.constant 0 : i32
      %dma_wait3A_99 = tpu.memref_slice %arg9[%dma_wait3A_97, %dma_wait3A_98] : memref<84x128xi32, #tpu.memory_space<vmem>> -> memref<1x128xi32, #tpu.memory_space<vmem>>
      %dma_wait3A_100 = tpu.memref_squeeze %dma_wait3A_99 : memref<1x128xi32, #tpu.memory_space<vmem>> -> memref<128xi32, #tpu.memory_space<vmem>>
      %dma_wait3A_101 = arith.constant 0 : i32
      %dma_wait3A_102 = arith.constant 0 : i32
      %dma_wait3A_103 = tpu.memref_slice %arg20[%dma_wait3A_101, %dma_wait3A_102] : memref<10240x64xf32, #tpu.memory_space<vmem_shared>> -> memref<10240x64xf32, #tpu.memory_space<vmem_shared>>
      tpu.wait_indirect_dma semaphore(%arg16 : memref<!tpu.dma_semaphore, #tpu.memory_space<semaphore_mem>>) src(%arg10 : memref<128x64xf32, #tpu.memory_space<vmem>>) dst(%dma_wait3A_103 : memref<10240x64xf32, #tpu.memory_space<vmem_shared>>)
      %dma_wait3A_104 = arith.constant 0 : i32
      %dma_wait3A_105 = arith.constant 0 : i32
      %dma_wait3A_106 = tpu.memref_slice %arg9[%dma_wait3A_104, %dma_wait3A_105] : memref<84x128xi32, #tpu.memory_space<vmem>> -> memref<1x128xi32, #tpu.memory_space<vmem>>
      %dma_wait3A_107 = tpu.memref_squeeze %dma_wait3A_106 : memref<1x128xi32, #tpu.memory_space<vmem>> -> memref<128xi32, #tpu.memory_space<vmem>>
      %dma_wait3A_108 = arith.constant 0 : i32
      %dma_wait3A_109 = arith.constant 0 : i32
      %dma_wait3A_110 = tpu.memref_slice %arg20[%dma_wait3A_108, %dma_wait3A_109] : memref<10240x64xf32, #tpu.memory_space<vmem_shared>> -> memref<10240x64xf32, #tpu.memory_space<vmem_shared>>
      tpu.wait_indirect_dma semaphore(%arg17 : memref<!tpu.dma_semaphore, #tpu.memory_space<semaphore_mem>>) src(%arg11 : memref<128x64xf32, #tpu.memory_space<vmem>>) dst(%dma_wait3A_110 : memref<10240x64xf32, #tpu.memory_space<vmem_shared>>)
      %dma_wait3A_111 = arith.constant 0 : i32
      %dma_wait3A_112 = arith.constant 0 : i32
      %dma_wait3A_113 = tpu.memref_slice %arg9[%dma_wait3A_111, %dma_wait3A_112] : memref<84x128xi32, #tpu.memory_space<vmem>> -> memref<1x128xi32, #tpu.memory_space<vmem>>
      %dma_wait3A_114 = tpu.memref_squeeze %dma_wait3A_113 : memref<1x128xi32, #tpu.memory_space<vmem>> -> memref<128xi32, #tpu.memory_space<vmem>>
      %dma_wait3A_115 = arith.constant 0 : i32
      %dma_wait3A_116 = arith.constant 0 : i32
      %dma_wait3A_117 = tpu.memref_slice %arg20[%dma_wait3A_115, %dma_wait3A_116] : memref<10240x64xf32, #tpu.memory_space<vmem_shared>> -> memref<10240x64xf32, #tpu.memory_space<vmem_shared>>
      tpu.wait_indirect_dma semaphore(%arg18 : memref<!tpu.dma_semaphore, #tpu.memory_space<semaphore_mem>>) src(%arg12 : memref<128x64xf32, #tpu.memory_space<vmem>>) dst(%dma_wait3A_117 : memref<10240x64xf32, #tpu.memory_space<vmem_shared>>)
      %barrier3A_118 = arith.constant 0 : index
      tpu.barrier barrier_id(%barrier3A_118)
      "tpu.region"() ({
        %run_scoped3A = tpu.sem_alloc : memref<!tpu.dma_semaphore, #tpu.memory_space<semaphore_mem>>
        %dma_start3A_120 = arith.constant 0 : i32
        %dma_start3A_121 = tpu.memref_slice %arg7[%arg0, %mul3A_63, %dma_start3A_120] : memref<2x10240x64xf32, #tpu.memory_space<hbm>> -> memref<1x640x64xf32, #tpu.memory_space<hbm>>
        %dma_start3A_122 = tpu.memref_squeeze %dma_start3A_121 : memref<1x640x64xf32, #tpu.memory_space<hbm>> -> memref<640x64xf32, #tpu.memory_space<hbm>>
        %dma_start3A_123 = arith.constant 0 : i32
        %dma_start3A_124 = tpu.memref_slice %arg20[%mul3A_63, %dma_start3A_123] : memref<10240x64xf32, #tpu.memory_space<vmem_shared>> -> memref<640x64xf32, #tpu.memory_space<vmem_shared>>
        tpu.enqueue_dma source(%dma_start3A_124 : memref<640x64xf32, #tpu.memory_space<vmem_shared>>) target(%dma_start3A_122 : memref<640x64xf32, #tpu.memory_space<hbm>>) target_semaphore(%run_scoped3A : memref<!tpu.dma_semaphore, #tpu.memory_space<semaphore_mem>>)
        %dma_wait3A_125 = arith.constant 0 : i32
        %dma_wait3A_126 = tpu.memref_slice %arg7[%arg0, %mul3A_63, %dma_wait3A_125] : memref<2x10240x64xf32, #tpu.memory_space<hbm>> -> memref<1x640x64xf32, #tpu.memory_space<hbm>>
        %dma_wait3A_127 = tpu.memref_squeeze %dma_wait3A_126 : memref<1x640x64xf32, #tpu.memory_space<hbm>> -> memref<640x64xf32, #tpu.memory_space<hbm>>
        %dma_wait3A_128 = arith.constant 0 : i32
        %dma_wait3A_129 = tpu.memref_slice %arg20[%mul3A_63, %dma_wait3A_128] : memref<10240x64xf32, #tpu.memory_space<vmem_shared>> -> memref<640x64xf32, #tpu.memory_space<vmem_shared>>
        tpu.wait_dma2 semaphore(%run_scoped3A : memref<!tpu.dma_semaphore, #tpu.memory_space<semaphore_mem>>) src(%dma_wait3A_129 : memref<640x64xf32, #tpu.memory_space<vmem_shared>>) dst(%dma_wait3A_127 : memref<640x64xf32, #tpu.memory_space<hbm>>)
        tpu.yield
      }) : () -> ()
      %barrier3A_119 = arith.constant 0 : index
      tpu.barrier barrier_id(%barrier3A_119)
    } else {
    }
    return
  }
}

#map = affine_map<(d0, d1) -> (0, 0)>
#map1 = affine_map<(d0, d1) -> (0, 0, 0)>
module attributes {stable_mosaic.version = 14 : i64} {
  func.func @_agg1_kernel(%arg0: i32, %arg1: i32, %arg2: memref<10240x64xf32, #tpu.memory_space<hbm>>, %arg3: memref<2592x128xi32, #tpu.memory_space<hbm>>, %arg4: memref<2592x128xi32, #tpu.memory_space<hbm>>, %arg5: memref<2x10240x64xf32, #tpu.memory_space<hbm>>, %arg6: memref<84x128xi32, #tpu.memory_space<vmem>>, %arg7: memref<84x128xi32, #tpu.memory_space<vmem>>, %arg8: memref<128x64xf32, #tpu.memory_space<vmem>>, %arg9: memref<128x64xf32, #tpu.memory_space<vmem>>, %arg10: memref<128x64xf32, #tpu.memory_space<vmem>>, %arg11: memref<!tpu.dma_semaphore, #tpu.memory_space<semaphore_mem>>, %arg12: memref<!tpu.dma_semaphore, #tpu.memory_space<semaphore_mem>>, %arg13: memref<!tpu.dma_semaphore, #tpu.memory_space<semaphore_mem>>, %arg14: memref<!tpu.dma_semaphore, #tpu.memory_space<semaphore_mem>>, %arg15: memref<!tpu.dma_semaphore, #tpu.memory_space<semaphore_mem>>, %arg16: memref<!tpu.dma_semaphore, #tpu.memory_space<semaphore_mem>>, %arg17: memref<10240x64xf32, #tpu.memory_space<vmem_shared>>, %arg18: memref<10240x64xf32, #tpu.memory_space<vmem_shared>>) attributes {dimension_semantics = [#tpu.dimension_semantics<core_parallel>, #tpu.dimension_semantics<subcore_parallel>], iteration_bounds = array<i64: 2, 16>, scalar_prefetch = 0 : i64, scratch_operands = 13 : i64, tpu.core_type = #tpu.core_type<sc_vector_subcore>, window_params = [{transform_indices = #map}, {transform_indices = #map}, {transform_indices = #map}, {transform_indices = #map1}]} {
    %eq3A = arith.constant 0 : i32
    %eq3A_0 = arith.cmpi eq, %arg0, %eq3A : i32
    %convert_element_type3A = arith.extui %eq3A_0 : i1 to i32
    %cond3A = arith.constant 0 : i32
    %cond3A_1 = arith.cmpi ne, %convert_element_type3A, %cond3A : i32
    scf.if %cond3A_1 {
      %mul3A = arith.constant 84 : i32
      %mul3A_7 = arith.muli %arg1, %mul3A : i32
      "tpu.region"() ({
        %run_scoped3A = tpu.sem_alloc : memref<!tpu.dma_semaphore, #tpu.memory_space<semaphore_mem>>
        %dma_start3A_60 = arith.constant 0 : i32
        %dma_start3A_61 = arith.constant 0 : i32
        %dma_start3A_62 = tpu.memref_slice %arg6[%dma_start3A_60, %dma_start3A_61] : memref<84x128xi32, #tpu.memory_space<vmem>> -> memref<84x128xi32, #tpu.memory_space<vmem>>
        %dma_start3A_63 = arith.constant 0 : i32
        %dma_start3A_64 = tpu.memref_slice %arg3[%mul3A_7, %dma_start3A_63] : memref<2592x128xi32, #tpu.memory_space<hbm>> -> memref<84x128xi32, #tpu.memory_space<hbm>>
        %dma_start3A_65 = arith.constant 0 : i32
        %dma_start3A_66 = arith.constant 0 : i32
        %dma_start3A_67 = tpu.memref_slice %arg6[%dma_start3A_65, %dma_start3A_66] : memref<84x128xi32, #tpu.memory_space<vmem>> -> memref<84x128xi32, #tpu.memory_space<vmem>>
        %dma_start3A_68 = arith.constant 0 : i32
        %dma_start3A_69 = tpu.memref_slice %arg3[%mul3A_7, %dma_start3A_68] : memref<2592x128xi32, #tpu.memory_space<hbm>> -> memref<84x128xi32, #tpu.memory_space<hbm>>
        tpu.enqueue_dma source(%dma_start3A_69 : memref<84x128xi32, #tpu.memory_space<hbm>>) target(%dma_start3A_67 : memref<84x128xi32, #tpu.memory_space<vmem>>) target_semaphore(%run_scoped3A : memref<!tpu.dma_semaphore, #tpu.memory_space<semaphore_mem>>)
        %dma_wait3A_70 = arith.constant 0 : i32
        %dma_wait3A_71 = arith.constant 0 : i32
        %dma_wait3A_72 = tpu.memref_slice %arg6[%dma_wait3A_70, %dma_wait3A_71] : memref<84x128xi32, #tpu.memory_space<vmem>> -> memref<84x128xi32, #tpu.memory_space<vmem>>
        %dma_wait3A_73 = arith.constant 0 : i32
        %dma_wait3A_74 = tpu.memref_slice %arg3[%mul3A_7, %dma_wait3A_73] : memref<2592x128xi32, #tpu.memory_space<hbm>> -> memref<84x128xi32, #tpu.memory_space<hbm>>
        %dma_wait3A_75 = arith.constant 0 : i32
        %dma_wait3A_76 = arith.constant 0 : i32
        %dma_wait3A_77 = tpu.memref_slice %arg6[%dma_wait3A_75, %dma_wait3A_76] : memref<84x128xi32, #tpu.memory_space<vmem>> -> memref<84x128xi32, #tpu.memory_space<vmem>>
        %dma_wait3A_78 = arith.constant 0 : i32
        %dma_wait3A_79 = tpu.memref_slice %arg3[%mul3A_7, %dma_wait3A_78] : memref<2592x128xi32, #tpu.memory_space<hbm>> -> memref<84x128xi32, #tpu.memory_space<hbm>>
        tpu.wait_dma2 semaphore(%run_scoped3A : memref<!tpu.dma_semaphore, #tpu.memory_space<semaphore_mem>>) src(%dma_wait3A_79 : memref<84x128xi32, #tpu.memory_space<hbm>>) dst(%dma_wait3A_77 : memref<84x128xi32, #tpu.memory_space<vmem>>)
        tpu.yield
      }) : () -> ()
      "tpu.region"() ({
        %run_scoped3A = tpu.sem_alloc : memref<!tpu.dma_semaphore, #tpu.memory_space<semaphore_mem>>
        %dma_start3A_60 = arith.constant 0 : i32
        %dma_start3A_61 = arith.constant 0 : i32
        %dma_start3A_62 = tpu.memref_slice %arg7[%dma_start3A_60, %dma_start3A_61] : memref<84x128xi32, #tpu.memory_space<vmem>> -> memref<84x128xi32, #tpu.memory_space<vmem>>
        %dma_start3A_63 = arith.constant 0 : i32
        %dma_start3A_64 = tpu.memref_slice %arg4[%mul3A_7, %dma_start3A_63] : memref<2592x128xi32, #tpu.memory_space<hbm>> -> memref<84x128xi32, #tpu.memory_space<hbm>>
        %dma_start3A_65 = arith.constant 0 : i32
        %dma_start3A_66 = arith.constant 0 : i32
        %dma_start3A_67 = tpu.memref_slice %arg7[%dma_start3A_65, %dma_start3A_66] : memref<84x128xi32, #tpu.memory_space<vmem>> -> memref<84x128xi32, #tpu.memory_space<vmem>>
        %dma_start3A_68 = arith.constant 0 : i32
        %dma_start3A_69 = tpu.memref_slice %arg4[%mul3A_7, %dma_start3A_68] : memref<2592x128xi32, #tpu.memory_space<hbm>> -> memref<84x128xi32, #tpu.memory_space<hbm>>
        tpu.enqueue_dma source(%dma_start3A_69 : memref<84x128xi32, #tpu.memory_space<hbm>>) target(%dma_start3A_67 : memref<84x128xi32, #tpu.memory_space<vmem>>) target_semaphore(%run_scoped3A : memref<!tpu.dma_semaphore, #tpu.memory_space<semaphore_mem>>)
        %dma_wait3A_70 = arith.constant 0 : i32
        %dma_wait3A_71 = arith.constant 0 : i32
        %dma_wait3A_72 = tpu.memref_slice %arg7[%dma_wait3A_70, %dma_wait3A_71] : memref<84x128xi32, #tpu.memory_space<vmem>> -> memref<84x128xi32, #tpu.memory_space<vmem>>
        %dma_wait3A_73 = arith.constant 0 : i32
        %dma_wait3A_74 = tpu.memref_slice %arg4[%mul3A_7, %dma_wait3A_73] : memref<2592x128xi32, #tpu.memory_space<hbm>> -> memref<84x128xi32, #tpu.memory_space<hbm>>
        %dma_wait3A_75 = arith.constant 0 : i32
        %dma_wait3A_76 = arith.constant 0 : i32
        %dma_wait3A_77 = tpu.memref_slice %arg7[%dma_wait3A_75, %dma_wait3A_76] : memref<84x128xi32, #tpu.memory_space<vmem>> -> memref<84x128xi32, #tpu.memory_space<vmem>>
        %dma_wait3A_78 = arith.constant 0 : i32
        %dma_wait3A_79 = tpu.memref_slice %arg4[%mul3A_7, %dma_wait3A_78] : memref<2592x128xi32, #tpu.memory_space<hbm>> -> memref<84x128xi32, #tpu.memory_space<hbm>>
        tpu.wait_dma2 semaphore(%run_scoped3A : memref<!tpu.dma_semaphore, #tpu.memory_space<semaphore_mem>>) src(%dma_wait3A_79 : memref<84x128xi32, #tpu.memory_space<hbm>>) dst(%dma_wait3A_77 : memref<84x128xi32, #tpu.memory_space<vmem>>)
        tpu.yield
      }) : () -> ()
      %mul3A_8 = arith.constant 640 : i32
      %mul3A_9 = arith.muli %arg1, %mul3A_8 : i32
      %dma_start3A = arith.constant 0 : i32
      %dma_start3A_10 = tpu.memref_slice %arg17[%mul3A_9, %dma_start3A] : memref<10240x64xf32, #tpu.memory_space<vmem_shared>> -> memref<640x64xf32, #tpu.memory_space<vmem_shared>>
      %dma_start3A_11 = arith.constant 0 : i32
      %dma_start3A_12 = tpu.memref_slice %arg2[%mul3A_9, %dma_start3A_11] : memref<10240x64xf32, #tpu.memory_space<hbm>> -> memref<640x64xf32, #tpu.memory_space<hbm>>
      tpu.enqueue_dma source(%dma_start3A_12 : memref<640x64xf32, #tpu.memory_space<hbm>>) target(%dma_start3A_10 : memref<640x64xf32, #tpu.memory_space<vmem_shared>>) target_semaphore(%arg11 : memref<!tpu.dma_semaphore, #tpu.memory_space<semaphore_mem>>)
      %broadcast_in_dim3A = arith.constant 0.000000e+00 : f32
      %broadcast_in_dim3A_13 = vector.broadcast %broadcast_in_dim3A : f32 to vector<16xf32>
      %scan3A = arith.constant 0 : i32
      %scan3A_14 = arith.constant 0 : i32
      %scan3A_15 = arith.constant 128 : i32
      %scan3A_16 = arith.addi %scan3A_14, %scan3A_15 : i32
      %scan3A_17 = arith.constant 1 : i32
      scf.for %scan3A_60 = %scan3A_14 to %scan3A_16 step %scan3A_17  : i32 {
        %swap3A = arith.index_cast %scan3A_60 : i32 to index
        %swap3A_61 = arith.constant 0 : index
        %swap3A_62 = tpu.vector_load %arg8[%swap3A, %swap3A_61] {strides = array<i32>} : memref<128x64xf32, #tpu.memory_space<vmem>>, vector<1x16xf32>,
        %swap3A_63 = vector.shape_cast %swap3A_62 : vector<1x16xf32> to vector<16xf32>
        %swap3A_64 = vector.shape_cast %broadcast_in_dim3A_13 : vector<16xf32> to vector<1x16xf32>
        tpu.vector_store %arg8[%swap3A, %swap3A_61], %swap3A_64 {strides = array<i32>} : memref<128x64xf32, #tpu.memory_space<vmem>>, vector<1x16xf32>,
        %swap3A_65 = arith.index_cast %scan3A_60 : i32 to index
        %swap3A_66 = arith.constant 16 : index
        %swap3A_67 = tpu.vector_load %arg8[%swap3A_65, %swap3A_66] {strides = array<i32>} : memref<128x64xf32, #tpu.memory_space<vmem>>, vector<1x16xf32>,
        %swap3A_68 = vector.shape_cast %swap3A_67 : vector<1x16xf32> to vector<16xf32>
        %swap3A_69 = vector.shape_cast %broadcast_in_dim3A_13 : vector<16xf32> to vector<1x16xf32>
        tpu.vector_store %arg8[%swap3A_65, %swap3A_66], %swap3A_69 {strides = array<i32>} : memref<128x64xf32, #tpu.memory_space<vmem>>, vector<1x16xf32>,
        %swap3A_70 = arith.index_cast %scan3A_60 : i32 to index
        %swap3A_71 = arith.constant 32 : index
        %swap3A_72 = tpu.vector_load %arg8[%swap3A_70, %swap3A_71] {strides = array<i32>} : memref<128x64xf32, #tpu.memory_space<vmem>>, vector<1x16xf32>,
        %swap3A_73 = vector.shape_cast %swap3A_72 : vector<1x16xf32> to vector<16xf32>
        %swap3A_74 = vector.shape_cast %broadcast_in_dim3A_13 : vector<16xf32> to vector<1x16xf32>
        tpu.vector_store %arg8[%swap3A_70, %swap3A_71], %swap3A_74 {strides = array<i32>} : memref<128x64xf32, #tpu.memory_space<vmem>>, vector<1x16xf32>,
        %swap3A_75 = arith.index_cast %scan3A_60 : i32 to index
        %swap3A_76 = arith.constant 48 : index
        %swap3A_77 = tpu.vector_load %arg8[%swap3A_75, %swap3A_76] {strides = array<i32>} : memref<128x64xf32, #tpu.memory_space<vmem>>, vector<1x16xf32>,
        %swap3A_78 = vector.shape_cast %swap3A_77 : vector<1x16xf32> to vector<16xf32>
        %swap3A_79 = vector.shape_cast %broadcast_in_dim3A_13 : vector<16xf32> to vector<1x16xf32>
        tpu.vector_store %arg8[%swap3A_75, %swap3A_76], %swap3A_79 {strides = array<i32>} : memref<128x64xf32, #tpu.memory_space<vmem>>, vector<1x16xf32>,
      }
      %scan3A_18 = arith.constant 128 : i32
      %add3A = arith.constant 0 : i32
      %add3A_19 = arith.addi %mul3A_9, %add3A : i32
      "tpu.region"() ({
        %run_scoped3A = tpu.sem_alloc : memref<!tpu.dma_semaphore, #tpu.memory_space<semaphore_mem>>
        %dma_start3A_60 = arith.constant 0 : i32
        %dma_start3A_61 = tpu.memref_slice %arg18[%add3A_19, %dma_start3A_60] : memref<10240x64xf32, #tpu.memory_space<vmem_shared>> -> memref<128x64xf32, #tpu.memory_space<vmem_shared>>
        %dma_start3A_62 = arith.constant 0 : i32
        %dma_start3A_63 = tpu.memref_slice %arg18[%add3A_19, %dma_start3A_62] : memref<10240x64xf32, #tpu.memory_space<vmem_shared>> -> memref<128x64xf32, #tpu.memory_space<vmem_shared>>
        tpu.enqueue_dma source(%arg8 : memref<128x64xf32, #tpu.memory_space<vmem>>) target(%dma_start3A_63 : memref<128x64xf32, #tpu.memory_space<vmem_shared>>) target_semaphore(%run_scoped3A : memref<!tpu.dma_semaphore, #tpu.memory_space<semaphore_mem>>)
        %dma_wait3A_64 = arith.constant 0 : i32
        %dma_wait3A_65 = tpu.memref_slice %arg18[%add3A_19, %dma_wait3A_64] : memref<10240x64xf32, #tpu.memory_space<vmem_shared>> -> memref<128x64xf32, #tpu.memory_space<vmem_shared>>
        %dma_wait3A_66 = arith.constant 0 : i32
        %dma_wait3A_67 = tpu.memref_slice %arg18[%add3A_19, %dma_wait3A_66] : memref<10240x64xf32, #tpu.memory_space<vmem_shared>> -> memref<128x64xf32, #tpu.memory_space<vmem_shared>>
        tpu.wait_dma2 semaphore(%run_scoped3A : memref<!tpu.dma_semaphore, #tpu.memory_space<semaphore_mem>>) src(%arg8 : memref<128x64xf32, #tpu.memory_space<vmem>>) dst(%dma_wait3A_67 : memref<128x64xf32, #tpu.memory_space<vmem_shared>>)
        tpu.yield
      }) : () -> ()
      %add3A_20 = arith.constant 128 : i32
      %add3A_21 = arith.addi %mul3A_9, %add3A_20 : i32
      "tpu.region"() ({
        %run_scoped3A = tpu.sem_alloc : memref<!tpu.dma_semaphore, #tpu.memory_space<semaphore_mem>>
        %dma_start3A_60 = arith.constant 0 : i32
        %dma_start3A_61 = tpu.memref_slice %arg18[%add3A_21, %dma_start3A_60] : memref<10240x64xf32, #tpu.memory_space<vmem_shared>> -> memref<128x64xf32, #tpu.memory_space<vmem_shared>>
        %dma_start3A_62 = arith.constant 0 : i32
        %dma_start3A_63 = tpu.memref_slice %arg18[%add3A_21, %dma_start3A_62] : memref<10240x64xf32, #tpu.memory_space<vmem_shared>> -> memref<128x64xf32, #tpu.memory_space<vmem_shared>>
        tpu.enqueue_dma source(%arg8 : memref<128x64xf32, #tpu.memory_space<vmem>>) target(%dma_start3A_63 : memref<128x64xf32, #tpu.memory_space<vmem_shared>>) target_semaphore(%run_scoped3A : memref<!tpu.dma_semaphore, #tpu.memory_space<semaphore_mem>>)
        %dma_wait3A_64 = arith.constant 0 : i32
        %dma_wait3A_65 = tpu.memref_slice %arg18[%add3A_21, %dma_wait3A_64] : memref<10240x64xf32, #tpu.memory_space<vmem_shared>> -> memref<128x64xf32, #tpu.memory_space<vmem_shared>>
        %dma_wait3A_66 = arith.constant 0 : i32
        %dma_wait3A_67 = tpu.memref_slice %arg18[%add3A_21, %dma_wait3A_66] : memref<10240x64xf32, #tpu.memory_space<vmem_shared>> -> memref<128x64xf32, #tpu.memory_space<vmem_shared>>
        tpu.wait_dma2 semaphore(%run_scoped3A : memref<!tpu.dma_semaphore, #tpu.memory_space<semaphore_mem>>) src(%arg8 : memref<128x64xf32, #tpu.memory_space<vmem>>) dst(%dma_wait3A_67 : memref<128x64xf32, #tpu.memory_space<vmem_shared>>)
        tpu.yield
      }) : () -> ()
      %add3A_22 = arith.constant 256 : i32
      %add3A_23 = arith.addi %mul3A_9, %add3A_22 : i32
      "tpu.region"() ({
        %run_scoped3A = tpu.sem_alloc : memref<!tpu.dma_semaphore, #tpu.memory_space<semaphore_mem>>
        %dma_start3A_60 = arith.constant 0 : i32
        %dma_start3A_61 = tpu.memref_slice %arg18[%add3A_23, %dma_start3A_60] : memref<10240x64xf32, #tpu.memory_space<vmem_shared>> -> memref<128x64xf32, #tpu.memory_space<vmem_shared>>
        %dma_start3A_62 = arith.constant 0 : i32
        %dma_start3A_63 = tpu.memref_slice %arg18[%add3A_23, %dma_start3A_62] : memref<10240x64xf32, #tpu.memory_space<vmem_shared>> -> memref<128x64xf32, #tpu.memory_space<vmem_shared>>
        tpu.enqueue_dma source(%arg8 : memref<128x64xf32, #tpu.memory_space<vmem>>) target(%dma_start3A_63 : memref<128x64xf32, #tpu.memory_space<vmem_shared>>) target_semaphore(%run_scoped3A : memref<!tpu.dma_semaphore, #tpu.memory_space<semaphore_mem>>)
        %dma_wait3A_64 = arith.constant 0 : i32
        %dma_wait3A_65 = tpu.memref_slice %arg18[%add3A_23, %dma_wait3A_64] : memref<10240x64xf32, #tpu.memory_space<vmem_shared>> -> memref<128x64xf32, #tpu.memory_space<vmem_shared>>
        %dma_wait3A_66 = arith.constant 0 : i32
        %dma_wait3A_67 = tpu.memref_slice %arg18[%add3A_23, %dma_wait3A_66] : memref<10240x64xf32, #tpu.memory_space<vmem_shared>> -> memref<128x64xf32, #tpu.memory_space<vmem_shared>>
        tpu.wait_dma2 semaphore(%run_scoped3A : memref<!tpu.dma_semaphore, #tpu.memory_space<semaphore_mem>>) src(%arg8 : memref<128x64xf32, #tpu.memory_space<vmem>>) dst(%dma_wait3A_67 : memref<128x64xf32, #tpu.memory_space<vmem_shared>>)
        tpu.yield
      }) : () -> ()
      %add3A_24 = arith.constant 384 : i32
      %add3A_25 = arith.addi %mul3A_9, %add3A_24 : i32
      "tpu.region"() ({
        %run_scoped3A = tpu.sem_alloc : memref<!tpu.dma_semaphore, #tpu.memory_space<semaphore_mem>>
        %dma_start3A_60 = arith.constant 0 : i32
        %dma_start3A_61 = tpu.memref_slice %arg18[%add3A_25, %dma_start3A_60] : memref<10240x64xf32, #tpu.memory_space<vmem_shared>> -> memref<128x64xf32, #tpu.memory_space<vmem_shared>>
        %dma_start3A_62 = arith.constant 0 : i32
        %dma_start3A_63 = tpu.memref_slice %arg18[%add3A_25, %dma_start3A_62] : memref<10240x64xf32, #tpu.memory_space<vmem_shared>> -> memref<128x64xf32, #tpu.memory_space<vmem_shared>>
        tpu.enqueue_dma source(%arg8 : memref<128x64xf32, #tpu.memory_space<vmem>>) target(%dma_start3A_63 : memref<128x64xf32, #tpu.memory_space<vmem_shared>>) target_semaphore(%run_scoped3A : memref<!tpu.dma_semaphore, #tpu.memory_space<semaphore_mem>>)
        %dma_wait3A_64 = arith.constant 0 : i32
        %dma_wait3A_65 = tpu.memref_slice %arg18[%add3A_25, %dma_wait3A_64] : memref<10240x64xf32, #tpu.memory_space<vmem_shared>> -> memref<128x64xf32, #tpu.memory_space<vmem_shared>>
        %dma_wait3A_66 = arith.constant 0 : i32
        %dma_wait3A_67 = tpu.memref_slice %arg18[%add3A_25, %dma_wait3A_66] : memref<10240x64xf32, #tpu.memory_space<vmem_shared>> -> memref<128x64xf32, #tpu.memory_space<vmem_shared>>
        tpu.wait_dma2 semaphore(%run_scoped3A : memref<!tpu.dma_semaphore, #tpu.memory_space<semaphore_mem>>) src(%arg8 : memref<128x64xf32, #tpu.memory_space<vmem>>) dst(%dma_wait3A_67 : memref<128x64xf32, #tpu.memory_space<vmem_shared>>)
        tpu.yield
      }) : () -> ()
      %add3A_26 = arith.constant 512 : i32
      %add3A_27 = arith.addi %mul3A_9, %add3A_26 : i32
      "tpu.region"() ({
        %run_scoped3A = tpu.sem_alloc : memref<!tpu.dma_semaphore, #tpu.memory_space<semaphore_mem>>
        %dma_start3A_60 = arith.constant 0 : i32
        %dma_start3A_61 = tpu.memref_slice %arg18[%add3A_27, %dma_start3A_60] : memref<10240x64xf32, #tpu.memory_space<vmem_shared>> -> memref<128x64xf32, #tpu.memory_space<vmem_shared>>
        %dma_start3A_62 = arith.constant 0 : i32
        %dma_start3A_63 = tpu.memref_slice %arg18[%add3A_27, %dma_start3A_62] : memref<10240x64xf32, #tpu.memory_space<vmem_shared>> -> memref<128x64xf32, #tpu.memory_space<vmem_shared>>
        tpu.enqueue_dma source(%arg8 : memref<128x64xf32, #tpu.memory_space<vmem>>) target(%dma_start3A_63 : memref<128x64xf32, #tpu.memory_space<vmem_shared>>) target_semaphore(%run_scoped3A : memref<!tpu.dma_semaphore, #tpu.memory_space<semaphore_mem>>)
        %dma_wait3A_64 = arith.constant 0 : i32
        %dma_wait3A_65 = tpu.memref_slice %arg18[%add3A_27, %dma_wait3A_64] : memref<10240x64xf32, #tpu.memory_space<vmem_shared>> -> memref<128x64xf32, #tpu.memory_space<vmem_shared>>
        %dma_wait3A_66 = arith.constant 0 : i32
        %dma_wait3A_67 = tpu.memref_slice %arg18[%add3A_27, %dma_wait3A_66] : memref<10240x64xf32, #tpu.memory_space<vmem_shared>> -> memref<128x64xf32, #tpu.memory_space<vmem_shared>>
        tpu.wait_dma2 semaphore(%run_scoped3A : memref<!tpu.dma_semaphore, #tpu.memory_space<semaphore_mem>>) src(%arg8 : memref<128x64xf32, #tpu.memory_space<vmem>>) dst(%dma_wait3A_67 : memref<128x64xf32, #tpu.memory_space<vmem_shared>>)
        tpu.yield
      }) : () -> ()
      %dma_wait3A = arith.constant 0 : i32
      %dma_wait3A_28 = tpu.memref_slice %arg17[%mul3A_9, %dma_wait3A] : memref<10240x64xf32, #tpu.memory_space<vmem_shared>> -> memref<640x64xf32, #tpu.memory_space<vmem_shared>>
      %dma_wait3A_29 = arith.constant 0 : i32
      %dma_wait3A_30 = tpu.memref_slice %arg2[%mul3A_9, %dma_wait3A_29] : memref<10240x64xf32, #tpu.memory_space<hbm>> -> memref<640x64xf32, #tpu.memory_space<hbm>>
      tpu.wait_dma2 semaphore(%arg11 : memref<!tpu.dma_semaphore, #tpu.memory_space<semaphore_mem>>) src(%dma_wait3A_30 : memref<640x64xf32, #tpu.memory_space<hbm>>) dst(%dma_wait3A_28 : memref<640x64xf32, #tpu.memory_space<vmem_shared>>)
      %barrier3A = arith.constant 0 : index
      tpu.barrier barrier_id(%barrier3A)
      %scan3A_31 = arith.constant 0 : i32
      %scan3A_32 = arith.constant 0 : i32
      %scan3A_33 = arith.constant 28 : i32
      %scan3A_34 = arith.addi %scan3A_32, %scan3A_33 : i32
      %scan3A_35 = arith.constant 1 : i32
      scf.for %scan3A_60 = %scan3A_32 to %scan3A_34 step %scan3A_35  : i32 {
        %mul3A_61 = arith.constant 3 : i32
        %mul3A_62 = arith.muli %mul3A_61, %scan3A_60 : i32
        %add3A_63 = arith.constant 0 : i32
        %add3A_64 = arith.addi %mul3A_62, %add3A_63 : i32
        %gt3A = arith.constant 0 : i32
        %gt3A_65 = arith.cmpi sgt, %scan3A_60, %gt3A : i32
        %convert_element_type3A_66 = arith.extui %gt3A_65 : i1 to i32
        %cond3A_67 = arith.constant 0 : i32
        %cond3A_68 = arith.cmpi ne, %convert_element_type3A_66, %cond3A_67 : i32
        scf.if %cond3A_68 {
          %dma_wait3A_156 = arith.constant 0 : i32
          %dma_wait3A_157 = arith.constant 0 : i32
          %dma_wait3A_158 = tpu.memref_slice %arg7[%dma_wait3A_156, %dma_wait3A_157] : memref<84x128xi32, #tpu.memory_space<vmem>> -> memref<1x128xi32, #tpu.memory_space<vmem>>
          %dma_wait3A_159 = tpu.memref_squeeze %dma_wait3A_158 : memref<1x128xi32, #tpu.memory_space<vmem>> -> memref<128xi32, #tpu.memory_space<vmem>>
          %dma_wait3A_160 = arith.constant 0 : i32
          %dma_wait3A_161 = arith.constant 0 : i32
          %dma_wait3A_162 = tpu.memref_slice %arg18[%dma_wait3A_160, %dma_wait3A_161] : memref<10240x64xf32, #tpu.memory_space<vmem_shared>> -> memref<10240x64xf32, #tpu.memory_space<vmem_shared>>
          tpu.wait_indirect_dma semaphore(%arg14 : memref<!tpu.dma_semaphore, #tpu.memory_space<semaphore_mem>>) src(%arg8 : memref<128x64xf32, #tpu.memory_space<vmem>>) dst(%dma_wait3A_162 : memref<10240x64xf32, #tpu.memory_space<vmem_shared>>)
        } else {
        }
        %dma_start3A_69 = arith.constant 0 : i32
        %dma_start3A_70 = tpu.memref_slice %arg6[%add3A_64, %dma_start3A_69] : memref<84x128xi32, #tpu.memory_space<vmem>> -> memref<1x128xi32, #tpu.memory_space<vmem>>
        %dma_start3A_71 = tpu.memref_squeeze %dma_start3A_70 : memref<1x128xi32, #tpu.memory_space<vmem>> -> memref<128xi32, #tpu.memory_space<vmem>>
        %dma_start3A_72 = arith.constant 0 : i32
        %dma_start3A_73 = arith.constant 0 : i32
        %dma_start3A_74 = tpu.memref_slice %arg17[%dma_start3A_72, %dma_start3A_73] : memref<10240x64xf32, #tpu.memory_space<vmem_shared>> -> memref<10240x64xf32, #tpu.memory_space<vmem_shared>>
        tpu.enqueue_indirect_dma source(%dma_start3A_74 : memref<10240x64xf32, #tpu.memory_space<vmem_shared>>) target(%arg8 : memref<128x64xf32, #tpu.memory_space<vmem>>) offsets(%dma_start3A_71 : memref<128xi32, #tpu.memory_space<vmem>>) semaphore(%arg11 : memref<!tpu.dma_semaphore, #tpu.memory_space<semaphore_mem>>)
        %mul3A_75 = arith.constant 3 : i32
        %mul3A_76 = arith.muli %mul3A_75, %scan3A_60 : i32
        %add3A_77 = arith.constant 1 : i32
        %add3A_78 = arith.addi %mul3A_76, %add3A_77 : i32
        %gt3A_79 = arith.constant 0 : i32
        %gt3A_80 = arith.cmpi sgt, %scan3A_60, %gt3A_79 : i32
        %convert_element_type3A_81 = arith.extui %gt3A_80 : i1 to i32
        %cond3A_82 = arith.constant 0 : i32
        %cond3A_83 = arith.cmpi ne, %convert_element_type3A_81, %cond3A_82 : i32
        scf.if %cond3A_83 {
          %dma_wait3A_156 = arith.constant 0 : i32
          %dma_wait3A_157 = arith.constant 0 : i32
          %dma_wait3A_158 = tpu.memref_slice %arg7[%dma_wait3A_156, %dma_wait3A_157] : memref<84x128xi32, #tpu.memory_space<vmem>> -> memref<1x128xi32, #tpu.memory_space<vmem>>
          %dma_wait3A_159 = tpu.memref_squeeze %dma_wait3A_158 : memref<1x128xi32, #tpu.memory_space<vmem>> -> memref<128xi32, #tpu.memory_space<vmem>>
          %dma_wait3A_160 = arith.constant 0 : i32
          %dma_wait3A_161 = arith.constant 0 : i32
          %dma_wait3A_162 = tpu.memref_slice %arg18[%dma_wait3A_160, %dma_wait3A_161] : memref<10240x64xf32, #tpu.memory_space<vmem_shared>> -> memref<10240x64xf32, #tpu.memory_space<vmem_shared>>
          tpu.wait_indirect_dma semaphore(%arg15 : memref<!tpu.dma_semaphore, #tpu.memory_space<semaphore_mem>>) src(%arg9 : memref<128x64xf32, #tpu.memory_space<vmem>>) dst(%dma_wait3A_162 : memref<10240x64xf32, #tpu.memory_space<vmem_shared>>)
        } else {
        }
        %dma_start3A_84 = arith.constant 0 : i32
        %dma_start3A_85 = tpu.memref_slice %arg6[%add3A_78, %dma_start3A_84] : memref<84x128xi32, #tpu.memory_space<vmem>> -> memref<1x128xi32, #tpu.memory_space<vmem>>
        %dma_start3A_86 = tpu.memref_squeeze %dma_start3A_85 : memref<1x128xi32, #tpu.memory_space<vmem>> -> memref<128xi32, #tpu.memory_space<vmem>>
        %dma_start3A_87 = arith.constant 0 : i32
        %dma_start3A_88 = arith.constant 0 : i32
        %dma_start3A_89 = tpu.memref_slice %arg17[%dma_start3A_87, %dma_start3A_88] : memref<10240x64xf32, #tpu.memory_space<vmem_shared>> -> memref<10240x64xf32, #tpu.memory_space<vmem_shared>>
        tpu.enqueue_indirect_dma source(%dma_start3A_89 : memref<10240x64xf32, #tpu.memory_space<vmem_shared>>) target(%arg9 : memref<128x64xf32, #tpu.memory_space<vmem>>) offsets(%dma_start3A_86 : memref<128xi32, #tpu.memory_space<vmem>>) semaphore(%arg12 : memref<!tpu.dma_semaphore, #tpu.memory_space<semaphore_mem>>)
        %mul3A_90 = arith.constant 3 : i32
        %mul3A_91 = arith.muli %mul3A_90, %scan3A_60 : i32
        %add3A_92 = arith.constant 2 : i32
        %add3A_93 = arith.addi %mul3A_91, %add3A_92 : i32
        %gt3A_94 = arith.constant 0 : i32
        %gt3A_95 = arith.cmpi sgt, %scan3A_60, %gt3A_94 : i32
        %convert_element_type3A_96 = arith.extui %gt3A_95 : i1 to i32
        %cond3A_97 = arith.constant 0 : i32
        %cond3A_98 = arith.cmpi ne, %convert_element_type3A_96, %cond3A_97 : i32
        scf.if %cond3A_98 {
          %dma_wait3A_156 = arith.constant 0 : i32
          %dma_wait3A_157 = arith.constant 0 : i32
          %dma_wait3A_158 = tpu.memref_slice %arg7[%dma_wait3A_156, %dma_wait3A_157] : memref<84x128xi32, #tpu.memory_space<vmem>> -> memref<1x128xi32, #tpu.memory_space<vmem>>
          %dma_wait3A_159 = tpu.memref_squeeze %dma_wait3A_158 : memref<1x128xi32, #tpu.memory_space<vmem>> -> memref<128xi32, #tpu.memory_space<vmem>>
          %dma_wait3A_160 = arith.constant 0 : i32
          %dma_wait3A_161 = arith.constant 0 : i32
          %dma_wait3A_162 = tpu.memref_slice %arg18[%dma_wait3A_160, %dma_wait3A_161] : memref<10240x64xf32, #tpu.memory_space<vmem_shared>> -> memref<10240x64xf32, #tpu.memory_space<vmem_shared>>
          tpu.wait_indirect_dma semaphore(%arg16 : memref<!tpu.dma_semaphore, #tpu.memory_space<semaphore_mem>>) src(%arg10 : memref<128x64xf32, #tpu.memory_space<vmem>>) dst(%dma_wait3A_162 : memref<10240x64xf32, #tpu.memory_space<vmem_shared>>)
        } else {
        }
        %dma_start3A_99 = arith.constant 0 : i32
        %dma_start3A_100 = tpu.memref_slice %arg6[%add3A_93, %dma_start3A_99] : memref<84x128xi32, #tpu.memory_space<vmem>> -> memref<1x128xi32, #tpu.memory_space<vmem>>
        %dma_start3A_101 = tpu.memref_squeeze %dma_start3A_100 : memref<1x128xi32, #tpu.memory_space<vmem>> -> memref<128xi32, #tpu.memory_space<vmem>>
        %dma_start3A_102 = arith.constant 0 : i32
        %dma_start3A_103 = arith.constant 0 : i32
        %dma_start3A_104 = tpu.memref_slice %arg17[%dma_start3A_102, %dma_start3A_103] : memref<10240x64xf32, #tpu.memory_space<vmem_shared>> -> memref<10240x64xf32, #tpu.memory_space<vmem_shared>>
        tpu.enqueue_indirect_dma source(%dma_start3A_104 : memref<10240x64xf32, #tpu.memory_space<vmem_shared>>) target(%arg10 : memref<128x64xf32, #tpu.memory_space<vmem>>) offsets(%dma_start3A_101 : memref<128xi32, #tpu.memory_space<vmem>>) semaphore(%arg13 : memref<!tpu.dma_semaphore, #tpu.memory_space<semaphore_mem>>)
        %mul3A_105 = arith.constant 3 : i32
        %mul3A_106 = arith.muli %mul3A_105, %scan3A_60 : i32
        %add3A_107 = arith.constant 0 : i32
        %add3A_108 = arith.addi %mul3A_106, %add3A_107 : i32
        %dma_wait3A_109 = arith.constant 0 : i32
        %dma_wait3A_110 = arith.constant 0 : i32
        %dma_wait3A_111 = tpu.memref_slice %arg6[%dma_wait3A_109, %dma_wait3A_110] : memref<84x128xi32, #tpu.memory_space<vmem>> -> memref<1x128xi32, #tpu.memory_space<vmem>>
        %dma_wait3A_112 = tpu.memref_squeeze %dma_wait3A_111 : memref<1x128xi32, #tpu.memory_space<vmem>> -> memref<128xi32, #tpu.memory_space<vmem>>
        %dma_wait3A_113 = arith.constant 0 : i32
        %dma_wait3A_114 = arith.constant 0 : i32
        %dma_wait3A_115 = tpu.memref_slice %arg17[%dma_wait3A_113, %dma_wait3A_114] : memref<10240x64xf32, #tpu.memory_space<vmem_shared>> -> memref<10240x64xf32, #tpu.memory_space<vmem_shared>>
        tpu.wait_indirect_dma semaphore(%arg11 : memref<!tpu.dma_semaphore, #tpu.memory_space<semaphore_mem>>) src(%dma_wait3A_115 : memref<10240x64xf32, #tpu.memory_space<vmem_shared>>) dst(%arg8 : memref<128x64xf32, #tpu.memory_space<vmem>>)
        %dma_start3A_116 = arith.constant 0 : i32
        %dma_start3A_117 = tpu.memref_slice %arg7[%add3A_108, %dma_start3A_116] : memref<84x128xi32, #tpu.memory_space<vmem>> -> memref<1x128xi32, #tpu.memory_space<vmem>>
        %dma_start3A_118 = tpu.memref_squeeze %dma_start3A_117 : memref<1x128xi32, #tpu.memory_space<vmem>> -> memref<128xi32, #tpu.memory_space<vmem>>
        %dma_start3A_119 = arith.constant 0 : i32
        %dma_start3A_120 = arith.constant 0 : i32
        %dma_start3A_121 = tpu.memref_slice %arg18[%dma_start3A_119, %dma_start3A_120] : memref<10240x64xf32, #tpu.memory_space<vmem_shared>> -> memref<10240x64xf32, #tpu.memory_space<vmem_shared>>
        tpu.enqueue_indirect_dma source(%arg8 : memref<128x64xf32, #tpu.memory_space<vmem>>) target(%dma_start3A_121 : memref<10240x64xf32, #tpu.memory_space<vmem_shared>>) offsets(%dma_start3A_118 : memref<128xi32, #tpu.memory_space<vmem>>) semaphore(%arg14 : memref<!tpu.dma_semaphore, #tpu.memory_space<semaphore_mem>>) {add = true}
        %mul3A_122 = arith.constant 3 : i32
        %mul3A_123 = arith.muli %mul3A_122, %scan3A_60 : i32
        %add3A_124 = arith.constant 1 : i32
        %add3A_125 = arith.addi %mul3A_123, %add3A_124 : i32
        %dma_wait3A_126 = arith.constant 0 : i32
        %dma_wait3A_127 = arith.constant 0 : i32
        %dma_wait3A_128 = tpu.memref_slice %arg6[%dma_wait3A_126, %dma_wait3A_127] : memref<84x128xi32, #tpu.memory_space<vmem>> -> memref<1x128xi32, #tpu.memory_space<vmem>>
        %dma_wait3A_129 = tpu.memref_squeeze %dma_wait3A_128 : memref<1x128xi32, #tpu.memory_space<vmem>> -> memref<128xi32, #tpu.memory_space<vmem>>
        %dma_wait3A_130 = arith.constant 0 : i32
        %dma_wait3A_131 = arith.constant 0 : i32
        %dma_wait3A_132 = tpu.memref_slice %arg17[%dma_wait3A_130, %dma_wait3A_131] : memref<10240x64xf32, #tpu.memory_space<vmem_shared>> -> memref<10240x64xf32, #tpu.memory_space<vmem_shared>>
        tpu.wait_indirect_dma semaphore(%arg12 : memref<!tpu.dma_semaphore, #tpu.memory_space<semaphore_mem>>) src(%dma_wait3A_132 : memref<10240x64xf32, #tpu.memory_space<vmem_shared>>) dst(%arg9 : memref<128x64xf32, #tpu.memory_space<vmem>>)
        %dma_start3A_133 = arith.constant 0 : i32
        %dma_start3A_134 = tpu.memref_slice %arg7[%add3A_125, %dma_start3A_133] : memref<84x128xi32, #tpu.memory_space<vmem>> -> memref<1x128xi32, #tpu.memory_space<vmem>>
        %dma_start3A_135 = tpu.memref_squeeze %dma_start3A_134 : memref<1x128xi32, #tpu.memory_space<vmem>> -> memref<128xi32, #tpu.memory_space<vmem>>
        %dma_start3A_136 = arith.constant 0 : i32
        %dma_start3A_137 = arith.constant 0 : i32
        %dma_start3A_138 = tpu.memref_slice %arg18[%dma_start3A_136, %dma_start3A_137] : memref<10240x64xf32, #tpu.memory_space<vmem_shared>> -> memref<10240x64xf32, #tpu.memory_space<vmem_shared>>
        tpu.enqueue_indirect_dma source(%arg9 : memref<128x64xf32, #tpu.memory_space<vmem>>) target(%dma_start3A_138 : memref<10240x64xf32, #tpu.memory_space<vmem_shared>>) offsets(%dma_start3A_135 : memref<128xi32, #tpu.memory_space<vmem>>) semaphore(%arg15 : memref<!tpu.dma_semaphore, #tpu.memory_space<semaphore_mem>>) {add = true}
        %mul3A_139 = arith.constant 3 : i32
        %mul3A_140 = arith.muli %mul3A_139, %scan3A_60 : i32
        %add3A_141 = arith.constant 2 : i32
        %add3A_142 = arith.addi %mul3A_140, %add3A_141 : i32
        %dma_wait3A_143 = arith.constant 0 : i32
        %dma_wait3A_144 = arith.constant 0 : i32
        %dma_wait3A_145 = tpu.memref_slice %arg6[%dma_wait3A_143, %dma_wait3A_144] : memref<84x128xi32, #tpu.memory_space<vmem>> -> memref<1x128xi32, #tpu.memory_space<vmem>>
        %dma_wait3A_146 = tpu.memref_squeeze %dma_wait3A_145 : memref<1x128xi32, #tpu.memory_space<vmem>> -> memref<128xi32, #tpu.memory_space<vmem>>
        %dma_wait3A_147 = arith.constant 0 : i32
        %dma_wait3A_148 = arith.constant 0 : i32
        %dma_wait3A_149 = tpu.memref_slice %arg17[%dma_wait3A_147, %dma_wait3A_148] : memref<10240x64xf32, #tpu.memory_space<vmem_shared>> -> memref<10240x64xf32, #tpu.memory_space<vmem_shared>>
        tpu.wait_indirect_dma semaphore(%arg13 : memref<!tpu.dma_semaphore, #tpu.memory_space<semaphore_mem>>) src(%dma_wait3A_149 : memref<10240x64xf32, #tpu.memory_space<vmem_shared>>) dst(%arg10 : memref<128x64xf32, #tpu.memory_space<vmem>>)
        %dma_start3A_150 = arith.constant 0 : i32
        %dma_start3A_151 = tpu.memref_slice %arg7[%add3A_142, %dma_start3A_150] : memref<84x128xi32, #tpu.memory_space<vmem>> -> memref<1x128xi32, #tpu.memory_space<vmem>>
        %dma_start3A_152 = tpu.memref_squeeze %dma_start3A_151 : memref<1x128xi32, #tpu.memory_space<vmem>> -> memref<128xi32, #tpu.memory_space<vmem>>
        %dma_start3A_153 = arith.constant 0 : i32
        %dma_start3A_154 = arith.constant 0 : i32
        %dma_start3A_155 = tpu.memref_slice %arg18[%dma_start3A_153, %dma_start3A_154] : memref<10240x64xf32, #tpu.memory_space<vmem_shared>> -> memref<10240x64xf32, #tpu.memory_space<vmem_shared>>
        tpu.enqueue_indirect_dma source(%arg10 : memref<128x64xf32, #tpu.memory_space<vmem>>) target(%dma_start3A_155 : memref<10240x64xf32, #tpu.memory_space<vmem_shared>>) offsets(%dma_start3A_152 : memref<128xi32, #tpu.memory_space<vmem>>) semaphore(%arg16 : memref<!tpu.dma_semaphore, #tpu.memory_space<semaphore_mem>>) {add = true}
      }
      %scan3A_36 = arith.constant 28 : i32
      %dma_wait3A_37 = arith.constant 0 : i32
      %dma_wait3A_38 = arith.constant 0 : i32
      %dma_wait3A_39 = tpu.memref_slice %arg7[%dma_wait3A_37, %dma_wait3A_38] : memref<84x128xi32, #tpu.memory_space<vmem>> -> memref<1x128xi32, #tpu.memory_space<vmem>>
      %dma_wait3A_40 = tpu.memref_squeeze %dma_wait3A_39 : memref<1x128xi32, #tpu.memory_space<vmem>> -> memref<128xi32, #tpu.memory_space<vmem>>
      %dma_wait3A_41 = arith.constant 0 : i32
      %dma_wait3A_42 = arith.constant 0 : i32
      %dma_wait3A_43 = tpu.memref_slice %arg18[%dma_wait3A_41, %dma_wait3A_42] : memref<10240x64xf32, #tpu.memory_space<vmem_shared>> -> memref<10240x64xf32, #tpu.memory_space<vmem_shared>>
      tpu.wait_indirect_dma semaphore(%arg14 : memref<!tpu.dma_semaphore, #tpu.memory_space<semaphore_mem>>) src(%arg8 : memref<128x64xf32, #tpu.memory_space<vmem>>) dst(%dma_wait3A_43 : memref<10240x64xf32, #tpu.memory_space<vmem_shared>>)
      %dma_wait3A_44 = arith.constant 0 : i32
      %dma_wait3A_45 = arith.constant 0 : i32
      %dma_wait3A_46 = tpu.memref_slice %arg7[%dma_wait3A_44, %dma_wait3A_45] : memref<84x128xi32, #tpu.memory_space<vmem>> -> memref<1x128xi32, #tpu.memory_space<vmem>>
      %dma_wait3A_47 = tpu.memref_squeeze %dma_wait3A_46 : memref<1x128xi32, #tpu.memory_space<vmem>> -> memref<128xi32, #tpu.memory_space<vmem>>
      %dma_wait3A_48 = arith.constant 0 : i32
      %dma_wait3A_49 = arith.constant 0 : i32
      %dma_wait3A_50 = tpu.memref_slice %arg18[%dma_wait3A_48, %dma_wait3A_49] : memref<10240x64xf32, #tpu.memory_space<vmem_shared>> -> memref<10240x64xf32, #tpu.memory_space<vmem_shared>>
      tpu.wait_indirect_dma semaphore(%arg15 : memref<!tpu.dma_semaphore, #tpu.memory_space<semaphore_mem>>) src(%arg9 : memref<128x64xf32, #tpu.memory_space<vmem>>) dst(%dma_wait3A_50 : memref<10240x64xf32, #tpu.memory_space<vmem_shared>>)
      %dma_wait3A_51 = arith.constant 0 : i32
      %dma_wait3A_52 = arith.constant 0 : i32
      %dma_wait3A_53 = tpu.memref_slice %arg7[%dma_wait3A_51, %dma_wait3A_52] : memref<84x128xi32, #tpu.memory_space<vmem>> -> memref<1x128xi32, #tpu.memory_space<vmem>>
      %dma_wait3A_54 = tpu.memref_squeeze %dma_wait3A_53 : memref<1x128xi32, #tpu.memory_space<vmem>> -> memref<128xi32, #tpu.memory_space<vmem>>
      %dma_wait3A_55 = arith.constant 0 : i32
      %dma_wait3A_56 = arith.constant 0 : i32
      %dma_wait3A_57 = tpu.memref_slice %arg18[%dma_wait3A_55, %dma_wait3A_56] : memref<10240x64xf32, #tpu.memory_space<vmem_shared>> -> memref<10240x64xf32, #tpu.memory_space<vmem_shared>>
      tpu.wait_indirect_dma semaphore(%arg16 : memref<!tpu.dma_semaphore, #tpu.memory_space<semaphore_mem>>) src(%arg10 : memref<128x64xf32, #tpu.memory_space<vmem>>) dst(%dma_wait3A_57 : memref<10240x64xf32, #tpu.memory_space<vmem_shared>>)
      %barrier3A_58 = arith.constant 0 : index
      tpu.barrier barrier_id(%barrier3A_58)
      "tpu.region"() ({
        %run_scoped3A = tpu.sem_alloc : memref<!tpu.dma_semaphore, #tpu.memory_space<semaphore_mem>>
        %dma_start3A_60 = arith.constant 0 : i32
        %dma_start3A_61 = tpu.memref_slice %arg5[%arg0, %mul3A_9, %dma_start3A_60] : memref<2x10240x64xf32, #tpu.memory_space<hbm>> -> memref<1x640x64xf32, #tpu.memory_space<hbm>>
        %dma_start3A_62 = tpu.memref_squeeze %dma_start3A_61 : memref<1x640x64xf32, #tpu.memory_space<hbm>> -> memref<640x64xf32, #tpu.memory_space<hbm>>
        %dma_start3A_63 = arith.constant 0 : i32
        %dma_start3A_64 = tpu.memref_slice %arg18[%mul3A_9, %dma_start3A_63] : memref<10240x64xf32, #tpu.memory_space<vmem_shared>> -> memref<640x64xf32, #tpu.memory_space<vmem_shared>>
        tpu.enqueue_dma source(%dma_start3A_64 : memref<640x64xf32, #tpu.memory_space<vmem_shared>>) target(%dma_start3A_62 : memref<640x64xf32, #tpu.memory_space<hbm>>) target_semaphore(%run_scoped3A : memref<!tpu.dma_semaphore, #tpu.memory_space<semaphore_mem>>)
        %dma_wait3A_65 = arith.constant 0 : i32
        %dma_wait3A_66 = tpu.memref_slice %arg5[%arg0, %mul3A_9, %dma_wait3A_65] : memref<2x10240x64xf32, #tpu.memory_space<hbm>> -> memref<1x640x64xf32, #tpu.memory_space<hbm>>
        %dma_wait3A_67 = tpu.memref_squeeze %dma_wait3A_66 : memref<1x640x64xf32, #tpu.memory_space<hbm>> -> memref<640x64xf32, #tpu.memory_space<hbm>>
        %dma_wait3A_68 = arith.constant 0 : i32
        %dma_wait3A_69 = tpu.memref_slice %arg18[%mul3A_9, %dma_wait3A_68] : memref<10240x64xf32, #tpu.memory_space<vmem_shared>> -> memref<640x64xf32, #tpu.memory_space<vmem_shared>>
        tpu.wait_dma2 semaphore(%run_scoped3A : memref<!tpu.dma_semaphore, #tpu.memory_space<semaphore_mem>>) src(%dma_wait3A_69 : memref<640x64xf32, #tpu.memory_space<vmem_shared>>) dst(%dma_wait3A_67 : memref<640x64xf32, #tpu.memory_space<hbm>>)
        tpu.yield
      }) : () -> ()
      %barrier3A_59 = arith.constant 0 : index
      tpu.barrier barrier_id(%barrier3A_59)
    } else {
    }
    %eq3A_2 = arith.constant 1 : i32
    %eq3A_3 = arith.cmpi eq, %arg0, %eq3A_2 : i32
    %convert_element_type3A_4 = arith.extui %eq3A_3 : i1 to i32
    %cond3A_5 = arith.constant 0 : i32
    %cond3A_6 = arith.cmpi ne, %convert_element_type3A_4, %cond3A_5 : i32
    scf.if %cond3A_6 {
      %mul3A = arith.constant 78 : i32
      %mul3A_7 = arith.muli %arg1, %mul3A : i32
      %add3A = arith.constant 1344 : i32
      %add3A_8 = arith.addi %add3A, %mul3A_7 : i32
      "tpu.region"() ({
        %run_scoped3A = tpu.sem_alloc : memref<!tpu.dma_semaphore, #tpu.memory_space<semaphore_mem>>
        %dma_start3A_62 = arith.constant 0 : i32
        %dma_start3A_63 = arith.constant 0 : i32
        %dma_start3A_64 = tpu.memref_slice %arg6[%dma_start3A_62, %dma_start3A_63] : memref<84x128xi32, #tpu.memory_space<vmem>> -> memref<78x128xi32, #tpu.memory_space<vmem>>
        %dma_start3A_65 = arith.constant 0 : i32
        %dma_start3A_66 = tpu.memref_slice %arg3[%add3A_8, %dma_start3A_65] : memref<2592x128xi32, #tpu.memory_space<hbm>> -> memref<78x128xi32, #tpu.memory_space<hbm>>
        %dma_start3A_67 = arith.constant 0 : i32
        %dma_start3A_68 = arith.constant 0 : i32
        %dma_start3A_69 = tpu.memref_slice %arg6[%dma_start3A_67, %dma_start3A_68] : memref<84x128xi32, #tpu.memory_space<vmem>> -> memref<78x128xi32, #tpu.memory_space<vmem>>
        %dma_start3A_70 = arith.constant 0 : i32
        %dma_start3A_71 = tpu.memref_slice %arg3[%add3A_8, %dma_start3A_70] : memref<2592x128xi32, #tpu.memory_space<hbm>> -> memref<78x128xi32, #tpu.memory_space<hbm>>
        tpu.enqueue_dma source(%dma_start3A_71 : memref<78x128xi32, #tpu.memory_space<hbm>>) target(%dma_start3A_69 : memref<78x128xi32, #tpu.memory_space<vmem>>) target_semaphore(%run_scoped3A : memref<!tpu.dma_semaphore, #tpu.memory_space<semaphore_mem>>)
        %dma_wait3A_72 = arith.constant 0 : i32
        %dma_wait3A_73 = arith.constant 0 : i32
        %dma_wait3A_74 = tpu.memref_slice %arg6[%dma_wait3A_72, %dma_wait3A_73] : memref<84x128xi32, #tpu.memory_space<vmem>> -> memref<78x128xi32, #tpu.memory_space<vmem>>
        %dma_wait3A_75 = arith.constant 0 : i32
        %dma_wait3A_76 = tpu.memref_slice %arg3[%add3A_8, %dma_wait3A_75] : memref<2592x128xi32, #tpu.memory_space<hbm>> -> memref<78x128xi32, #tpu.memory_space<hbm>>
        %dma_wait3A_77 = arith.constant 0 : i32
        %dma_wait3A_78 = arith.constant 0 : i32
        %dma_wait3A_79 = tpu.memref_slice %arg6[%dma_wait3A_77, %dma_wait3A_78] : memref<84x128xi32, #tpu.memory_space<vmem>> -> memref<78x128xi32, #tpu.memory_space<vmem>>
        %dma_wait3A_80 = arith.constant 0 : i32
        %dma_wait3A_81 = tpu.memref_slice %arg3[%add3A_8, %dma_wait3A_80] : memref<2592x128xi32, #tpu.memory_space<hbm>> -> memref<78x128xi32, #tpu.memory_space<hbm>>
        tpu.wait_dma2 semaphore(%run_scoped3A : memref<!tpu.dma_semaphore, #tpu.memory_space<semaphore_mem>>) src(%dma_wait3A_81 : memref<78x128xi32, #tpu.memory_space<hbm>>) dst(%dma_wait3A_79 : memref<78x128xi32, #tpu.memory_space<vmem>>)
        tpu.yield
      }) : () -> ()
      "tpu.region"() ({
        %run_scoped3A = tpu.sem_alloc : memref<!tpu.dma_semaphore, #tpu.memory_space<semaphore_mem>>
        %dma_start3A_62 = arith.constant 0 : i32
        %dma_start3A_63 = arith.constant 0 : i32
        %dma_start3A_64 = tpu.memref_slice %arg7[%dma_start3A_62, %dma_start3A_63] : memref<84x128xi32, #tpu.memory_space<vmem>> -> memref<78x128xi32, #tpu.memory_space<vmem>>
        %dma_start3A_65 = arith.constant 0 : i32
        %dma_start3A_66 = tpu.memref_slice %arg4[%add3A_8, %dma_start3A_65] : memref<2592x128xi32, #tpu.memory_space<hbm>> -> memref<78x128xi32, #tpu.memory_space<hbm>>
        %dma_start3A_67 = arith.constant 0 : i32
        %dma_start3A_68 = arith.constant 0 : i32
        %dma_start3A_69 = tpu.memref_slice %arg7[%dma_start3A_67, %dma_start3A_68] : memref<84x128xi32, #tpu.memory_space<vmem>> -> memref<78x128xi32, #tpu.memory_space<vmem>>
        %dma_start3A_70 = arith.constant 0 : i32
        %dma_start3A_71 = tpu.memref_slice %arg4[%add3A_8, %dma_start3A_70] : memref<2592x128xi32, #tpu.memory_space<hbm>> -> memref<78x128xi32, #tpu.memory_space<hbm>>
        tpu.enqueue_dma source(%dma_start3A_71 : memref<78x128xi32, #tpu.memory_space<hbm>>) target(%dma_start3A_69 : memref<78x128xi32, #tpu.memory_space<vmem>>) target_semaphore(%run_scoped3A : memref<!tpu.dma_semaphore, #tpu.memory_space<semaphore_mem>>)
        %dma_wait3A_72 = arith.constant 0 : i32
        %dma_wait3A_73 = arith.constant 0 : i32
        %dma_wait3A_74 = tpu.memref_slice %arg7[%dma_wait3A_72, %dma_wait3A_73] : memref<84x128xi32, #tpu.memory_space<vmem>> -> memref<78x128xi32, #tpu.memory_space<vmem>>
        %dma_wait3A_75 = arith.constant 0 : i32
        %dma_wait3A_76 = tpu.memref_slice %arg4[%add3A_8, %dma_wait3A_75] : memref<2592x128xi32, #tpu.memory_space<hbm>> -> memref<78x128xi32, #tpu.memory_space<hbm>>
        %dma_wait3A_77 = arith.constant 0 : i32
        %dma_wait3A_78 = arith.constant 0 : i32
        %dma_wait3A_79 = tpu.memref_slice %arg7[%dma_wait3A_77, %dma_wait3A_78] : memref<84x128xi32, #tpu.memory_space<vmem>> -> memref<78x128xi32, #tpu.memory_space<vmem>>
        %dma_wait3A_80 = arith.constant 0 : i32
        %dma_wait3A_81 = tpu.memref_slice %arg4[%add3A_8, %dma_wait3A_80] : memref<2592x128xi32, #tpu.memory_space<hbm>> -> memref<78x128xi32, #tpu.memory_space<hbm>>
        tpu.wait_dma2 semaphore(%run_scoped3A : memref<!tpu.dma_semaphore, #tpu.memory_space<semaphore_mem>>) src(%dma_wait3A_81 : memref<78x128xi32, #tpu.memory_space<hbm>>) dst(%dma_wait3A_79 : memref<78x128xi32, #tpu.memory_space<vmem>>)
        tpu.yield
      }) : () -> ()
      %mul3A_9 = arith.constant 640 : i32
      %mul3A_10 = arith.muli %arg1, %mul3A_9 : i32
      %dma_start3A = arith.constant 0 : i32
      %dma_start3A_11 = tpu.memref_slice %arg17[%mul3A_10, %dma_start3A] : memref<10240x64xf32, #tpu.memory_space<vmem_shared>> -> memref<640x64xf32, #tpu.memory_space<vmem_shared>>
      %dma_start3A_12 = arith.constant 0 : i32
      %dma_start3A_13 = tpu.memref_slice %arg2[%mul3A_10, %dma_start3A_12] : memref<10240x64xf32, #tpu.memory_space<hbm>> -> memref<640x64xf32, #tpu.memory_space<hbm>>
      tpu.enqueue_dma source(%dma_start3A_13 : memref<640x64xf32, #tpu.memory_space<hbm>>) target(%dma_start3A_11 : memref<640x64xf32, #tpu.memory_space<vmem_shared>>) target_semaphore(%arg11 : memref<!tpu.dma_semaphore, #tpu.memory_space<semaphore_mem>>)
      %broadcast_in_dim3A = arith.constant 0.000000e+00 : f32
      %broadcast_in_dim3A_14 = vector.broadcast %broadcast_in_dim3A : f32 to vector<16xf32>
      %scan3A = arith.constant 0 : i32
      %scan3A_15 = arith.constant 0 : i32
      %scan3A_16 = arith.constant 128 : i32
      %scan3A_17 = arith.addi %scan3A_15, %scan3A_16 : i32
      %scan3A_18 = arith.constant 1 : i32
      scf.for %scan3A_62 = %scan3A_15 to %scan3A_17 step %scan3A_18  : i32 {
        %swap3A = arith.index_cast %scan3A_62 : i32 to index
        %swap3A_63 = arith.constant 0 : index
        %swap3A_64 = tpu.vector_load %arg8[%swap3A, %swap3A_63] {strides = array<i32>} : memref<128x64xf32, #tpu.memory_space<vmem>>, vector<1x16xf32>,
        %swap3A_65 = vector.shape_cast %swap3A_64 : vector<1x16xf32> to vector<16xf32>
        %swap3A_66 = vector.shape_cast %broadcast_in_dim3A_14 : vector<16xf32> to vector<1x16xf32>
        tpu.vector_store %arg8[%swap3A, %swap3A_63], %swap3A_66 {strides = array<i32>} : memref<128x64xf32, #tpu.memory_space<vmem>>, vector<1x16xf32>,
        %swap3A_67 = arith.index_cast %scan3A_62 : i32 to index
        %swap3A_68 = arith.constant 16 : index
        %swap3A_69 = tpu.vector_load %arg8[%swap3A_67, %swap3A_68] {strides = array<i32>} : memref<128x64xf32, #tpu.memory_space<vmem>>, vector<1x16xf32>,
        %swap3A_70 = vector.shape_cast %swap3A_69 : vector<1x16xf32> to vector<16xf32>
        %swap3A_71 = vector.shape_cast %broadcast_in_dim3A_14 : vector<16xf32> to vector<1x16xf32>
        tpu.vector_store %arg8[%swap3A_67, %swap3A_68], %swap3A_71 {strides = array<i32>} : memref<128x64xf32, #tpu.memory_space<vmem>>, vector<1x16xf32>,
        %swap3A_72 = arith.index_cast %scan3A_62 : i32 to index
        %swap3A_73 = arith.constant 32 : index
        %swap3A_74 = tpu.vector_load %arg8[%swap3A_72, %swap3A_73] {strides = array<i32>} : memref<128x64xf32, #tpu.memory_space<vmem>>, vector<1x16xf32>,
        %swap3A_75 = vector.shape_cast %swap3A_74 : vector<1x16xf32> to vector<16xf32>
        %swap3A_76 = vector.shape_cast %broadcast_in_dim3A_14 : vector<16xf32> to vector<1x16xf32>
        tpu.vector_store %arg8[%swap3A_72, %swap3A_73], %swap3A_76 {strides = array<i32>} : memref<128x64xf32, #tpu.memory_space<vmem>>, vector<1x16xf32>,
        %swap3A_77 = arith.index_cast %scan3A_62 : i32 to index
        %swap3A_78 = arith.constant 48 : index
        %swap3A_79 = tpu.vector_load %arg8[%swap3A_77, %swap3A_78] {strides = array<i32>} : memref<128x64xf32, #tpu.memory_space<vmem>>, vector<1x16xf32>,
        %swap3A_80 = vector.shape_cast %swap3A_79 : vector<1x16xf32> to vector<16xf32>
        %swap3A_81 = vector.shape_cast %broadcast_in_dim3A_14 : vector<16xf32> to vector<1x16xf32>
        tpu.vector_store %arg8[%swap3A_77, %swap3A_78], %swap3A_81 {strides = array<i32>} : memref<128x64xf32, #tpu.memory_space<vmem>>, vector<1x16xf32>,
      }
      %scan3A_19 = arith.constant 128 : i32
      %add3A_20 = arith.constant 0 : i32
      %add3A_21 = arith.addi %mul3A_10, %add3A_20 : i32
      "tpu.region"() ({
        %run_scoped3A = tpu.sem_alloc : memref<!tpu.dma_semaphore, #tpu.memory_space<semaphore_mem>>
        %dma_start3A_62 = arith.constant 0 : i32
        %dma_start3A_63 = tpu.memref_slice %arg18[%add3A_21, %dma_start3A_62] : memref<10240x64xf32, #tpu.memory_space<vmem_shared>> -> memref<128x64xf32, #tpu.memory_space<vmem_shared>>
        %dma_start3A_64 = arith.constant 0 : i32
        %dma_start3A_65 = tpu.memref_slice %arg18[%add3A_21, %dma_start3A_64] : memref<10240x64xf32, #tpu.memory_space<vmem_shared>> -> memref<128x64xf32, #tpu.memory_space<vmem_shared>>
        tpu.enqueue_dma source(%arg8 : memref<128x64xf32, #tpu.memory_space<vmem>>) target(%dma_start3A_65 : memref<128x64xf32, #tpu.memory_space<vmem_shared>>) target_semaphore(%run_scoped3A : memref<!tpu.dma_semaphore, #tpu.memory_space<semaphore_mem>>)
        %dma_wait3A_66 = arith.constant 0 : i32
        %dma_wait3A_67 = tpu.memref_slice %arg18[%add3A_21, %dma_wait3A_66] : memref<10240x64xf32, #tpu.memory_space<vmem_shared>> -> memref<128x64xf32, #tpu.memory_space<vmem_shared>>
        %dma_wait3A_68 = arith.constant 0 : i32
        %dma_wait3A_69 = tpu.memref_slice %arg18[%add3A_21, %dma_wait3A_68] : memref<10240x64xf32, #tpu.memory_space<vmem_shared>> -> memref<128x64xf32, #tpu.memory_space<vmem_shared>>
        tpu.wait_dma2 semaphore(%run_scoped3A : memref<!tpu.dma_semaphore, #tpu.memory_space<semaphore_mem>>) src(%arg8 : memref<128x64xf32, #tpu.memory_space<vmem>>) dst(%dma_wait3A_69 : memref<128x64xf32, #tpu.memory_space<vmem_shared>>)
        tpu.yield
      }) : () -> ()
      %add3A_22 = arith.constant 128 : i32
      %add3A_23 = arith.addi %mul3A_10, %add3A_22 : i32
      "tpu.region"() ({
        %run_scoped3A = tpu.sem_alloc : memref<!tpu.dma_semaphore, #tpu.memory_space<semaphore_mem>>
        %dma_start3A_62 = arith.constant 0 : i32
        %dma_start3A_63 = tpu.memref_slice %arg18[%add3A_23, %dma_start3A_62] : memref<10240x64xf32, #tpu.memory_space<vmem_shared>> -> memref<128x64xf32, #tpu.memory_space<vmem_shared>>
        %dma_start3A_64 = arith.constant 0 : i32
        %dma_start3A_65 = tpu.memref_slice %arg18[%add3A_23, %dma_start3A_64] : memref<10240x64xf32, #tpu.memory_space<vmem_shared>> -> memref<128x64xf32, #tpu.memory_space<vmem_shared>>
        tpu.enqueue_dma source(%arg8 : memref<128x64xf32, #tpu.memory_space<vmem>>) target(%dma_start3A_65 : memref<128x64xf32, #tpu.memory_space<vmem_shared>>) target_semaphore(%run_scoped3A : memref<!tpu.dma_semaphore, #tpu.memory_space<semaphore_mem>>)
        %dma_wait3A_66 = arith.constant 0 : i32
        %dma_wait3A_67 = tpu.memref_slice %arg18[%add3A_23, %dma_wait3A_66] : memref<10240x64xf32, #tpu.memory_space<vmem_shared>> -> memref<128x64xf32, #tpu.memory_space<vmem_shared>>
        %dma_wait3A_68 = arith.constant 0 : i32
        %dma_wait3A_69 = tpu.memref_slice %arg18[%add3A_23, %dma_wait3A_68] : memref<10240x64xf32, #tpu.memory_space<vmem_shared>> -> memref<128x64xf32, #tpu.memory_space<vmem_shared>>
        tpu.wait_dma2 semaphore(%run_scoped3A : memref<!tpu.dma_semaphore, #tpu.memory_space<semaphore_mem>>) src(%arg8 : memref<128x64xf32, #tpu.memory_space<vmem>>) dst(%dma_wait3A_69 : memref<128x64xf32, #tpu.memory_space<vmem_shared>>)
        tpu.yield
      }) : () -> ()
      %add3A_24 = arith.constant 256 : i32
      %add3A_25 = arith.addi %mul3A_10, %add3A_24 : i32
      "tpu.region"() ({
        %run_scoped3A = tpu.sem_alloc : memref<!tpu.dma_semaphore, #tpu.memory_space<semaphore_mem>>
        %dma_start3A_62 = arith.constant 0 : i32
        %dma_start3A_63 = tpu.memref_slice %arg18[%add3A_25, %dma_start3A_62] : memref<10240x64xf32, #tpu.memory_space<vmem_shared>> -> memref<128x64xf32, #tpu.memory_space<vmem_shared>>
        %dma_start3A_64 = arith.constant 0 : i32
        %dma_start3A_65 = tpu.memref_slice %arg18[%add3A_25, %dma_start3A_64] : memref<10240x64xf32, #tpu.memory_space<vmem_shared>> -> memref<128x64xf32, #tpu.memory_space<vmem_shared>>
        tpu.enqueue_dma source(%arg8 : memref<128x64xf32, #tpu.memory_space<vmem>>) target(%dma_start3A_65 : memref<128x64xf32, #tpu.memory_space<vmem_shared>>) target_semaphore(%run_scoped3A : memref<!tpu.dma_semaphore, #tpu.memory_space<semaphore_mem>>)
        %dma_wait3A_66 = arith.constant 0 : i32
        %dma_wait3A_67 = tpu.memref_slice %arg18[%add3A_25, %dma_wait3A_66] : memref<10240x64xf32, #tpu.memory_space<vmem_shared>> -> memref<128x64xf32, #tpu.memory_space<vmem_shared>>
        %dma_wait3A_68 = arith.constant 0 : i32
        %dma_wait3A_69 = tpu.memref_slice %arg18[%add3A_25, %dma_wait3A_68] : memref<10240x64xf32, #tpu.memory_space<vmem_shared>> -> memref<128x64xf32, #tpu.memory_space<vmem_shared>>
        tpu.wait_dma2 semaphore(%run_scoped3A : memref<!tpu.dma_semaphore, #tpu.memory_space<semaphore_mem>>) src(%arg8 : memref<128x64xf32, #tpu.memory_space<vmem>>) dst(%dma_wait3A_69 : memref<128x64xf32, #tpu.memory_space<vmem_shared>>)
        tpu.yield
      }) : () -> ()
      %add3A_26 = arith.constant 384 : i32
      %add3A_27 = arith.addi %mul3A_10, %add3A_26 : i32
      "tpu.region"() ({
        %run_scoped3A = tpu.sem_alloc : memref<!tpu.dma_semaphore, #tpu.memory_space<semaphore_mem>>
        %dma_start3A_62 = arith.constant 0 : i32
        %dma_start3A_63 = tpu.memref_slice %arg18[%add3A_27, %dma_start3A_62] : memref<10240x64xf32, #tpu.memory_space<vmem_shared>> -> memref<128x64xf32, #tpu.memory_space<vmem_shared>>
        %dma_start3A_64 = arith.constant 0 : i32
        %dma_start3A_65 = tpu.memref_slice %arg18[%add3A_27, %dma_start3A_64] : memref<10240x64xf32, #tpu.memory_space<vmem_shared>> -> memref<128x64xf32, #tpu.memory_space<vmem_shared>>
        tpu.enqueue_dma source(%arg8 : memref<128x64xf32, #tpu.memory_space<vmem>>) target(%dma_start3A_65 : memref<128x64xf32, #tpu.memory_space<vmem_shared>>) target_semaphore(%run_scoped3A : memref<!tpu.dma_semaphore, #tpu.memory_space<semaphore_mem>>)
        %dma_wait3A_66 = arith.constant 0 : i32
        %dma_wait3A_67 = tpu.memref_slice %arg18[%add3A_27, %dma_wait3A_66] : memref<10240x64xf32, #tpu.memory_space<vmem_shared>> -> memref<128x64xf32, #tpu.memory_space<vmem_shared>>
        %dma_wait3A_68 = arith.constant 0 : i32
        %dma_wait3A_69 = tpu.memref_slice %arg18[%add3A_27, %dma_wait3A_68] : memref<10240x64xf32, #tpu.memory_space<vmem_shared>> -> memref<128x64xf32, #tpu.memory_space<vmem_shared>>
        tpu.wait_dma2 semaphore(%run_scoped3A : memref<!tpu.dma_semaphore, #tpu.memory_space<semaphore_mem>>) src(%arg8 : memref<128x64xf32, #tpu.memory_space<vmem>>) dst(%dma_wait3A_69 : memref<128x64xf32, #tpu.memory_space<vmem_shared>>)
        tpu.yield
      }) : () -> ()
      %add3A_28 = arith.constant 512 : i32
      %add3A_29 = arith.addi %mul3A_10, %add3A_28 : i32
      "tpu.region"() ({
        %run_scoped3A = tpu.sem_alloc : memref<!tpu.dma_semaphore, #tpu.memory_space<semaphore_mem>>
        %dma_start3A_62 = arith.constant 0 : i32
        %dma_start3A_63 = tpu.memref_slice %arg18[%add3A_29, %dma_start3A_62] : memref<10240x64xf32, #tpu.memory_space<vmem_shared>> -> memref<128x64xf32, #tpu.memory_space<vmem_shared>>
        %dma_start3A_64 = arith.constant 0 : i32
        %dma_start3A_65 = tpu.memref_slice %arg18[%add3A_29, %dma_start3A_64] : memref<10240x64xf32, #tpu.memory_space<vmem_shared>> -> memref<128x64xf32, #tpu.memory_space<vmem_shared>>
        tpu.enqueue_dma source(%arg8 : memref<128x64xf32, #tpu.memory_space<vmem>>) target(%dma_start3A_65 : memref<128x64xf32, #tpu.memory_space<vmem_shared>>) target_semaphore(%run_scoped3A : memref<!tpu.dma_semaphore, #tpu.memory_space<semaphore_mem>>)
        %dma_wait3A_66 = arith.constant 0 : i32
        %dma_wait3A_67 = tpu.memref_slice %arg18[%add3A_29, %dma_wait3A_66] : memref<10240x64xf32, #tpu.memory_space<vmem_shared>> -> memref<128x64xf32, #tpu.memory_space<vmem_shared>>
        %dma_wait3A_68 = arith.constant 0 : i32
        %dma_wait3A_69 = tpu.memref_slice %arg18[%add3A_29, %dma_wait3A_68] : memref<10240x64xf32, #tpu.memory_space<vmem_shared>> -> memref<128x64xf32, #tpu.memory_space<vmem_shared>>
        tpu.wait_dma2 semaphore(%run_scoped3A : memref<!tpu.dma_semaphore, #tpu.memory_space<semaphore_mem>>) src(%arg8 : memref<128x64xf32, #tpu.memory_space<vmem>>) dst(%dma_wait3A_69 : memref<128x64xf32, #tpu.memory_space<vmem_shared>>)
        tpu.yield
      }) : () -> ()
      %dma_wait3A = arith.constant 0 : i32
      %dma_wait3A_30 = tpu.memref_slice %arg17[%mul3A_10, %dma_wait3A] : memref<10240x64xf32, #tpu.memory_space<vmem_shared>> -> memref<640x64xf32, #tpu.memory_space<vmem_shared>>
      %dma_wait3A_31 = arith.constant 0 : i32
      %dma_wait3A_32 = tpu.memref_slice %arg2[%mul3A_10, %dma_wait3A_31] : memref<10240x64xf32, #tpu.memory_space<hbm>> -> memref<640x64xf32, #tpu.memory_space<hbm>>
      tpu.wait_dma2 semaphore(%arg11 : memref<!tpu.dma_semaphore, #tpu.memory_space<semaphore_mem>>) src(%dma_wait3A_32 : memref<640x64xf32, #tpu.memory_space<hbm>>) dst(%dma_wait3A_30 : memref<640x64xf32, #tpu.memory_space<vmem_shared>>)
      %barrier3A = arith.constant 0 : index
      tpu.barrier barrier_id(%barrier3A)
      %scan3A_33 = arith.constant 0 : i32
      %scan3A_34 = arith.constant 0 : i32
      %scan3A_35 = arith.constant 26 : i32
      %scan3A_36 = arith.addi %scan3A_34, %scan3A_35 : i32
      %scan3A_37 = arith.constant 1 : i32
      scf.for %scan3A_62 = %scan3A_34 to %scan3A_36 step %scan3A_37  : i32 {
        %mul3A_63 = arith.constant 3 : i32
        %mul3A_64 = arith.muli %mul3A_63, %scan3A_62 : i32
        %add3A_65 = arith.constant 0 : i32
        %add3A_66 = arith.addi %mul3A_64, %add3A_65 : i32
        %gt3A = arith.constant 0 : i32
        %gt3A_67 = arith.cmpi sgt, %scan3A_62, %gt3A : i32
        %convert_element_type3A_68 = arith.extui %gt3A_67 : i1 to i32
        %cond3A_69 = arith.constant 0 : i32
        %cond3A_70 = arith.cmpi ne, %convert_element_type3A_68, %cond3A_69 : i32
        scf.if %cond3A_70 {
          %dma_wait3A_158 = arith.constant 0 : i32
          %dma_wait3A_159 = arith.constant 0 : i32
          %dma_wait3A_160 = tpu.memref_slice %arg7[%dma_wait3A_158, %dma_wait3A_159] : memref<84x128xi32, #tpu.memory_space<vmem>> -> memref<1x128xi32, #tpu.memory_space<vmem>>
          %dma_wait3A_161 = tpu.memref_squeeze %dma_wait3A_160 : memref<1x128xi32, #tpu.memory_space<vmem>> -> memref<128xi32, #tpu.memory_space<vmem>>
          %dma_wait3A_162 = arith.constant 0 : i32
          %dma_wait3A_163 = arith.constant 0 : i32
          %dma_wait3A_164 = tpu.memref_slice %arg18[%dma_wait3A_162, %dma_wait3A_163] : memref<10240x64xf32, #tpu.memory_space<vmem_shared>> -> memref<10240x64xf32, #tpu.memory_space<vmem_shared>>
          tpu.wait_indirect_dma semaphore(%arg14 : memref<!tpu.dma_semaphore, #tpu.memory_space<semaphore_mem>>) src(%arg8 : memref<128x64xf32, #tpu.memory_space<vmem>>) dst(%dma_wait3A_164 : memref<10240x64xf32, #tpu.memory_space<vmem_shared>>)
        } else {
        }
        %dma_start3A_71 = arith.constant 0 : i32
        %dma_start3A_72 = tpu.memref_slice %arg6[%add3A_66, %dma_start3A_71] : memref<84x128xi32, #tpu.memory_space<vmem>> -> memref<1x128xi32, #tpu.memory_space<vmem>>
        %dma_start3A_73 = tpu.memref_squeeze %dma_start3A_72 : memref<1x128xi32, #tpu.memory_space<vmem>> -> memref<128xi32, #tpu.memory_space<vmem>>
        %dma_start3A_74 = arith.constant 0 : i32
        %dma_start3A_75 = arith.constant 0 : i32
        %dma_start3A_76 = tpu.memref_slice %arg17[%dma_start3A_74, %dma_start3A_75] : memref<10240x64xf32, #tpu.memory_space<vmem_shared>> -> memref<10240x64xf32, #tpu.memory_space<vmem_shared>>
        tpu.enqueue_indirect_dma source(%dma_start3A_76 : memref<10240x64xf32, #tpu.memory_space<vmem_shared>>) target(%arg8 : memref<128x64xf32, #tpu.memory_space<vmem>>) offsets(%dma_start3A_73 : memref<128xi32, #tpu.memory_space<vmem>>) semaphore(%arg11 : memref<!tpu.dma_semaphore, #tpu.memory_space<semaphore_mem>>)
        %mul3A_77 = arith.constant 3 : i32
        %mul3A_78 = arith.muli %mul3A_77, %scan3A_62 : i32
        %add3A_79 = arith.constant 1 : i32
        %add3A_80 = arith.addi %mul3A_78, %add3A_79 : i32
        %gt3A_81 = arith.constant 0 : i32
        %gt3A_82 = arith.cmpi sgt, %scan3A_62, %gt3A_81 : i32
        %convert_element_type3A_83 = arith.extui %gt3A_82 : i1 to i32
        %cond3A_84 = arith.constant 0 : i32
        %cond3A_85 = arith.cmpi ne, %convert_element_type3A_83, %cond3A_84 : i32
        scf.if %cond3A_85 {
          %dma_wait3A_158 = arith.constant 0 : i32
          %dma_wait3A_159 = arith.constant 0 : i32
          %dma_wait3A_160 = tpu.memref_slice %arg7[%dma_wait3A_158, %dma_wait3A_159] : memref<84x128xi32, #tpu.memory_space<vmem>> -> memref<1x128xi32, #tpu.memory_space<vmem>>
          %dma_wait3A_161 = tpu.memref_squeeze %dma_wait3A_160 : memref<1x128xi32, #tpu.memory_space<vmem>> -> memref<128xi32, #tpu.memory_space<vmem>>
          %dma_wait3A_162 = arith.constant 0 : i32
          %dma_wait3A_163 = arith.constant 0 : i32
          %dma_wait3A_164 = tpu.memref_slice %arg18[%dma_wait3A_162, %dma_wait3A_163] : memref<10240x64xf32, #tpu.memory_space<vmem_shared>> -> memref<10240x64xf32, #tpu.memory_space<vmem_shared>>
          tpu.wait_indirect_dma semaphore(%arg15 : memref<!tpu.dma_semaphore, #tpu.memory_space<semaphore_mem>>) src(%arg9 : memref<128x64xf32, #tpu.memory_space<vmem>>) dst(%dma_wait3A_164 : memref<10240x64xf32, #tpu.memory_space<vmem_shared>>)
        } else {
        }
        %dma_start3A_86 = arith.constant 0 : i32
        %dma_start3A_87 = tpu.memref_slice %arg6[%add3A_80, %dma_start3A_86] : memref<84x128xi32, #tpu.memory_space<vmem>> -> memref<1x128xi32, #tpu.memory_space<vmem>>
        %dma_start3A_88 = tpu.memref_squeeze %dma_start3A_87 : memref<1x128xi32, #tpu.memory_space<vmem>> -> memref<128xi32, #tpu.memory_space<vmem>>
        %dma_start3A_89 = arith.constant 0 : i32
        %dma_start3A_90 = arith.constant 0 : i32
        %dma_start3A_91 = tpu.memref_slice %arg17[%dma_start3A_89, %dma_start3A_90] : memref<10240x64xf32, #tpu.memory_space<vmem_shared>> -> memref<10240x64xf32, #tpu.memory_space<vmem_shared>>
        tpu.enqueue_indirect_dma source(%dma_start3A_91 : memref<10240x64xf32, #tpu.memory_space<vmem_shared>>) target(%arg9 : memref<128x64xf32, #tpu.memory_space<vmem>>) offsets(%dma_start3A_88 : memref<128xi32, #tpu.memory_space<vmem>>) semaphore(%arg12 : memref<!tpu.dma_semaphore, #tpu.memory_space<semaphore_mem>>)
        %mul3A_92 = arith.constant 3 : i32
        %mul3A_93 = arith.muli %mul3A_92, %scan3A_62 : i32
        %add3A_94 = arith.constant 2 : i32
        %add3A_95 = arith.addi %mul3A_93, %add3A_94 : i32
        %gt3A_96 = arith.constant 0 : i32
        %gt3A_97 = arith.cmpi sgt, %scan3A_62, %gt3A_96 : i32
        %convert_element_type3A_98 = arith.extui %gt3A_97 : i1 to i32
        %cond3A_99 = arith.constant 0 : i32
        %cond3A_100 = arith.cmpi ne, %convert_element_type3A_98, %cond3A_99 : i32
        scf.if %cond3A_100 {
          %dma_wait3A_158 = arith.constant 0 : i32
          %dma_wait3A_159 = arith.constant 0 : i32
          %dma_wait3A_160 = tpu.memref_slice %arg7[%dma_wait3A_158, %dma_wait3A_159] : memref<84x128xi32, #tpu.memory_space<vmem>> -> memref<1x128xi32, #tpu.memory_space<vmem>>
          %dma_wait3A_161 = tpu.memref_squeeze %dma_wait3A_160 : memref<1x128xi32, #tpu.memory_space<vmem>> -> memref<128xi32, #tpu.memory_space<vmem>>
          %dma_wait3A_162 = arith.constant 0 : i32
          %dma_wait3A_163 = arith.constant 0 : i32
          %dma_wait3A_164 = tpu.memref_slice %arg18[%dma_wait3A_162, %dma_wait3A_163] : memref<10240x64xf32, #tpu.memory_space<vmem_shared>> -> memref<10240x64xf32, #tpu.memory_space<vmem_shared>>
          tpu.wait_indirect_dma semaphore(%arg16 : memref<!tpu.dma_semaphore, #tpu.memory_space<semaphore_mem>>) src(%arg10 : memref<128x64xf32, #tpu.memory_space<vmem>>) dst(%dma_wait3A_164 : memref<10240x64xf32, #tpu.memory_space<vmem_shared>>)
        } else {
        }
        %dma_start3A_101 = arith.constant 0 : i32
        %dma_start3A_102 = tpu.memref_slice %arg6[%add3A_95, %dma_start3A_101] : memref<84x128xi32, #tpu.memory_space<vmem>> -> memref<1x128xi32, #tpu.memory_space<vmem>>
        %dma_start3A_103 = tpu.memref_squeeze %dma_start3A_102 : memref<1x128xi32, #tpu.memory_space<vmem>> -> memref<128xi32, #tpu.memory_space<vmem>>
        %dma_start3A_104 = arith.constant 0 : i32
        %dma_start3A_105 = arith.constant 0 : i32
        %dma_start3A_106 = tpu.memref_slice %arg17[%dma_start3A_104, %dma_start3A_105] : memref<10240x64xf32, #tpu.memory_space<vmem_shared>> -> memref<10240x64xf32, #tpu.memory_space<vmem_shared>>
        tpu.enqueue_indirect_dma source(%dma_start3A_106 : memref<10240x64xf32, #tpu.memory_space<vmem_shared>>) target(%arg10 : memref<128x64xf32, #tpu.memory_space<vmem>>) offsets(%dma_start3A_103 : memref<128xi32, #tpu.memory_space<vmem>>) semaphore(%arg13 : memref<!tpu.dma_semaphore, #tpu.memory_space<semaphore_mem>>)
        %mul3A_107 = arith.constant 3 : i32
        %mul3A_108 = arith.muli %mul3A_107, %scan3A_62 : i32
        %add3A_109 = arith.constant 0 : i32
        %add3A_110 = arith.addi %mul3A_108, %add3A_109 : i32
        %dma_wait3A_111 = arith.constant 0 : i32
        %dma_wait3A_112 = arith.constant 0 : i32
        %dma_wait3A_113 = tpu.memref_slice %arg6[%dma_wait3A_111, %dma_wait3A_112] : memref<84x128xi32, #tpu.memory_space<vmem>> -> memref<1x128xi32, #tpu.memory_space<vmem>>
        %dma_wait3A_114 = tpu.memref_squeeze %dma_wait3A_113 : memref<1x128xi32, #tpu.memory_space<vmem>> -> memref<128xi32, #tpu.memory_space<vmem>>
        %dma_wait3A_115 = arith.constant 0 : i32
        %dma_wait3A_116 = arith.constant 0 : i32
        %dma_wait3A_117 = tpu.memref_slice %arg17[%dma_wait3A_115, %dma_wait3A_116] : memref<10240x64xf32, #tpu.memory_space<vmem_shared>> -> memref<10240x64xf32, #tpu.memory_space<vmem_shared>>
        tpu.wait_indirect_dma semaphore(%arg11 : memref<!tpu.dma_semaphore, #tpu.memory_space<semaphore_mem>>) src(%dma_wait3A_117 : memref<10240x64xf32, #tpu.memory_space<vmem_shared>>) dst(%arg8 : memref<128x64xf32, #tpu.memory_space<vmem>>)
        %dma_start3A_118 = arith.constant 0 : i32
        %dma_start3A_119 = tpu.memref_slice %arg7[%add3A_110, %dma_start3A_118] : memref<84x128xi32, #tpu.memory_space<vmem>> -> memref<1x128xi32, #tpu.memory_space<vmem>>
        %dma_start3A_120 = tpu.memref_squeeze %dma_start3A_119 : memref<1x128xi32, #tpu.memory_space<vmem>> -> memref<128xi32, #tpu.memory_space<vmem>>
        %dma_start3A_121 = arith.constant 0 : i32
        %dma_start3A_122 = arith.constant 0 : i32
        %dma_start3A_123 = tpu.memref_slice %arg18[%dma_start3A_121, %dma_start3A_122] : memref<10240x64xf32, #tpu.memory_space<vmem_shared>> -> memref<10240x64xf32, #tpu.memory_space<vmem_shared>>
        tpu.enqueue_indirect_dma source(%arg8 : memref<128x64xf32, #tpu.memory_space<vmem>>) target(%dma_start3A_123 : memref<10240x64xf32, #tpu.memory_space<vmem_shared>>) offsets(%dma_start3A_120 : memref<128xi32, #tpu.memory_space<vmem>>) semaphore(%arg14 : memref<!tpu.dma_semaphore, #tpu.memory_space<semaphore_mem>>) {add = true}
        %mul3A_124 = arith.constant 3 : i32
        %mul3A_125 = arith.muli %mul3A_124, %scan3A_62 : i32
        %add3A_126 = arith.constant 1 : i32
        %add3A_127 = arith.addi %mul3A_125, %add3A_126 : i32
        %dma_wait3A_128 = arith.constant 0 : i32
        %dma_wait3A_129 = arith.constant 0 : i32
        %dma_wait3A_130 = tpu.memref_slice %arg6[%dma_wait3A_128, %dma_wait3A_129] : memref<84x128xi32, #tpu.memory_space<vmem>> -> memref<1x128xi32, #tpu.memory_space<vmem>>
        %dma_wait3A_131 = tpu.memref_squeeze %dma_wait3A_130 : memref<1x128xi32, #tpu.memory_space<vmem>> -> memref<128xi32, #tpu.memory_space<vmem>>
        %dma_wait3A_132 = arith.constant 0 : i32
        %dma_wait3A_133 = arith.constant 0 : i32
        %dma_wait3A_134 = tpu.memref_slice %arg17[%dma_wait3A_132, %dma_wait3A_133] : memref<10240x64xf32, #tpu.memory_space<vmem_shared>> -> memref<10240x64xf32, #tpu.memory_space<vmem_shared>>
        tpu.wait_indirect_dma semaphore(%arg12 : memref<!tpu.dma_semaphore, #tpu.memory_space<semaphore_mem>>) src(%dma_wait3A_134 : memref<10240x64xf32, #tpu.memory_space<vmem_shared>>) dst(%arg9 : memref<128x64xf32, #tpu.memory_space<vmem>>)
        %dma_start3A_135 = arith.constant 0 : i32
        %dma_start3A_136 = tpu.memref_slice %arg7[%add3A_127, %dma_start3A_135] : memref<84x128xi32, #tpu.memory_space<vmem>> -> memref<1x128xi32, #tpu.memory_space<vmem>>
        %dma_start3A_137 = tpu.memref_squeeze %dma_start3A_136 : memref<1x128xi32, #tpu.memory_space<vmem>> -> memref<128xi32, #tpu.memory_space<vmem>>
        %dma_start3A_138 = arith.constant 0 : i32
        %dma_start3A_139 = arith.constant 0 : i32
        %dma_start3A_140 = tpu.memref_slice %arg18[%dma_start3A_138, %dma_start3A_139] : memref<10240x64xf32, #tpu.memory_space<vmem_shared>> -> memref<10240x64xf32, #tpu.memory_space<vmem_shared>>
        tpu.enqueue_indirect_dma source(%arg9 : memref<128x64xf32, #tpu.memory_space<vmem>>) target(%dma_start3A_140 : memref<10240x64xf32, #tpu.memory_space<vmem_shared>>) offsets(%dma_start3A_137 : memref<128xi32, #tpu.memory_space<vmem>>) semaphore(%arg15 : memref<!tpu.dma_semaphore, #tpu.memory_space<semaphore_mem>>) {add = true}
        %mul3A_141 = arith.constant 3 : i32
        %mul3A_142 = arith.muli %mul3A_141, %scan3A_62 : i32
        %add3A_143 = arith.constant 2 : i32
        %add3A_144 = arith.addi %mul3A_142, %add3A_143 : i32
        %dma_wait3A_145 = arith.constant 0 : i32
        %dma_wait3A_146 = arith.constant 0 : i32
        %dma_wait3A_147 = tpu.memref_slice %arg6[%dma_wait3A_145, %dma_wait3A_146] : memref<84x128xi32, #tpu.memory_space<vmem>> -> memref<1x128xi32, #tpu.memory_space<vmem>>
        %dma_wait3A_148 = tpu.memref_squeeze %dma_wait3A_147 : memref<1x128xi32, #tpu.memory_space<vmem>> -> memref<128xi32, #tpu.memory_space<vmem>>
        %dma_wait3A_149 = arith.constant 0 : i32
        %dma_wait3A_150 = arith.constant 0 : i32
        %dma_wait3A_151 = tpu.memref_slice %arg17[%dma_wait3A_149, %dma_wait3A_150] : memref<10240x64xf32, #tpu.memory_space<vmem_shared>> -> memref<10240x64xf32, #tpu.memory_space<vmem_shared>>
        tpu.wait_indirect_dma semaphore(%arg13 : memref<!tpu.dma_semaphore, #tpu.memory_space<semaphore_mem>>) src(%dma_wait3A_151 : memref<10240x64xf32, #tpu.memory_space<vmem_shared>>) dst(%arg10 : memref<128x64xf32, #tpu.memory_space<vmem>>)
        %dma_start3A_152 = arith.constant 0 : i32
        %dma_start3A_153 = tpu.memref_slice %arg7[%add3A_144, %dma_start3A_152] : memref<84x128xi32, #tpu.memory_space<vmem>> -> memref<1x128xi32, #tpu.memory_space<vmem>>
        %dma_start3A_154 = tpu.memref_squeeze %dma_start3A_153 : memref<1x128xi32, #tpu.memory_space<vmem>> -> memref<128xi32, #tpu.memory_space<vmem>>
        %dma_start3A_155 = arith.constant 0 : i32
        %dma_start3A_156 = arith.constant 0 : i32
        %dma_start3A_157 = tpu.memref_slice %arg18[%dma_start3A_155, %dma_start3A_156] : memref<10240x64xf32, #tpu.memory_space<vmem_shared>> -> memref<10240x64xf32, #tpu.memory_space<vmem_shared>>
        tpu.enqueue_indirect_dma source(%arg10 : memref<128x64xf32, #tpu.memory_space<vmem>>) target(%dma_start3A_157 : memref<10240x64xf32, #tpu.memory_space<vmem_shared>>) offsets(%dma_start3A_154 : memref<128xi32, #tpu.memory_space<vmem>>) semaphore(%arg16 : memref<!tpu.dma_semaphore, #tpu.memory_space<semaphore_mem>>) {add = true}
      }
      %scan3A_38 = arith.constant 26 : i32
      %dma_wait3A_39 = arith.constant 0 : i32
      %dma_wait3A_40 = arith.constant 0 : i32
      %dma_wait3A_41 = tpu.memref_slice %arg7[%dma_wait3A_39, %dma_wait3A_40] : memref<84x128xi32, #tpu.memory_space<vmem>> -> memref<1x128xi32, #tpu.memory_space<vmem>>
      %dma_wait3A_42 = tpu.memref_squeeze %dma_wait3A_41 : memref<1x128xi32, #tpu.memory_space<vmem>> -> memref<128xi32, #tpu.memory_space<vmem>>
      %dma_wait3A_43 = arith.constant 0 : i32
      %dma_wait3A_44 = arith.constant 0 : i32
      %dma_wait3A_45 = tpu.memref_slice %arg18[%dma_wait3A_43, %dma_wait3A_44] : memref<10240x64xf32, #tpu.memory_space<vmem_shared>> -> memref<10240x64xf32, #tpu.memory_space<vmem_shared>>
      tpu.wait_indirect_dma semaphore(%arg14 : memref<!tpu.dma_semaphore, #tpu.memory_space<semaphore_mem>>) src(%arg8 : memref<128x64xf32, #tpu.memory_space<vmem>>) dst(%dma_wait3A_45 : memref<10240x64xf32, #tpu.memory_space<vmem_shared>>)
      %dma_wait3A_46 = arith.constant 0 : i32
      %dma_wait3A_47 = arith.constant 0 : i32
      %dma_wait3A_48 = tpu.memref_slice %arg7[%dma_wait3A_46, %dma_wait3A_47] : memref<84x128xi32, #tpu.memory_space<vmem>> -> memref<1x128xi32, #tpu.memory_space<vmem>>
      %dma_wait3A_49 = tpu.memref_squeeze %dma_wait3A_48 : memref<1x128xi32, #tpu.memory_space<vmem>> -> memref<128xi32, #tpu.memory_space<vmem>>
      %dma_wait3A_50 = arith.constant 0 : i32
      %dma_wait3A_51 = arith.constant 0 : i32
      %dma_wait3A_52 = tpu.memref_slice %arg18[%dma_wait3A_50, %dma_wait3A_51] : memref<10240x64xf32, #tpu.memory_space<vmem_shared>> -> memref<10240x64xf32, #tpu.memory_space<vmem_shared>>
      tpu.wait_indirect_dma semaphore(%arg15 : memref<!tpu.dma_semaphore, #tpu.memory_space<semaphore_mem>>) src(%arg9 : memref<128x64xf32, #tpu.memory_space<vmem>>) dst(%dma_wait3A_52 : memref<10240x64xf32, #tpu.memory_space<vmem_shared>>)
      %dma_wait3A_53 = arith.constant 0 : i32
      %dma_wait3A_54 = arith.constant 0 : i32
      %dma_wait3A_55 = tpu.memref_slice %arg7[%dma_wait3A_53, %dma_wait3A_54] : memref<84x128xi32, #tpu.memory_space<vmem>> -> memref<1x128xi32, #tpu.memory_space<vmem>>
      %dma_wait3A_56 = tpu.memref_squeeze %dma_wait3A_55 : memref<1x128xi32, #tpu.memory_space<vmem>> -> memref<128xi32, #tpu.memory_space<vmem>>
      %dma_wait3A_57 = arith.constant 0 : i32
      %dma_wait3A_58 = arith.constant 0 : i32
      %dma_wait3A_59 = tpu.memref_slice %arg18[%dma_wait3A_57, %dma_wait3A_58] : memref<10240x64xf32, #tpu.memory_space<vmem_shared>> -> memref<10240x64xf32, #tpu.memory_space<vmem_shared>>
      tpu.wait_indirect_dma semaphore(%arg16 : memref<!tpu.dma_semaphore, #tpu.memory_space<semaphore_mem>>) src(%arg10 : memref<128x64xf32, #tpu.memory_space<vmem>>) dst(%dma_wait3A_59 : memref<10240x64xf32, #tpu.memory_space<vmem_shared>>)
      %barrier3A_60 = arith.constant 0 : index
      tpu.barrier barrier_id(%barrier3A_60)
      "tpu.region"() ({
        %run_scoped3A = tpu.sem_alloc : memref<!tpu.dma_semaphore, #tpu.memory_space<semaphore_mem>>
        %dma_start3A_62 = arith.constant 0 : i32
        %dma_start3A_63 = tpu.memref_slice %arg5[%arg0, %mul3A_10, %dma_start3A_62] : memref<2x10240x64xf32, #tpu.memory_space<hbm>> -> memref<1x640x64xf32, #tpu.memory_space<hbm>>
        %dma_start3A_64 = tpu.memref_squeeze %dma_start3A_63 : memref<1x640x64xf32, #tpu.memory_space<hbm>> -> memref<640x64xf32, #tpu.memory_space<hbm>>
        %dma_start3A_65 = arith.constant 0 : i32
        %dma_start3A_66 = tpu.memref_slice %arg18[%mul3A_10, %dma_start3A_65] : memref<10240x64xf32, #tpu.memory_space<vmem_shared>> -> memref<640x64xf32, #tpu.memory_space<vmem_shared>>
        tpu.enqueue_dma source(%dma_start3A_66 : memref<640x64xf32, #tpu.memory_space<vmem_shared>>) target(%dma_start3A_64 : memref<640x64xf32, #tpu.memory_space<hbm>>) target_semaphore(%run_scoped3A : memref<!tpu.dma_semaphore, #tpu.memory_space<semaphore_mem>>)
        %dma_wait3A_67 = arith.constant 0 : i32
        %dma_wait3A_68 = tpu.memref_slice %arg5[%arg0, %mul3A_10, %dma_wait3A_67] : memref<2x10240x64xf32, #tpu.memory_space<hbm>> -> memref<1x640x64xf32, #tpu.memory_space<hbm>>
        %dma_wait3A_69 = tpu.memref_squeeze %dma_wait3A_68 : memref<1x640x64xf32, #tpu.memory_space<hbm>> -> memref<640x64xf32, #tpu.memory_space<hbm>>
        %dma_wait3A_70 = arith.constant 0 : i32
        %dma_wait3A_71 = tpu.memref_slice %arg18[%mul3A_10, %dma_wait3A_70] : memref<10240x64xf32, #tpu.memory_space<vmem_shared>> -> memref<640x64xf32, #tpu.memory_space<vmem_shared>>
        tpu.wait_dma2 semaphore(%run_scoped3A : memref<!tpu.dma_semaphore, #tpu.memory_space<semaphore_mem>>) src(%dma_wait3A_71 : memref<640x64xf32, #tpu.memory_space<vmem_shared>>) dst(%dma_wait3A_69 : memref<640x64xf32, #tpu.memory_space<hbm>>)
        tpu.yield
      }) : () -> ()
      %barrier3A_61 = arith.constant 0 : index
      tpu.barrier barrier_id(%barrier3A_61)
    } else {
    }
    return
  }
}

module attributes {stable_mosaic.version = 14 : i64} {
  func.func @_mm1_body(%arg0: i32, %arg1: memref<640x16xf32, #tpu.memory_space<vmem>>, %arg2: memref<640x128xf32, #tpu.memory_space<vmem>>, %arg3: memref<128x128xf32, #tpu.memory_space<vmem>>, %arg4: memref<640x64xf32, #tpu.memory_space<vmem>>, %arg5: memref<640x64xf32, #tpu.memory_space<vmem>>) attributes {dimension_semantics = [#tpu.dimension_semantics<arbitrary>], iteration_bounds = array<i64: 16>, scalar_prefetch = 0 : i64, scratch_operands = 0 : i64, tpu.core_type = #tpu.core_type<tc>, window_params = [{transform_indices = @transform_0, window_bounds = array<i64: 640, 16>}, {transform_indices = @transform_1, window_bounds = array<i64: 640, 128>}, {pipeline_mode = #tpu.pipeline_mode<synchronous>, transform_indices = @transform_2, window_bounds = array<i64: 128, 128>}, {transform_indices = @transform_3, window_bounds = array<i64: 640, 64>}, {transform_indices = @transform_4, window_bounds = array<i64: 640, 64>}]} {
    %get3A = arith.constant 0 : index
    %get3A_0 = arith.constant 0 : index
    %get3A_1 = vector.load %arg1[%get3A, %get3A_0] : memref<640x16xf32, #tpu.memory_space<vmem>>, vector<640x16xf32>
    %slice3A = vector.extract_strided_slice %get3A_1 {offsets = [0, 0], sizes = [640, 1], strides = [1, 1]} : vector<640x16xf32> to vector<640x1xf32>
    %max3A = arith.constant 1.000000e+00 : f32
    %max3A_2 = vector.broadcast %max3A : f32 to vector<640x1xf32>
    %max3A_3 = arith.maximumf %slice3A, %max3A_2 : vector<640x1xf32>
    %rsqrt3A = math.rsqrt %max3A_3 : vector<640x1xf32>
    %get3A_4 = arith.constant 0 : index
    %get3A_5 = arith.constant 0 : index
    %get3A_6 = vector.load %arg2[%get3A_4, %get3A_5] : memref<640x128xf32, #tpu.memory_space<vmem>>, vector<640x128xf32>
    %get3A_7 = arith.constant 0 : index
    %get3A_8 = arith.constant 0 : index
    %get3A_9 = vector.load %arg3[%get3A_7, %get3A_8] : memref<128x128xf32, #tpu.memory_space<vmem>>, vector<128x128xf32>
    %dot_general3A = arith.constant dense<0.000000e+00> : vector<640x128xf32>
    %dot_general3A_10 = tpu.matmul %get3A_6, %get3A_9, %dot_general3A {dimension_numbers = #tpu.dot_dimension_numbers<[1], [0], [0], [1], [0, 0, 1, 1], [], []>, precision = #tpu.contract_precision<fp32>, transpose_lhs_hint = false} : vector<640x128xf32>, vector<128x128xf32>, vector<640x128xf32> -> vector<640x128xf32>
    %mul3A = vector.broadcast %rsqrt3A : vector<640x1xf32> to vector<640x128xf32>
    %mul3A_11 = arith.mulf %dot_general3A_10, %mul3A : vector<640x128xf32>
    %slice3A_12 = vector.extract_strided_slice %mul3A_11 {offsets = [0, 0], sizes = [640, 64], strides = [1, 1]} : vector<640x128xf32> to vector<640x64xf32>
    %swap3A = arith.constant 0 : index
    %swap3A_13 = arith.constant 0 : index
    %swap3A_14 = vector.load %arg4[%swap3A, %swap3A_13] : memref<640x64xf32, #tpu.memory_space<vmem>>, vector<640x64xf32>
    tpu.vector_store %arg4[%swap3A, %swap3A_13], %slice3A_12 {strides = array<i32>} : memref<640x64xf32, #tpu.memory_space<vmem>>, vector<640x64xf32>,
    %slice3A_15 = vector.extract_strided_slice %mul3A_11 {offsets = [0, 64], sizes = [640, 64], strides = [1, 1]} : vector<640x128xf32> to vector<640x64xf32>
    %swap3A_16 = arith.constant 0 : index
    %swap3A_17 = arith.constant 0 : index
    %swap3A_18 = vector.load %arg5[%swap3A_16, %swap3A_17] : memref<640x64xf32, #tpu.memory_space<vmem>>, vector<640x64xf32>
    tpu.vector_store %arg5[%swap3A_16, %swap3A_17], %slice3A_15 {strides = array<i32>} : memref<640x64xf32, #tpu.memory_space<vmem>>, vector<640x64xf32>,
    return
  }
  func.func @transform_0(%arg0: i32) -> (i32, i32) {
    %c0_i32 = arith.constant 0 : i32
    %c0_i32_0 = arith.constant 0 : i32
    return %arg0, %c0_i32 : i32, i32
  }
  func.func @transform_1(%arg0: i32) -> (i32, i32) {
    %c0_i32 = arith.constant 0 : i32
    %c0_i32_0 = arith.constant 0 : i32
    return %arg0, %c0_i32 : i32, i32
  }
  func.func @transform_2(%arg0: i32) -> (i32, i32) {
    %c0_i32 = arith.constant 0 : i32
    %c0_i32_0 = arith.constant 0 : i32
    %c0_i32_1 = arith.constant 0 : i32
    return %c0_i32, %c0_i32_0 : i32, i32
  }
  func.func @transform_3(%arg0: i32) -> (i32, i32) {
    %c0_i32 = arith.constant 0 : i32
    %c0_i32_0 = arith.constant 0 : i32
    return %arg0, %c0_i32 : i32, i32
  }
  func.func @transform_4(%arg0: i32) -> (i32, i32) {
    %c0_i32 = arith.constant 0 : i32
    %c0_i32_0 = arith.constant 0 : i32
    return %arg0, %c0_i32 : i32, i32
  }
}

module attributes {stable_mosaic.version = 14 : i64} {
  func.func @_mm2_body(%arg0: i32, %arg1: memref<2x640x64xf32, #tpu.memory_space<vmem>>, %arg2: memref<2x640x64xf32, #tpu.memory_space<vmem>>, %arg3: memref<640x16xf32, #tpu.memory_space<vmem>>, %arg4: memref<640x16xf32, #tpu.memory_space<vmem>>, %arg5: memref<128x64xf32, #tpu.memory_space<vmem>>, %arg6: memref<1x128xf32, #tpu.memory_space<vmem>>, %arg7: memref<640x64xf32, #tpu.memory_space<vmem>>) attributes {dimension_semantics = [#tpu.dimension_semantics<arbitrary>], iteration_bounds = array<i64: 16>, scalar_prefetch = 0 : i64, scratch_operands = 0 : i64, tpu.core_type = #tpu.core_type<tc>, window_params = [{transform_indices = @transform_0, window_bounds = array<i64: 2, 640, 64>}, {transform_indices = @transform_1, window_bounds = array<i64: 2, 640, 64>}, {transform_indices = @transform_2, window_bounds = array<i64: 640, 16>}, {transform_indices = @transform_3, window_bounds = array<i64: 640, 16>}, {pipeline_mode = #tpu.pipeline_mode<synchronous>, transform_indices = @transform_4, window_bounds = array<i64: 128, 64>}, {pipeline_mode = #tpu.pipeline_mode<synchronous>, transform_indices = @transform_5, window_bounds = array<i64: 1, 128>}, {transform_indices = @transform_6, window_bounds = array<i64: 640, 64>}]} {
    %get3A = arith.constant 0 : index
    %get3A_0 = arith.constant 0 : index
    %get3A_1 = vector.load %arg3[%get3A, %get3A_0] : memref<640x16xf32, #tpu.memory_space<vmem>>, vector<640x16xf32>
    %slice3A = vector.extract_strided_slice %get3A_1 {offsets = [0, 0], sizes = [640, 1], strides = [1, 1]} : vector<640x16xf32> to vector<640x1xf32>
    %max3A = arith.constant 1.000000e+00 : f32
    %max3A_2 = vector.broadcast %max3A : f32 to vector<640x1xf32>
    %max3A_3 = arith.maximumf %slice3A, %max3A_2 : vector<640x1xf32>
    %rsqrt3A = math.rsqrt %max3A_3 : vector<640x1xf32>
    %get3A_4 = arith.constant 0 : index
    %get3A_5 = arith.constant 0 : index
    %get3A_6 = vector.load %arg4[%get3A_4, %get3A_5] : memref<640x16xf32, #tpu.memory_space<vmem>>, vector<640x16xf32>
    %slice3A_7 = vector.extract_strided_slice %get3A_6 {offsets = [0, 0], sizes = [640, 1], strides = [1, 1]} : vector<640x16xf32> to vector<640x1xf32>
    %max3A_8 = arith.constant 1.000000e+00 : f32
    %max3A_9 = vector.broadcast %max3A_8 : f32 to vector<640x1xf32>
    %max3A_10 = arith.maximumf %slice3A_7, %max3A_9 : vector<640x1xf32>
    %rsqrt3A_11 = math.rsqrt %max3A_10 : vector<640x1xf32>
    %get3A_12 = arith.constant 0 : index
    %get3A_13 = arith.constant 0 : index
    %get3A_14 = arith.constant 0 : index
    %get3A_15 = vector.load %arg1[%get3A_12, %get3A_13, %get3A_14] : memref<2x640x64xf32, #tpu.memory_space<vmem>>, vector<1x640x64xf32>
    %get3A_16 = vector.shape_cast %get3A_15 : vector<1x640x64xf32> to vector<640x64xf32>
    %get3A_17 = arith.constant 1 : index
    %get3A_18 = arith.constant 0 : index
    %get3A_19 = arith.constant 0 : index
    %get3A_20 = vector.load %arg1[%get3A_17, %get3A_18, %get3A_19] : memref<2x640x64xf32, #tpu.memory_space<vmem>>, vector<1x640x64xf32>
    %get3A_21 = vector.shape_cast %get3A_20 : vector<1x640x64xf32> to vector<640x64xf32>
    %add3A = arith.addf %get3A_16, %get3A_21 : vector<640x64xf32>
    %mul3A = vector.broadcast %rsqrt3A_11 : vector<640x1xf32> to vector<640x64xf32>
    %mul3A_22 = arith.mulf %add3A, %mul3A : vector<640x64xf32>
    %get3A_23 = arith.constant 0 : index
    %get3A_24 = arith.constant 0 : index
    %get3A_25 = vector.load %arg6[%get3A_23, %get3A_24] : memref<1x128xf32, #tpu.memory_space<vmem>>, vector<1x64xf32>
    %add3A_26 = vector.broadcast %get3A_25 : vector<1x64xf32> to vector<640x64xf32>
    %add3A_27 = arith.addf %mul3A_22, %add3A_26 : vector<640x64xf32>
    %max3A_28 = arith.constant 0.000000e+00 : f32
    %max3A_29 = vector.broadcast %max3A_28 : f32 to vector<640x64xf32>
    %max3A_30 = arith.maximumf %add3A_27, %max3A_29 : vector<640x64xf32>
    %get3A_31 = arith.constant 0 : index
    %get3A_32 = arith.constant 0 : index
    %get3A_33 = arith.constant 0 : index
    %get3A_34 = vector.load %arg2[%get3A_31, %get3A_32, %get3A_33] : memref<2x640x64xf32, #tpu.memory_space<vmem>>, vector<1x640x64xf32>
    %get3A_35 = vector.shape_cast %get3A_34 : vector<1x640x64xf32> to vector<640x64xf32>
    %get3A_36 = arith.constant 1 : index
    %get3A_37 = arith.constant 0 : index
    %get3A_38 = arith.constant 0 : index
    %get3A_39 = vector.load %arg2[%get3A_36, %get3A_37, %get3A_38] : memref<2x640x64xf32, #tpu.memory_space<vmem>>, vector<1x640x64xf32>
    %get3A_40 = vector.shape_cast %get3A_39 : vector<1x640x64xf32> to vector<640x64xf32>
    %add3A_41 = arith.addf %get3A_35, %get3A_40 : vector<640x64xf32>
    %mul3A_42 = vector.broadcast %rsqrt3A_11 : vector<640x1xf32> to vector<640x64xf32>
    %mul3A_43 = arith.mulf %add3A_41, %mul3A_42 : vector<640x64xf32>
    %get3A_44 = arith.constant 0 : index
    %get3A_45 = arith.constant 64 : index
    %get3A_46 = vector.load %arg6[%get3A_44, %get3A_45] : memref<1x128xf32, #tpu.memory_space<vmem>>, vector<1x64xf32>
    %add3A_47 = vector.broadcast %get3A_46 : vector<1x64xf32> to vector<640x64xf32>
    %add3A_48 = arith.addf %mul3A_43, %add3A_47 : vector<640x64xf32>
    %max3A_49 = arith.constant 0.000000e+00 : f32
    %max3A_50 = vector.broadcast %max3A_49 : f32 to vector<640x64xf32>
    %max3A_51 = arith.maximumf %add3A_48, %max3A_50 : vector<640x64xf32>
    %get3A_52 = arith.constant 0 : index
    %get3A_53 = arith.constant 0 : index
    %get3A_54 = vector.load %arg5[%get3A_52, %get3A_53] : memref<128x64xf32, #tpu.memory_space<vmem>>, vector<64x64xf32>
    %dot_general3A = arith.constant dense<0.000000e+00> : vector<640x64xf32>
    %dot_general3A_55 = tpu.matmul %max3A_30, %get3A_54, %dot_general3A {dimension_numbers = #tpu.dot_dimension_numbers<[1], [0], [0], [1], [0, 0, 1, 1], [], []>, precision = #tpu.contract_precision<fp32>, transpose_lhs_hint = false} : vector<640x64xf32>, vector<64x64xf32>, vector<640x64xf32> -> vector<640x64xf32>
    %get3A_56 = arith.constant 64 : index
    %get3A_57 = arith.constant 0 : index
    %get3A_58 = vector.load %arg5[%get3A_56, %get3A_57] : memref<128x64xf32, #tpu.memory_space<vmem>>, vector<64x64xf32>
    %dot_general3A_59 = arith.constant dense<0.000000e+00> : vector<640x64xf32>
    %dot_general3A_60 = tpu.matmul %max3A_51, %get3A_58, %dot_general3A_59 {dimension_numbers = #tpu.dot_dimension_numbers<[1], [0], [0], [1], [0, 0, 1, 1], [], []>, precision = #tpu.contract_precision<fp32>, transpose_lhs_hint = false} : vector<640x64xf32>, vector<64x64xf32>, vector<640x64xf32> -> vector<640x64xf32>
    %add3A_61 = arith.addf %dot_general3A_55, %dot_general3A_60 : vector<640x64xf32>
    %mul3A_62 = vector.broadcast %rsqrt3A : vector<640x1xf32> to vector<640x64xf32>
    %mul3A_63 = arith.mulf %add3A_61, %mul3A_62 : vector<640x64xf32>
    %swap3A = arith.constant 0 : index
    %swap3A_64 = arith.constant 0 : index
    %swap3A_65 = vector.load %arg7[%swap3A, %swap3A_64] : memref<640x64xf32, #tpu.memory_space<vmem>>, vector<640x64xf32>
    tpu.vector_store %arg7[%swap3A, %swap3A_64], %mul3A_63 {strides = array<i32>} : memref<640x64xf32, #tpu.memory_space<vmem>>, vector<640x64xf32>,
    return
  }
  func.func @transform_0(%arg0: i32) -> (i32, i32, i32) {
    %c0_i32 = arith.constant 0 : i32
    %c0_i32_0 = arith.constant 0 : i32
    %c0_i32_1 = arith.constant 0 : i32
    return %c0_i32, %arg0, %c0_i32_0 : i32, i32, i32
  }
  func.func @transform_1(%arg0: i32) -> (i32, i32, i32) {
    %c0_i32 = arith.constant 0 : i32
    %c0_i32_0 = arith.constant 0 : i32
    %c0_i32_1 = arith.constant 0 : i32
    return %c0_i32, %arg0, %c0_i32_0 : i32, i32, i32
  }
  func.func @transform_2(%arg0: i32) -> (i32, i32) {
    %c0_i32 = arith.constant 0 : i32
    %c0_i32_0 = arith.constant 0 : i32
    return %arg0, %c0_i32 : i32, i32
  }
  func.func @transform_3(%arg0: i32) -> (i32, i32) {
    %c0_i32 = arith.constant 0 : i32
    %c0_i32_0 = arith.constant 0 : i32
    return %arg0, %c0_i32 : i32, i32
  }
  func.func @transform_4(%arg0: i32) -> (i32, i32) {
    %c0_i32 = arith.constant 0 : i32
    %c0_i32_0 = arith.constant 0 : i32
    %c0_i32_1 = arith.constant 0 : i32
    return %c0_i32, %c0_i32_0 : i32, i32
  }
  func.func @transform_5(%arg0: i32) -> (i32, i32) {
    %c0_i32 = arith.constant 0 : i32
    %c0_i32_0 = arith.constant 0 : i32
    %c0_i32_1 = arith.constant 0 : i32
    return %c0_i32, %c0_i32_0 : i32, i32
  }
  func.func @transform_6(%arg0: i32) -> (i32, i32) {
    %c0_i32 = arith.constant 0 : i32
    %c0_i32_0 = arith.constant 0 : i32
    return %arg0, %c0_i32 : i32, i32
  }
}

module attributes {stable_mosaic.version = 14 : i64} {
  func.func @_fin_body(%arg0: i32, %arg1: memref<2x640x64xf32, #tpu.memory_space<vmem>>, %arg2: memref<640x16xf32, #tpu.memory_space<vmem>>, %arg3: memref<1x64xf32, #tpu.memory_space<vmem>>, %arg4: memref<640x64xf32, #tpu.memory_space<vmem>>) attributes {dimension_semantics = [#tpu.dimension_semantics<arbitrary>], iteration_bounds = array<i64: 16>, scalar_prefetch = 0 : i64, scratch_operands = 0 : i64, tpu.core_type = #tpu.core_type<tc>, window_params = [{transform_indices = @transform_0, window_bounds = array<i64: 2, 640, 64>}, {transform_indices = @transform_1, window_bounds = array<i64: 640, 16>}, {pipeline_mode = #tpu.pipeline_mode<synchronous>, transform_indices = @transform_2, window_bounds = array<i64: 1, 64>}, {transform_indices = @transform_3, window_bounds = array<i64: 640, 64>}]} {
    %get3A = arith.constant 0 : index
    %get3A_0 = arith.constant 0 : index
    %get3A_1 = vector.load %arg2[%get3A, %get3A_0] : memref<640x16xf32, #tpu.memory_space<vmem>>, vector<640x16xf32>
    %slice3A = vector.extract_strided_slice %get3A_1 {offsets = [0, 0], sizes = [640, 1], strides = [1, 1]} : vector<640x16xf32> to vector<640x1xf32>
    %max3A = arith.constant 1.000000e+00 : f32
    %max3A_2 = vector.broadcast %max3A : f32 to vector<640x1xf32>
    %max3A_3 = arith.maximumf %slice3A, %max3A_2 : vector<640x1xf32>
    %rsqrt3A = math.rsqrt %max3A_3 : vector<640x1xf32>
    %get3A_4 = arith.constant 0 : index
    %get3A_5 = arith.constant 0 : index
    %get3A_6 = arith.constant 0 : index
    %get3A_7 = vector.load %arg1[%get3A_4, %get3A_5, %get3A_6] : memref<2x640x64xf32, #tpu.memory_space<vmem>>, vector<1x640x64xf32>
    %get3A_8 = vector.shape_cast %get3A_7 : vector<1x640x64xf32> to vector<640x64xf32>
    %get3A_9 = arith.constant 1 : index
    %get3A_10 = arith.constant 0 : index
    %get3A_11 = arith.constant 0 : index
    %get3A_12 = vector.load %arg1[%get3A_9, %get3A_10, %get3A_11] : memref<2x640x64xf32, #tpu.memory_space<vmem>>, vector<1x640x64xf32>
    %get3A_13 = vector.shape_cast %get3A_12 : vector<1x640x64xf32> to vector<640x64xf32>
    %add3A = arith.addf %get3A_8, %get3A_13 : vector<640x64xf32>
    %mul3A = vector.broadcast %rsqrt3A : vector<640x1xf32> to vector<640x64xf32>
    %mul3A_14 = arith.mulf %add3A, %mul3A : vector<640x64xf32>
    %get3A_15 = arith.constant 0 : index
    %get3A_16 = arith.constant 0 : index
    %get3A_17 = vector.load %arg3[%get3A_15, %get3A_16] : memref<1x64xf32, #tpu.memory_space<vmem>>, vector<1x64xf32>
    %add3A_18 = vector.broadcast %get3A_17 : vector<1x64xf32> to vector<640x64xf32>
    %add3A_19 = arith.addf %mul3A_14, %add3A_18 : vector<640x64xf32>
    %swap3A = arith.constant 0 : index
    %swap3A_20 = arith.constant 0 : index
    %swap3A_21 = vector.load %arg4[%swap3A, %swap3A_20] : memref<640x64xf32, #tpu.memory_space<vmem>>, vector<640x64xf32>
    tpu.vector_store %arg4[%swap3A, %swap3A_20], %add3A_19 {strides = array<i32>} : memref<640x64xf32, #tpu.memory_space<vmem>>, vector<640x64xf32>,
    return
  }
  func.func @transform_0(%arg0: i32) -> (i32, i32, i32) {
    %c0_i32 = arith.constant 0 : i32
    %c0_i32_0 = arith.constant 0 : i32
    %c0_i32_1 = arith.constant 0 : i32
    return %c0_i32, %arg0, %c0_i32_0 : i32, i32, i32
  }
  func.func @transform_1(%arg0: i32) -> (i32, i32) {
    %c0_i32 = arith.constant 0 : i32
    %c0_i32_0 = arith.constant 0 : i32
    return %arg0, %c0_i32 : i32, i32
  }
  func.func @transform_2(%arg0: i32) -> (i32, i32) {
    %c0_i32 = arith.constant 0 : i32
    %c0_i32_0 = arith.constant 0 : i32
    %c0_i32_1 = arith.constant 0 : i32
    return %c0_i32, %c0_i32_0 : i32, i32
  }
  func.func @transform_3(%arg0: i32) -> (i32, i32) {
    %c0_i32 = arith.constant 0 : i32
    %c0_i32_0 = arith.constant 0 : i32
    return %arg0, %c0_i32 : i32, i32
  }
}

</mosaic_0001>

<sc_bundles>
// kernel: kernel.11.cloned.1.call-start
scs
__scs_entry_jumppad:
0x0: {  	(pc) =	sbr.rel $0x88, $3  }
0x1: {  	(tag) =	ssettag $0x0;
	lr =	simm.s32 $0x1  }
0x2: {  	[smem:$0x3F9B] =	sst lr;
	_ =	strace $0xD0000000  }
0x3: {  	_ = 	snop  }
0x4: {  	_ = 	snop  }
0x5: {  	_ = 	snop  }
0x6: {  	_ = 	snop  }
0x7: {  	_ = 	snop  }
__scs_overlays_trampoline_lowered:
0x8: {  	[smem:$0x3FAA] =	sst s0  }
0x9: {  	[smem:$0x3FAB] =	sst s1  }
0xa: {  	[smem:$0x3FAC] =	sst s2  }
0xb: {  	[smem:$0x3FAD] =	sst s3  }
0xc: {  	[smem:$0x3FAE] =	sst s4  }
0xd: {  	[smem:$0x3FAF] =	sst s5  }
0xe: {  	[smem:$0x3FB0] =	sst s6  }
0xf: {  	[smem:$0x3FB1] =	sst s7  }
0x10: {  	[smem:$0x3FB2] =	sst s8  }
0x11: {  	[smem:$0x3FB3] =	sst s9;
	s0 =	simm.s32 @!p0 $0x0  }
0x12: {  	s1 =	sld [smem:$0x3F99];
	s0 =	simm.s32 @p0 $0x1  }
0x13: {  	[smem:$0x3FB4] =	sst s0;
	s0 =	simm.s32 @!p1 $0x0  }
0x14: {  	s2 =	sld [smem:$0x3F98];
	s0 =	simm.s32 @p1 $0x1  }
0x15: {  	[smem:$0x3FB5] =	sst s0;
	s0 =	simm.s32 @!p2 $0x0  }
0x16: {  	s3 =	sld [smem:$0x3FDB];
	s0 =	simm.s32 @p2 $0x1  }
0x17: {  	s4 =	simm.s32 $0x1BF5;
	[smem:$0x3FB7] =	sst s0  }
0x18: {  	s0 =	sld [smem:$0x3F9A];
	_ =	swait.ge [sflag:s4], $0x0  }
0x19: {  	s7 =	sld [smem:$0x3F9B]  }
0x1a: {  	s8 =	sadd.s32 $0xFFFFE003, lr  }
0x1b: {  	s9 =	sadd.s32 $0xFFFFFEF7, lr;
	s5 =	simm.s32 $0xFFFFFFFF;
	p2 =	slt.u32 s8, $0xFFFFF086  }
0x1c: {  	p1 =	slt.u32 s9, $0xF7A;
	s5 =	simm.s32 @!p2 $0x0  }
0x1d: {  	s5 =	simm.s32 @p1 $0x1;
	p0 =	seq.s32 s7, s2  }
0x1e: {  	s7 =	smul.u32 @!p0 $0xF7A, s2;
	p2 =	seq.s32 @!p0 s5, $0x0  }
0x1f: {  	s9 =	smul.u32 $0xF7A, s1;
	s8 =	simm.s32 @!p0 $0x1BF5;
	p2 =	por !p2, p0  }
0x20: {  	[sflag:s8] =	ssyncset.s32 @!p0 $0xFFFFF086;
	s6 =	sadd.s32 @!p0 s3, s7;
	s7 =	simm.s32 @!p0 $0x108  }
0x21: {  	s3 =	sadd.s32 s3, s9;
	s6 =	sadd.s32 @!p0 $0x88, s6;
	s7 =	simm.s32 @p2 $0x1082  }
0x22: {  	[simem:s7], [sflag:s8] =	dma.local @!p0 [hbm:s6], $0xF7A  }
0x23: {  	s9 =	sor.u32 $0xD0000000, s2;
	s6 =	simm.s32 $0x108;
	_ =	swait.ge @!p0 [sflag:s8], $0x0  }
0x24: {  	s3 =	sadd.s32 $0x88, s3;
	s6 =	simm.s32 @!p1 $0x1082;
	[sflag:s4] =	ssyncset.s32 $0xFFFFF086  }
0x25: {  	[simem:s6], [sflag:s4] =	dma.local [hbm:s3], $0xF7A  }
0x26: {  	[smem:$0x3F9B] =	sst s1;
	(tag) =	ssettag s2;
	_ =	strace s9  }
0x27: {  	s1 =	sld [smem:$0x3FAB]  }
0x28: {  	s2 =	sld [smem:$0x3FAC]  }
0x29: {  	s4 =	sld [smem:$0x3FAE]  }
0x2a: {  	p0 =	seq.s32 s5, $0x0;
	s5 =	sld [smem:$0x3FAF]  }
0x2b: {  	s6 =	sld [smem:$0x3FB0]  }
0x2c: {  	s7 =	sld [smem:$0x3FB1]  }
0x2d: {  	s3 =	simm.s32 $0x108;
	s8 =	sld [smem:$0x3FB2]  }
0x2e: {  	s3 =	simm.s32 @!p0 $0x1082;
	s9 =	sld [smem:$0x3FB3]  }
0x2f: {  	lr =	sadd.s32 s0, s3;
	s0 =	sld [smem:$0x3FAA]  }
0x30: {  	s3 =	sld [smem:$0x3FAD]  }
0x31: {  	[smem:$0x3FB6] =	sst s10  }
0x32: {  	s10 =	sld [smem:$0x3FB4];
	_ =	sdelay $0x3  }
0x33: {  	p0 =	seq.s32 s10, $0x1;
	s10 =	sld [smem:$0x3FB6];
	_ =	sdelay $0x3  }
0x34: {  	[smem:$0x3FB6] =	sst s10  }
0x35: {  	s10 =	sld [smem:$0x3FB5];
	_ =	sdelay $0x3  }
0x36: {  	p1 =	seq.s32 s10, $0x1;
	s10 =	sld [smem:$0x3FB6];
	_ =	sdelay $0x3  }
0x37: {  	[smem:$0x3FB6] =	sst s10  }
0x38: {  	s10 =	sld [smem:$0x3FB7]  }
0x39: {  	_ = 	snop;
	(pc) =	sbr.ind lr, $3  }
0x3a: {  	_ = 	snop  }
0x3b: {  	_ = 	snop  }
0x3c: {  	p2 =	seq.s32 s10, $0x1;
	s10 =	sld [smem:$0x3FB6]  }
0x3d: {  	_ =	shalt  }
0x3e: {  	_ =	shalt  }
0x3f: {  	_ =	shalt  }
0x40: {  	_ =	shalt  }
0x41: {  	_ =	shalt  }
0x42: {  	_ =	shalt  }
0x43: {  	_ =	shalt  }
0x44: {  	_ =	shalt  }
0x45: {  	_ =	shalt  }
0x46: {  	_ =	shalt  }
0x47: {  	_ =	shalt  }
0x48: {  	_ =	shalt  }
0x49: {  	_ =	shalt  }
0x4a: {  	_ =	shalt  }
0x4b: {  	_ =	shalt  }
0x4c: {  	_ =	shalt  }
0x4d: {  	_ =	shalt  }
0x4e: {  	_ =	shalt  }
0x4f: {  	_ =	shalt  }
0x50: {  	_ =	shalt  }
0x51: {  	_ =	shalt  }
0x52: {  	_ =	shalt  }
0x53: {  	_ =	shalt  }
0x54: {  	_ =	shalt  }
0x55: {  	_ =	shalt  }
0x56: {  	_ =	shalt  }
0x57: {  	_ =	shalt  }
0x58: {  	_ =	shalt  }
0x59: {  	_ =	shalt  }
0x5a: {  	_ =	shalt  }
0x5b: {  	_ =	shalt  }
0x5c: {  	_ =	shalt  }
0x5d: {  	_ =	shalt  }
0x5e: {  	_ =	shalt  }
0x5f: {  	_ =	shalt  }
0x60: {  	_ =	shalt  }
0x61: {  	_ =	shalt  }
0x62: {  	_ =	shalt  }
0x63: {  	_ =	shalt  }
0x64: {  	_ =	shalt  }
0x65: {  	_ =	shalt  }
0x66: {  	_ =	shalt  }
0x67: {  	_ =	shalt  }
0x68: {  	_ =	shalt  }
0x69: {  	_ =	shalt  }
0x6a: {  	_ =	shalt  }
0x6b: {  	_ =	shalt  }
0x6c: {  	_ =	shalt  }
0x6d: {  	_ =	shalt  }
0x6e: {  	_ =	shalt  }
0x6f: {  	_ =	shalt  }
0x70: {  	_ =	shalt  }
0x71: {  	_ =	shalt  }
0x72: {  	_ =	shalt  }
0x73: {  	_ =	shalt  }
0x74: {  	_ =	shalt  }
0x75: {  	_ =	shalt  }
0x76: {  	_ =	shalt  }
0x77: {  	_ =	shalt  }
0x78: {  	_ =	shalt  }
0x79: {  	_ =	shalt  }
0x7a: {  	_ =	shalt  }
0x7b: {  	_ =	shalt  }
0x7c: {  	_ =	shalt  }
0x7d: {  	_ =	shalt  }
0x7e: {  	_ =	shalt  }
0x7f: {  	_ =	shalt  }
0x80: {  	_ =	shalt  }
0x81: {  	_ =	shalt  }
0x82: {  	_ =	shalt  }
0x83: {  	_ =	shalt  }
0x84: {  	_ =	shalt  }
0x85: {  	_ =	shalt  }
0x86: {  	_ =	shalt  }
0x87: {  	_ =	shalt  }
.Lfunc_end0:
.L_simem_size_0:
called_computation.1_lowered:
.L_overlay_start_0:
0x88: {  	s2 =	sld [smem:$0x3FD9]  }
0x89: {  	s3 =	sld [smem:$0x3FFE];
	_ =	sdelay $0x1  }
0x8a: {  	s1 =	srdreg.scid  }
0x8b: {  	s0 =	sand.u32 $0x1, s1  }
0x8c: {  	s17 =	sshll.u32 s0, $0xA;
	s2 =	sadd.s32 s3, s2  }
0x8d: {  	s2 =	sadd.s32 s2, s17  }
0x8e: {  	[smem:$0x3FC2] =	sst s2  }
0x8f: {  	_ = 	snop  }
0x90: {  	s2 =	sld [smem:$0x3FD0];
	(tm) =	ssettm $0x1  }
0x91: {  	s18 =	sld [smem:$0x3FFB];
	_ =	sdelay $0x3  }
0x92: {  	_ =	strace s18  }
0x93: {  	s3 =	sld [smem:$0x3FFC];
	_ =	sdelay $0x3  }
0x94: {  	_ =	strace s3  }
0x95: {  	s3 =	sld [smem:$0x3FFD];
	_ =	sdelay $0x3  }
0x96: {  	_ =	strace s3  }
0x97: {  	_ =	strace $0x8FFFFFFF  }
0x98: {  	s19 =	sld [smem:$0x3FDB];
	_ =	sdelay $0x1  }
0x99: {  	s4 =	simm.s32 $_scs_section_size  }
0x9a: {  	s5 =	simm.s32 $_size__tile_overlayer_lowered;
	s6 =	simm.s32 $_tile_overlayer_lowered  }
0x9b: {  	s22 =	simm.s32 $0x1BFF;
	s21 =	sshll.u32 s6, $0x1;
	s3 =	sadd.s32 s4, s19  }
0x9c: {  	s7 =	simm.s32 $0x0;
	s20 =	sshll.u32 s5, $0x1;
	s5 =	sadd.s32 s21, s3  }
0x9d: {  	[timem:s7], [sflag:s22] =	dma.local [hbm:s5], s20  }
0x9e: {  	_ =	swait.ge [sflag:s22], s20  }
0x9f: {  	s4 =	ssub.s32 $0x0, s20;
	[sflag:s22] =	ssyncset.done $0x0  }
0xa0: {  	[sflag:s22] =	ssyncadd.s32 s4;
	_ =	sdelay $0x1  }
0xa1: {  	s23 =	simm.s32 $0x1B8B  }
0xa2: {  	_ =	swait.ge [sflag:s23], $0x1  }
0xa3: {  	[sflag:s23] =	ssyncset.done $0x0  }
0xa4: {  	s25 =	simm.s32 $0x1B8E;
	s24 =	sld [smem:$0x3FFE];
	[sflag:s23] =	ssyncadd.s32 $0xFFFFFFFF  }
0xa5: {  	s26 =	simm.s32 $execute0_lowered;
	[smem:$0x3FD2] =	sst s25  }
0xa6: {  	s5 =	sshll.u32 s26, $0x1;
	_ =	strace $0x80000049;
	[dreg:$0x1] =	wrdreg $0xFFFFFFFF  }
0xa7: {  	s28 =	simm.s32 $_size_execute0_lowered;
	s3 =	sadd.s32 s3, s5;
	[dreg:$0x0] =	wrdreg $0x0  }
0xa8: {  	s5 =	sshll.u32 s28, $0x1;
	[dreg:$0x2] =	wrdreg s3  }
0xa9: {  	[dreg:$0x3] =	wrdreg s5  }
0xaa: {  	[dreg:$0x4] =	wrdreg $0xC0  }
0xab: {  	_ =	task [dreg:s7], $0x5FFFF  }
0xac: {  	[dreg:$0x1] =	wrdreg $0xFFFFFFFF  }
0xad: {  	[dreg:$0x0] =	wrdreg $0x60  }
0xae: {  	[dreg:$0x2] =	wrdreg s24  }
0xaf: {  	[dreg:$0x3] =	wrdreg s2  }
0xb0: {  	[dreg:$0x4] =	wrdreg $0xB4000  }
0xb1: {  	[dreg:$0x5] =	wrdreg $0x154000  }
0xb2: {  	[dreg:$0x6] =	wrdreg $0x9  }
0xb3: {  	_ =	task.clear_ibuf [dreg:s7], $0x7FFFF;
	_ =	strace $0x90000049  }
0xb4: {  	s29 =	simm.s32 $0x9;
	_ =	strace $0x8000004B  }
0xb5: {  	_ =	swait.ge [sflag:s29], $0x1  }
0xb6: {  	[sflag:s29] =	ssyncadd.s32 $0xFFFFFFFF  }
0xb7: {  	_ =	strace $0x9000004B  }
0xb8: {  	_ =	sfence  }
0xb9: {  	s30 =	sld [smem:$0x0];
	_ =	sdelay $0x2  }
0xba: {  	s31 =	sshll.u32 s1, $0xD;
	s1 =	sshrl.u32 s1, $0x2  }
0xbb: {  	s3 =	sand.u32 $0x4000, s31;
	s1 =	sadd.s32 s1, s30  }
0xbc: {  	s0 =	sor.u32 s3, s0;
	s1 =	sshll.u32 s1, $0x11  }
0xbd: {  	s0 =	sor.u32 s1, s0  }
0xbe: {  	s0 =	sadd.s32 $0x8F2B, s0  }
0xbf: {  	[sflag:s0] =	ssyncadd.remote.s32 $0x1  }
0xc0: {  	_ =	sfence.sel $0xFFFF  }
0xc1: {  	[dreg:$0x0] =	wrdreg $0xFFFFFFFF;
	(pc) =	sbr.abs _section_cstart, $3  }
0xc2: {  	[dreg:$0x1] =	wrdreg $0xFFFFFFFF  }
0xc3: {  	_ =	task.clear_ibuf [dreg:s7], $0x2FFFF;
	_ =	strace $0x9FFFFFFF  }
0xc4: {  	(tm) =	ssettm $0x7FFFFFFF  }
0xc5: {  	_ =	shalt  }
tec
execute0_lowered:
.L_overlay_start_1:
0x0: {  	(tag) =	ssettag $0x1  }
0x1: {  	s0 =	rddreg [dreg:$0x0]  }
0x2: {  	s1 =	rddreg [dreg:$0x1]  }
0x3: {  	s2 =	rddreg [dreg:$0x2];
	s13 =	stileid.u32  }
0x4: {  	s3 =	rddreg [dreg:$0x3];
	s4 =	simm.s32 $0x0;
	s6 =	srdreg.scid  }
0x5: {  	s28 =	simm.s32 $0x80;
	s29 =	simm.s32 $0x7400;
	s5 =	smul.u32 $0xA000, s13  }
0x6: {  	s30 =	simm.s32 $0x100;
	s31 =	simm.s32 $0x9400;
	s10 =	smul.u32 $0x540, s13  }
0x7: {  	[smem:$0x7FF] =	sst s4;
	s6 =	sand.u32 $0x1, s6;
	s12 =	smul.u32 $0x28000, s13  }
0x8: {  	s8 =	sadd.s32 $0x2200, s0;
	s16 =	sadd.s32 $0x66600, s0;
	s22 =	smul.u32 $0x2700, s13  }
0x9: {  	_ =	strace $0x8000004A;
	s9 =	ssub.s32 $0x2, s6;
	p0 =	seq.s32 s6, $0x1  }
0xa: {  	s18 =	sshrl.u32 s5, $0x3;
	s11 =	sshrl.u32 s9, $0x1;
	s17 =	sadd.s32 s1, s10  }
0xb: {  	s19 =	sadd.s32 s8, s10;
	s20 =	sshrl.u32 s12, $0x2;
	[dreg:$0x7] =	wrdreg s17  }
0xc: {  	s21 =	sadd.s32 s5, s2;
	s24 =	sshrl.u32 s22, $0x3;
	[dreg:$0x8] =	wrdreg s19  }
0xd: {  	s7 =	sadd.s32 s18, s0;
	s0 =	sadd.s32 $0x3E600, s0;
	[dreg:$0x9] =	wrdreg s21  }
0xe: {  	s6 =	sadd.s32 s20, s3;
	s25 =	sadd.s32 s16, s18;
	[dreg:$0x5] =	wrdreg s18  }
0xf: {  	s26 =	sadd.s32 $0x14000, s18;
	s18 =	simm.s32 $0x4;
	s20 =	simm.s32 $0x5  }
0x10: {  	s21 =	simm.s32 $0x6;
	[dreg:$0x6] =	wrdreg s0;
	s0 =	ssub.s32 s9, s11  }
0x11: {  	s23 =	sadd.s32 $0x16600, s7;
	s11 =	sadd.s32 s5, s3;
	s12 =	sadd.s32 $0x2000, s6  }
0x12: {  	s13 =	sadd.s32 $0x4000, s6;
	s14 =	sadd.s32 $0x6000, s6;
	s15 =	sadd.s32 $0x8000, s6  }
0x13: {  	[dreg:$0xb] =	wrdreg s25;
	s5 =	sadd.s32 $0x5400, s24;
	s17 =	sadd.s32 $0x2A600, s7  }
0x14: {  	[dreg:$0xd] =	wrdreg s26;
	s24 =	simm.s32 $0x2A00;
	s25 =	simm.s32 $0x5400  }
.Ltmp0:
0x15: {  	s7 =	simm.s32 $0x2A80;
	[dreg:$0xa] =	wrdreg s23;
	(pc) =	sbr.rel .LBB2_1-.Ltmp0, $4  }
0x16: {  	s1 =	sadd.s32 s1, s5;
	s5 =	sadd.s32 s8, s5;
	s22 =	smax.u32 s0, $0x1  }
0x17: {  	s23 =	simm.s32 $0x7;
	s8 =	simm.s32 $0x3;
	[dreg:$0xc] =	wrdreg s1  }
0x18: {  	[dreg:$0xe] =	wrdreg s5;
	s1 =	sadd.s32 s16, s26;
	s26 =	simm.s32 $0x1  }
0x19: {  	v0 =	vimm.f32 $0.0e+00;
	s16 =	simm.s32 $0x2B00;
	[dreg:$0xf] =	wrdreg s1;
	s1 =	simm.s32 $0x2  }
.LBB2_19:
0x1a: {  	[spmem:s3] =	stream.indirect.scatter.add.f32 [tilespmem:s31], [sflag:$0x6], $0x40, s6, s28, $0xb8;
	[tilespmem:$0x1F400] =	vst v63  }
0x1b: {  	s5 =	rddreg [dreg:$0xd]  }
.LBB2_20:
0x1c: {  	_ =	swait.ge [sflag:s18], $0x2000  }
0x1d: {  	[sflag:s18] =	ssyncset.done $0x0  }
0x1e: {  	[sflag:s18] =	ssyncadd.s32 $0xFFFFE000  }
0x1f: {  	_ =	swait.ge [sflag:s20], $0x2000  }
0x20: {  	[sflag:s20] =	ssyncset.done $0x0  }
0x21: {  	[sflag:s20] =	ssyncadd.s32 $0xFFFFE000  }
0x22: {  	_ =	swait.ge [sflag:s21], $0x2000  }
0x23: {  	s19 =	sshrl.u32 s11, $0x3;
	[sflag:s21] =	ssyncset.done $0x0  }
0x24: {  	s4 =	sadd.s32 $0x1, s4;
	s6 =	rddreg [dreg:$0x6];
	[sflag:s21] =	ssyncadd.s32 $0xFFFFE000  }
0x25: {  	p1 =	sne.s32 s4, s22;
	s5 =	sadd.s32 s6, s5;
	[bflag:$0x0] =	sbarrier.arrive $0xFFFF  }
0x26: {  	[hbm:s5], [sflag:s0] =	dma.local [spmem:s19], $0x1400  }
.Ltmp1:
0x27: {  	_ =	swait.ge [sflag:s23], $0x1400;
	(pc) =	sbr.rel @!p1 .LBB2_21-.Ltmp1, $3  }
0x28: {  	[sflag:s23] =	ssyncset.done $0x0  }
0x29: {  	[sflag:s23] =	ssyncadd.s32 $0xFFFFEC00  }
0x2a: {  	[bflag:$0x0] =	sbarrier.arrive $0xFFFF;
	_ =	sdelay $0x1  }
.LBB2_1:
.Ltmp2:
0x2b: {  	(pc) =	sbr.rel @!p0 .LBB2_2-.Ltmp2, $2  }
0x2c: {  	_ =	sdelay $0x2  }
0x2d: {  	s0 =	simm.s32 $0x0  }
0x2e: {  	s5 =	rddreg [dreg:$0xc]  }
0x2f: {  	[tilespmem:s0], [sflag:$0x7] =	stream.linear.gather [hbm4b:s5+s0], $0x2700, $0x38;
	[tilespmem:$0x1F400] =	vst v63  }
0x30: {  	_ =	swait.ge [sflag:s23], $0x2700  }
0x31: {  	[sflag:s23] =	ssyncset.done $0x0  }
0x32: {  	s9 =	stileid.u32;
	s6 =	rddreg [dreg:$0xe];
	[sflag:s23] =	ssyncadd.s32 $0xFFFFD900  }
0x33: {  	[tilespmem:s24], [sflag:$0x7] =	stream.linear.gather [hbm4b:s6+s0], $0x2700, $0x38;
	[tilespmem:$0x1F400] =	vst v63  }
0x34: {  	s0 =	sshll.u32 s9, $0x6;
	_ =	swait.ge [sflag:s23], $0x2700  }
0x35: {  	s19 =	sor.u32 $0x1C01, s0;
	[sflag:s23] =	ssyncset.done $0x0;
	s10 =	rddreg [dreg:$0x9]  }
0x36: {  	s6 =	rddreg [dreg:$0xa];
	[sflag:s23] =	ssyncadd.s32 $0xFFFFD900;
	s5 =	sshrl.u32 s10, $0x3  }
0x37: {  	[spmem:s5], [sflag:s19] =	dma.local [hbm:s6], $0x1400  }
0x38: {  	s9 =	simm.s32 $0x100;
	s6 =	simm.s32 $0x0  }
.LBB2_12:
0x39: {  	p1 =	sne.s32 s9, $0x7F00;
	[tilespmem:s6+$0x5430] =	vst v0;
	s10 =	smov.u32 s9;
	s9 =	sadd.s32 $0x100, s9  }
.Ltmp3:
0x3a: {  	[tilespmem:s6+$0x5420] =	vst v0;
	(pc) =	sbr.rel @p1 .LBB2_12-.Ltmp3, $3  }
0x3b: {  	[tilespmem:s6+$0x5400] =	vst v0  }
0x3c: {  	[tilespmem:s6+$0x5410] =	vst v0;
	_ =	sdelay $0x1  }
0x3d: {  	s6 =	sshra.s32 s10, $0x2  }
0x3e: {  	[tilespmem:s6+$0x5430] =	vst v0  }
0x3f: {  	[tilespmem:s6+$0x5420] =	vst v0  }
0x40: {  	[tilespmem:s6+$0x5400] =	vst v0  }
0x41: {  	[tilespmem:s6+$0x5410] =	vst v0  }
0x42: {  	[spmem:s11] =	stream.linear.scatter [tilespmem:s25], [sflag:$0x7], $0x2000, $0x38;
	[tilespmem:$0x1F400] =	vst v63  }
0x43: {  	_ =	swait.ge [sflag:s23], $0x2000  }
0x44: {  	[sflag:s23] =	ssyncset.done $0x0  }
0x45: {  	[sflag:s23] =	ssyncadd.s32 $0xFFFFE000  }
0x46: {  	[spmem:s12] =	stream.linear.scatter [tilespmem:s25], [sflag:$0x7], $0x2000, $0x38;
	[tilespmem:$0x1F400] =	vst v63  }
0x47: {  	_ =	swait.ge [sflag:s23], $0x2000  }
0x48: {  	[sflag:s23] =	ssyncset.done $0x0  }
0x49: {  	[sflag:s23] =	ssyncadd.s32 $0xFFFFE000  }
0x4a: {  	[spmem:s13] =	stream.linear.scatter [tilespmem:s25], [sflag:$0x7], $0x2000, $0x38;
	[tilespmem:$0x1F400] =	vst v63  }
0x4b: {  	_ =	swait.ge [sflag:s23], $0x2000  }
0x4c: {  	[sflag:s23] =	ssyncset.done $0x0  }
0x4d: {  	[sflag:s23] =	ssyncadd.s32 $0xFFFFE000  }
0x4e: {  	[spmem:s14] =	stream.linear.scatter [tilespmem:s25], [sflag:$0x7], $0x2000, $0x38;
	[tilespmem:$0x1F400] =	vst v63  }
0x4f: {  	_ =	swait.ge [sflag:s23], $0x2000  }
0x50: {  	[sflag:s23] =	ssyncset.done $0x0  }
0x51: {  	[sflag:s23] =	ssyncadd.s32 $0xFFFFE000  }
0x52: {  	[spmem:s15] =	stream.linear.scatter [tilespmem:s25], [sflag:$0x7], $0x2000, $0x38;
	[tilespmem:$0x1F400] =	vst v63  }
0x53: {  	_ =	swait.ge [sflag:s23], $0x2000  }
0x54: {  	[sflag:s23] =	ssyncset.done $0x0  }
0x55: {  	[sflag:s23] =	ssyncadd.s32 $0xFFFFE000  }
0x56: {  	_ =	swait.ge [sflag:s26], $0x1400  }
0x57: {  	[sflag:s26] =	ssyncset.done $0x0  }
0x58: {  	[sflag:s26] =	ssyncadd.s32 $0xFFFFEC00  }
0x59: {  	s9 =	simm.s32 $0x0;
	[bflag:$0x0] =	sbarrier.arrive $0xFFFF  }
0x5a: {  	[tilespmem:s25], [sflag:$0x1] =	stream.indirect.gather [spmem:s2], $0x40, s9, s28, $0xb8;
	[tilespmem:$0x1F400] =	vst v63  }
0x5b: {  	_ = 	snop  }
0x5c: {  	[tilespmem:s29], [sflag:$0x2] =	stream.indirect.gather [spmem:s2], $0x40, s28, s28, $0xb8;
	[tilespmem:$0x1F400] =	vst v63  }
0x5d: {  	_ = 	snop  }
0x5e: {  	[tilespmem:s31], [sflag:$0x3] =	stream.indirect.gather [spmem:s2], $0x40, s30, s28, $0xb8;
	[tilespmem:$0x1F400] =	vst v63  }
0x5f: {  	_ =	swait.ge [sflag:s26], $0x2000  }
0x60: {  	[sflag:s26] =	ssyncset.done $0x0  }
0x61: {  	[sflag:s26] =	ssyncadd.s32 $0xFFFFE000  }
0x62: {  	[spmem:s3] =	stream.indirect.scatter.add.f32 [tilespmem:s25], [sflag:$0x4], $0x40, s24, s28, $0xb8;
	[tilespmem:$0x1F400] =	vst v63  }
0x63: {  	_ =	swait.ge [sflag:s1], $0x2000  }
0x64: {  	[sflag:s1] =	ssyncset.done $0x0  }
0x65: {  	[sflag:s1] =	ssyncadd.s32 $0xFFFFE000  }
0x66: {  	[spmem:s3] =	stream.indirect.scatter.add.f32 [tilespmem:s29], [sflag:$0x5], $0x40, s7, s28, $0xb8;
	[tilespmem:$0x1F400] =	vst v63  }
0x67: {  	_ =	swait.ge [sflag:s8], $0x2000  }
0x68: {  	[sflag:s8] =	ssyncset.done $0x0  }
0x69: {  	[sflag:s8] =	ssyncadd.s32 $0xFFFFE000  }
0x6a: {  	[spmem:s3] =	stream.indirect.scatter.add.f32 [tilespmem:s31], [sflag:$0x6], $0x40, s16, s28, $0xb8;
	[tilespmem:$0x1F400] =	vst v63  }
0x6b: {  	_ =	swait.ge [sflag:s18], $0x2000  }
0x6c: {  	[sflag:s18] =	ssyncset.done $0x0  }
0x6d: {  	s10 =	simm.s32 $0x180;
	[sflag:s18] =	ssyncadd.s32 $0xFFFFE000  }
0x6e: {  	[tilespmem:s25], [sflag:$0x1] =	stream.indirect.gather [spmem:s2], $0x40, s10, s28, $0xb8;
	[tilespmem:$0x1F400] =	vst v63  }
0x6f: {  	_ =	swait.ge [sflag:s20], $0x2000  }
0x70: {  	[sflag:s20] =	ssyncset.done $0x0  }
0x71: {  	s9 =	simm.s32 $0x200;
	[sflag:s20] =	ssyncadd.s32 $0xFFFFE000  }
0x72: {  	[tilespmem:s29], [sflag:$0x2] =	stream.indirect.gather [spmem:s2], $0x40, s9, s28, $0xb8;
	[tilespmem:$0x1F400] =	vst v63  }
0x73: {  	_ =	swait.ge [sflag:s21], $0x2000  }
0x74: {  	[sflag:s21] =	ssyncset.done $0x0  }
0x75: {  	s10 =	simm.s32 $0x280;
	[sflag:s21] =	ssyncadd.s32 $0xFFFFE000  }
0x76: {  	[tilespmem:s31], [sflag:$0x3] =	stream.indirect.gather [spmem:s2], $0x40, s10, s28, $0xb8;
	[tilespmem:$0x1F400] =	vst v63  }
0x77: {  	_ =	swait.ge [sflag:s26], $0x2000  }
0x78: {  	[sflag:s26] =	ssyncset.done $0x0  }
0x79: {  	s9 =	simm.s32 $0x2B80;
	[sflag:s26] =	ssyncadd.s32 $0xFFFFE000  }
0x7a: {  	[spmem:s3] =	stream.indirect.scatter.add.f32 [tilespmem:s25], [sflag:$0x4], $0x40, s9, s28, $0xb8;
	[tilespmem:$0x1F400] =	vst v63  }
0x7b: {  	_ =	swait.ge [sflag:s1], $0x2000  }
0x7c: {  	[sflag:s1] =	ssyncset.done $0x0  }
0x7d: {  	s10 =	simm.s32 $0x2C00;
	[sflag:s1] =	ssyncadd.s32 $0xFFFFE000  }
0x7e: {  	[spmem:s3] =	stream.indirect.scatter.add.f32 [tilespmem:s29], [sflag:$0x5], $0x40, s10, s28, $0xb8;
	[tilespmem:$0x1F400] =	vst v63  }
0x7f: {  	_ =	swait.ge [sflag:s8], $0x2000  }
0x80: {  	[sflag:s8] =	ssyncset.done $0x0  }
0x81: {  	s6 =	simm.s32 $0x600;
	s9 =	simm.s32 $0x2C80;
	[sflag:s8] =	ssyncadd.s32 $0xFFFFE000  }
.LBB2_14:
0x82: {  	[spmem:s3] =	stream.indirect.scatter.add.f32 [tilespmem:s31], [sflag:$0x6], $0x40, s9, s28, $0xb8;
	[tilespmem:$0x1F400] =	vst v63  }
0x83: {  	s9 =	smov.u32 s6  }
0x84: {  	p1 =	sne.s32 s6, $0x9000;
	s6 =	sadd.s32 $0x600, s6;
	_ =	swait.ge [sflag:s18], $0x2000  }
0x85: {  	s9 =	sshra.s32 s9, $0x2;
	[sflag:s18] =	ssyncset.done $0x0  }
0x86: {  	s10 =	sadd.s32 $0x180, s9;
	[sflag:s18] =	ssyncadd.s32 $0xFFFFE000  }
0x87: {  	[tilespmem:s25], [sflag:$0x1] =	stream.indirect.gather [spmem:s2], $0x40, s10, s28, $0xb8;
	[tilespmem:$0x1F400] =	vst v63  }
0x88: {  	_ =	swait.ge [sflag:s20], $0x2000  }
0x89: {  	[sflag:s20] =	ssyncset.done $0x0  }
0x8a: {  	s10 =	sadd.s32 $0x200, s9;
	[sflag:s20] =	ssyncadd.s32 $0xFFFFE000  }
0x8b: {  	[tilespmem:s29], [sflag:$0x2] =	stream.indirect.gather [spmem:s2], $0x40, s10, s28, $0xb8;
	[tilespmem:$0x1F400] =	vst v63  }
0x8c: {  	_ =	swait.ge [sflag:s21], $0x2000  }
0x8d: {  	[sflag:s21] =	ssyncset.done $0x0  }
0x8e: {  	s10 =	sadd.s32 $0x280, s9;
	[sflag:s21] =	ssyncadd.s32 $0xFFFFE000  }
0x8f: {  	[tilespmem:s31], [sflag:$0x3] =	stream.indirect.gather [spmem:s2], $0x40, s10, s28, $0xb8;
	[tilespmem:$0x1F400] =	vst v63  }
0x90: {  	_ =	swait.ge [sflag:s26], $0x2000  }
0x91: {  	[sflag:s26] =	ssyncset.done $0x0  }
0x92: {  	s10 =	sadd.s32 $0x2B80, s9;
	[sflag:s26] =	ssyncadd.s32 $0xFFFFE000  }
0x93: {  	[spmem:s3] =	stream.indirect.scatter.add.f32 [tilespmem:s25], [sflag:$0x4], $0x40, s10, s28, $0xb8;
	[tilespmem:$0x1F400] =	vst v63  }
0x94: {  	_ =	swait.ge [sflag:s1], $0x2000  }
0x95: {  	[sflag:s1] =	ssyncset.done $0x0  }
.Ltmp4:
0x96: {  	s10 =	sadd.s32 $0x2C00, s9;
	[sflag:s1] =	ssyncadd.s32 $0xFFFFE000;
	(pc) =	sbr.rel @p1 .LBB2_14-.Ltmp4, $4  }
0x97: {  	[spmem:s3] =	stream.indirect.scatter.add.f32 [tilespmem:s29], [sflag:$0x5], $0x40, s10, s28, $0xb8;
	[tilespmem:$0x1F400] =	vst v63  }
0x98: {  	_ =	swait.ge [sflag:s8], $0x2000  }
0x99: {  	[sflag:s8] =	ssyncset.done $0x0  }
0x9a: {  	s9 =	sadd.s32 $0x2C80, s9;
	[sflag:s8] =	ssyncadd.s32 $0xFFFFE000  }
0x9b: {  	[spmem:s3] =	stream.indirect.scatter.add.f32 [tilespmem:s31], [sflag:$0x6], $0x40, s9, s28, $0xb8;
	[tilespmem:$0x1F400] =	vst v63  }
0x9c: {  	_ =	swait.ge [sflag:s18], $0x2000  }
0x9d: {  	[sflag:s18] =	ssyncset.done $0x0  }
0x9e: {  	[sflag:s18] =	ssyncadd.s32 $0xFFFFE000  }
0x9f: {  	_ =	swait.ge [sflag:s20], $0x2000  }
0xa0: {  	[sflag:s20] =	ssyncset.done $0x0  }
0xa1: {  	[sflag:s20] =	ssyncadd.s32 $0xFFFFE000  }
0xa2: {  	_ =	swait.ge [sflag:s21], $0x2000  }
0xa3: {  	[sflag:s21] =	ssyncset.done $0x0  }
0xa4: {  	[sflag:s21] =	ssyncadd.s32 $0xFFFFE000  }
0xa5: {  	[bflag:$0x0] =	sbarrier.arrive $0xFFFF  }
0xa6: {  	s0 =	sor.u32 $0x1C07, s0;
	s6 =	sshrl.u32 s11, $0x3;
	s10 =	rddreg [dreg:$0xf]  }
0xa7: {  	[hbm:s10], [sflag:s0] =	dma.local [spmem:s6], $0x1400  }
0xa8: {  	_ =	swait.ge [sflag:s23], $0x1400  }
0xa9: {  	[sflag:s23] =	ssyncset.done $0x0  }
0xaa: {  	[sflag:s23] =	ssyncadd.s32 $0xFFFFEC00  }
0xab: {  	[bflag:$0x0] =	sbarrier.arrive $0xFFFF  }
0xac: {  	[spmem:s5], [sflag:s19] =	dma.local [hbm:s17], $0x1400  }
0xad: {  	s6 =	simm.s32 $0x100;
	s5 =	simm.s32 $0x0  }
.LBB2_16:
0xae: {  	p1 =	sne.s32 s6, $0x7F00;
	[tilespmem:s5+$0x5430] =	vst v0;
	s9 =	smov.u32 s6;
	s6 =	sadd.s32 $0x100, s6  }
.Ltmp5:
0xaf: {  	[tilespmem:s5+$0x5420] =	vst v0;
	(pc) =	sbr.rel @p1 .LBB2_16-.Ltmp5, $3  }
0xb0: {  	[tilespmem:s5+$0x5400] =	vst v0  }
0xb1: {  	[tilespmem:s5+$0x5410] =	vst v0;
	_ =	sdelay $0x1  }
0xb2: {  	s5 =	sshra.s32 s9, $0x2  }
0xb3: {  	[tilespmem:s5+$0x5430] =	vst v0  }
0xb4: {  	[tilespmem:s5+$0x5420] =	vst v0  }
0xb5: {  	[tilespmem:s5+$0x5400] =	vst v0  }
0xb6: {  	[tilespmem:s5+$0x5410] =	vst v0  }
0xb7: {  	[spmem:s11] =	stream.linear.scatter [tilespmem:s25], [sflag:$0x7], $0x2000, $0x38;
	[tilespmem:$0x1F400] =	vst v63  }
0xb8: {  	_ =	swait.ge [sflag:s23], $0x2000  }
0xb9: {  	[sflag:s23] =	ssyncset.done $0x0  }
0xba: {  	[sflag:s23] =	ssyncadd.s32 $0xFFFFE000  }
0xbb: {  	[spmem:s12] =	stream.linear.scatter [tilespmem:s25], [sflag:$0x7], $0x2000, $0x38;
	[tilespmem:$0x1F400] =	vst v63  }
0xbc: {  	_ =	swait.ge [sflag:s23], $0x2000  }
0xbd: {  	[sflag:s23] =	ssyncset.done $0x0  }
0xbe: {  	[sflag:s23] =	ssyncadd.s32 $0xFFFFE000  }
0xbf: {  	[spmem:s13] =	stream.linear.scatter [tilespmem:s25], [sflag:$0x7], $0x2000, $0x38;
	[tilespmem:$0x1F400] =	vst v63  }
0xc0: {  	_ =	swait.ge [sflag:s23], $0x2000  }
0xc1: {  	[sflag:s23] =	ssyncset.done $0x0  }
0xc2: {  	[sflag:s23] =	ssyncadd.s32 $0xFFFFE000  }
0xc3: {  	[spmem:s14] =	stream.linear.scatter [tilespmem:s25], [sflag:$0x7], $0x2000, $0x38;
	[tilespmem:$0x1F400] =	vst v63  }
0xc4: {  	_ =	swait.ge [sflag:s23], $0x2000  }
0xc5: {  	[sflag:s23] =	ssyncset.done $0x0  }
0xc6: {  	[sflag:s23] =	ssyncadd.s32 $0xFFFFE000  }
0xc7: {  	[spmem:s15] =	stream.linear.scatter [tilespmem:s25], [sflag:$0x7], $0x2000, $0x38;
	[tilespmem:$0x1F400] =	vst v63  }
0xc8: {  	_ =	swait.ge [sflag:s23], $0x2000  }
0xc9: {  	[sflag:s23] =	ssyncset.done $0x0  }
0xca: {  	[sflag:s23] =	ssyncadd.s32 $0xFFFFE000  }
0xcb: {  	_ =	swait.ge [sflag:s26], $0x1400  }
0xcc: {  	[sflag:s26] =	ssyncset.done $0x0  }
0xcd: {  	[sflag:s26] =	ssyncadd.s32 $0xFFFFEC00  }
0xce: {  	s10 =	simm.s32 $0x0;
	[bflag:$0x0] =	sbarrier.arrive $0xFFFF  }
0xcf: {  	[tilespmem:s25], [sflag:$0x1] =	stream.indirect.gather [spmem:s2], $0x40, s10, s28, $0xb8;
	[tilespmem:$0x1F400] =	vst v63  }
0xd0: {  	_ = 	snop  }
0xd1: {  	[tilespmem:s29], [sflag:$0x2] =	stream.indirect.gather [spmem:s2], $0x40, s28, s28, $0xb8;
	[tilespmem:$0x1F400] =	vst v63  }
0xd2: {  	_ = 	snop  }
0xd3: {  	[tilespmem:s31], [sflag:$0x3] =	stream.indirect.gather [spmem:s2], $0x40, s30, s28, $0xb8;
	[tilespmem:$0x1F400] =	vst v63  }
0xd4: {  	_ =	swait.ge [sflag:s26], $0x2000  }
0xd5: {  	[sflag:s26] =	ssyncset.done $0x0  }
0xd6: {  	[sflag:s26] =	ssyncadd.s32 $0xFFFFE000  }
0xd7: {  	[spmem:s3] =	stream.indirect.scatter.add.f32 [tilespmem:s25], [sflag:$0x4], $0x40, s24, s28, $0xb8;
	[tilespmem:$0x1F400] =	vst v63  }
0xd8: {  	_ =	swait.ge [sflag:s1], $0x2000  }
0xd9: {  	[sflag:s1] =	ssyncset.done $0x0  }
0xda: {  	[sflag:s1] =	ssyncadd.s32 $0xFFFFE000  }
0xdb: {  	[spmem:s3] =	stream.indirect.scatter.add.f32 [tilespmem:s29], [sflag:$0x5], $0x40, s7, s28, $0xb8;
	[tilespmem:$0x1F400] =	vst v63  }
0xdc: {  	_ =	swait.ge [sflag:s8], $0x2000  }
0xdd: {  	[sflag:s8] =	ssyncset.done $0x0  }
0xde: {  	[sflag:s8] =	ssyncadd.s32 $0xFFFFE000  }
0xdf: {  	[spmem:s3] =	stream.indirect.scatter.add.f32 [tilespmem:s31], [sflag:$0x6], $0x40, s16, s28, $0xb8;
	[tilespmem:$0x1F400] =	vst v63  }
0xe0: {  	_ =	swait.ge [sflag:s18], $0x2000  }
0xe1: {  	[sflag:s18] =	ssyncset.done $0x0  }
0xe2: {  	s19 =	simm.s32 $0x180;
	[sflag:s18] =	ssyncadd.s32 $0xFFFFE000  }
0xe3: {  	[tilespmem:s25], [sflag:$0x1] =	stream.indirect.gather [spmem:s2], $0x40, s19, s28, $0xb8;
	[tilespmem:$0x1F400] =	vst v63  }
0xe4: {  	_ =	swait.ge [sflag:s20], $0x2000  }
0xe5: {  	[sflag:s20] =	ssyncset.done $0x0  }
0xe6: {  	s6 =	simm.s32 $0x200;
	[sflag:s20] =	ssyncadd.s32 $0xFFFFE000  }
0xe7: {  	[tilespmem:s29], [sflag:$0x2] =	stream.indirect.gather [spmem:s2], $0x40, s6, s28, $0xb8;
	[tilespmem:$0x1F400] =	vst v63  }
0xe8: {  	_ =	swait.ge [sflag:s21], $0x2000  }
0xe9: {  	[sflag:s21] =	ssyncset.done $0x0  }
0xea: {  	s9 =	simm.s32 $0x280;
	[sflag:s21] =	ssyncadd.s32 $0xFFFFE000  }
0xeb: {  	[tilespmem:s31], [sflag:$0x3] =	stream.indirect.gather [spmem:s2], $0x40, s9, s28, $0xb8;
	[tilespmem:$0x1F400] =	vst v63  }
0xec: {  	_ =	swait.ge [sflag:s26], $0x2000  }
0xed: {  	[sflag:s26] =	ssyncset.done $0x0  }
0xee: {  	s10 =	simm.s32 $0x2B80;
	[sflag:s26] =	ssyncadd.s32 $0xFFFFE000  }
0xef: {  	[spmem:s3] =	stream.indirect.scatter.add.f32 [tilespmem:s25], [sflag:$0x4], $0x40, s10, s28, $0xb8;
	[tilespmem:$0x1F400] =	vst v63  }
0xf0: {  	_ =	swait.ge [sflag:s1], $0x2000  }
0xf1: {  	[sflag:s1] =	ssyncset.done $0x0  }
0xf2: {  	s19 =	simm.s32 $0x2C00;
	[sflag:s1] =	ssyncadd.s32 $0xFFFFE000  }
0xf3: {  	[spmem:s3] =	stream.indirect.scatter.add.f32 [tilespmem:s29], [sflag:$0x5], $0x40, s19, s28, $0xb8;
	[tilespmem:$0x1F400] =	vst v63  }
0xf4: {  	_ =	swait.ge [sflag:s8], $0x2000  }
0xf5: {  	[sflag:s8] =	ssyncset.done $0x0  }
0xf6: {  	s5 =	simm.s32 $0x600;
	s6 =	simm.s32 $0x2C80;
	[sflag:s8] =	ssyncadd.s32 $0xFFFFE000  }
.LBB2_18:
0xf7: {  	[spmem:s3] =	stream.indirect.scatter.add.f32 [tilespmem:s31], [sflag:$0x6], $0x40, s6, s28, $0xb8;
	[tilespmem:$0x1F400] =	vst v63  }
0xf8: {  	s6 =	smov.u32 s5  }
0xf9: {  	p1 =	sne.s32 s5, $0x9000;
	s5 =	sadd.s32 $0x600, s5;
	_ =	swait.ge [sflag:s18], $0x2000  }
0xfa: {  	s6 =	sshra.s32 s6, $0x2;
	[sflag:s18] =	ssyncset.done $0x0  }
0xfb: {  	s9 =	sadd.s32 $0x180, s6;
	[sflag:s18] =	ssyncadd.s32 $0xFFFFE000  }
0xfc: {  	[tilespmem:s25], [sflag:$0x1] =	stream.indirect.gather [spmem:s2], $0x40, s9, s28, $0xb8;
	[tilespmem:$0x1F400] =	vst v63  }
0xfd: {  	_ =	swait.ge [sflag:s20], $0x2000  }
0xfe: {  	[sflag:s20] =	ssyncset.done $0x0  }
0xff: {  	s9 =	sadd.s32 $0x200, s6;
	[sflag:s20] =	ssyncadd.s32 $0xFFFFE000  }
0x100: {  	[tilespmem:s29], [sflag:$0x2] =	stream.indirect.gather [spmem:s2], $0x40, s9, s28, $0xb8;
	[tilespmem:$0x1F400] =	vst v63  }
0x101: {  	_ =	swait.ge [sflag:s21], $0x2000  }
0x102: {  	[sflag:s21] =	ssyncset.done $0x0  }
0x103: {  	s9 =	sadd.s32 $0x280, s6;
	[sflag:s21] =	ssyncadd.s32 $0xFFFFE000  }
0x104: {  	[tilespmem:s31], [sflag:$0x3] =	stream.indirect.gather [spmem:s2], $0x40, s9, s28, $0xb8;
	[tilespmem:$0x1F400] =	vst v63  }
0x105: {  	_ =	swait.ge [sflag:s26], $0x2000  }
0x106: {  	[sflag:s26] =	ssyncset.done $0x0  }
0x107: {  	s9 =	sadd.s32 $0x2B80, s6;
	[sflag:s26] =	ssyncadd.s32 $0xFFFFE000  }
0x108: {  	[spmem:s3] =	stream.indirect.scatter.add.f32 [tilespmem:s25], [sflag:$0x4], $0x40, s9, s28, $0xb8;
	[tilespmem:$0x1F400] =	vst v63  }
0x109: {  	_ =	swait.ge [sflag:s1], $0x2000  }
0x10a: {  	[sflag:s1] =	ssyncset.done $0x0  }
.Ltmp6:
0x10b: {  	s9 =	sadd.s32 $0x2C00, s6;
	[sflag:s1] =	ssyncadd.s32 $0xFFFFE000;
	(pc) =	sbr.rel @p1 .LBB2_18-.Ltmp6, $4  }
0x10c: {  	[spmem:s3] =	stream.indirect.scatter.add.f32 [tilespmem:s29], [sflag:$0x5], $0x40, s9, s28, $0xb8;
	[tilespmem:$0x1F400] =	vst v63  }
0x10d: {  	_ =	swait.ge [sflag:s8], $0x2000  }
0x10e: {  	[sflag:s8] =	ssyncset.done $0x0  }
0x10f: {  	s6 =	sadd.s32 $0x2C80, s6;
	[sflag:s8] =	ssyncadd.s32 $0xFFFFE000  }
.Ltmp7:
0x110: {  	_ = 	snop;
	(pc) =	sbr.rel .LBB2_19-.Ltmp7, $1  }
0x111: {  	_ =	sdelay $0x3  }
.LBB2_2:
0x112: {  	s5 =	rddreg [dreg:$0x7]  }
0x113: {  	[tilespmem:s0], [sflag:$0x7] =	stream.linear.gather [hbm4b:s5+s0], $0x2A00, $0x38;
	[tilespmem:$0x1F400] =	vst v63  }
0x114: {  	_ =	swait.ge [sflag:s23], $0x2A00  }
0x115: {  	[sflag:s23] =	ssyncset.done $0x0  }
0x116: {  	s9 =	stileid.u32;
	s6 =	rddreg [dreg:$0x8];
	[sflag:s23] =	ssyncadd.s32 $0xFFFFD600  }
0x117: {  	[tilespmem:s24], [sflag:$0x7] =	stream.linear.gather [hbm4b:s6+s0], $0x2A00, $0x38;
	[tilespmem:$0x1F400] =	vst v63  }
0x118: {  	s0 =	sshll.u32 s9, $0x6;
	_ =	swait.ge [sflag:s23], $0x2A00  }
0x119: {  	s19 =	sor.u32 $0x1C01, s0;
	[sflag:s23] =	ssyncset.done $0x0;
	s10 =	rddreg [dreg:$0x9]  }
0x11a: {  	s6 =	rddreg [dreg:$0xa];
	[sflag:s23] =	ssyncadd.s32 $0xFFFFD600;
	s5 =	sshrl.u32 s10, $0x3  }
0x11b: {  	[spmem:s5], [sflag:s19] =	dma.local [hbm:s6], $0x1400  }
0x11c: {  	s9 =	simm.s32 $0x100;
	s6 =	simm.s32 $0x0  }
.LBB2_3:
0x11d: {  	p1 =	sne.s32 s9, $0x7F00;
	[tilespmem:s6+$0x5430] =	vst v0;
	s10 =	smov.u32 s9;
	s9 =	sadd.s32 $0x100, s9  }
.Ltmp8:
0x11e: {  	[tilespmem:s6+$0x5420] =	vst v0;
	(pc) =	sbr.rel @p1 .LBB2_3-.Ltmp8, $3  }
0x11f: {  	[tilespmem:s6+$0x5400] =	vst v0  }
0x120: {  	[tilespmem:s6+$0x5410] =	vst v0;
	_ =	sdelay $0x1  }
0x121: {  	s6 =	sshra.s32 s10, $0x2  }
0x122: {  	[tilespmem:s6+$0x5430] =	vst v0  }
0x123: {  	[tilespmem:s6+$0x5420] =	vst v0  }
0x124: {  	[tilespmem:s6+$0x5400] =	vst v0  }
0x125: {  	[tilespmem:s6+$0x5410] =	vst v0  }
0x126: {  	[spmem:s11] =	stream.linear.scatter [tilespmem:s25], [sflag:$0x7], $0x2000, $0x38;
	[tilespmem:$0x1F400] =	vst v63  }
0x127: {  	_ =	swait.ge [sflag:s23], $0x2000  }
0x128: {  	[sflag:s23] =	ssyncset.done $0x0  }
0x129: {  	[sflag:s23] =	ssyncadd.s32 $0xFFFFE000  }
0x12a: {  	[spmem:s12] =	stream.linear.scatter [tilespmem:s25], [sflag:$0x7], $0x2000, $0x38;
	[tilespmem:$0x1F400] =	vst v63  }
0x12b: {  	_ =	swait.ge [sflag:s23], $0x2000  }
0x12c: {  	[sflag:s23] =	ssyncset.done $0x0  }
0x12d: {  	[sflag:s23] =	ssyncadd.s32 $0xFFFFE000  }
0x12e: {  	[spmem:s13] =	stream.linear.scatter [tilespmem:s25], [sflag:$0x7], $0x2000, $0x38;
	[tilespmem:$0x1F400] =	vst v63  }
0x12f: {  	_ =	swait.ge [sflag:s23], $0x2000  }
0x130: {  	[sflag:s23] =	ssyncset.done $0x0  }
0x131: {  	[sflag:s23] =	ssyncadd.s32 $0xFFFFE000  }
0x132: {  	[spmem:s14] =	stream.linear.scatter [tilespmem:s25], [sflag:$0x7], $0x2000, $0x38;
	[tilespmem:$0x1F400] =	vst v63  }
0x133: {  	_ =	swait.ge [sflag:s23], $0x2000  }
0x134: {  	[sflag:s23] =	ssyncset.done $0x0  }
0x135: {  	[sflag:s23] =	ssyncadd.s32 $0xFFFFE000  }
0x136: {  	[spmem:s15] =	stream.linear.scatter [tilespmem:s25], [sflag:$0x7], $0x2000, $0x38;
	[tilespmem:$0x1F400] =	vst v63  }
0x137: {  	_ =	swait.ge [sflag:s23], $0x2000  }
0x138: {  	[sflag:s23] =	ssyncset.done $0x0  }
0x139: {  	[sflag:s23] =	ssyncadd.s32 $0xFFFFE000  }
0x13a: {  	_ =	swait.ge [sflag:s26], $0x1400  }
0x13b: {  	[sflag:s26] =	ssyncset.done $0x0  }
0x13c: {  	[sflag:s26] =	ssyncadd.s32 $0xFFFFEC00  }
0x13d: {  	s9 =	simm.s32 $0x0;
	[bflag:$0x0] =	sbarrier.arrive $0xFFFF  }
0x13e: {  	[tilespmem:s25], [sflag:$0x1] =	stream.indirect.gather [spmem:s2], $0x40, s9, s28, $0xb8;
	[tilespmem:$0x1F400] =	vst v63  }
0x13f: {  	_ = 	snop  }
0x140: {  	[tilespmem:s29], [sflag:$0x2] =	stream.indirect.gather [spmem:s2], $0x40, s28, s28, $0xb8;
	[tilespmem:$0x1F400] =	vst v63  }
0x141: {  	_ = 	snop  }
0x142: {  	[tilespmem:s31], [sflag:$0x3] =	stream.indirect.gather [spmem:s2], $0x40, s30, s28, $0xb8;
	[tilespmem:$0x1F400] =	vst v63  }
0x143: {  	_ =	swait.ge [sflag:s26], $0x2000  }
0x144: {  	[sflag:s26] =	ssyncset.done $0x0  }
0x145: {  	[sflag:s26] =	ssyncadd.s32 $0xFFFFE000  }
0x146: {  	[spmem:s3] =	stream.indirect.scatter.add.f32 [tilespmem:s25], [sflag:$0x4], $0x40, s24, s28, $0xb8;
	[tilespmem:$0x1F400] =	vst v63  }
0x147: {  	_ =	swait.ge [sflag:s1], $0x2000  }
0x148: {  	[sflag:s1] =	ssyncset.done $0x0  }
0x149: {  	[sflag:s1] =	ssyncadd.s32 $0xFFFFE000  }
0x14a: {  	[spmem:s3] =	stream.indirect.scatter.add.f32 [tilespmem:s29], [sflag:$0x5], $0x40, s7, s28, $0xb8;
	[tilespmem:$0x1F400] =	vst v63  }
0x14b: {  	_ =	swait.ge [sflag:s8], $0x2000  }
0x14c: {  	[sflag:s8] =	ssyncset.done $0x0  }
0x14d: {  	[sflag:s8] =	ssyncadd.s32 $0xFFFFE000  }
0x14e: {  	[spmem:s3] =	stream.indirect.scatter.add.f32 [tilespmem:s31], [sflag:$0x6], $0x40, s16, s28, $0xb8;
	[tilespmem:$0x1F400] =	vst v63  }
0x14f: {  	_ =	swait.ge [sflag:s18], $0x2000  }
0x150: {  	[sflag:s18] =	ssyncset.done $0x0  }
0x151: {  	s10 =	simm.s32 $0x180;
	[sflag:s18] =	ssyncadd.s32 $0xFFFFE000  }
0x152: {  	[tilespmem:s25], [sflag:$0x1] =	stream.indirect.gather [spmem:s2], $0x40, s10, s28, $0xb8;
	[tilespmem:$0x1F400] =	vst v63  }
0x153: {  	_ =	swait.ge [sflag:s20], $0x2000  }
0x154: {  	[sflag:s20] =	ssyncset.done $0x0  }
0x155: {  	s9 =	simm.s32 $0x200;
	[sflag:s20] =	ssyncadd.s32 $0xFFFFE000  }
0x156: {  	[tilespmem:s29], [sflag:$0x2] =	stream.indirect.gather [spmem:s2], $0x40, s9, s28, $0xb8;
	[tilespmem:$0x1F400] =	vst v63  }
0x157: {  	_ =	swait.ge [sflag:s21], $0x2000  }
0x158: {  	[sflag:s21] =	ssyncset.done $0x0  }
0x159: {  	s10 =	simm.s32 $0x280;
	[sflag:s21] =	ssyncadd.s32 $0xFFFFE000  }
0x15a: {  	[tilespmem:s31], [sflag:$0x3] =	stream.indirect.gather [spmem:s2], $0x40, s10, s28, $0xb8;
	[tilespmem:$0x1F400] =	vst v63  }
0x15b: {  	_ =	swait.ge [sflag:s26], $0x2000  }
0x15c: {  	[sflag:s26] =	ssyncset.done $0x0  }
0x15d: {  	s9 =	simm.s32 $0x2B80;
	[sflag:s26] =	ssyncadd.s32 $0xFFFFE000  }
0x15e: {  	[spmem:s3] =	stream.indirect.scatter.add.f32 [tilespmem:s25], [sflag:$0x4], $0x40, s9, s28, $0xb8;
	[tilespmem:$0x1F400] =	vst v63  }
0x15f: {  	_ =	swait.ge [sflag:s1], $0x2000  }
0x160: {  	[sflag:s1] =	ssyncset.done $0x0  }
0x161: {  	s10 =	simm.s32 $0x2C00;
	[sflag:s1] =	ssyncadd.s32 $0xFFFFE000  }
0x162: {  	[spmem:s3] =	stream.indirect.scatter.add.f32 [tilespmem:s29], [sflag:$0x5], $0x40, s10, s28, $0xb8;
	[tilespmem:$0x1F400] =	vst v63  }
0x163: {  	_ =	swait.ge [sflag:s8], $0x2000  }
0x164: {  	[sflag:s8] =	ssyncset.done $0x0  }
0x165: {  	s6 =	simm.s32 $0x600;
	s9 =	simm.s32 $0x2C80;
	[sflag:s8] =	ssyncadd.s32 $0xFFFFE000  }
.LBB2_5:
0x166: {  	[spmem:s3] =	stream.indirect.scatter.add.f32 [tilespmem:s31], [sflag:$0x6], $0x40, s9, s28, $0xb8;
	[tilespmem:$0x1F400] =	vst v63  }
0x167: {  	s9 =	smov.u32 s6  }
0x168: {  	p1 =	sne.s32 s6, $0x9C00;
	s6 =	sadd.s32 $0x600, s6;
	_ =	swait.ge [sflag:s18], $0x2000  }
0x169: {  	s9 =	sshra.s32 s9, $0x2;
	[sflag:s18] =	ssyncset.done $0x0  }
0x16a: {  	s10 =	sadd.s32 $0x180, s9;
	[sflag:s18] =	ssyncadd.s32 $0xFFFFE000  }
0x16b: {  	[tilespmem:s25], [sflag:$0x1] =	stream.indirect.gather [spmem:s2], $0x40, s10, s28, $0xb8;
	[tilespmem:$0x1F400] =	vst v63  }
0x16c: {  	_ =	swait.ge [sflag:s20], $0x2000  }
0x16d: {  	[sflag:s20] =	ssyncset.done $0x0  }
0x16e: {  	s10 =	sadd.s32 $0x200, s9;
	[sflag:s20] =	ssyncadd.s32 $0xFFFFE000  }
0x16f: {  	[tilespmem:s29], [sflag:$0x2] =	stream.indirect.gather [spmem:s2], $0x40, s10, s28, $0xb8;
	[tilespmem:$0x1F400] =	vst v63  }
0x170: {  	_ =	swait.ge [sflag:s21], $0x2000  }
0x171: {  	[sflag:s21] =	ssyncset.done $0x0  }
0x172: {  	s10 =	sadd.s32 $0x280, s9;
	[sflag:s21] =	ssyncadd.s32 $0xFFFFE000  }
0x173: {  	[tilespmem:s31], [sflag:$0x3] =	stream.indirect.gather [spmem:s2], $0x40, s10, s28, $0xb8;
	[tilespmem:$0x1F400] =	vst v63  }
0x174: {  	_ =	swait.ge [sflag:s26], $0x2000  }
0x175: {  	[sflag:s26] =	ssyncset.done $0x0  }
0x176: {  	s10 =	sadd.s32 $0x2B80, s9;
	[sflag:s26] =	ssyncadd.s32 $0xFFFFE000  }
0x177: {  	[spmem:s3] =	stream.indirect.scatter.add.f32 [tilespmem:s25], [sflag:$0x4], $0x40, s10, s28, $0xb8;
	[tilespmem:$0x1F400] =	vst v63  }
0x178: {  	_ =	swait.ge [sflag:s1], $0x2000  }
0x179: {  	[sflag:s1] =	ssyncset.done $0x0  }
.Ltmp9:
0x17a: {  	s10 =	sadd.s32 $0x2C00, s9;
	[sflag:s1] =	ssyncadd.s32 $0xFFFFE000;
	(pc) =	sbr.rel @p1 .LBB2_5-.Ltmp9, $4  }
0x17b: {  	[spmem:s3] =	stream.indirect.scatter.add.f32 [tilespmem:s29], [sflag:$0x5], $0x40, s10, s28, $0xb8;
	[tilespmem:$0x1F400] =	vst v63  }
0x17c: {  	_ =	swait.ge [sflag:s8], $0x2000  }
0x17d: {  	[sflag:s8] =	ssyncset.done $0x0  }
0x17e: {  	s9 =	sadd.s32 $0x2C80, s9;
	[sflag:s8] =	ssyncadd.s32 $0xFFFFE000  }
0x17f: {  	[spmem:s3] =	stream.indirect.scatter.add.f32 [tilespmem:s31], [sflag:$0x6], $0x40, s9, s28, $0xb8;
	[tilespmem:$0x1F400] =	vst v63  }
0x180: {  	_ =	swait.ge [sflag:s18], $0x2000  }
0x181: {  	[sflag:s18] =	ssyncset.done $0x0  }
0x182: {  	[sflag:s18] =	ssyncadd.s32 $0xFFFFE000  }
0x183: {  	_ =	swait.ge [sflag:s20], $0x2000  }
0x184: {  	[sflag:s20] =	ssyncset.done $0x0  }
0x185: {  	[sflag:s20] =	ssyncadd.s32 $0xFFFFE000  }
0x186: {  	_ =	swait.ge [sflag:s21], $0x2000  }
0x187: {  	[sflag:s21] =	ssyncset.done $0x0  }
0x188: {  	[sflag:s21] =	ssyncadd.s32 $0xFFFFE000  }
0x189: {  	[bflag:$0x0] =	sbarrier.arrive $0xFFFF  }
0x18a: {  	s0 =	sor.u32 $0x1C07, s0;
	s6 =	sshrl.u32 s11, $0x3;
	s10 =	rddreg [dreg:$0xb]  }
0x18b: {  	[hbm:s10], [sflag:s0] =	dma.local [spmem:s6], $0x1400  }
0x18c: {  	_ =	swait.ge [sflag:s23], $0x1400  }
0x18d: {  	[sflag:s23] =	ssyncset.done $0x0  }
0x18e: {  	[sflag:s23] =	ssyncadd.s32 $0xFFFFEC00  }
0x18f: {  	[bflag:$0x0] =	sbarrier.arrive $0xFFFF  }
0x190: {  	[spmem:s5], [sflag:s19] =	dma.local [hbm:s17], $0x1400  }
0x191: {  	s6 =	simm.s32 $0x100;
	s5 =	simm.s32 $0x0  }
.LBB2_7:
0x192: {  	p1 =	sne.s32 s6, $0x7F00;
	[tilespmem:s5+$0x5430] =	vst v0;
	s9 =	smov.u32 s6;
	s6 =	sadd.s32 $0x100, s6  }
.Ltmp10:
0x193: {  	[tilespmem:s5+$0x5420] =	vst v0;
	(pc) =	sbr.rel @p1 .LBB2_7-.Ltmp10, $3  }
0x194: {  	[tilespmem:s5+$0x5400] =	vst v0  }
0x195: {  	[tilespmem:s5+$0x5410] =	vst v0;
	_ =	sdelay $0x1  }
0x196: {  	s5 =	sshra.s32 s9, $0x2  }
0x197: {  	[tilespmem:s5+$0x5430] =	vst v0  }
0x198: {  	[tilespmem:s5+$0x5420] =	vst v0  }
0x199: {  	[tilespmem:s5+$0x5400] =	vst v0  }
0x19a: {  	[tilespmem:s5+$0x5410] =	vst v0  }
0x19b: {  	[spmem:s11] =	stream.linear.scatter [tilespmem:s25], [sflag:$0x7], $0x2000, $0x38;
	[tilespmem:$0x1F400] =	vst v63  }
0x19c: {  	_ =	swait.ge [sflag:s23], $0x2000  }
0x19d: {  	[sflag:s23] =	ssyncset.done $0x0  }
0x19e: {  	[sflag:s23] =	ssyncadd.s32 $0xFFFFE000  }
0x19f: {  	[spmem:s12] =	stream.linear.scatter [tilespmem:s25], [sflag:$0x7], $0x2000, $0x38;
	[tilespmem:$0x1F400] =	vst v63  }
0x1a0: {  	_ =	swait.ge [sflag:s23], $0x2000  }
0x1a1: {  	[sflag:s23] =	ssyncset.done $0x0  }
0x1a2: {  	[sflag:s23] =	ssyncadd.s32 $0xFFFFE000  }
0x1a3: {  	[spmem:s13] =	stream.linear.scatter [tilespmem:s25], [sflag:$0x7], $0x2000, $0x38;
	[tilespmem:$0x1F400] =	vst v63  }
0x1a4: {  	_ =	swait.ge [sflag:s23], $0x2000  }
0x1a5: {  	[sflag:s23] =	ssyncset.done $0x0  }
0x1a6: {  	[sflag:s23] =	ssyncadd.s32 $0xFFFFE000  }
0x1a7: {  	[spmem:s14] =	stream.linear.scatter [tilespmem:s25], [sflag:$0x7], $0x2000, $0x38;
	[tilespmem:$0x1F400] =	vst v63  }
0x1a8: {  	_ =	swait.ge [sflag:s23], $0x2000  }
0x1a9: {  	[sflag:s23] =	ssyncset.done $0x0  }
0x1aa: {  	[sflag:s23] =	ssyncadd.s32 $0xFFFFE000  }
0x1ab: {  	[spmem:s15] =	stream.linear.scatter [tilespmem:s25], [sflag:$0x7], $0x2000, $0x38;
	[tilespmem:$0x1F400] =	vst v63  }
0x1ac: {  	_ =	swait.ge [sflag:s23], $0x2000  }
0x1ad: {  	[sflag:s23] =	ssyncset.done $0x0  }
0x1ae: {  	[sflag:s23] =	ssyncadd.s32 $0xFFFFE000  }
0x1af: {  	_ =	swait.ge [sflag:s26], $0x1400  }
0x1b0: {  	[sflag:s26] =	ssyncset.done $0x0  }
0x1b1: {  	[sflag:s26] =	ssyncadd.s32 $0xFFFFEC00  }
0x1b2: {  	s10 =	simm.s32 $0x0;
	[bflag:$0x0] =	sbarrier.arrive $0xFFFF  }
0x1b3: {  	[tilespmem:s25], [sflag:$0x1] =	stream.indirect.gather [spmem:s2], $0x40, s10, s28, $0xb8;
	[tilespmem:$0x1F400] =	vst v63  }
0x1b4: {  	_ = 	snop  }
0x1b5: {  	[tilespmem:s29], [sflag:$0x2] =	stream.indirect.gather [spmem:s2], $0x40, s28, s28, $0xb8;
	[tilespmem:$0x1F400] =	vst v63  }
0x1b6: {  	_ = 	snop  }
0x1b7: {  	[tilespmem:s31], [sflag:$0x3] =	stream.indirect.gather [spmem:s2], $0x40, s30, s28, $0xb8;
	[tilespmem:$0x1F400] =	vst v63  }
0x1b8: {  	_ =	swait.ge [sflag:s26], $0x2000  }
0x1b9: {  	[sflag:s26] =	ssyncset.done $0x0  }
0x1ba: {  	[sflag:s26] =	ssyncadd.s32 $0xFFFFE000  }
0x1bb: {  	[spmem:s3] =	stream.indirect.scatter.add.f32 [tilespmem:s25], [sflag:$0x4], $0x40, s24, s28, $0xb8;
	[tilespmem:$0x1F400] =	vst v63  }
0x1bc: {  	_ =	swait.ge [sflag:s1], $0x2000  }
0x1bd: {  	[sflag:s1] =	ssyncset.done $0x0  }
0x1be: {  	[sflag:s1] =	ssyncadd.s32 $0xFFFFE000  }
0x1bf: {  	[spmem:s3] =	stream.indirect.scatter.add.f32 [tilespmem:s29], [sflag:$0x5], $0x40, s7, s28, $0xb8;
	[tilespmem:$0x1F400] =	vst v63  }
0x1c0: {  	_ =	swait.ge [sflag:s8], $0x2000  }
0x1c1: {  	[sflag:s8] =	ssyncset.done $0x0  }
0x1c2: {  	[sflag:s8] =	ssyncadd.s32 $0xFFFFE000  }
0x1c3: {  	[spmem:s3] =	stream.indirect.scatter.add.f32 [tilespmem:s31], [sflag:$0x6], $0x40, s16, s28, $0xb8;
	[tilespmem:$0x1F400] =	vst v63  }
0x1c4: {  	_ =	swait.ge [sflag:s18], $0x2000  }
0x1c5: {  	[sflag:s18] =	ssyncset.done $0x0  }
0x1c6: {  	s19 =	simm.s32 $0x180;
	[sflag:s18] =	ssyncadd.s32 $0xFFFFE000  }
0x1c7: {  	[tilespmem:s25], [sflag:$0x1] =	stream.indirect.gather [spmem:s2], $0x40, s19, s28, $0xb8;
	[tilespmem:$0x1F400] =	vst v63  }
0x1c8: {  	_ =	swait.ge [sflag:s20], $0x2000  }
0x1c9: {  	[sflag:s20] =	ssyncset.done $0x0  }
0x1ca: {  	s6 =	simm.s32 $0x200;
	[sflag:s20] =	ssyncadd.s32 $0xFFFFE000  }
0x1cb: {  	[tilespmem:s29], [sflag:$0x2] =	stream.indirect.gather [spmem:s2], $0x40, s6, s28, $0xb8;
	[tilespmem:$0x1F400] =	vst v63  }
0x1cc: {  	_ =	swait.ge [sflag:s21], $0x2000  }
0x1cd: {  	[sflag:s21] =	ssyncset.done $0x0  }
0x1ce: {  	s9 =	simm.s32 $0x280;
	[sflag:s21] =	ssyncadd.s32 $0xFFFFE000  }
0x1cf: {  	[tilespmem:s31], [sflag:$0x3] =	stream.indirect.gather [spmem:s2], $0x40, s9, s28, $0xb8;
	[tilespmem:$0x1F400] =	vst v63  }
0x1d0: {  	_ =	swait.ge [sflag:s26], $0x2000  }
0x1d1: {  	[sflag:s26] =	ssyncset.done $0x0  }
0x1d2: {  	s10 =	simm.s32 $0x2B80;
	[sflag:s26] =	ssyncadd.s32 $0xFFFFE000  }
0x1d3: {  	[spmem:s3] =	stream.indirect.scatter.add.f32 [tilespmem:s25], [sflag:$0x4], $0x40, s10, s28, $0xb8;
	[tilespmem:$0x1F400] =	vst v63  }
0x1d4: {  	_ =	swait.ge [sflag:s1], $0x2000  }
0x1d5: {  	[sflag:s1] =	ssyncset.done $0x0  }
0x1d6: {  	s19 =	simm.s32 $0x2C00;
	[sflag:s1] =	ssyncadd.s32 $0xFFFFE000  }
0x1d7: {  	[spmem:s3] =	stream.indirect.scatter.add.f32 [tilespmem:s29], [sflag:$0x5], $0x40, s19, s28, $0xb8;
	[tilespmem:$0x1F400] =	vst v63  }
0x1d8: {  	_ =	swait.ge [sflag:s8], $0x2000  }
0x1d9: {  	[sflag:s8] =	ssyncset.done $0x0  }
0x1da: {  	s5 =	simm.s32 $0x600;
	s6 =	simm.s32 $0x2C80;
	[sflag:s8] =	ssyncadd.s32 $0xFFFFE000  }
.LBB2_9:
0x1db: {  	[spmem:s3] =	stream.indirect.scatter.add.f32 [tilespmem:s31], [sflag:$0x6], $0x40, s6, s28, $0xb8;
	[tilespmem:$0x1F400] =	vst v63  }
0x1dc: {  	s6 =	smov.u32 s5  }
0x1dd: {  	p1 =	seq.s32 s5, $0x9C00;
	s5 =	sadd.s32 $0x600, s5;
	_ =	swait.ge [sflag:s18], $0x2000  }
0x1de: {  	s6 =	sshra.s32 s6, $0x2;
	[sflag:s18] =	ssyncset.done $0x0  }
0x1df: {  	s9 =	sadd.s32 $0x180, s6;
	[sflag:s18] =	ssyncadd.s32 $0xFFFFE000  }
0x1e0: {  	[tilespmem:s25], [sflag:$0x1] =	stream.indirect.gather [spmem:s2], $0x40, s9, s28, $0xb8;
	[tilespmem:$0x1F400] =	vst v63  }
0x1e1: {  	_ =	swait.ge [sflag:s20], $0x2000  }
0x1e2: {  	[sflag:s20] =	ssyncset.done $0x0  }
0x1e3: {  	s9 =	sadd.s32 $0x200, s6;
	[sflag:s20] =	ssyncadd.s32 $0xFFFFE000  }
0x1e4: {  	[tilespmem:s29], [sflag:$0x2] =	stream.indirect.gather [spmem:s2], $0x40, s9, s28, $0xb8;
	[tilespmem:$0x1F400] =	vst v63  }
0x1e5: {  	_ =	swait.ge [sflag:s21], $0x2000  }
0x1e6: {  	[sflag:s21] =	ssyncset.done $0x0  }
0x1e7: {  	s9 =	sadd.s32 $0x280, s6;
	[sflag:s21] =	ssyncadd.s32 $0xFFFFE000  }
0x1e8: {  	[tilespmem:s31], [sflag:$0x3] =	stream.indirect.gather [spmem:s2], $0x40, s9, s28, $0xb8;
	[tilespmem:$0x1F400] =	vst v63  }
0x1e9: {  	_ =	swait.ge [sflag:s26], $0x2000  }
0x1ea: {  	[sflag:s26] =	ssyncset.done $0x0  }
0x1eb: {  	s9 =	sadd.s32 $0x2B80, s6;
	[sflag:s26] =	ssyncadd.s32 $0xFFFFE000  }
0x1ec: {  	[spmem:s3] =	stream.indirect.scatter.add.f32 [tilespmem:s25], [sflag:$0x4], $0x40, s9, s28, $0xb8;
	[tilespmem:$0x1F400] =	vst v63  }
0x1ed: {  	_ =	swait.ge [sflag:s1], $0x2000  }
0x1ee: {  	[sflag:s1] =	ssyncset.done $0x0  }
.Ltmp11:
0x1ef: {  	s9 =	sadd.s32 $0x2C00, s6;
	[sflag:s1] =	ssyncadd.s32 $0xFFFFE000;
	(pc) =	sbr.rel @!p1 .LBB2_9-.Ltmp11, $4  }
0x1f0: {  	[spmem:s3] =	stream.indirect.scatter.add.f32 [tilespmem:s29], [sflag:$0x5], $0x40, s9, s28, $0xb8;
	[tilespmem:$0x1F400] =	vst v63  }
0x1f1: {  	_ =	swait.ge [sflag:s8], $0x2000  }
0x1f2: {  	[sflag:s8] =	ssyncset.done $0x0  }
0x1f3: {  	s6 =	sadd.s32 $0x2C80, s6;
	[sflag:s8] =	ssyncadd.s32 $0xFFFFE000  }
.Ltmp12:
0x1f4: {  	(pc) =	sbr.rel .LBB2_20-.Ltmp12, $3  }
0x1f5: {  	_ =	sdelay $0x1  }
0x1f6: {  	[spmem:s3] =	stream.indirect.scatter.add.f32 [tilespmem:s31], [sflag:$0x6], $0x40, s6, s28, $0xb8;
	[tilespmem:$0x1F400] =	vst v63  }
0x1f7: {  	s5 =	rddreg [dreg:$0x5]  }
.LBB2_21:
0x1f8: {  	_ =	sfence.sel $0x180000  }
0x1f9: {  	[bflag:$0x0] =	sbarrier.arrive $0xFFFF  }
0x1fa: {  	_ =	strace $0x9000004A  }
0x1fb: {  	s0 =	stileid.u32;
	[bflag:$0x2] =	sbarrier.arrive $0xFFFF  }
0x1fc: {  	p0 =	sne.s32 s0, $0x0;
	s0 =	rddreg [dreg:$0x4]  }
0x1fd: {  	s0 =	sadd.s32 @!p0 $0x100000, s0  }
0x1fe: {  	[sflag:s0] =	ssyncadd.tile.s32 @!p0 $0x1;
	_ =	shalt  }
.Lfunc_end2:
_tile_overlayer_lowered:
.L_overlay_start_2:
0x1ff: {  	(tag) =	ssettag $0x2  }
0x200: {  	s0 =	rddreg [dreg:$0x0];
	s2 =	stileid.u32  }
0x201: {  	s1 =	rddreg [dreg:$0x1];
	p0 =	sne.s32 s2, $0x0  }
0x202: {  	s3 =	rddreg [dreg:$0x2];
	[bflag:$0x3] =	sbarrier.arrive $0xFFFF;
	s2 =	simm.s32 @!p0 $0x1C07  }
0x203: {  	[timem:s3], [sflag:s2] =	dma.local @!p0 [hbm:s0], s1  }
0x204: {  	s0 =	simm.s32 @!p0 $0x7  }
0x205: {  	_ =	swait.ge @!p0 [sflag:s0], s1  }
0x206: {  	s1 =	ssub.s32 @!p0 $0x0, s1;
	[sflag:s0] =	ssyncset.done @!p0 $0x0  }
0x207: {  	[sflag:s0] =	ssyncadd.s32 @!p0 s1  }
0x208: {  	[bflag:$0x3] =	sbarrier.arrive $0xFFFF  }
0x209: {  	_ =	shalt  }

// kernel: kernel.14.cloned.1.call-start
scs
__scs_entry_jumppad:
0x0: {  	(pc) =	sbr.rel $0x88, $3  }
0x1: {  	(tag) =	ssettag $0x0;
	lr =	simm.s32 $0x1  }
0x2: {  	[smem:$0x3F9B] =	sst lr;
	_ =	strace $0xD0000000  }
0x3: {  	_ = 	snop  }
0x4: {  	_ = 	snop  }
0x5: {  	_ = 	snop  }
0x6: {  	_ = 	snop  }
0x7: {  	_ = 	snop  }
__scs_overlays_trampoline_lowered:
0x8: {  	[smem:$0x3FAA] =	sst s0  }
0x9: {  	[smem:$0x3FAB] =	sst s1  }
0xa: {  	[smem:$0x3FAC] =	sst s2  }
0xb: {  	[smem:$0x3FAD] =	sst s3  }
0xc: {  	[smem:$0x3FAE] =	sst s4  }
0xd: {  	[smem:$0x3FAF] =	sst s5  }
0xe: {  	[smem:$0x3FB0] =	sst s6  }
0xf: {  	[smem:$0x3FB1] =	sst s7  }
0x10: {  	[smem:$0x3FB2] =	sst s8  }
0x11: {  	[smem:$0x3FB3] =	sst s9;
	s0 =	simm.s32 @!p0 $0x0  }
0x12: {  	s1 =	sld [smem:$0x3F99];
	s0 =	simm.s32 @p0 $0x1  }
0x13: {  	[smem:$0x3FB4] =	sst s0;
	s0 =	simm.s32 @!p1 $0x0  }
0x14: {  	s2 =	sld [smem:$0x3F98];
	s0 =	simm.s32 @p1 $0x1  }
0x15: {  	[smem:$0x3FB5] =	sst s0;
	s0 =	simm.s32 @!p2 $0x0  }
0x16: {  	s3 =	sld [smem:$0x3FDB];
	s0 =	simm.s32 @p2 $0x1  }
0x17: {  	s4 =	simm.s32 $0x1BF5;
	[smem:$0x3FB7] =	sst s0  }
0x18: {  	s0 =	sld [smem:$0x3F9A];
	_ =	swait.ge [sflag:s4], $0x0  }
0x19: {  	s7 =	sld [smem:$0x3F9B]  }
0x1a: {  	s8 =	sadd.s32 $0xFFFFE003, lr  }
0x1b: {  	s9 =	sadd.s32 $0xFFFFFEF7, lr;
	s5 =	simm.s32 $0xFFFFFFFF;
	p2 =	slt.u32 s8, $0xFFFFF086  }
0x1c: {  	p1 =	slt.u32 s9, $0xF7A;
	s5 =	simm.s32 @!p2 $0x0  }
0x1d: {  	s5 =	simm.s32 @p1 $0x1;
	p0 =	seq.s32 s7, s2  }
0x1e: {  	s7 =	smul.u32 @!p0 $0xF7A, s2;
	p2 =	seq.s32 @!p0 s5, $0x0  }
0x1f: {  	s9 =	smul.u32 $0xF7A, s1;
	s8 =	simm.s32 @!p0 $0x1BF5;
	p2 =	por !p2, p0  }
0x20: {  	[sflag:s8] =	ssyncset.s32 @!p0 $0xFFFFF086;
	s6 =	sadd.s32 @!p0 s3, s7;
	s7 =	simm.s32 @!p0 $0x108  }
0x21: {  	s3 =	sadd.s32 s3, s9;
	s6 =	sadd.s32 @!p0 $0x88, s6;
	s7 =	simm.s32 @p2 $0x1082  }
0x22: {  	[simem:s7], [sflag:s8] =	dma.local @!p0 [hbm:s6], $0xF7A  }
0x23: {  	s9 =	sor.u32 $0xD0000000, s2;
	s6 =	simm.s32 $0x108;
	_ =	swait.ge @!p0 [sflag:s8], $0x0  }
0x24: {  	s3 =	sadd.s32 $0x88, s3;
	s6 =	simm.s32 @!p1 $0x1082;
	[sflag:s4] =	ssyncset.s32 $0xFFFFF086  }
0x25: {  	[simem:s6], [sflag:s4] =	dma.local [hbm:s3], $0xF7A  }
0x26: {  	[smem:$0x3F9B] =	sst s1;
	(tag) =	ssettag s2;
	_ =	strace s9  }
0x27: {  	s1 =	sld [smem:$0x3FAB]  }
0x28: {  	s2 =	sld [smem:$0x3FAC]  }
0x29: {  	s4 =	sld [smem:$0x3FAE]  }
0x2a: {  	p0 =	seq.s32 s5, $0x0;
	s5 =	sld [smem:$0x3FAF]  }
0x2b: {  	s6 =	sld [smem:$0x3FB0]  }
0x2c: {  	s7 =	sld [smem:$0x3FB1]  }
0x2d: {  	s3 =	simm.s32 $0x108;
	s8 =	sld [smem:$0x3FB2]  }
0x2e: {  	s3 =	simm.s32 @!p0 $0x1082;
	s9 =	sld [smem:$0x3FB3]  }
0x2f: {  	lr =	sadd.s32 s0, s3;
	s0 =	sld [smem:$0x3FAA]  }
0x30: {  	s3 =	sld [smem:$0x3FAD]  }
0x31: {  	[smem:$0x3FB6] =	sst s10  }
0x32: {  	s10 =	sld [smem:$0x3FB4];
	_ =	sdelay $0x3  }
0x33: {  	p0 =	seq.s32 s10, $0x1;
	s10 =	sld [smem:$0x3FB6];
	_ =	sdelay $0x3  }
0x34: {  	[smem:$0x3FB6] =	sst s10  }
0x35: {  	s10 =	sld [smem:$0x3FB5];
	_ =	sdelay $0x3  }
0x36: {  	p1 =	seq.s32 s10, $0x1;
	s10 =	sld [smem:$0x3FB6];
	_ =	sdelay $0x3  }
0x37: {  	[smem:$0x3FB6] =	sst s10  }
0x38: {  	s10 =	sld [smem:$0x3FB7]  }
0x39: {  	_ = 	snop;
	(pc) =	sbr.ind lr, $3  }
0x3a: {  	_ = 	snop  }
0x3b: {  	_ = 	snop  }
0x3c: {  	p2 =	seq.s32 s10, $0x1;
	s10 =	sld [smem:$0x3FB6]  }
0x3d: {  	_ =	shalt  }
0x3e: {  	_ =	shalt  }
0x3f: {  	_ =	shalt  }
0x40: {  	_ =	shalt  }
0x41: {  	_ =	shalt  }
0x42: {  	_ =	shalt  }
0x43: {  	_ =	shalt  }
0x44: {  	_ =	shalt  }
0x45: {  	_ =	shalt  }
0x46: {  	_ =	shalt  }
0x47: {  	_ =	shalt  }
0x48: {  	_ =	shalt  }
0x49: {  	_ =	shalt  }
0x4a: {  	_ =	shalt  }
0x4b: {  	_ =	shalt  }
0x4c: {  	_ =	shalt  }
0x4d: {  	_ =	shalt  }
0x4e: {  	_ =	shalt  }
0x4f: {  	_ =	shalt  }
0x50: {  	_ =	shalt  }
0x51: {  	_ =	shalt  }
0x52: {  	_ =	shalt  }
0x53: {  	_ =	shalt  }
0x54: {  	_ =	shalt  }
0x55: {  	_ =	shalt  }
0x56: {  	_ =	shalt  }
0x57: {  	_ =	shalt  }
0x58: {  	_ =	shalt  }
0x59: {  	_ =	shalt  }
0x5a: {  	_ =	shalt  }
0x5b: {  	_ =	shalt  }
0x5c: {  	_ =	shalt  }
0x5d: {  	_ =	shalt  }
0x5e: {  	_ =	shalt  }
0x5f: {  	_ =	shalt  }
0x60: {  	_ =	shalt  }
0x61: {  	_ =	shalt  }
0x62: {  	_ =	shalt  }
0x63: {  	_ =	shalt  }
0x64: {  	_ =	shalt  }
0x65: {  	_ =	shalt  }
0x66: {  	_ =	shalt  }
0x67: {  	_ =	shalt  }
0x68: {  	_ =	shalt  }
0x69: {  	_ =	shalt  }
0x6a: {  	_ =	shalt  }
0x6b: {  	_ =	shalt  }
0x6c: {  	_ =	shalt  }
0x6d: {  	_ =	shalt  }
0x6e: {  	_ =	shalt  }
0x6f: {  	_ =	shalt  }
0x70: {  	_ =	shalt  }
0x71: {  	_ =	shalt  }
0x72: {  	_ =	shalt  }
0x73: {  	_ =	shalt  }
0x74: {  	_ =	shalt  }
0x75: {  	_ =	shalt  }
0x76: {  	_ =	shalt  }
0x77: {  	_ =	shalt  }
0x78: {  	_ =	shalt  }
0x79: {  	_ =	shalt  }
0x7a: {  	_ =	shalt  }
0x7b: {  	_ =	shalt  }
0x7c: {  	_ =	shalt  }
0x7d: {  	_ =	shalt  }
0x7e: {  	_ =	shalt  }
0x7f: {  	_ =	shalt  }
0x80: {  	_ =	shalt  }
0x81: {  	_ =	shalt  }
0x82: {  	_ =	shalt  }
0x83: {  	_ =	shalt  }
0x84: {  	_ =	shalt  }
0x85: {  	_ =	shalt  }
0x86: {  	_ =	shalt  }
0x87: {  	_ =	shalt  }
.Lfunc_end0:
.L_simem_size_0:
called_computation.2_lowered:
.L_overlay_start_0:
0x88: {  	s2 =	sld [smem:$0x3FD9]  }
0x89: {  	s3 =	sld [smem:$0x3FFE];
	_ =	sdelay $0x1  }
0x8a: {  	s1 =	srdreg.scid  }
0x8b: {  	s0 =	sand.u32 $0x1, s1  }
0x8c: {  	s17 =	sshll.u32 s0, $0xA;
	s2 =	sadd.s32 s3, s2  }
0x8d: {  	s2 =	sadd.s32 s2, s17  }
0x8e: {  	[smem:$0x3FC2] =	sst s2  }
0x8f: {  	_ = 	snop  }
0x90: {  	s2 =	sld [smem:$0x3FD0];
	(tm) =	ssettm $0x1  }
0x91: {  	s18 =	sld [smem:$0x3FFB];
	_ =	sdelay $0x3  }
0x92: {  	_ =	strace s18  }
0x93: {  	s3 =	sld [smem:$0x3FFC];
	_ =	sdelay $0x3  }
0x94: {  	_ =	strace s3  }
0x95: {  	s3 =	sld [smem:$0x3FFD];
	_ =	sdelay $0x3  }
0x96: {  	_ =	strace s3  }
0x97: {  	_ =	strace $0x8FFFFFFF  }
0x98: {  	s19 =	sld [smem:$0x3FDB];
	_ =	sdelay $0x1  }
0x99: {  	s4 =	simm.s32 $_scs_section_size  }
0x9a: {  	s5 =	simm.s32 $_size__tile_overlayer_lowered;
	s6 =	simm.s32 $_tile_overlayer_lowered  }
0x9b: {  	s22 =	simm.s32 $0x1BFF;
	s21 =	sshll.u32 s6, $0x1;
	s3 =	sadd.s32 s4, s19  }
0x9c: {  	s7 =	simm.s32 $0x0;
	s20 =	sshll.u32 s5, $0x1;
	s5 =	sadd.s32 s21, s3  }
0x9d: {  	[timem:s7], [sflag:s22] =	dma.local [hbm:s5], s20  }
0x9e: {  	_ =	swait.ge [sflag:s22], s20  }
0x9f: {  	s4 =	ssub.s32 $0x0, s20;
	[sflag:s22] =	ssyncset.done $0x0  }
0xa0: {  	[sflag:s22] =	ssyncadd.s32 s4;
	_ =	sdelay $0x1  }
0xa1: {  	s23 =	simm.s32 $0x1B8B  }
0xa2: {  	_ =	swait.ge [sflag:s23], $0x1  }
0xa3: {  	[sflag:s23] =	ssyncset.done $0x0  }
0xa4: {  	s25 =	simm.s32 $0x1B8E;
	s24 =	sld [smem:$0x3FFE];
	[sflag:s23] =	ssyncadd.s32 $0xFFFFFFFF  }
0xa5: {  	s26 =	simm.s32 $execute0_lowered;
	[smem:$0x3FD2] =	sst s25  }
0xa6: {  	s5 =	sshll.u32 s26, $0x1;
	_ =	strace $0x8000004C;
	[dreg:$0x1] =	wrdreg $0xFFFFFFFF  }
0xa7: {  	s28 =	simm.s32 $_size_execute0_lowered;
	s3 =	sadd.s32 s3, s5;
	[dreg:$0x0] =	wrdreg $0x0  }
0xa8: {  	s5 =	sshll.u32 s28, $0x1;
	[dreg:$0x2] =	wrdreg s3  }
0xa9: {  	[dreg:$0x3] =	wrdreg s5  }
0xaa: {  	[dreg:$0x4] =	wrdreg $0xC0  }
0xab: {  	_ =	task [dreg:s7], $0x5FFFF  }
0xac: {  	[dreg:$0x1] =	wrdreg $0xFFFFFFFF  }
0xad: {  	[dreg:$0x0] =	wrdreg $0x60  }
0xae: {  	[dreg:$0x2] =	wrdreg s24  }
0xaf: {  	[dreg:$0x3] =	wrdreg s2  }
0xb0: {  	[dreg:$0x4] =	wrdreg $0xB4000  }
0xb1: {  	[dreg:$0x5] =	wrdreg $0x154000  }
0xb2: {  	[dreg:$0x6] =	wrdreg $0x9  }
0xb3: {  	_ =	task.clear_ibuf [dreg:s7], $0x7FFFF;
	_ =	strace $0x9000004C  }
0xb4: {  	s29 =	simm.s32 $0x9;
	_ =	strace $0x8000004E  }
0xb5: {  	_ =	swait.ge [sflag:s29], $0x1  }
0xb6: {  	[sflag:s29] =	ssyncadd.s32 $0xFFFFFFFF  }
0xb7: {  	_ =	strace $0x9000004E  }
0xb8: {  	_ =	sfence  }
0xb9: {  	s30 =	sld [smem:$0x0];
	_ =	sdelay $0x2  }
0xba: {  	s31 =	sshll.u32 s1, $0xD;
	s1 =	sshrl.u32 s1, $0x2  }
0xbb: {  	s3 =	sand.u32 $0x4000, s31;
	s1 =	sadd.s32 s1, s30  }
0xbc: {  	s0 =	sor.u32 s3, s0;
	s1 =	sshll.u32 s1, $0x11  }
0xbd: {  	s0 =	sor.u32 s1, s0  }
0xbe: {  	s0 =	sadd.s32 $0x8F2B, s0  }
0xbf: {  	[sflag:s0] =	ssyncadd.remote.s32 $0x1  }
0xc0: {  	_ =	sfence.sel $0xFFFF  }
0xc1: {  	[dreg:$0x0] =	wrdreg $0xFFFFFFFF;
	(pc) =	sbr.abs _section_cstart, $3  }
0xc2: {  	[dreg:$0x1] =	wrdreg $0xFFFFFFFF  }
0xc3: {  	_ =	task.clear_ibuf [dreg:s7], $0x2FFFF;
	_ =	strace $0x9FFFFFFF  }
0xc4: {  	(tm) =	ssettm $0x7FFFFFFF  }
0xc5: {  	_ =	shalt  }
tec
execute0_lowered:
.L_overlay_start_1:
0x0: {  	(tag) =	ssettag $0x1  }
0x1: {  	s0 =	rddreg [dreg:$0x0]  }
0x2: {  	s7 =	rddreg [dreg:$0x1]  }
0x3: {  	s2 =	rddreg [dreg:$0x2]  }
0x4: {  	s3 =	rddreg [dreg:$0x3];
	s1 =	stileid.u32;
	s4 =	simm.s32 $0x0  }
0x5: {  	s6 =	srdreg.scid;
	s20 =	simm.s32 $0x7;
	s28 =	simm.s32 $0x9400  }
0x6: {  	s29 =	simm.s32 $0x2;
	s31 =	simm.s32 $0x3;
	s8 =	smul.u32 $0xA000, s1  }
0x7: {  	[smem:$0x7FF] =	sst s4;
	s9 =	sand.u32 $0x1, s6;
	s12 =	smul.u32 $0x540, s1  }
0x8: {  	s16 =	sadd.s32 $0x2200, s0;
	s6 =	sadd.s32 $0x20400, s0;
	s22 =	smul.u32 $0x28000, s1  }
0x9: {  	s25 =	smul.u32 $0x2700, s1;
	_ =	strace $0x8000004D;
	s11 =	ssub.s32 $0x2, s9  }
0xa: {  	p0 =	seq.s32 s9, $0x1;
	s5 =	sshrl.u32 s8, $0x3;
	s21 =	sshrl.u32 s11, $0x1  }
0xb: {  	s23 =	sadd.s32 s7, s12;
	s24 =	sadd.s32 s16, s12;
	s9 =	sadd.s32 s8, s2  }
0xc: {  	s13 =	sshrl.u32 s22, $0x2;
	s14 =	sshrl.u32 s25, $0x3;
	s22 =	simm.s32 $0x5400  }
0xd: {  	s25 =	simm.s32 $0x7400;
	s10 =	sadd.s32 s5, s0;
	[dreg:$0x5] =	wrdreg s23  }
0xe: {  	s0 =	ssub.s32 s11, s21;
	[dreg:$0x6] =	wrdreg s24;
	s11 =	sadd.s32 s8, s3  }
0xf: {  	s26 =	sadd.s32 s13, s3;
	s17 =	sadd.s32 $0x5400, s14;
	s18 =	sadd.s32 $0x14000, s5  }
0x10: {  	s21 =	simm.s32 $0x2A00;
	s23 =	simm.s32 $0x1;
	s24 =	simm.s32 $0x80  }
.Ltmp0:
0x11: {  	s8 =	simm.s32 $0x5;
	s10 =	sadd.s32 $0xC400, s10;
	(pc) =	sbr.rel .LBB2_1-.Ltmp0, $4  }
0x12: {  	s12 =	sadd.s32 $0x2000, s26;
	s13 =	sadd.s32 $0x4000, s26;
	s14 =	sadd.s32 $0x6000, s26  }
0x13: {  	s15 =	sadd.s32 $0x8000, s26;
	s7 =	sadd.s32 s7, s17;
	s30 =	sadd.s32 s16, s17  }
0x14: {  	s19 =	smax.u32 s0, $0x1;
	s0 =	simm.s32 $0x2B00;
	[dreg:$0x7] =	wrdreg s7  }
0x15: {  	v0 =	vimm.f32 $0.0e+00;
	s26 =	simm.s32 $0x6;
	[dreg:$0x8] =	wrdreg s30;
	s7 =	simm.s32 $0x4  }
.LBB2_11:
0x16: {  	[spmem:s3] =	stream.indirect.scatter.add.f32 [tilespmem:s28], [sflag:$0x6], $0x40, s30, s24, $0xb8;
	[tilespmem:$0x1F400] =	vst v63  }
0x17: {  	s16 =	smov.u32 s18  }
.LBB2_12:
0x18: {  	_ =	swait.ge [sflag:s7], $0x2000  }
0x19: {  	[sflag:s7] =	ssyncset.done $0x0  }
0x1a: {  	[sflag:s7] =	ssyncadd.s32 $0xFFFFE000  }
0x1b: {  	_ =	swait.ge [sflag:s8], $0x2000  }
0x1c: {  	[sflag:s8] =	ssyncset.done $0x0  }
0x1d: {  	[sflag:s8] =	ssyncadd.s32 $0xFFFFE000  }
0x1e: {  	_ =	swait.ge [sflag:s26], $0x2000  }
0x1f: {  	s16 =	sadd.s32 s6, s16;
	s17 =	sshll.u32 s1, $0x6;
	[sflag:s26] =	ssyncset.done $0x0  }
0x20: {  	s30 =	sshrl.u32 s11, $0x3;
	s4 =	sadd.s32 $0x1, s4;
	[sflag:s26] =	ssyncadd.s32 $0xFFFFE000  }
0x21: {  	s17 =	sor.u32 $0x1C07, s17;
	p1 =	sne.s32 s4, s19;
	[bflag:$0x0] =	sbarrier.arrive $0xFFFF  }
0x22: {  	[hbm:s16], [sflag:s17] =	dma.local [spmem:s30], $0x1400  }
.Ltmp1:
0x23: {  	_ =	swait.ge [sflag:s20], $0x1400;
	(pc) =	sbr.rel @!p1 .LBB2_13-.Ltmp1, $3  }
0x24: {  	[sflag:s20] =	ssyncset.done $0x0  }
0x25: {  	[sflag:s20] =	ssyncadd.s32 $0xFFFFEC00  }
0x26: {  	[bflag:$0x0] =	sbarrier.arrive $0xFFFF;
	_ =	sdelay $0x1  }
.LBB2_1:
.Ltmp2:
0x27: {  	(pc) =	sbr.rel @!p0 .LBB2_2-.Ltmp2, $2  }
0x28: {  	_ =	sdelay $0x2  }
0x29: {  	s16 =	simm.s32 $0x0  }
0x2a: {  	s17 =	rddreg [dreg:$0x7]  }
0x2b: {  	[tilespmem:s16], [sflag:$0x7] =	stream.linear.gather [hbm4b:s17+s16], $0x2700, $0x38;
	[tilespmem:$0x1F400] =	vst v63  }
0x2c: {  	_ =	swait.ge [sflag:s20], $0x2700  }
0x2d: {  	[sflag:s20] =	ssyncset.done $0x0  }
0x2e: {  	s17 =	rddreg [dreg:$0x8];
	[sflag:s20] =	ssyncadd.s32 $0xFFFFD900  }
0x2f: {  	[tilespmem:s21], [sflag:$0x7] =	stream.linear.gather [hbm4b:s17+s16], $0x2700, $0x38;
	[tilespmem:$0x1F400] =	vst v63  }
0x30: {  	_ =	swait.ge [sflag:s20], $0x2700  }
0x31: {  	s17 =	sshll.u32 s1, $0x6;
	[sflag:s20] =	ssyncset.done $0x0  }
0x32: {  	s16 =	sor.u32 $0x1C01, s17;
	s17 =	sshrl.u32 s9, $0x3;
	[sflag:s20] =	ssyncadd.s32 $0xFFFFD900  }
0x33: {  	[spmem:s17], [sflag:s16] =	dma.local [hbm:s10], $0x1400  }
0x34: {  	s30 =	simm.s32 $0x100;
	s16 =	simm.s32 $0x0  }
.LBB2_8:
0x35: {  	p1 =	sne.s32 s30, $0x7F00;
	[tilespmem:s16+$0x5430] =	vst v0;
	s17 =	smov.u32 s30;
	s30 =	sadd.s32 $0x100, s30  }
.Ltmp3:
0x36: {  	[tilespmem:s16+$0x5420] =	vst v0;
	(pc) =	sbr.rel @p1 .LBB2_8-.Ltmp3, $3  }
0x37: {  	[tilespmem:s16+$0x5400] =	vst v0  }
0x38: {  	[tilespmem:s16+$0x5410] =	vst v0;
	_ =	sdelay $0x1  }
0x39: {  	s16 =	sshra.s32 s17, $0x2  }
0x3a: {  	[tilespmem:s16+$0x5430] =	vst v0  }
0x3b: {  	[tilespmem:s16+$0x5420] =	vst v0  }
0x3c: {  	[tilespmem:s16+$0x5400] =	vst v0  }
0x3d: {  	[tilespmem:s16+$0x5410] =	vst v0  }
0x3e: {  	[spmem:s11] =	stream.linear.scatter [tilespmem:s22], [sflag:$0x7], $0x2000, $0x38;
	[tilespmem:$0x1F400] =	vst v63  }
0x3f: {  	_ =	swait.ge [sflag:s20], $0x2000  }
0x40: {  	[sflag:s20] =	ssyncset.done $0x0  }
0x41: {  	[sflag:s20] =	ssyncadd.s32 $0xFFFFE000  }
0x42: {  	[spmem:s12] =	stream.linear.scatter [tilespmem:s22], [sflag:$0x7], $0x2000, $0x38;
	[tilespmem:$0x1F400] =	vst v63  }
0x43: {  	_ =	swait.ge [sflag:s20], $0x2000  }
0x44: {  	[sflag:s20] =	ssyncset.done $0x0  }
0x45: {  	[sflag:s20] =	ssyncadd.s32 $0xFFFFE000  }
0x46: {  	[spmem:s13] =	stream.linear.scatter [tilespmem:s22], [sflag:$0x7], $0x2000, $0x38;
	[tilespmem:$0x1F400] =	vst v63  }
0x47: {  	_ =	swait.ge [sflag:s20], $0x2000  }
0x48: {  	[sflag:s20] =	ssyncset.done $0x0  }
0x49: {  	[sflag:s20] =	ssyncadd.s32 $0xFFFFE000  }
0x4a: {  	[spmem:s14] =	stream.linear.scatter [tilespmem:s22], [sflag:$0x7], $0x2000, $0x38;
	[tilespmem:$0x1F400] =	vst v63  }
0x4b: {  	_ =	swait.ge [sflag:s20], $0x2000  }
0x4c: {  	[sflag:s20] =	ssyncset.done $0x0  }
0x4d: {  	[sflag:s20] =	ssyncadd.s32 $0xFFFFE000  }
0x4e: {  	[spmem:s15] =	stream.linear.scatter [tilespmem:s22], [sflag:$0x7], $0x2000, $0x38;
	[tilespmem:$0x1F400] =	vst v63  }
0x4f: {  	_ =	swait.ge [sflag:s20], $0x2000  }
0x50: {  	[sflag:s20] =	ssyncset.done $0x0  }
0x51: {  	[sflag:s20] =	ssyncadd.s32 $0xFFFFE000  }
0x52: {  	_ =	swait.ge [sflag:s23], $0x1400  }
0x53: {  	[sflag:s23] =	ssyncset.done $0x0  }
0x54: {  	[sflag:s23] =	ssyncadd.s32 $0xFFFFEC00  }
0x55: {  	s17 =	simm.s32 $0x0;
	[bflag:$0x0] =	sbarrier.arrive $0xFFFF  }
0x56: {  	[tilespmem:s22], [sflag:$0x1] =	stream.indirect.gather [spmem:s2], $0x40, s17, s24, $0xb8;
	[tilespmem:$0x1F400] =	vst v63  }
0x57: {  	_ = 	snop  }
0x58: {  	[tilespmem:s25], [sflag:$0x2] =	stream.indirect.gather [spmem:s2], $0x40, s24, s24, $0xb8;
	[tilespmem:$0x1F400] =	vst v63  }
0x59: {  	s17 =	simm.s32 $0x100  }
0x5a: {  	[tilespmem:s28], [sflag:$0x3] =	stream.indirect.gather [spmem:s2], $0x40, s17, s24, $0xb8;
	[tilespmem:$0x1F400] =	vst v63  }
0x5b: {  	_ =	swait.ge [sflag:s23], $0x2000  }
0x5c: {  	[sflag:s23] =	ssyncset.done $0x0  }
0x5d: {  	[sflag:s23] =	ssyncadd.s32 $0xFFFFE000  }
0x5e: {  	[spmem:s3] =	stream.indirect.scatter.add.f32 [tilespmem:s22], [sflag:$0x4], $0x40, s21, s24, $0xb8;
	[tilespmem:$0x1F400] =	vst v63  }
0x5f: {  	_ =	swait.ge [sflag:s29], $0x2000  }
0x60: {  	[sflag:s29] =	ssyncset.done $0x0  }
0x61: {  	s17 =	simm.s32 $0x2A80;
	[sflag:s29] =	ssyncadd.s32 $0xFFFFE000  }
0x62: {  	[spmem:s3] =	stream.indirect.scatter.add.f32 [tilespmem:s25], [sflag:$0x5], $0x40, s17, s24, $0xb8;
	[tilespmem:$0x1F400] =	vst v63  }
0x63: {  	_ =	swait.ge [sflag:s31], $0x2000  }
0x64: {  	[sflag:s31] =	ssyncset.done $0x0  }
0x65: {  	[sflag:s31] =	ssyncadd.s32 $0xFFFFE000  }
0x66: {  	[spmem:s3] =	stream.indirect.scatter.add.f32 [tilespmem:s28], [sflag:$0x6], $0x40, s0, s24, $0xb8;
	[tilespmem:$0x1F400] =	vst v63  }
0x67: {  	_ =	swait.ge [sflag:s7], $0x2000  }
0x68: {  	[sflag:s7] =	ssyncset.done $0x0  }
0x69: {  	s17 =	simm.s32 $0x180;
	[sflag:s7] =	ssyncadd.s32 $0xFFFFE000  }
0x6a: {  	[tilespmem:s22], [sflag:$0x1] =	stream.indirect.gather [spmem:s2], $0x40, s17, s24, $0xb8;
	[tilespmem:$0x1F400] =	vst v63  }
0x6b: {  	_ =	swait.ge [sflag:s8], $0x2000  }
0x6c: {  	[sflag:s8] =	ssyncset.done $0x0  }
0x6d: {  	s17 =	simm.s32 $0x200;
	[sflag:s8] =	ssyncadd.s32 $0xFFFFE000  }
0x6e: {  	[tilespmem:s25], [sflag:$0x2] =	stream.indirect.gather [spmem:s2], $0x40, s17, s24, $0xb8;
	[tilespmem:$0x1F400] =	vst v63  }
0x6f: {  	_ =	swait.ge [sflag:s26], $0x2000  }
0x70: {  	[sflag:s26] =	ssyncset.done $0x0  }
0x71: {  	s17 =	simm.s32 $0x280;
	[sflag:s26] =	ssyncadd.s32 $0xFFFFE000  }
0x72: {  	[tilespmem:s28], [sflag:$0x3] =	stream.indirect.gather [spmem:s2], $0x40, s17, s24, $0xb8;
	[tilespmem:$0x1F400] =	vst v63  }
0x73: {  	_ =	swait.ge [sflag:s23], $0x2000  }
0x74: {  	[sflag:s23] =	ssyncset.done $0x0  }
0x75: {  	s17 =	simm.s32 $0x2B80;
	[sflag:s23] =	ssyncadd.s32 $0xFFFFE000  }
0x76: {  	[spmem:s3] =	stream.indirect.scatter.add.f32 [tilespmem:s22], [sflag:$0x4], $0x40, s17, s24, $0xb8;
	[tilespmem:$0x1F400] =	vst v63  }
0x77: {  	_ =	swait.ge [sflag:s29], $0x2000  }
0x78: {  	[sflag:s29] =	ssyncset.done $0x0  }
0x79: {  	s17 =	simm.s32 $0x2C00;
	[sflag:s29] =	ssyncadd.s32 $0xFFFFE000  }
0x7a: {  	[spmem:s3] =	stream.indirect.scatter.add.f32 [tilespmem:s25], [sflag:$0x5], $0x40, s17, s24, $0xb8;
	[tilespmem:$0x1F400] =	vst v63  }
0x7b: {  	_ =	swait.ge [sflag:s31], $0x2000  }
0x7c: {  	[sflag:s31] =	ssyncset.done $0x0  }
0x7d: {  	s16 =	simm.s32 $0x600;
	s30 =	simm.s32 $0x2C80;
	[sflag:s31] =	ssyncadd.s32 $0xFFFFE000  }
.LBB2_10:
0x7e: {  	[spmem:s3] =	stream.indirect.scatter.add.f32 [tilespmem:s28], [sflag:$0x6], $0x40, s30, s24, $0xb8;
	[tilespmem:$0x1F400] =	vst v63  }
0x7f: {  	s17 =	smov.u32 s16  }
0x80: {  	p1 =	sne.s32 s16, $0x9000;
	s16 =	sadd.s32 $0x600, s16;
	_ =	swait.ge [sflag:s7], $0x2000  }
0x81: {  	s17 =	sshra.s32 s17, $0x2;
	[sflag:s7] =	ssyncset.done $0x0  }
0x82: {  	s30 =	sadd.s32 $0x180, s17;
	[sflag:s7] =	ssyncadd.s32 $0xFFFFE000  }
0x83: {  	[tilespmem:s22], [sflag:$0x1] =	stream.indirect.gather [spmem:s2], $0x40, s30, s24, $0xb8;
	[tilespmem:$0x1F400] =	vst v63  }
0x84: {  	_ =	swait.ge [sflag:s8], $0x2000  }
0x85: {  	[sflag:s8] =	ssyncset.done $0x0  }
0x86: {  	s30 =	sadd.s32 $0x200, s17;
	[sflag:s8] =	ssyncadd.s32 $0xFFFFE000  }
0x87: {  	[tilespmem:s25], [sflag:$0x2] =	stream.indirect.gather [spmem:s2], $0x40, s30, s24, $0xb8;
	[tilespmem:$0x1F400] =	vst v63  }
0x88: {  	_ =	swait.ge [sflag:s26], $0x2000  }
0x89: {  	[sflag:s26] =	ssyncset.done $0x0  }
0x8a: {  	s30 =	sadd.s32 $0x280, s17;
	[sflag:s26] =	ssyncadd.s32 $0xFFFFE000  }
0x8b: {  	[tilespmem:s28], [sflag:$0x3] =	stream.indirect.gather [spmem:s2], $0x40, s30, s24, $0xb8;
	[tilespmem:$0x1F400] =	vst v63  }
0x8c: {  	_ =	swait.ge [sflag:s23], $0x2000  }
0x8d: {  	[sflag:s23] =	ssyncset.done $0x0  }
0x8e: {  	s30 =	sadd.s32 $0x2B80, s17;
	[sflag:s23] =	ssyncadd.s32 $0xFFFFE000  }
0x8f: {  	[spmem:s3] =	stream.indirect.scatter.add.f32 [tilespmem:s22], [sflag:$0x4], $0x40, s30, s24, $0xb8;
	[tilespmem:$0x1F400] =	vst v63  }
0x90: {  	_ =	swait.ge [sflag:s29], $0x2000  }
0x91: {  	[sflag:s29] =	ssyncset.done $0x0  }
.Ltmp4:
0x92: {  	s30 =	sadd.s32 $0x2C00, s17;
	[sflag:s29] =	ssyncadd.s32 $0xFFFFE000;
	(pc) =	sbr.rel @p1 .LBB2_10-.Ltmp4, $4  }
0x93: {  	[spmem:s3] =	stream.indirect.scatter.add.f32 [tilespmem:s25], [sflag:$0x5], $0x40, s30, s24, $0xb8;
	[tilespmem:$0x1F400] =	vst v63  }
0x94: {  	_ =	swait.ge [sflag:s31], $0x2000  }
0x95: {  	[sflag:s31] =	ssyncset.done $0x0  }
0x96: {  	s30 =	sadd.s32 $0x2C80, s17;
	[sflag:s31] =	ssyncadd.s32 $0xFFFFE000  }
.Ltmp5:
0x97: {  	_ = 	snop;
	(pc) =	sbr.rel .LBB2_11-.Ltmp5, $1  }
0x98: {  	_ =	sdelay $0x3  }
.LBB2_2:
0x99: {  	s17 =	rddreg [dreg:$0x5]  }
0x9a: {  	[tilespmem:s16], [sflag:$0x7] =	stream.linear.gather [hbm4b:s17+s16], $0x2A00, $0x38;
	[tilespmem:$0x1F400] =	vst v63  }
0x9b: {  	_ =	swait.ge [sflag:s20], $0x2A00  }
0x9c: {  	[sflag:s20] =	ssyncset.done $0x0  }
0x9d: {  	s17 =	rddreg [dreg:$0x6];
	[sflag:s20] =	ssyncadd.s32 $0xFFFFD600  }
0x9e: {  	[tilespmem:s21], [sflag:$0x7] =	stream.linear.gather [hbm4b:s17+s16], $0x2A00, $0x38;
	[tilespmem:$0x1F400] =	vst v63  }
0x9f: {  	_ =	swait.ge [sflag:s20], $0x2A00  }
0xa0: {  	s17 =	sshll.u32 s1, $0x6;
	[sflag:s20] =	ssyncset.done $0x0  }
0xa1: {  	s30 =	sshrl.u32 s9, $0x3;
	s16 =	sor.u32 $0x1C01, s17;
	[sflag:s20] =	ssyncadd.s32 $0xFFFFD600  }
0xa2: {  	[spmem:s30], [sflag:s16] =	dma.local [hbm:s10], $0x1400  }
0xa3: {  	s30 =	simm.s32 $0x100;
	s16 =	simm.s32 $0x0  }
.LBB2_3:
0xa4: {  	p1 =	sne.s32 s30, $0x7F00;
	[tilespmem:s16+$0x5430] =	vst v0;
	s17 =	smov.u32 s30;
	s30 =	sadd.s32 $0x100, s30  }
.Ltmp6:
0xa5: {  	[tilespmem:s16+$0x5420] =	vst v0;
	(pc) =	sbr.rel @p1 .LBB2_3-.Ltmp6, $3  }
0xa6: {  	[tilespmem:s16+$0x5400] =	vst v0  }
0xa7: {  	[tilespmem:s16+$0x5410] =	vst v0;
	_ =	sdelay $0x1  }
0xa8: {  	s16 =	sshra.s32 s17, $0x2  }
0xa9: {  	[tilespmem:s16+$0x5430] =	vst v0  }
0xaa: {  	[tilespmem:s16+$0x5420] =	vst v0  }
0xab: {  	[tilespmem:s16+$0x5400] =	vst v0  }
0xac: {  	[tilespmem:s16+$0x5410] =	vst v0  }
0xad: {  	[spmem:s11] =	stream.linear.scatter [tilespmem:s22], [sflag:$0x7], $0x2000, $0x38;
	[tilespmem:$0x1F400] =	vst v63  }
0xae: {  	_ =	swait.ge [sflag:s20], $0x2000  }
0xaf: {  	[sflag:s20] =	ssyncset.done $0x0  }
0xb0: {  	[sflag:s20] =	ssyncadd.s32 $0xFFFFE000  }
0xb1: {  	[spmem:s12] =	stream.linear.scatter [tilespmem:s22], [sflag:$0x7], $0x2000, $0x38;
	[tilespmem:$0x1F400] =	vst v63  }
0xb2: {  	_ =	swait.ge [sflag:s20], $0x2000  }
0xb3: {  	[sflag:s20] =	ssyncset.done $0x0  }
0xb4: {  	[sflag:s20] =	ssyncadd.s32 $0xFFFFE000  }
0xb5: {  	[spmem:s13] =	stream.linear.scatter [tilespmem:s22], [sflag:$0x7], $0x2000, $0x38;
	[tilespmem:$0x1F400] =	vst v63  }
0xb6: {  	_ =	swait.ge [sflag:s20], $0x2000  }
0xb7: {  	[sflag:s20] =	ssyncset.done $0x0  }
0xb8: {  	[sflag:s20] =	ssyncadd.s32 $0xFFFFE000  }
0xb9: {  	[spmem:s14] =	stream.linear.scatter [tilespmem:s22], [sflag:$0x7], $0x2000, $0x38;
	[tilespmem:$0x1F400] =	vst v63  }
0xba: {  	_ =	swait.ge [sflag:s20], $0x2000  }
0xbb: {  	[sflag:s20] =	ssyncset.done $0x0  }
0xbc: {  	[sflag:s20] =	ssyncadd.s32 $0xFFFFE000  }
0xbd: {  	[spmem:s15] =	stream.linear.scatter [tilespmem:s22], [sflag:$0x7], $0x2000, $0x38;
	[tilespmem:$0x1F400] =	vst v63  }
0xbe: {  	_ =	swait.ge [sflag:s20], $0x2000  }
0xbf: {  	[sflag:s20] =	ssyncset.done $0x0  }
0xc0: {  	[sflag:s20] =	ssyncadd.s32 $0xFFFFE000  }
0xc1: {  	_ =	swait.ge [sflag:s23], $0x1400  }
0xc2: {  	[sflag:s23] =	ssyncset.done $0x0  }
0xc3: {  	[sflag:s23] =	ssyncadd.s32 $0xFFFFEC00  }
0xc4: {  	s17 =	simm.s32 $0x0;
	[bflag:$0x0] =	sbarrier.arrive $0xFFFF  }
0xc5: {  	[tilespmem:s22], [sflag:$0x1] =	stream.indirect.gather [spmem:s2], $0x40, s17, s24, $0xb8;
	[tilespmem:$0x1F400] =	vst v63  }
0xc6: {  	_ = 	snop  }
0xc7: {  	[tilespmem:s25], [sflag:$0x2] =	stream.indirect.gather [spmem:s2], $0x40, s24, s24, $0xb8;
	[tilespmem:$0x1F400] =	vst v63  }
0xc8: {  	s17 =	simm.s32 $0x100  }
0xc9: {  	[tilespmem:s28], [sflag:$0x3] =	stream.indirect.gather [spmem:s2], $0x40, s17, s24, $0xb8;
	[tilespmem:$0x1F400] =	vst v63  }
0xca: {  	_ =	swait.ge [sflag:s23], $0x2000  }
0xcb: {  	[sflag:s23] =	ssyncset.done $0x0  }
0xcc: {  	[sflag:s23] =	ssyncadd.s32 $0xFFFFE000  }
0xcd: {  	[spmem:s3] =	stream.indirect.scatter.add.f32 [tilespmem:s22], [sflag:$0x4], $0x40, s21, s24, $0xb8;
	[tilespmem:$0x1F400] =	vst v63  }
0xce: {  	_ =	swait.ge [sflag:s29], $0x2000  }
0xcf: {  	[sflag:s29] =	ssyncset.done $0x0  }
0xd0: {  	s17 =	simm.s32 $0x2A80;
	[sflag:s29] =	ssyncadd.s32 $0xFFFFE000  }
0xd1: {  	[spmem:s3] =	stream.indirect.scatter.add.f32 [tilespmem:s25], [sflag:$0x5], $0x40, s17, s24, $0xb8;
	[tilespmem:$0x1F400] =	vst v63  }
0xd2: {  	_ =	swait.ge [sflag:s31], $0x2000  }
0xd3: {  	[sflag:s31] =	ssyncset.done $0x0  }
0xd4: {  	[sflag:s31] =	ssyncadd.s32 $0xFFFFE000  }
0xd5: {  	[spmem:s3] =	stream.indirect.scatter.add.f32 [tilespmem:s28], [sflag:$0x6], $0x40, s0, s24, $0xb8;
	[tilespmem:$0x1F400] =	vst v63  }
0xd6: {  	_ =	swait.ge [sflag:s7], $0x2000  }
0xd7: {  	[sflag:s7] =	ssyncset.done $0x0  }
0xd8: {  	s17 =	simm.s32 $0x180;
	[sflag:s7] =	ssyncadd.s32 $0xFFFFE000  }
0xd9: {  	[tilespmem:s22], [sflag:$0x1] =	stream.indirect.gather [spmem:s2], $0x40, s17, s24, $0xb8;
	[tilespmem:$0x1F400] =	vst v63  }
0xda: {  	_ =	swait.ge [sflag:s8], $0x2000  }
0xdb: {  	[sflag:s8] =	ssyncset.done $0x0  }
0xdc: {  	s17 =	simm.s32 $0x200;
	[sflag:s8] =	ssyncadd.s32 $0xFFFFE000  }
0xdd: {  	[tilespmem:s25], [sflag:$0x2] =	stream.indirect.gather [spmem:s2], $0x40, s17, s24, $0xb8;
	[tilespmem:$0x1F400] =	vst v63  }
0xde: {  	_ =	swait.ge [sflag:s26], $0x2000  }
0xdf: {  	[sflag:s26] =	ssyncset.done $0x0  }
0xe0: {  	s17 =	simm.s32 $0x280;
	[sflag:s26] =	ssyncadd.s32 $0xFFFFE000  }
0xe1: {  	[tilespmem:s28], [sflag:$0x3] =	stream.indirect.gather [spmem:s2], $0x40, s17, s24, $0xb8;
	[tilespmem:$0x1F400] =	vst v63  }
0xe2: {  	_ =	swait.ge [sflag:s23], $0x2000  }
0xe3: {  	[sflag:s23] =	ssyncset.done $0x0  }
0xe4: {  	s17 =	simm.s32 $0x2B80;
	[sflag:s23] =	ssyncadd.s32 $0xFFFFE000  }
0xe5: {  	[spmem:s3] =	stream.indirect.scatter.add.f32 [tilespmem:s22], [sflag:$0x4], $0x40, s17, s24, $0xb8;
	[tilespmem:$0x1F400] =	vst v63  }
0xe6: {  	_ =	swait.ge [sflag:s29], $0x2000  }
0xe7: {  	[sflag:s29] =	ssyncset.done $0x0  }
0xe8: {  	s17 =	simm.s32 $0x2C00;
	[sflag:s29] =	ssyncadd.s32 $0xFFFFE000  }
0xe9: {  	[spmem:s3] =	stream.indirect.scatter.add.f32 [tilespmem:s25], [sflag:$0x5], $0x40, s17, s24, $0xb8;
	[tilespmem:$0x1F400] =	vst v63  }
0xea: {  	_ =	swait.ge [sflag:s31], $0x2000  }
0xeb: {  	[sflag:s31] =	ssyncset.done $0x0  }
0xec: {  	s16 =	simm.s32 $0x600;
	s30 =	simm.s32 $0x2C80;
	[sflag:s31] =	ssyncadd.s32 $0xFFFFE000  }
.LBB2_5:
0xed: {  	[spmem:s3] =	stream.indirect.scatter.add.f32 [tilespmem:s28], [sflag:$0x6], $0x40, s30, s24, $0xb8;
	[tilespmem:$0x1F400] =	vst v63  }
0xee: {  	s17 =	smov.u32 s16  }
0xef: {  	p1 =	seq.s32 s16, $0x9C00;
	s16 =	sadd.s32 $0x600, s16;
	_ =	swait.ge [sflag:s7], $0x2000  }
0xf0: {  	s17 =	sshra.s32 s17, $0x2;
	[sflag:s7] =	ssyncset.done $0x0  }
0xf1: {  	s30 =	sadd.s32 $0x180, s17;
	[sflag:s7] =	ssyncadd.s32 $0xFFFFE000  }
0xf2: {  	[tilespmem:s22], [sflag:$0x1] =	stream.indirect.gather [spmem:s2], $0x40, s30, s24, $0xb8;
	[tilespmem:$0x1F400] =	vst v63  }
0xf3: {  	_ =	swait.ge [sflag:s8], $0x2000  }
0xf4: {  	[sflag:s8] =	ssyncset.done $0x0  }
0xf5: {  	s30 =	sadd.s32 $0x200, s17;
	[sflag:s8] =	ssyncadd.s32 $0xFFFFE000  }
0xf6: {  	[tilespmem:s25], [sflag:$0x2] =	stream.indirect.gather [spmem:s2], $0x40, s30, s24, $0xb8;
	[tilespmem:$0x1F400] =	vst v63  }
0xf7: {  	_ =	swait.ge [sflag:s26], $0x2000  }
0xf8: {  	[sflag:s26] =	ssyncset.done $0x0  }
0xf9: {  	s30 =	sadd.s32 $0x280, s17;
	[sflag:s26] =	ssyncadd.s32 $0xFFFFE000  }
0xfa: {  	[tilespmem:s28], [sflag:$0x3] =	stream.indirect.gather [spmem:s2], $0x40, s30, s24, $0xb8;
	[tilespmem:$0x1F400] =	vst v63  }
0xfb: {  	_ =	swait.ge [sflag:s23], $0x2000  }
0xfc: {  	[sflag:s23] =	ssyncset.done $0x0  }
0xfd: {  	s30 =	sadd.s32 $0x2B80, s17;
	[sflag:s23] =	ssyncadd.s32 $0xFFFFE000  }
0xfe: {  	[spmem:s3] =	stream.indirect.scatter.add.f32 [tilespmem:s22], [sflag:$0x4], $0x40, s30, s24, $0xb8;
	[tilespmem:$0x1F400] =	vst v63  }
0xff: {  	_ =	swait.ge [sflag:s29], $0x2000  }
0x100: {  	[sflag:s29] =	ssyncset.done $0x0  }
.Ltmp7:
0x101: {  	s30 =	sadd.s32 $0x2C00, s17;
	[sflag:s29] =	ssyncadd.s32 $0xFFFFE000;
	(pc) =	sbr.rel @!p1 .LBB2_5-.Ltmp7, $4  }
0x102: {  	[spmem:s3] =	stream.indirect.scatter.add.f32 [tilespmem:s25], [sflag:$0x5], $0x40, s30, s24, $0xb8;
	[tilespmem:$0x1F400] =	vst v63  }
0x103: {  	_ =	swait.ge [sflag:s31], $0x2000  }
0x104: {  	[sflag:s31] =	ssyncset.done $0x0  }
0x105: {  	s30 =	sadd.s32 $0x2C80, s17;
	[sflag:s31] =	ssyncadd.s32 $0xFFFFE000  }
.Ltmp8:
0x106: {  	(pc) =	sbr.rel .LBB2_12-.Ltmp8, $3  }
0x107: {  	_ =	sdelay $0x1  }
0x108: {  	[spmem:s3] =	stream.indirect.scatter.add.f32 [tilespmem:s28], [sflag:$0x6], $0x40, s30, s24, $0xb8;
	[tilespmem:$0x1F400] =	vst v63  }
0x109: {  	s16 =	smov.u32 s5  }
.LBB2_13:
0x10a: {  	_ =	sfence.sel $0x180000  }
0x10b: {  	[bflag:$0x0] =	sbarrier.arrive $0xFFFF  }
0x10c: {  	_ =	strace $0x9000004D  }
0x10d: {  	[bflag:$0x2] =	sbarrier.arrive $0xFFFF  }
0x10e: {  	p0 =	sne.s32 s1, $0x0;
	s0 =	rddreg [dreg:$0x4]  }
0x10f: {  	s0 =	sadd.s32 @!p0 $0x100000, s0  }
0x110: {  	[sflag:s0] =	ssyncadd.tile.s32 @!p0 $0x1;
	_ =	shalt  }
.Lfunc_end2:
_tile_overlayer_lowered:
.L_overlay_start_2:
0x111: {  	(tag) =	ssettag $0x2  }
0x112: {  	s0 =	rddreg [dreg:$0x0];
	s2 =	stileid.u32  }
0x113: {  	s1 =	rddreg [dreg:$0x1];
	p0 =	sne.s32 s2, $0x0  }
0x114: {  	s3 =	rddreg [dreg:$0x2];
	[bflag:$0x3] =	sbarrier.arrive $0xFFFF;
	s2 =	simm.s32 @!p0 $0x1C07  }
0x115: {  	[timem:s3], [sflag:s2] =	dma.local @!p0 [hbm:s0], s1  }
0x116: {  	s0 =	simm.s32 @!p0 $0x7  }
0x117: {  	_ =	swait.ge @!p0 [sflag:s0], s1  }
0x118: {  	s1 =	ssub.s32 @!p0 $0x0, s1;
	[sflag:s0] =	ssyncset.done @!p0 $0x0  }
0x119: {  	[sflag:s0] =	ssyncadd.s32 @!p0 s1  }
0x11a: {  	[bflag:$0x3] =	sbarrier.arrive $0xFFFF  }
0x11b: {  	_ =	shalt  }

// kernel: kernel.8.cloned.1.call-start
scs
__scs_entry_jumppad:
0x0: {  	(pc) =	sbr.rel $0x88, $3  }
0x1: {  	(tag) =	ssettag $0x0;
	lr =	simm.s32 $0x1  }
0x2: {  	[smem:$0x3F9B] =	sst lr;
	_ =	strace $0xD0000000  }
0x3: {  	_ = 	snop  }
0x4: {  	_ = 	snop  }
0x5: {  	_ = 	snop  }
0x6: {  	_ = 	snop  }
0x7: {  	_ = 	snop  }
__scs_overlays_trampoline_lowered:
0x8: {  	[smem:$0x3FAA] =	sst s0  }
0x9: {  	[smem:$0x3FAB] =	sst s1  }
0xa: {  	[smem:$0x3FAC] =	sst s2  }
0xb: {  	[smem:$0x3FAD] =	sst s3  }
0xc: {  	[smem:$0x3FAE] =	sst s4  }
0xd: {  	[smem:$0x3FAF] =	sst s5  }
0xe: {  	[smem:$0x3FB0] =	sst s6  }
0xf: {  	[smem:$0x3FB1] =	sst s7  }
0x10: {  	[smem:$0x3FB2] =	sst s8  }
0x11: {  	[smem:$0x3FB3] =	sst s9;
	s0 =	simm.s32 @!p0 $0x0  }
0x12: {  	s1 =	sld [smem:$0x3F99];
	s0 =	simm.s32 @p0 $0x1  }
0x13: {  	[smem:$0x3FB4] =	sst s0;
	s0 =	simm.s32 @!p1 $0x0  }
0x14: {  	s2 =	sld [smem:$0x3F98];
	s0 =	simm.s32 @p1 $0x1  }
0x15: {  	[smem:$0x3FB5] =	sst s0;
	s0 =	simm.s32 @!p2 $0x0  }
0x16: {  	s3 =	sld [smem:$0x3FDB];
	s0 =	simm.s32 @p2 $0x1  }
0x17: {  	s4 =	simm.s32 $0x1BF5;
	[smem:$0x3FB7] =	sst s0  }
0x18: {  	s0 =	sld [smem:$0x3F9A];
	_ =	swait.ge [sflag:s4], $0x0  }
0x19: {  	s7 =	sld [smem:$0x3F9B]  }
0x1a: {  	s8 =	sadd.s32 $0xFFFFE003, lr  }
0x1b: {  	s9 =	sadd.s32 $0xFFFFFEF7, lr;
	s5 =	simm.s32 $0xFFFFFFFF;
	p2 =	slt.u32 s8, $0xFFFFF086  }
0x1c: {  	p1 =	slt.u32 s9, $0xF7A;
	s5 =	simm.s32 @!p2 $0x0  }
0x1d: {  	s5 =	simm.s32 @p1 $0x1;
	p0 =	seq.s32 s7, s2  }
0x1e: {  	s7 =	smul.u32 @!p0 $0xF7A, s2;
	p2 =	seq.s32 @!p0 s5, $0x0  }
0x1f: {  	s9 =	smul.u32 $0xF7A, s1;
	s8 =	simm.s32 @!p0 $0x1BF5;
	p2 =	por !p2, p0  }
0x20: {  	[sflag:s8] =	ssyncset.s32 @!p0 $0xFFFFF086;
	s6 =	sadd.s32 @!p0 s3, s7;
	s7 =	simm.s32 @!p0 $0x108  }
0x21: {  	s3 =	sadd.s32 s3, s9;
	s6 =	sadd.s32 @!p0 $0x88, s6;
	s7 =	simm.s32 @p2 $0x1082  }
0x22: {  	[simem:s7], [sflag:s8] =	dma.local @!p0 [hbm:s6], $0xF7A  }
0x23: {  	s9 =	sor.u32 $0xD0000000, s2;
	s6 =	simm.s32 $0x108;
	_ =	swait.ge @!p0 [sflag:s8], $0x0  }
0x24: {  	s3 =	sadd.s32 $0x88, s3;
	s6 =	simm.s32 @!p1 $0x1082;
	[sflag:s4] =	ssyncset.s32 $0xFFFFF086  }
0x25: {  	[simem:s6], [sflag:s4] =	dma.local [hbm:s3], $0xF7A  }
0x26: {  	[smem:$0x3F9B] =	sst s1;
	(tag) =	ssettag s2;
	_ =	strace s9  }
0x27: {  	s1 =	sld [smem:$0x3FAB]  }
0x28: {  	s2 =	sld [smem:$0x3FAC]  }
0x29: {  	s4 =	sld [smem:$0x3FAE]  }
0x2a: {  	p0 =	seq.s32 s5, $0x0;
	s5 =	sld [smem:$0x3FAF]  }
0x2b: {  	s6 =	sld [smem:$0x3FB0]  }
0x2c: {  	s7 =	sld [smem:$0x3FB1]  }
0x2d: {  	s3 =	simm.s32 $0x108;
	s8 =	sld [smem:$0x3FB2]  }
0x2e: {  	s3 =	simm.s32 @!p0 $0x1082;
	s9 =	sld [smem:$0x3FB3]  }
0x2f: {  	lr =	sadd.s32 s0, s3;
	s0 =	sld [smem:$0x3FAA]  }
0x30: {  	s3 =	sld [smem:$0x3FAD]  }
0x31: {  	[smem:$0x3FB6] =	sst s10  }
0x32: {  	s10 =	sld [smem:$0x3FB4];
	_ =	sdelay $0x3  }
0x33: {  	p0 =	seq.s32 s10, $0x1;
	s10 =	sld [smem:$0x3FB6];
	_ =	sdelay $0x3  }
0x34: {  	[smem:$0x3FB6] =	sst s10  }
0x35: {  	s10 =	sld [smem:$0x3FB5];
	_ =	sdelay $0x3  }
0x36: {  	p1 =	seq.s32 s10, $0x1;
	s10 =	sld [smem:$0x3FB6];
	_ =	sdelay $0x3  }
0x37: {  	[smem:$0x3FB6] =	sst s10  }
0x38: {  	s10 =	sld [smem:$0x3FB7]  }
0x39: {  	_ = 	snop;
	(pc) =	sbr.ind lr, $3  }
0x3a: {  	_ = 	snop  }
0x3b: {  	_ = 	snop  }
0x3c: {  	p2 =	seq.s32 s10, $0x1;
	s10 =	sld [smem:$0x3FB6]  }
0x3d: {  	_ =	shalt  }
0x3e: {  	_ =	shalt  }
0x3f: {  	_ =	shalt  }
0x40: {  	_ =	shalt  }
0x41: {  	_ =	shalt  }
0x42: {  	_ =	shalt  }
0x43: {  	_ =	shalt  }
0x44: {  	_ =	shalt  }
0x45: {  	_ =	shalt  }
0x46: {  	_ =	shalt  }
0x47: {  	_ =	shalt  }
0x48: {  	_ =	shalt  }
0x49: {  	_ =	shalt  }
0x4a: {  	_ =	shalt  }
0x4b: {  	_ =	shalt  }
0x4c: {  	_ =	shalt  }
0x4d: {  	_ =	shalt  }
0x4e: {  	_ =	shalt  }
0x4f: {  	_ =	shalt  }
0x50: {  	_ =	shalt  }
0x51: {  	_ =	shalt  }
0x52: {  	_ =	shalt  }
0x53: {  	_ =	shalt  }
0x54: {  	_ =	shalt  }
0x55: {  	_ =	shalt  }
0x56: {  	_ =	shalt  }
0x57: {  	_ =	shalt  }
0x58: {  	_ =	shalt  }
0x59: {  	_ =	shalt  }
0x5a: {  	_ =	shalt  }
0x5b: {  	_ =	shalt  }
0x5c: {  	_ =	shalt  }
0x5d: {  	_ =	shalt  }
0x5e: {  	_ =	shalt  }
0x5f: {  	_ =	shalt  }
0x60: {  	_ =	shalt  }
0x61: {  	_ =	shalt  }
0x62: {  	_ =	shalt  }
0x63: {  	_ =	shalt  }
0x64: {  	_ =	shalt  }
0x65: {  	_ =	shalt  }
0x66: {  	_ =	shalt  }
0x67: {  	_ =	shalt  }
0x68: {  	_ =	shalt  }
0x69: {  	_ =	shalt  }
0x6a: {  	_ =	shalt  }
0x6b: {  	_ =	shalt  }
0x6c: {  	_ =	shalt  }
0x6d: {  	_ =	shalt  }
0x6e: {  	_ =	shalt  }
0x6f: {  	_ =	shalt  }
0x70: {  	_ =	shalt  }
0x71: {  	_ =	shalt  }
0x72: {  	_ =	shalt  }
0x73: {  	_ =	shalt  }
0x74: {  	_ =	shalt  }
0x75: {  	_ =	shalt  }
0x76: {  	_ =	shalt  }
0x77: {  	_ =	shalt  }
0x78: {  	_ =	shalt  }
0x79: {  	_ =	shalt  }
0x7a: {  	_ =	shalt  }
0x7b: {  	_ =	shalt  }
0x7c: {  	_ =	shalt  }
0x7d: {  	_ =	shalt  }
0x7e: {  	_ =	shalt  }
0x7f: {  	_ =	shalt  }
0x80: {  	_ =	shalt  }
0x81: {  	_ =	shalt  }
0x82: {  	_ =	shalt  }
0x83: {  	_ =	shalt  }
0x84: {  	_ =	shalt  }
0x85: {  	_ =	shalt  }
0x86: {  	_ =	shalt  }
0x87: {  	_ =	shalt  }
.Lfunc_end0:
.L_simem_size_0:
called_computation_lowered:
.L_overlay_start_0:
0x88: {  	s2 =	sld [smem:$0x3FD9]  }
0x89: {  	s3 =	sld [smem:$0x3FFE];
	_ =	sdelay $0x1  }
0x8a: {  	s1 =	srdreg.scid  }
0x8b: {  	s0 =	sand.u32 $0x1, s1  }
0x8c: {  	s17 =	sshll.u32 s0, $0xA;
	s2 =	sadd.s32 s3, s2  }
0x8d: {  	s2 =	sadd.s32 s2, s17  }
0x8e: {  	[smem:$0x3FC2] =	sst s2  }
0x8f: {  	_ = 	snop  }
0x90: {  	s2 =	sld [smem:$0x3FD0];
	(tm) =	ssettm $0x1  }
0x91: {  	s18 =	sld [smem:$0x3FFB];
	_ =	sdelay $0x3  }
0x92: {  	_ =	strace s18  }
0x93: {  	s3 =	sld [smem:$0x3FFC];
	_ =	sdelay $0x3  }
0x94: {  	_ =	strace s3  }
0x95: {  	s3 =	sld [smem:$0x3FFD];
	_ =	sdelay $0x3  }
0x96: {  	_ =	strace s3  }
0x97: {  	_ =	strace $0x8FFFFFFF  }
0x98: {  	s19 =	sld [smem:$0x3FDB];
	_ =	sdelay $0x1  }
0x99: {  	s4 =	simm.s32 $_scs_section_size  }
0x9a: {  	s5 =	simm.s32 $_size__tile_overlayer_lowered;
	s6 =	simm.s32 $_tile_overlayer_lowered  }
0x9b: {  	s22 =	simm.s32 $0x1BFF;
	s21 =	sshll.u32 s6, $0x1;
	s3 =	sadd.s32 s4, s19  }
0x9c: {  	s7 =	simm.s32 $0x0;
	s20 =	sshll.u32 s5, $0x1;
	s5 =	sadd.s32 s21, s3  }
0x9d: {  	[timem:s7], [sflag:s22] =	dma.local [hbm:s5], s20  }
0x9e: {  	_ =	swait.ge [sflag:s22], s20  }
0x9f: {  	s4 =	ssub.s32 $0x0, s20;
	[sflag:s22] =	ssyncset.done $0x0  }
0xa0: {  	[sflag:s22] =	ssyncadd.s32 s4;
	_ =	sdelay $0x1  }
0xa1: {  	s23 =	simm.s32 $0x1B8B  }
0xa2: {  	_ =	swait.ge [sflag:s23], $0x1  }
0xa3: {  	[sflag:s23] =	ssyncset.done $0x0  }
0xa4: {  	s25 =	simm.s32 $0x1B8E;
	s24 =	sld [smem:$0x3FFE];
	[sflag:s23] =	ssyncadd.s32 $0xFFFFFFFF  }
0xa5: {  	s26 =	simm.s32 $execute0_lowered;
	[smem:$0x3FD2] =	sst s25  }
0xa6: {  	s5 =	sshll.u32 s26, $0x1;
	_ =	strace $0x80000046;
	[dreg:$0x1] =	wrdreg $0xFFFFFFFF  }
0xa7: {  	s28 =	simm.s32 $_size_execute0_lowered;
	s3 =	sadd.s32 s3, s5;
	[dreg:$0x0] =	wrdreg $0x0  }
0xa8: {  	s5 =	sshll.u32 s28, $0x1;
	[dreg:$0x2] =	wrdreg s3  }
0xa9: {  	[dreg:$0x3] =	wrdreg s5  }
0xaa: {  	[dreg:$0x4] =	wrdreg $0xC0  }
0xab: {  	_ =	task [dreg:s7], $0x5FFFF  }
0xac: {  	[dreg:$0x1] =	wrdreg $0xFFFFFFFF  }
0xad: {  	[dreg:$0x0] =	wrdreg $0x60  }
0xae: {  	[dreg:$0x2] =	wrdreg s2  }
0xaf: {  	[dreg:$0x3] =	wrdreg s24  }
0xb0: {  	[dreg:$0x4] =	wrdreg $0x61000  }
0xb1: {  	[dreg:$0x5] =	wrdreg $0x9  }
0xb2: {  	_ =	task.clear_ibuf [dreg:s7], $0x6FFFF;
	_ =	strace $0x90000046  }
0xb3: {  	s29 =	simm.s32 $0x9;
	_ =	strace $0x80000048  }
0xb4: {  	_ =	swait.ge [sflag:s29], $0x1  }
0xb5: {  	[sflag:s29] =	ssyncadd.s32 $0xFFFFFFFF  }
0xb6: {  	_ =	strace $0x90000048  }
0xb7: {  	_ =	sfence  }
0xb8: {  	s30 =	sld [smem:$0x0];
	_ =	sdelay $0x2  }
0xb9: {  	s31 =	sshll.u32 s1, $0xD;
	s1 =	sshrl.u32 s1, $0x2  }
0xba: {  	s3 =	sand.u32 $0x4000, s31;
	s1 =	sadd.s32 s1, s30  }
0xbb: {  	s0 =	sor.u32 s3, s0;
	s1 =	sshll.u32 s1, $0x11  }
0xbc: {  	s0 =	sor.u32 s1, s0  }
0xbd: {  	s0 =	sadd.s32 $0x8F2B, s0  }
0xbe: {  	[sflag:s0] =	ssyncadd.remote.s32 $0x1  }
0xbf: {  	_ =	sfence.sel $0xFFFF  }
0xc0: {  	[dreg:$0x0] =	wrdreg $0xFFFFFFFF;
	(pc) =	sbr.abs _section_cstart, $3  }
0xc1: {  	[dreg:$0x1] =	wrdreg $0xFFFFFFFF  }
0xc2: {  	_ =	task.clear_ibuf [dreg:s7], $0x2FFFF;
	_ =	strace $0x9FFFFFFF  }
0xc3: {  	(tm) =	ssettm $0x7FFFFFFF  }
tec
execute0_lowered:
.L_overlay_start_1:
0x0: {  	(tag) =	ssettag $0x1  }
0x1: {  	s12 =	rddreg [dreg:$0x0]  }
0x2: {  	s6 =	rddreg [dreg:$0x1]  }
0x3: {  	s2 =	rddreg [dreg:$0x2]  }
0x4: {  	s1 =	stileid.u32;
	s0 =	rddreg [dreg:$0x3];
	s3 =	simm.s32 $0x0  }
0x5: {  	s5 =	srdreg.scid;
	s18 =	simm.s32 $0x3;
	s19 =	simm.s32 $0x2  }
0x6: {  	s20 =	simm.s32 $0x80;
	s21 =	simm.s32 $0x1;
	s23 =	simm.s32 $0x0  }
0x7: {  	s13 =	smul.u32 $0xA20, s1;
	[smem:$0x7FF] =	sst s3;
	s4 =	sadd.s32 $0xC400, s6  }
0x8: {  	s15 =	sand.u32 $0x1, s5;
	s7 =	smul.u32 $0xA000, s1;
	s5 =	sadd.s32 $0xC600, s6  }
0x9: {  	s16 =	smul.u32 $0x2800, s1;
	s22 =	sshll.u32 s1, $0x6;
	_ =	strace $0x80000047  }
0xa: {  	s8 =	ssub.s32 $0x2, s15;
	p0 =	seq.s32 s15, $0x1;
	s22 =	sor.u32 $0x1C03, s22  }
0xb: {  	s14 =	sadd.s32 s13, s6;
	s6 =	sadd.s32 $0x11600, s6;
	s9 =	sshrl.u32 s8, $0x1  }
.Ltmp0:
0xc: {  	s10 =	sshrl.u32 s7, $0x2;
	s7 =	sadd.s32 s16, s2;
	(pc) =	sbr.rel .LBB2_1-.Ltmp0, $4  }
0xd: {  	s12 =	sadd.s32 s12, s13;
	s13 =	sshrl.u32 s16, $0x3;
	s16 =	simm.s32 $0x5100  }
0xe: {  	s17 =	ssub.s32 s8, s9;
	s11 =	sadd.s32 s10, s2;
	s14 =	sadd.s32 $0x2200, s14  }
0xf: {  	s8 =	sadd.s32 $0x800, s11;
	s9 =	sadd.s32 $0x1000, s11;
	s10 =	sadd.s32 $0x1800, s11  }
0x10: {  	v0 =	vimm.f32 $0.0e+00;
	s11 =	sadd.s32 $0x2000, s11;
	s15 =	smax.u32 s17, $0x1;
	s17 =	simm.s32 $0x5900  }
.LBB2_6:
0x11: {  	s24 =	sshra.s32 s24, $0x2;
	[sflag:s21] =	ssyncadd.s32 $0xFFFFF800  }
0x12: {  	[spmem:s2] =	stream.indirect.scatter.add.f32 [tilespmem:s16], [sflag:$0x1], $0x10, s24, s20, $0xb8;
	[tilespmem:$0x8900] =	vst v63  }
0x13: {  	s25 =	sadd.s32 $0x80, s24  }
0x14: {  	[spmem:s2] =	stream.indirect.scatter.add.f32 [tilespmem:s16], [sflag:$0x1], $0x10, s25, s20, $0xb8;
	[tilespmem:$0x8900] =	vst v63  }
0x15: {  	s29 =	sadd.s32 $0x100, s24  }
0x16: {  	[spmem:s2] =	stream.indirect.scatter.add.f32 [tilespmem:s16], [sflag:$0x1], $0x10, s29, s20, $0xb8;
	[tilespmem:$0x8900] =	vst v63  }
0x17: {  	s30 =	sadd.s32 $0x180, s24  }
0x18: {  	[spmem:s2] =	stream.indirect.scatter.add.f32 [tilespmem:s16], [sflag:$0x1], $0x10, s30, s20, $0xb8;
	[tilespmem:$0x8900] =	vst v63  }
0x19: {  	s31 =	sadd.s32 $0x200, s24  }
0x1a: {  	[spmem:s2] =	stream.indirect.scatter.add.f32 [tilespmem:s16], [sflag:$0x1], $0x10, s31, s20, $0xb8;
	[tilespmem:$0x8900] =	vst v63  }
0x1b: {  	s24 =	sadd.s32 $0x280, s24  }
0x1c: {  	[spmem:s2] =	stream.indirect.scatter.add.f32 [tilespmem:s16], [sflag:$0x1], $0x10, s24, s20, $0xb8;
	[tilespmem:$0x8900] =	vst v63  }
0x1d: {  	_ =	swait.ge [sflag:s21], $0x800  }
0x1e: {  	[sflag:s21] =	ssyncset.done $0x0  }
0x1f: {  	[sflag:s21] =	ssyncadd.s32 $0xFFFFF800  }
0x20: {  	_ =	swait.ge [sflag:s21], $0x800  }
0x21: {  	[sflag:s21] =	ssyncset.done $0x0  }
0x22: {  	[sflag:s21] =	ssyncadd.s32 $0xFFFFF800  }
0x23: {  	_ =	swait.ge [sflag:s21], $0x800  }
0x24: {  	[sflag:s21] =	ssyncset.done $0x0  }
0x25: {  	[sflag:s21] =	ssyncadd.s32 $0xFFFFF800  }
0x26: {  	_ =	swait.ge [sflag:s21], $0x800  }
0x27: {  	[sflag:s21] =	ssyncset.done $0x0  }
0x28: {  	[sflag:s21] =	ssyncadd.s32 $0xFFFFF800  }
0x29: {  	_ =	swait.ge [sflag:s21], $0x800  }
0x2a: {  	[sflag:s21] =	ssyncset.done $0x0  }
0x2b: {  	[sflag:s21] =	ssyncadd.s32 $0xFFFFF800  }
0x2c: {  	_ =	swait.ge [sflag:s21], $0x800  }
0x2d: {  	[sflag:s21] =	ssyncset.done $0x0  }
0x2e: {  	s24 =	smov.u32 s5;
	[sflag:s21] =	ssyncadd.s32 $0xFFFFF800  }
.LBB2_10:
0x2f: {  	s23 =	sadd.s32 $0x1, s23  }
0x30: {  	s24 =	sadd.s32 s24, s13;
	p1 =	sne.s32 s23, s15  }
.Ltmp1:
0x31: {  	[bflag:$0x0] =	sbarrier.arrive $0xFFFF;
	s25 =	sshrl.u32 s7, $0x3;
	(pc) =	sbr.rel @!p1 .LBB2_11-.Ltmp1, $4  }
0x32: {  	[hbm:s24], [sflag:s22] =	dma.local [spmem:s25], $0x500  }
0x33: {  	_ =	swait.ge [sflag:s18], $0x500  }
0x34: {  	[sflag:s18] =	ssyncset.done $0x0  }
0x35: {  	[sflag:s18] =	ssyncadd.s32 $0xFFFFFB00  }
.LBB2_1:
0x36: {  	[tilespmem:s16], [sflag:$0x2] =	stream.linear.gather [hbm4b:s4+s3], $0x800, $0x38;
	[tilespmem:$0x8900] =	vst v63  }
0x37: {  	s24 =	simm.s32 $0x40;
	s25 =	simm.s32 $0x0  }
.LBB2_2:
0x38: {  	p1 =	sne.s32 s24, $0x1FC0;
	[tilespmem:s25+$0x5900] =	vst v0;
	s25 =	smov.u32 s24;
	s24 =	sadd.s32 $0x40, s24  }
.Ltmp2:
0x39: {  	(pc) =	sbr.rel @p1 .LBB2_2-.Ltmp2, $2  }
0x3a: {  	_ =	sdelay $0x2  }
0x3b: {  	s25 =	sshra.s32 s25, $0x2  }
0x3c: {  	[tilespmem:s25+$0x5900] =	vst v0  }
0x3d: {  	[spmem:s7] =	stream.linear.scatter [tilespmem:s17], [sflag:$0x3], $0x800, $0x38;
	[tilespmem:$0x8900] =	vst v63  }
0x3e: {  	_ =	swait.ge [sflag:s18], $0x800  }
0x3f: {  	[sflag:s18] =	ssyncset.done $0x0  }
0x40: {  	[sflag:s18] =	ssyncadd.s32 $0xFFFFF800  }
0x41: {  	[spmem:s8] =	stream.linear.scatter [tilespmem:s17], [sflag:$0x3], $0x800, $0x38;
	[tilespmem:$0x8900] =	vst v63  }
0x42: {  	_ =	swait.ge [sflag:s18], $0x800  }
0x43: {  	[sflag:s18] =	ssyncset.done $0x0  }
0x44: {  	[sflag:s18] =	ssyncadd.s32 $0xFFFFF800  }
0x45: {  	[spmem:s9] =	stream.linear.scatter [tilespmem:s17], [sflag:$0x3], $0x800, $0x38;
	[tilespmem:$0x8900] =	vst v63  }
0x46: {  	_ =	swait.ge [sflag:s18], $0x800  }
0x47: {  	[sflag:s18] =	ssyncset.done $0x0  }
0x48: {  	[sflag:s18] =	ssyncadd.s32 $0xFFFFF800  }
0x49: {  	[spmem:s10] =	stream.linear.scatter [tilespmem:s17], [sflag:$0x3], $0x800, $0x38;
	[tilespmem:$0x8900] =	vst v63  }
0x4a: {  	_ =	swait.ge [sflag:s18], $0x800  }
0x4b: {  	[sflag:s18] =	ssyncset.done $0x0  }
0x4c: {  	[sflag:s18] =	ssyncadd.s32 $0xFFFFF800  }
0x4d: {  	[spmem:s11] =	stream.linear.scatter [tilespmem:s17], [sflag:$0x3], $0x800, $0x38;
	[tilespmem:$0x8900] =	vst v63  }
0x4e: {  	_ =	swait.ge [sflag:s18], $0x800  }
.Ltmp3:
0x4f: {  	[sflag:s18] =	ssyncset.done $0x0;
	(pc) =	sbr.rel @!p0 .LBB2_4-.Ltmp3, $4  }
0x50: {  	[sflag:s18] =	ssyncadd.s32 $0xFFFFF800  }
0x51: {  	_ =	swait.ge [sflag:s19], $0x800  }
0x52: {  	[sflag:s19] =	ssyncset.done $0x0  }
0x53: {  	s24 =	simm.s32 $0x0;
	[sflag:s19] =	ssyncadd.s32 $0xFFFFF800  }
0x54: {  	[tilespmem:s24], [sflag:$0x3] =	stream.linear.gather [hbm4b:s14+s24], $0x5100, $0x38;
	[tilespmem:$0x8900] =	vst v63  }
0x55: {  	_ =	swait.ge [sflag:s18], $0x5100  }
0x56: {  	[sflag:s18] =	ssyncset.done $0x0  }
0x57: {  	[sflag:s18] =	ssyncadd.s32 $0xFFFFAF00  }
0x58: {  	s25 =	simm.s32 $0x0;
	[bflag:$0x0] =	sbarrier.arrive $0xFFFF  }
0x59: {  	[spmem:s2] =	stream.indirect.scatter.add.f32 [tilespmem:s16], [sflag:$0x1], $0x10, s25, s20, $0xb8;
	[tilespmem:$0x8900] =	vst v63  }
0x5a: {  	s26 =	simm.s32 $0x80  }
0x5b: {  	[spmem:s2] =	stream.indirect.scatter.add.f32 [tilespmem:s16], [sflag:$0x1], $0x10, s26, s20, $0xb8;
	[tilespmem:$0x8900] =	vst v63  }
0x5c: {  	s28 =	simm.s32 $0x100  }
0x5d: {  	[spmem:s2] =	stream.indirect.scatter.add.f32 [tilespmem:s16], [sflag:$0x1], $0x10, s28, s20, $0xb8;
	[tilespmem:$0x8900] =	vst v63  }
0x5e: {  	s29 =	simm.s32 $0x180  }
0x5f: {  	[spmem:s2] =	stream.indirect.scatter.add.f32 [tilespmem:s16], [sflag:$0x1], $0x10, s29, s20, $0xb8;
	[tilespmem:$0x8900] =	vst v63  }
0x60: {  	s30 =	simm.s32 $0x200  }
0x61: {  	[spmem:s2] =	stream.indirect.scatter.add.f32 [tilespmem:s16], [sflag:$0x1], $0x10, s30, s20, $0xb8;
	[tilespmem:$0x8900] =	vst v63  }
0x62: {  	s31 =	simm.s32 $0x280  }
0x63: {  	[spmem:s2] =	stream.indirect.scatter.add.f32 [tilespmem:s16], [sflag:$0x1], $0x10, s31, s20, $0xb8;
	[tilespmem:$0x8900] =	vst v63  }
0x64: {  	_ =	swait.ge [sflag:s21], $0x800  }
0x65: {  	[sflag:s21] =	ssyncset.done $0x0  }
0x66: {  	[sflag:s21] =	ssyncadd.s32 $0xFFFFF800  }
0x67: {  	_ =	swait.ge [sflag:s21], $0x800  }
0x68: {  	[sflag:s21] =	ssyncset.done $0x0  }
0x69: {  	[sflag:s21] =	ssyncadd.s32 $0xFFFFF800  }
0x6a: {  	_ =	swait.ge [sflag:s21], $0x800  }
0x6b: {  	[sflag:s21] =	ssyncset.done $0x0  }
0x6c: {  	[sflag:s21] =	ssyncadd.s32 $0xFFFFF800  }
0x6d: {  	_ =	swait.ge [sflag:s21], $0x800  }
0x6e: {  	[sflag:s21] =	ssyncset.done $0x0  }
0x6f: {  	[sflag:s21] =	ssyncadd.s32 $0xFFFFF800  }
0x70: {  	_ =	swait.ge [sflag:s21], $0x800  }
0x71: {  	[sflag:s21] =	ssyncset.done $0x0  }
0x72: {  	[sflag:s21] =	ssyncadd.s32 $0xFFFFF800  }
0x73: {  	_ =	swait.ge [sflag:s21], $0x800  }
0x74: {  	s24 =	simm.s32 $0xC00;
	s25 =	simm.s32 $0x1800;
	[sflag:s21] =	ssyncset.done $0x0  }
.LBB2_8:
0x75: {  	s26 =	sshra.s32 s24, $0x2  }
0x76: {  	[sflag:s21] =	ssyncadd.s32 $0xFFFFF800;
	s24 =	smov.u32 s25;
	s28 =	sadd.s32 $0xC00, s25  }
0x77: {  	[spmem:s2] =	stream.indirect.scatter.add.f32 [tilespmem:s16], [sflag:$0x1], $0x10, s26, s20, $0xb8;
	[tilespmem:$0x8900] =	vst v63  }
0x78: {  	p1 =	sne.s32 s25, $0x13800;
	s25 =	sadd.s32 $0x80, s26  }
0x79: {  	[spmem:s2] =	stream.indirect.scatter.add.f32 [tilespmem:s16], [sflag:$0x1], $0x10, s25, s20, $0xb8;
	[tilespmem:$0x8900] =	vst v63  }
0x7a: {  	s25 =	sadd.s32 $0x100, s26  }
0x7b: {  	[spmem:s2] =	stream.indirect.scatter.add.f32 [tilespmem:s16], [sflag:$0x1], $0x10, s25, s20, $0xb8;
	[tilespmem:$0x8900] =	vst v63  }
0x7c: {  	s25 =	sadd.s32 $0x180, s26  }
0x7d: {  	[spmem:s2] =	stream.indirect.scatter.add.f32 [tilespmem:s16], [sflag:$0x1], $0x10, s25, s20, $0xb8;
	[tilespmem:$0x8900] =	vst v63  }
0x7e: {  	s25 =	sadd.s32 $0x200, s26  }
0x7f: {  	[spmem:s2] =	stream.indirect.scatter.add.f32 [tilespmem:s16], [sflag:$0x1], $0x10, s25, s20, $0xb8;
	[tilespmem:$0x8900] =	vst v63  }
0x80: {  	s25 =	sadd.s32 $0x280, s26  }
0x81: {  	[spmem:s2] =	stream.indirect.scatter.add.f32 [tilespmem:s16], [sflag:$0x1], $0x10, s25, s20, $0xb8;
	[tilespmem:$0x8900] =	vst v63  }
0x82: {  	_ =	swait.ge [sflag:s21], $0x800  }
0x83: {  	[sflag:s21] =	ssyncset.done $0x0  }
0x84: {  	[sflag:s21] =	ssyncadd.s32 $0xFFFFF800  }
0x85: {  	_ =	swait.ge [sflag:s21], $0x800  }
0x86: {  	[sflag:s21] =	ssyncset.done $0x0  }
0x87: {  	[sflag:s21] =	ssyncadd.s32 $0xFFFFF800  }
0x88: {  	_ =	swait.ge [sflag:s21], $0x800  }
0x89: {  	[sflag:s21] =	ssyncset.done $0x0  }
0x8a: {  	[sflag:s21] =	ssyncadd.s32 $0xFFFFF800  }
0x8b: {  	_ =	swait.ge [sflag:s21], $0x800  }
0x8c: {  	[sflag:s21] =	ssyncset.done $0x0  }
0x8d: {  	[sflag:s21] =	ssyncadd.s32 $0xFFFFF800  }
.Ltmp4:
0x8e: {  	_ =	swait.ge [sflag:s21], $0x800;
	(pc) =	sbr.rel @p1 .LBB2_8-.Ltmp4, $4  }
0x8f: {  	[sflag:s21] =	ssyncset.done $0x0  }
0x90: {  	[sflag:s21] =	ssyncadd.s32 $0xFFFFF800  }
0x91: {  	_ =	swait.ge [sflag:s21], $0x800  }
0x92: {  	s25 =	smov.u32 s28;
	[sflag:s21] =	ssyncset.done $0x0  }
0x93: {  	s24 =	sshra.s32 s24, $0x2;
	[sflag:s21] =	ssyncadd.s32 $0xFFFFF800  }
0x94: {  	[spmem:s2] =	stream.indirect.scatter.add.f32 [tilespmem:s16], [sflag:$0x1], $0x10, s24, s20, $0xb8;
	[tilespmem:$0x8900] =	vst v63  }
0x95: {  	s25 =	sadd.s32 $0x80, s24  }
0x96: {  	[spmem:s2] =	stream.indirect.scatter.add.f32 [tilespmem:s16], [sflag:$0x1], $0x10, s25, s20, $0xb8;
	[tilespmem:$0x8900] =	vst v63  }
0x97: {  	s29 =	sadd.s32 $0x100, s24  }
0x98: {  	[spmem:s2] =	stream.indirect.scatter.add.f32 [tilespmem:s16], [sflag:$0x1], $0x10, s29, s20, $0xb8;
	[tilespmem:$0x8900] =	vst v63  }
0x99: {  	s30 =	sadd.s32 $0x180, s24  }
0x9a: {  	[spmem:s2] =	stream.indirect.scatter.add.f32 [tilespmem:s16], [sflag:$0x1], $0x10, s30, s20, $0xb8;
	[tilespmem:$0x8900] =	vst v63  }
0x9b: {  	s31 =	sadd.s32 $0x200, s24  }
0x9c: {  	[spmem:s2] =	stream.indirect.scatter.add.f32 [tilespmem:s16], [sflag:$0x1], $0x10, s31, s20, $0xb8;
	[tilespmem:$0x8900] =	vst v63  }
0x9d: {  	s24 =	sadd.s32 $0x280, s24  }
0x9e: {  	[spmem:s2] =	stream.indirect.scatter.add.f32 [tilespmem:s16], [sflag:$0x1], $0x10, s24, s20, $0xb8;
	[tilespmem:$0x8900] =	vst v63  }
0x9f: {  	_ =	swait.ge [sflag:s21], $0x800  }
0xa0: {  	[sflag:s21] =	ssyncset.done $0x0  }
0xa1: {  	[sflag:s21] =	ssyncadd.s32 $0xFFFFF800  }
0xa2: {  	_ =	swait.ge [sflag:s21], $0x800  }
0xa3: {  	[sflag:s21] =	ssyncset.done $0x0  }
0xa4: {  	[sflag:s21] =	ssyncadd.s32 $0xFFFFF800  }
0xa5: {  	_ =	swait.ge [sflag:s21], $0x800  }
0xa6: {  	[sflag:s21] =	ssyncset.done $0x0  }
0xa7: {  	[sflag:s21] =	ssyncadd.s32 $0xFFFFF800  }
0xa8: {  	_ =	swait.ge [sflag:s21], $0x800  }
0xa9: {  	[sflag:s21] =	ssyncset.done $0x0  }
0xaa: {  	[sflag:s21] =	ssyncadd.s32 $0xFFFFF800  }
0xab: {  	_ =	swait.ge [sflag:s21], $0x800  }
.Ltmp5:
0xac: {  	[sflag:s21] =	ssyncset.done $0x0;
	(pc) =	sbr.rel .LBB2_10-.Ltmp5, $4  }
0xad: {  	[sflag:s21] =	ssyncadd.s32 $0xFFFFF800  }
0xae: {  	_ =	swait.ge [sflag:s21], $0x800  }
0xaf: {  	[sflag:s21] =	ssyncset.done $0x0  }
0xb0: {  	s24 =	smov.u32 s6;
	[sflag:s21] =	ssyncadd.s32 $0xFFFFF800  }
.LBB2_4:
0xb1: {  	[tilespmem:s24], [sflag:$0x3] =	stream.linear.gather [hbm4b:s12+s24], $0x5100, $0x38;
	[tilespmem:$0x8900] =	vst v63  }
0xb2: {  	_ =	swait.ge [sflag:s18], $0x5100  }
0xb3: {  	[sflag:s18] =	ssyncset.done $0x0  }
0xb4: {  	[sflag:s18] =	ssyncadd.s32 $0xFFFFAF00  }
0xb5: {  	s25 =	simm.s32 $0x0;
	[bflag:$0x0] =	sbarrier.arrive $0xFFFF  }
0xb6: {  	[spmem:s2] =	stream.indirect.scatter.add.f32 [tilespmem:s16], [sflag:$0x1], $0x10, s25, s20, $0xb8;
	[tilespmem:$0x8900] =	vst v63  }
0xb7: {  	s26 =	simm.s32 $0x80  }
0xb8: {  	[spmem:s2] =	stream.indirect.scatter.add.f32 [tilespmem:s16], [sflag:$0x1], $0x10, s26, s20, $0xb8;
	[tilespmem:$0x8900] =	vst v63  }
0xb9: {  	s28 =	simm.s32 $0x100  }
0xba: {  	[spmem:s2] =	stream.indirect.scatter.add.f32 [tilespmem:s16], [sflag:$0x1], $0x10, s28, s20, $0xb8;
	[tilespmem:$0x8900] =	vst v63  }
0xbb: {  	s29 =	simm.s32 $0x180  }
0xbc: {  	[spmem:s2] =	stream.indirect.scatter.add.f32 [tilespmem:s16], [sflag:$0x1], $0x10, s29, s20, $0xb8;
	[tilespmem:$0x8900] =	vst v63  }
0xbd: {  	s30 =	simm.s32 $0x200  }
0xbe: {  	[spmem:s2] =	stream.indirect.scatter.add.f32 [tilespmem:s16], [sflag:$0x1], $0x10, s30, s20, $0xb8;
	[tilespmem:$0x8900] =	vst v63  }
0xbf: {  	s31 =	simm.s32 $0x280  }
0xc0: {  	[spmem:s2] =	stream.indirect.scatter.add.f32 [tilespmem:s16], [sflag:$0x1], $0x10, s31, s20, $0xb8;
	[tilespmem:$0x8900] =	vst v63  }
0xc1: {  	_ =	swait.ge [sflag:s21], $0x800  }
0xc2: {  	[sflag:s21] =	ssyncset.done $0x0  }
0xc3: {  	[sflag:s21] =	ssyncadd.s32 $0xFFFFF800  }
0xc4: {  	_ =	swait.ge [sflag:s21], $0x800  }
0xc5: {  	[sflag:s21] =	ssyncset.done $0x0  }
0xc6: {  	[sflag:s21] =	ssyncadd.s32 $0xFFFFF800  }
0xc7: {  	_ =	swait.ge [sflag:s21], $0x800  }
0xc8: {  	[sflag:s21] =	ssyncset.done $0x0  }
0xc9: {  	[sflag:s21] =	ssyncadd.s32 $0xFFFFF800  }
0xca: {  	_ =	swait.ge [sflag:s21], $0x800  }
0xcb: {  	[sflag:s21] =	ssyncset.done $0x0  }
0xcc: {  	[sflag:s21] =	ssyncadd.s32 $0xFFFFF800  }
0xcd: {  	_ =	swait.ge [sflag:s21], $0x800  }
0xce: {  	[sflag:s21] =	ssyncset.done $0x0  }
0xcf: {  	[sflag:s21] =	ssyncadd.s32 $0xFFFFF800  }
0xd0: {  	_ =	swait.ge [sflag:s21], $0x800  }
0xd1: {  	s24 =	simm.s32 $0xC00;
	s25 =	simm.s32 $0x1800;
	[sflag:s21] =	ssyncset.done $0x0  }
.LBB2_5:
0xd2: {  	s26 =	sshra.s32 s24, $0x2  }
0xd3: {  	[sflag:s21] =	ssyncadd.s32 $0xFFFFF800;
	s24 =	smov.u32 s25;
	s28 =	sadd.s32 $0xC00, s25  }
0xd4: {  	[spmem:s2] =	stream.indirect.scatter.add.f32 [tilespmem:s16], [sflag:$0x1], $0x10, s26, s20, $0xb8;
	[tilespmem:$0x8900] =	vst v63  }
0xd5: {  	p1 =	seq.s32 s25, $0x13800;
	s25 =	sadd.s32 $0x80, s26  }
0xd6: {  	[spmem:s2] =	stream.indirect.scatter.add.f32 [tilespmem:s16], [sflag:$0x1], $0x10, s25, s20, $0xb8;
	[tilespmem:$0x8900] =	vst v63  }
0xd7: {  	s25 =	sadd.s32 $0x100, s26  }
0xd8: {  	[spmem:s2] =	stream.indirect.scatter.add.f32 [tilespmem:s16], [sflag:$0x1], $0x10, s25, s20, $0xb8;
	[tilespmem:$0x8900] =	vst v63  }
0xd9: {  	s25 =	sadd.s32 $0x180, s26  }
0xda: {  	[spmem:s2] =	stream.indirect.scatter.add.f32 [tilespmem:s16], [sflag:$0x1], $0x10, s25, s20, $0xb8;
	[tilespmem:$0x8900] =	vst v63  }
0xdb: {  	s25 =	sadd.s32 $0x200, s26  }
0xdc: {  	[spmem:s2] =	stream.indirect.scatter.add.f32 [tilespmem:s16], [sflag:$0x1], $0x10, s25, s20, $0xb8;
	[tilespmem:$0x8900] =	vst v63  }
0xdd: {  	s25 =	sadd.s32 $0x280, s26  }
0xde: {  	[spmem:s2] =	stream.indirect.scatter.add.f32 [tilespmem:s16], [sflag:$0x1], $0x10, s25, s20, $0xb8;
	[tilespmem:$0x8900] =	vst v63  }
0xdf: {  	_ =	swait.ge [sflag:s21], $0x800  }
0xe0: {  	[sflag:s21] =	ssyncset.done $0x0  }
0xe1: {  	[sflag:s21] =	ssyncadd.s32 $0xFFFFF800  }
0xe2: {  	_ =	swait.ge [sflag:s21], $0x800  }
0xe3: {  	[sflag:s21] =	ssyncset.done $0x0  }
0xe4: {  	[sflag:s21] =	ssyncadd.s32 $0xFFFFF800  }
0xe5: {  	_ =	swait.ge [sflag:s21], $0x800  }
0xe6: {  	[sflag:s21] =	ssyncset.done $0x0  }
0xe7: {  	[sflag:s21] =	ssyncadd.s32 $0xFFFFF800  }
0xe8: {  	_ =	swait.ge [sflag:s21], $0x800  }
0xe9: {  	[sflag:s21] =	ssyncset.done $0x0  }
0xea: {  	[sflag:s21] =	ssyncadd.s32 $0xFFFFF800  }
.Ltmp6:
0xeb: {  	_ =	swait.ge [sflag:s21], $0x800;
	(pc) =	sbr.rel @!p1 .LBB2_5-.Ltmp6, $4  }
0xec: {  	[sflag:s21] =	ssyncset.done $0x0  }
0xed: {  	[sflag:s21] =	ssyncadd.s32 $0xFFFFF800  }
0xee: {  	_ =	swait.ge [sflag:s21], $0x800  }
0xef: {  	s25 =	smov.u32 s28;
	[sflag:s21] =	ssyncset.done $0x0  }
.Ltmp7:
0xf0: {  	_ = 	snop;
	(pc) =	sbr.rel .LBB2_6-.Ltmp7, $1  }
0xf1: {  	_ =	sdelay $0x3  }
.LBB2_11:
0xf2: {  	_ =	sfence.sel $0x180000  }
0xf3: {  	[bflag:$0x0] =	sbarrier.arrive $0xFFFF  }
0xf4: {  	p0 =	sne.s32 s1, $0x0;
	_ =	strace $0x90000047  }
0xf5: {  	s0 =	sadd.s32 @!p0 $0x100000, s0;
	[bflag:$0x2] =	sbarrier.arrive $0xFFFF  }
0xf6: {  	[sflag:s0] =	ssyncadd.tile.s32 @!p0 $0x1;
	_ =	shalt  }
.Lfunc_end2:
_tile_overlayer_lowered:
.L_overlay_start_2:
0xf7: {  	(tag) =	ssettag $0x2  }
0xf8: {  	s0 =	rddreg [dreg:$0x0];
	s2 =	stileid.u32  }
0xf9: {  	s1 =	rddreg [dreg:$0x1];
	p0 =	sne.s32 s2, $0x0  }
0xfa: {  	s3 =	rddreg [dreg:$0x2];
	[bflag:$0x3] =	sbarrier.arrive $0xFFFF;
	s2 =	simm.s32 @!p0 $0x1C03  }
0xfb: {  	[timem:s3], [sflag:s2] =	dma.local @!p0 [hbm:s0], s1  }
0xfc: {  	s0 =	simm.s32 @!p0 $0x3  }
0xfd: {  	_ =	swait.ge @!p0 [sflag:s0], s1  }
0xfe: {  	s1 =	ssub.s32 @!p0 $0x0, s1;
	[sflag:s0] =	ssyncset.done @!p0 $0x0  }
0xff: {  	[sflag:s0] =	ssyncadd.s32 @!p0 s1  }
0x100: {  	[bflag:$0x3] =	sbarrier.arrive $0xFFFF  }
0x101: {  	_ =	shalt  }

</sc_bundles>
